<compile_context>
chip_gen: v7x
topology: tpu7x:2x2x1
jax: 0.10.2.dev20260603
libtpu: 0.0.44.dev20260713+nightly
codegen_flags: <defaults>
</compile_context>

<pallas_src>
import functools

import jax
import jax.numpy as jnp
from jax import lax
from jax.experimental import pallas as pl
from jax.experimental.pallas import tpu as pltpu
from jax.experimental.pallas import tpu_sc as plsc

N = 10000
F = 128
EMB = 128
C = 32
NS1 = 10
NS2 = 10
B = 1024

NW = 32
NODES_PER_W = 320
SEEDS_PER_W = B // NW

_mesh = plsc.VectorSubcoreMesh(core_axis_name="c", subcore_axis_name="s")


def _worker_id():
    return lax.axis_index("s") * 2 + lax.axis_index("c")


def _mm_body(x_ref, w_ref, o_ref):
    o_ref[...] = jnp.dot(x_ref[...], w_ref[...],
                         preferred_element_type=jnp.float32)


def _tc_matmul(x, w):
    m = x.shape[0]
    blk = 5000
    return pl.pallas_call(
        _mm_body,
        grid=(m // blk,),
        in_specs=[
            pl.BlockSpec((blk, F), lambda i: (i, 0)),
            pl.BlockSpec((F, EMB), lambda i: (0, 0)),
        ],
        out_specs=pl.BlockSpec((blk, EMB), lambda i: (i, 0)),
        out_shape=jax.ShapeDtypeStruct((m, EMB), jnp.float32),
    )(x, w)


_L1_CHUNKS = ((0, 128), (128, 128), (256, 64))


@functools.partial(
    pl.kernel,
    out_type=(jax.ShapeDtypeStruct((N, EMB), jnp.float32),
              jax.ShapeDtypeStruct((NW * (NS2 + 1) * SEEDS_PER_W,),
                                   jnp.int32)),
    mesh=_mesh,
    scratch_types=[
        pltpu.VMEM((NS1 * len(_L1_CHUNKS), 128), jnp.int32),
        pltpu.VMEM((NODES_PER_W, EMB), jnp.float32),
        pltpu.VMEM((SEEDS_PER_W,), jnp.int32),
        pltpu.VMEM((NS2, SEEDS_PER_W), jnp.int32),
        pltpu.VMEM(((NS2 + 1) * SEEDS_PER_W,), jnp.int32),
        pltpu.SemaphoreType.DMA((len(_L1_CHUNKS),)),
        pltpu.SemaphoreType.DMA((len(_L1_CHUNKS),)),
        pltpu.SemaphoreType.DMA,
        pltpu.SemaphoreType.DMA,
    ],
    compiler_params=pltpu.CompilerParams(use_tc_tiling_on_sc=True),
)
def _sc_layer1(y_hbm, adjt_hbm, nodes_hbm, h1_hbm, idx2_hbm,
               idx_v, acc_v, nodes_v, off_v, idx2_v,
               sem_st, sem_ad, sem_out, sem_g):
    wid = _worker_id()
    base = jnp.minimum(wid * NODES_PER_W, N - NODES_PER_W)
    base = pl.multiple_of(base, 16)
    nc = len(_L1_CHUNKS)
    stage = []
    for ci, (c0, csz) in enumerate(_L1_CHUNKS):
        cps = [pltpu.async_copy(
                   adjt_hbm.at[pl.ds(d * N + base + c0, csz)],
                   idx_v.at[d * nc + ci, pl.ds(0, csz)], sem_st.at[ci])
               for d in range(NS1)]
        cps.append(pltpu.async_copy(y_hbm.at[pl.ds(base + c0, csz)],
                                    acc_v.at[pl.ds(c0, csz)], sem_st.at[ci]))
        stage.append(cps)
    sbase = wid * ((NS2 + 1) * SEEDS_PER_W)
    pltpu.sync_copy(nodes_hbm.at[pl.ds(wid * SEEDS_PER_W, SEEDS_PER_W)],
                    nodes_v)
    for h in range(SEEDS_PER_W // 16):
        nv = nodes_v[pl.ds(h * 16, 16)]
        idx2_v[pl.ds(NS2 * SEEDS_PER_W + h * 16, 16)] = nv
        for d in range(NS2):
            off_v[d, pl.ds(h * 16, 16)] = nv + (d * N)
    gcps = [pltpu.async_copy(adjt_hbm.at[off_v.at[d]],
                             idx2_v.at[pl.ds(d * SEEDS_PER_W, SEEDS_PER_W)],
                             sem_g)
            for d in range(NS2)]
    adds = []
    for ci, (c0, csz) in enumerate(_L1_CHUNKS):
        for cp in stage[ci]:
            cp.wait()
        adds.append([pltpu.async_copy(
                         y_hbm.at[idx_v.at[d * nc + ci, pl.ds(0, csz)]],
                         acc_v.at[pl.ds(c0, csz)], sem_ad.at[ci], add=True)
                     for d in range(NS1)])
    outs = []
    for ci, (c0, csz) in enumerate(_L1_CHUNKS):
        for cp in adds[ci]:
            cp.wait()

        def _relu_row(i, _, _c0=c0):
            for v in range(EMB // 16):
                x = acc_v[i, pl.ds(v * 16, 16)]
                acc_v[i, pl.ds(v * 16, 16)] = jnp.maximum(x, 0.0)
            return 0

        lax.fori_loop(c0, c0 + csz, _relu_row, 0)
        outs.append(pltpu.async_copy(acc_v.at[pl.ds(c0, csz)],
                                     h1_hbm.at[pl.ds(base + c0, csz)],
                                     sem_out))
    for cp in gcps:
        cp.wait()
    outs.append(pltpu.async_copy(
        idx2_v, idx2_hbm.at[pl.ds(sbase, (NS2 + 1) * SEEDS_PER_W)],
        sem_out))
    for cp in outs:
        cp.wait()


@functools.partial(
    pl.kernel,
    out_type=jax.ShapeDtypeStruct((B, EMB), jnp.float32),
    mesh=_mesh,
    scratch_types=[
        pltpu.VMEM(((NS2 + 1) * SEEDS_PER_W,), jnp.int32),
        pltpu.VMEM((SEEDS_PER_W, EMB), jnp.float32),
        pltpu.SemaphoreType.DMA,
        pltpu.SemaphoreType.DMA,
    ],
    compiler_params=pltpu.CompilerParams(use_tc_tiling_on_sc=True),
)
def _sc_layer2(h1_hbm, idx2_hbm, out_hbm, idxs_v, acc_v, sem_st, sem_ad):
    wid = _worker_id()
    base = wid * SEEDS_PER_W
    nids = (NS2 + 1) * SEEDS_PER_W
    pltpu.async_copy(idx2_hbm.at[pl.ds(wid * nids, nids)], idxs_v,
                     sem_st).wait()
    pltpu.async_copy(
        h1_hbm.at[idxs_v.at[pl.ds(NS2 * SEEDS_PER_W, SEEDS_PER_W)]],
        acc_v, sem_st).wait()
    adds = [pltpu.async_copy(
                h1_hbm.at[idxs_v.at[pl.ds(d * SEEDS_PER_W, SEEDS_PER_W)]],
                acc_v, sem_ad, add=True)
            for d in range(NS2)]
    for cp in adds:
        cp.wait()
    pltpu.sync_copy(acc_v, out_hbm.at[pl.ds(base, SEEDS_PER_W)])


def _head_body(x_ref, w2_ref, wo_ref, o_ref):
    h2 = jnp.maximum(
        jnp.dot(x_ref[...], w2_ref[...], preferred_element_type=jnp.float32),
        0.0)
    logits = jnp.dot(h2, wo_ref[...], preferred_element_type=jnp.float32)
    o_ref[...] = jax.nn.sigmoid(logits)


def _tc_head(s2, w2t, wot):
    return pl.pallas_call(
        _head_body,
        out_shape=jax.ShapeDtypeStruct((B, C), jnp.float32),
    )(s2, w2t, wot)


def kernel(nodes, features, adj, W1, W2, Wout):
    adjt = adj[:, :NS1].astype(jnp.int32).T.reshape(-1)
    w1t = (W1 * (1.0 / (NS1 + 1))).T
    w2t = (W2 * (1.0 / (NS2 + 1))).T
    wot = Wout.T

    y = _tc_matmul(features, w1t)
    nodes32 = nodes.astype(jnp.int32)
    h1, idx2 = _sc_layer1(y, adjt, nodes32)
    s2 = _sc_layer2(h1, idx2)
    return _tc_head(s2, w2t, wot)

# --- scband reference (transcript-rebuilt; emitter-appended) ---
"""Pipeline reference for scband-supervised-graph-sage-48369921688009 (READ-ONLY COPY).

The authoritative reference and input builder live on the scoring server;
editing this copy changes nothing except your own understanding.
"""

import jax, jax.numpy as jnp
import numpy as np

N = 10000      # num nodes
F = 128        # raw feature dim
DEG = 16       # stored neighbors per node (regular-graph adjacency)
EMB = 128      # embed_dim
C = 32         # num_classes
NS1 = 10       # num_sample1 (layer-1 fan-out)
NS2 = 10       # num_sample2 (layer-2 fan-out)
B = 1024       # seed batch


def setup_inputs(seed: int = 0) -> dict:
    key = jax.random.key(seed)
    k1, k2, k3, k4, k5, k6 = jax.random.split(key, 6)
    nodes = jax.random.randint(k1, (B,), 0, N)
    features = jax.random.normal(k2, (N, F), dtype=jnp.float32)
    # adjacency as a dense [N, DEG] neighbor-id matrix (each node has DEG sampled neighbors)
    adj = jax.random.randint(k3, (N, DEG), 0, N)
    # Encoder weights (gcn=True -> weight maps aggregated feats, no self-concat)
    W1 = jax.random.normal(k4, (EMB, F), dtype=jnp.float32) * 0.1
    W2 = jax.random.normal(k5, (EMB, EMB), dtype=jnp.float32) * 0.1
    Wout = jax.random.normal(k6, (C, EMB), dtype=jnp.float32) * 0.1
    return {"nodes": nodes, "features": features, "adj": adj, "W1": W1, "W2": W2, "Wout": Wout}


def reference(nodes, features, adj, W1, W2, Wout):
    # Layer-1 encoder (MeanAggregator with gcn=True: mean over sampled neighbors + self,
    # then relu(W1 @ mean)). Deterministic sampling = first NS1 stored neighbors.
    def encode1(ns):
        neighs = adj[ns][:, :NS1]                                   # gather [M, NS1]
        ids = jnp.concatenate([neighs, ns[:, None]], axis=1)        # include self (gcn)
        feats = features[ids]                                       # gather [M, NS1+1, F]
        mean = feats.mean(axis=1)                                    # mean aggregate
        return jax.nn.relu(mean @ W1.T)                              # [M, EMB]

    # Layer-2 encoder over layer-1 embeddings of sampled neighborhood + self
    neighs2 = adj[nodes][:, :NS2]                                    # [B, NS2]
    ids2 = jnp.concatenate([neighs2, nodes[:, None]], axis=1)        # [B, NS2+1]
    flat = ids2.reshape(-1)                                          # [B*(NS2+1)]
    h1 = encode1(flat)                                               # [B*(NS2+1), EMB]
    mean2 = h1.reshape(nodes.shape[0], NS2 + 1, EMB).mean(axis=1)    # [B, EMB]
    h2 = jax.nn.relu(mean2 @ W2.T)                                   # [B, EMB]
    # scores = sigmoid((Wout @ h2.T).T) = sigmoid(h2 @ Wout.T)
    return jax.nn.sigmoid(h2 @ Wout.T)                               # [B, C]

if __name__ == "__main__":
    import jax
    _d = setup_inputs()
    print(jax.jit(kernel)(*tuple(_d.values())))

</pallas_src>

<mosaic_0001>
#map = affine_map<(d0, d1) -> (0, 0)>
#map1 = affine_map<(d0, d1) -> (0)>
module attributes {stable_mosaic.version = 14 : i64} {
  func.func @_sc_layer2(%arg0: i32, %arg1: i32, %arg2: memref<10000x128xf32, #tpu.memory_space<hbm>>, %arg3: memref<11264xi32, #tpu.memory_space<hbm>>, %arg4: memref<1024x128xf32, #tpu.memory_space<hbm>>, %arg5: memref<352xi32, #tpu.memory_space<vmem>>, %arg6: memref<32x128xf32, #tpu.memory_space<vmem>>, %arg7: memref<!tpu.dma_semaphore, #tpu.memory_space<semaphore_mem>>, %arg8: memref<!tpu.dma_semaphore, #tpu.memory_space<semaphore_mem>>) attributes {dimension_semantics = [#tpu.dimension_semantics<core_parallel>, #tpu.dimension_semantics<subcore_parallel>], iteration_bounds = array<i64: 2, 16>, scalar_prefetch = 0 : i64, scratch_operands = 4 : i64, tpu.core_type = #tpu.core_type<sc_vector_subcore>, window_params = [{transform_indices = #map}, {transform_indices = #map1}, {transform_indices = #map}]} {
    %mul3A = arith.constant 2 : i32
    %mul3A_0 = arith.muli %arg1, %mul3A : i32
    %add3A = arith.addi %mul3A_0, %arg0 : i32
    %mul3A_1 = arith.constant 32 : i32
    %mul3A_2 = arith.muli %add3A, %mul3A_1 : i32
    %mul3A_3 = arith.constant 352 : i32
    %mul3A_4 = arith.muli %add3A, %mul3A_3 : i32
    %dma_start3A = tpu.memref_slice %arg3[%mul3A_4] : memref<11264xi32, #tpu.memory_space<hbm>> -> memref<352xi32, #tpu.memory_space<hbm>>
    %dma_start3A_5 = tpu.memref_slice %arg3[%mul3A_4] : memref<11264xi32, #tpu.memory_space<hbm>> -> memref<352xi32, #tpu.memory_space<hbm>>
    tpu.enqueue_dma source(%dma_start3A_5 : memref<352xi32, #tpu.memory_space<hbm>>) target(%arg5 : memref<352xi32, #tpu.memory_space<vmem>>) target_semaphore(%arg7 : memref<!tpu.dma_semaphore, #tpu.memory_space<semaphore_mem>>)
    %dma_wait3A = tpu.memref_slice %arg3[%mul3A_4] : memref<11264xi32, #tpu.memory_space<hbm>> -> memref<352xi32, #tpu.memory_space<hbm>>
    %dma_wait3A_6 = tpu.memref_slice %arg3[%mul3A_4] : memref<11264xi32, #tpu.memory_space<hbm>> -> memref<352xi32, #tpu.memory_space<hbm>>
    tpu.wait_dma2 semaphore(%arg7 : memref<!tpu.dma_semaphore, #tpu.memory_space<semaphore_mem>>) src(%dma_wait3A_6 : memref<352xi32, #tpu.memory_space<hbm>>) dst(%arg5 : memref<352xi32, #tpu.memory_space<vmem>>)
    %dma_start3A_7 = arith.constant 320 : i32
    %dma_start3A_8 = tpu.memref_slice %arg5[%dma_start3A_7] : memref<352xi32, #tpu.memory_space<vmem>> -> memref<32xi32, #tpu.memory_space<vmem>>
    %dma_start3A_9 = arith.constant 0 : i32
    %dma_start3A_10 = arith.constant 0 : i32
    %dma_start3A_11 = tpu.memref_slice %arg2[%dma_start3A_9, %dma_start3A_10] : memref<10000x128xf32, #tpu.memory_space<hbm>> -> memref<10000x128xf32, #tpu.memory_space<hbm>>
    tpu.enqueue_indirect_dma source(%dma_start3A_11 : memref<10000x128xf32, #tpu.memory_space<hbm>>) target(%arg6 : memref<32x128xf32, #tpu.memory_space<vmem>>) offsets(%dma_start3A_8 : memref<32xi32, #tpu.memory_space<vmem>>) semaphore(%arg7 : memref<!tpu.dma_semaphore, #tpu.memory_space<semaphore_mem>>)
    %dma_wait3A_12 = arith.constant 320 : i32
    %dma_wait3A_13 = tpu.memref_slice %arg5[%dma_wait3A_12] : memref<352xi32, #tpu.memory_space<vmem>> -> memref<32xi32, #tpu.memory_space<vmem>>
    %dma_wait3A_14 = arith.constant 0 : i32
    %dma_wait3A_15 = arith.constant 0 : i32
    %dma_wait3A_16 = tpu.memref_slice %arg2[%dma_wait3A_14, %dma_wait3A_15] : memref<10000x128xf32, #tpu.memory_space<hbm>> -> memref<10000x128xf32, #tpu.memory_space<hbm>>
    tpu.wait_indirect_dma semaphore(%arg7 : memref<!tpu.dma_semaphore, #tpu.memory_space<semaphore_mem>>) src(%dma_wait3A_16 : memref<10000x128xf32, #tpu.memory_space<hbm>>) dst(%arg6 : memref<32x128xf32, #tpu.memory_space<vmem>>)
    %dma_start3A_17 = arith.constant 0 : i32
    %dma_start3A_18 = tpu.memref_slice %arg5[%dma_start3A_17] : memref<352xi32, #tpu.memory_space<vmem>> -> memref<32xi32, #tpu.memory_space<vmem>>
    %dma_start3A_19 = arith.constant 0 : i32
    %dma_start3A_20 = arith.constant 0 : i32
    %dma_start3A_21 = tpu.memref_slice %arg2[%dma_start3A_19, %dma_start3A_20] : memref<10000x128xf32, #tpu.memory_space<hbm>> -> memref<10000x128xf32, #tpu.memory_space<hbm>>
    tpu.enqueue_indirect_dma source(%dma_start3A_21 : memref<10000x128xf32, #tpu.memory_space<hbm>>) target(%arg6 : memref<32x128xf32, #tpu.memory_space<vmem>>) offsets(%dma_start3A_18 : memref<32xi32, #tpu.memory_space<vmem>>) semaphore(%arg8 : memref<!tpu.dma_semaphore, #tpu.memory_space<semaphore_mem>>) {add = true}
    %dma_start3A_22 = arith.constant 32 : i32
    %dma_start3A_23 = tpu.memref_slice %arg5[%dma_start3A_22] : memref<352xi32, #tpu.memory_space<vmem>> -> memref<32xi32, #tpu.memory_space<vmem>>
    %dma_start3A_24 = arith.constant 0 : i32
    %dma_start3A_25 = arith.constant 0 : i32
    %dma_start3A_26 = tpu.memref_slice %arg2[%dma_start3A_24, %dma_start3A_25] : memref<10000x128xf32, #tpu.memory_space<hbm>> -> memref<10000x128xf32, #tpu.memory_space<hbm>>
    tpu.enqueue_indirect_dma source(%dma_start3A_26 : memref<10000x128xf32, #tpu.memory_space<hbm>>) target(%arg6 : memref<32x128xf32, #tpu.memory_space<vmem>>) offsets(%dma_start3A_23 : memref<32xi32, #tpu.memory_space<vmem>>) semaphore(%arg8 : memref<!tpu.dma_semaphore, #tpu.memory_space<semaphore_mem>>) {add = true}
    %dma_start3A_27 = arith.constant 64 : i32
    %dma_start3A_28 = tpu.memref_slice %arg5[%dma_start3A_27] : memref<352xi32, #tpu.memory_space<vmem>> -> memref<32xi32, #tpu.memory_space<vmem>>
    %dma_start3A_29 = arith.constant 0 : i32
    %dma_start3A_30 = arith.constant 0 : i32
    %dma_start3A_31 = tpu.memref_slice %arg2[%dma_start3A_29, %dma_start3A_30] : memref<10000x128xf32, #tpu.memory_space<hbm>> -> memref<10000x128xf32, #tpu.memory_space<hbm>>
    tpu.enqueue_indirect_dma source(%dma_start3A_31 : memref<10000x128xf32, #tpu.memory_space<hbm>>) target(%arg6 : memref<32x128xf32, #tpu.memory_space<vmem>>) offsets(%dma_start3A_28 : memref<32xi32, #tpu.memory_space<vmem>>) semaphore(%arg8 : memref<!tpu.dma_semaphore, #tpu.memory_space<semaphore_mem>>) {add = true}
    %dma_start3A_32 = arith.constant 96 : i32
    %dma_start3A_33 = tpu.memref_slice %arg5[%dma_start3A_32] : memref<352xi32, #tpu.memory_space<vmem>> -> memref<32xi32, #tpu.memory_space<vmem>>
    %dma_start3A_34 = arith.constant 0 : i32
    %dma_start3A_35 = arith.constant 0 : i32
    %dma_start3A_36 = tpu.memref_slice %arg2[%dma_start3A_34, %dma_start3A_35] : memref<10000x128xf32, #tpu.memory_space<hbm>> -> memref<10000x128xf32, #tpu.memory_space<hbm>>
    tpu.enqueue_indirect_dma source(%dma_start3A_36 : memref<10000x128xf32, #tpu.memory_space<hbm>>) target(%arg6 : memref<32x128xf32, #tpu.memory_space<vmem>>) offsets(%dma_start3A_33 : memref<32xi32, #tpu.memory_space<vmem>>) semaphore(%arg8 : memref<!tpu.dma_semaphore, #tpu.memory_space<semaphore_mem>>) {add = true}
    %dma_start3A_37 = arith.constant 128 : i32
    %dma_start3A_38 = tpu.memref_slice %arg5[%dma_start3A_37] : memref<352xi32, #tpu.memory_space<vmem>> -> memref<32xi32, #tpu.memory_space<vmem>>
    %dma_start3A_39 = arith.constant 0 : i32
    %dma_start3A_40 = arith.constant 0 : i32
    %dma_start3A_41 = tpu.memref_slice %arg2[%dma_start3A_39, %dma_start3A_40] : memref<10000x128xf32, #tpu.memory_space<hbm>> -> memref<10000x128xf32, #tpu.memory_space<hbm>>
    tpu.enqueue_indirect_dma source(%dma_start3A_41 : memref<10000x128xf32, #tpu.memory_space<hbm>>) target(%arg6 : memref<32x128xf32, #tpu.memory_space<vmem>>) offsets(%dma_start3A_38 : memref<32xi32, #tpu.memory_space<vmem>>) semaphore(%arg8 : memref<!tpu.dma_semaphore, #tpu.memory_space<semaphore_mem>>) {add = true}
    %dma_start3A_42 = arith.constant 160 : i32
    %dma_start3A_43 = tpu.memref_slice %arg5[%dma_start3A_42] : memref<352xi32, #tpu.memory_space<vmem>> -> memref<32xi32, #tpu.memory_space<vmem>>
    %dma_start3A_44 = arith.constant 0 : i32
    %dma_start3A_45 = arith.constant 0 : i32
    %dma_start3A_46 = tpu.memref_slice %arg2[%dma_start3A_44, %dma_start3A_45] : memref<10000x128xf32, #tpu.memory_space<hbm>> -> memref<10000x128xf32, #tpu.memory_space<hbm>>
    tpu.enqueue_indirect_dma source(%dma_start3A_46 : memref<10000x128xf32, #tpu.memory_space<hbm>>) target(%arg6 : memref<32x128xf32, #tpu.memory_space<vmem>>) offsets(%dma_start3A_43 : memref<32xi32, #tpu.memory_space<vmem>>) semaphore(%arg8 : memref<!tpu.dma_semaphore, #tpu.memory_space<semaphore_mem>>) {add = true}
    %dma_start3A_47 = arith.constant 192 : i32
    %dma_start3A_48 = tpu.memref_slice %arg5[%dma_start3A_47] : memref<352xi32, #tpu.memory_space<vmem>> -> memref<32xi32, #tpu.memory_space<vmem>>
    %dma_start3A_49 = arith.constant 0 : i32
    %dma_start3A_50 = arith.constant 0 : i32
    %dma_start3A_51 = tpu.memref_slice %arg2[%dma_start3A_49, %dma_start3A_50] : memref<10000x128xf32, #tpu.memory_space<hbm>> -> memref<10000x128xf32, #tpu.memory_space<hbm>>
    tpu.enqueue_indirect_dma source(%dma_start3A_51 : memref<10000x128xf32, #tpu.memory_space<hbm>>) target(%arg6 : memref<32x128xf32, #tpu.memory_space<vmem>>) offsets(%dma_start3A_48 : memref<32xi32, #tpu.memory_space<vmem>>) semaphore(%arg8 : memref<!tpu.dma_semaphore, #tpu.memory_space<semaphore_mem>>) {add = true}
    %dma_start3A_52 = arith.constant 224 : i32
    %dma_start3A_53 = tpu.memref_slice %arg5[%dma_start3A_52] : memref<352xi32, #tpu.memory_space<vmem>> -> memref<32xi32, #tpu.memory_space<vmem>>
    %dma_start3A_54 = arith.constant 0 : i32
    %dma_start3A_55 = arith.constant 0 : i32
    %dma_start3A_56 = tpu.memref_slice %arg2[%dma_start3A_54, %dma_start3A_55] : memref<10000x128xf32, #tpu.memory_space<hbm>> -> memref<10000x128xf32, #tpu.memory_space<hbm>>
    tpu.enqueue_indirect_dma source(%dma_start3A_56 : memref<10000x128xf32, #tpu.memory_space<hbm>>) target(%arg6 : memref<32x128xf32, #tpu.memory_space<vmem>>) offsets(%dma_start3A_53 : memref<32xi32, #tpu.memory_space<vmem>>) semaphore(%arg8 : memref<!tpu.dma_semaphore, #tpu.memory_space<semaphore_mem>>) {add = true}
    %dma_start3A_57 = arith.constant 256 : i32
    %dma_start3A_58 = tpu.memref_slice %arg5[%dma_start3A_57] : memref<352xi32, #tpu.memory_space<vmem>> -> memref<32xi32, #tpu.memory_space<vmem>>
    %dma_start3A_59 = arith.constant 0 : i32
    %dma_start3A_60 = arith.constant 0 : i32
    %dma_start3A_61 = tpu.memref_slice %arg2[%dma_start3A_59, %dma_start3A_60] : memref<10000x128xf32, #tpu.memory_space<hbm>> -> memref<10000x128xf32, #tpu.memory_space<hbm>>
    tpu.enqueue_indirect_dma source(%dma_start3A_61 : memref<10000x128xf32, #tpu.memory_space<hbm>>) target(%arg6 : memref<32x128xf32, #tpu.memory_space<vmem>>) offsets(%dma_start3A_58 : memref<32xi32, #tpu.memory_space<vmem>>) semaphore(%arg8 : memref<!tpu.dma_semaphore, #tpu.memory_space<semaphore_mem>>) {add = true}
    %dma_start3A_62 = arith.constant 288 : i32
    %dma_start3A_63 = tpu.memref_slice %arg5[%dma_start3A_62] : memref<352xi32, #tpu.memory_space<vmem>> -> memref<32xi32, #tpu.memory_space<vmem>>
    %dma_start3A_64 = arith.constant 0 : i32
    %dma_start3A_65 = arith.constant 0 : i32
    %dma_start3A_66 = tpu.memref_slice %arg2[%dma_start3A_64, %dma_start3A_65] : memref<10000x128xf32, #tpu.memory_space<hbm>> -> memref<10000x128xf32, #tpu.memory_space<hbm>>
    tpu.enqueue_indirect_dma source(%dma_start3A_66 : memref<10000x128xf32, #tpu.memory_space<hbm>>) target(%arg6 : memref<32x128xf32, #tpu.memory_space<vmem>>) offsets(%dma_start3A_63 : memref<32xi32, #tpu.memory_space<vmem>>) semaphore(%arg8 : memref<!tpu.dma_semaphore, #tpu.memory_space<semaphore_mem>>) {add = true}
    %dma_wait3A_67 = arith.constant 0 : i32
    %dma_wait3A_68 = tpu.memref_slice %arg5[%dma_wait3A_67] : memref<352xi32, #tpu.memory_space<vmem>> -> memref<32xi32, #tpu.memory_space<vmem>>
    %dma_wait3A_69 = arith.constant 0 : i32
    %dma_wait3A_70 = arith.constant 0 : i32
    %dma_wait3A_71 = tpu.memref_slice %arg2[%dma_wait3A_69, %dma_wait3A_70] : memref<10000x128xf32, #tpu.memory_space<hbm>> -> memref<10000x128xf32, #tpu.memory_space<hbm>>
    tpu.wait_indirect_dma semaphore(%arg8 : memref<!tpu.dma_semaphore, #tpu.memory_space<semaphore_mem>>) src(%dma_wait3A_71 : memref<10000x128xf32, #tpu.memory_space<hbm>>) dst(%arg6 : memref<32x128xf32, #tpu.memory_space<vmem>>)
    %dma_wait3A_72 = arith.constant 32 : i32
    %dma_wait3A_73 = tpu.memref_slice %arg5[%dma_wait3A_72] : memref<352xi32, #tpu.memory_space<vmem>> -> memref<32xi32, #tpu.memory_space<vmem>>
    %dma_wait3A_74 = arith.constant 0 : i32
    %dma_wait3A_75 = arith.constant 0 : i32
    %dma_wait3A_76 = tpu.memref_slice %arg2[%dma_wait3A_74, %dma_wait3A_75] : memref<10000x128xf32, #tpu.memory_space<hbm>> -> memref<10000x128xf32, #tpu.memory_space<hbm>>
    tpu.wait_indirect_dma semaphore(%arg8 : memref<!tpu.dma_semaphore, #tpu.memory_space<semaphore_mem>>) src(%dma_wait3A_76 : memref<10000x128xf32, #tpu.memory_space<hbm>>) dst(%arg6 : memref<32x128xf32, #tpu.memory_space<vmem>>)
    %dma_wait3A_77 = arith.constant 64 : i32
    %dma_wait3A_78 = tpu.memref_slice %arg5[%dma_wait3A_77] : memref<352xi32, #tpu.memory_space<vmem>> -> memref<32xi32, #tpu.memory_space<vmem>>
    %dma_wait3A_79 = arith.constant 0 : i32
    %dma_wait3A_80 = arith.constant 0 : i32
    %dma_wait3A_81 = tpu.memref_slice %arg2[%dma_wait3A_79, %dma_wait3A_80] : memref<10000x128xf32, #tpu.memory_space<hbm>> -> memref<10000x128xf32, #tpu.memory_space<hbm>>
    tpu.wait_indirect_dma semaphore(%arg8 : memref<!tpu.dma_semaphore, #tpu.memory_space<semaphore_mem>>) src(%dma_wait3A_81 : memref<10000x128xf32, #tpu.memory_space<hbm>>) dst(%arg6 : memref<32x128xf32, #tpu.memory_space<vmem>>)
    %dma_wait3A_82 = arith.constant 96 : i32
    %dma_wait3A_83 = tpu.memref_slice %arg5[%dma_wait3A_82] : memref<352xi32, #tpu.memory_space<vmem>> -> memref<32xi32, #tpu.memory_space<vmem>>
    %dma_wait3A_84 = arith.constant 0 : i32
    %dma_wait3A_85 = arith.constant 0 : i32
    %dma_wait3A_86 = tpu.memref_slice %arg2[%dma_wait3A_84, %dma_wait3A_85] : memref<10000x128xf32, #tpu.memory_space<hbm>> -> memref<10000x128xf32, #tpu.memory_space<hbm>>
    tpu.wait_indirect_dma semaphore(%arg8 : memref<!tpu.dma_semaphore, #tpu.memory_space<semaphore_mem>>) src(%dma_wait3A_86 : memref<10000x128xf32, #tpu.memory_space<hbm>>) dst(%arg6 : memref<32x128xf32, #tpu.memory_space<vmem>>)
    %dma_wait3A_87 = arith.constant 128 : i32
    %dma_wait3A_88 = tpu.memref_slice %arg5[%dma_wait3A_87] : memref<352xi32, #tpu.memory_space<vmem>> -> memref<32xi32, #tpu.memory_space<vmem>>
    %dma_wait3A_89 = arith.constant 0 : i32
    %dma_wait3A_90 = arith.constant 0 : i32
    %dma_wait3A_91 = tpu.memref_slice %arg2[%dma_wait3A_89, %dma_wait3A_90] : memref<10000x128xf32, #tpu.memory_space<hbm>> -> memref<10000x128xf32, #tpu.memory_space<hbm>>
    tpu.wait_indirect_dma semaphore(%arg8 : memref<!tpu.dma_semaphore, #tpu.memory_space<semaphore_mem>>) src(%dma_wait3A_91 : memref<10000x128xf32, #tpu.memory_space<hbm>>) dst(%arg6 : memref<32x128xf32, #tpu.memory_space<vmem>>)
    %dma_wait3A_92 = arith.constant 160 : i32
    %dma_wait3A_93 = tpu.memref_slice %arg5[%dma_wait3A_92] : memref<352xi32, #tpu.memory_space<vmem>> -> memref<32xi32, #tpu.memory_space<vmem>>
    %dma_wait3A_94 = arith.constant 0 : i32
    %dma_wait3A_95 = arith.constant 0 : i32
    %dma_wait3A_96 = tpu.memref_slice %arg2[%dma_wait3A_94, %dma_wait3A_95] : memref<10000x128xf32, #tpu.memory_space<hbm>> -> memref<10000x128xf32, #tpu.memory_space<hbm>>
    tpu.wait_indirect_dma semaphore(%arg8 : memref<!tpu.dma_semaphore, #tpu.memory_space<semaphore_mem>>) src(%dma_wait3A_96 : memref<10000x128xf32, #tpu.memory_space<hbm>>) dst(%arg6 : memref<32x128xf32, #tpu.memory_space<vmem>>)
    %dma_wait3A_97 = arith.constant 192 : i32
    %dma_wait3A_98 = tpu.memref_slice %arg5[%dma_wait3A_97] : memref<352xi32, #tpu.memory_space<vmem>> -> memref<32xi32, #tpu.memory_space<vmem>>
    %dma_wait3A_99 = arith.constant 0 : i32
    %dma_wait3A_100 = arith.constant 0 : i32
    %dma_wait3A_101 = tpu.memref_slice %arg2[%dma_wait3A_99, %dma_wait3A_100] : memref<10000x128xf32, #tpu.memory_space<hbm>> -> memref<10000x128xf32, #tpu.memory_space<hbm>>
    tpu.wait_indirect_dma semaphore(%arg8 : memref<!tpu.dma_semaphore, #tpu.memory_space<semaphore_mem>>) src(%dma_wait3A_101 : memref<10000x128xf32, #tpu.memory_space<hbm>>) dst(%arg6 : memref<32x128xf32, #tpu.memory_space<vmem>>)
    %dma_wait3A_102 = arith.constant 224 : i32
    %dma_wait3A_103 = tpu.memref_slice %arg5[%dma_wait3A_102] : memref<352xi32, #tpu.memory_space<vmem>> -> memref<32xi32, #tpu.memory_space<vmem>>
    %dma_wait3A_104 = arith.constant 0 : i32
    %dma_wait3A_105 = arith.constant 0 : i32
    %dma_wait3A_106 = tpu.memref_slice %arg2[%dma_wait3A_104, %dma_wait3A_105] : memref<10000x128xf32, #tpu.memory_space<hbm>> -> memref<10000x128xf32, #tpu.memory_space<hbm>>
    tpu.wait_indirect_dma semaphore(%arg8 : memref<!tpu.dma_semaphore, #tpu.memory_space<semaphore_mem>>) src(%dma_wait3A_106 : memref<10000x128xf32, #tpu.memory_space<hbm>>) dst(%arg6 : memref<32x128xf32, #tpu.memory_space<vmem>>)
    %dma_wait3A_107 = arith.constant 256 : i32
    %dma_wait3A_108 = tpu.memref_slice %arg5[%dma_wait3A_107] : memref<352xi32, #tpu.memory_space<vmem>> -> memref<32xi32, #tpu.memory_space<vmem>>
    %dma_wait3A_109 = arith.constant 0 : i32
    %dma_wait3A_110 = arith.constant 0 : i32
    %dma_wait3A_111 = tpu.memref_slice %arg2[%dma_wait3A_109, %dma_wait3A_110] : memref<10000x128xf32, #tpu.memory_space<hbm>> -> memref<10000x128xf32, #tpu.memory_space<hbm>>
    tpu.wait_indirect_dma semaphore(%arg8 : memref<!tpu.dma_semaphore, #tpu.memory_space<semaphore_mem>>) src(%dma_wait3A_111 : memref<10000x128xf32, #tpu.memory_space<hbm>>) dst(%arg6 : memref<32x128xf32, #tpu.memory_space<vmem>>)
    %dma_wait3A_112 = arith.constant 288 : i32
    %dma_wait3A_113 = tpu.memref_slice %arg5[%dma_wait3A_112] : memref<352xi32, #tpu.memory_space<vmem>> -> memref<32xi32, #tpu.memory_space<vmem>>
    %dma_wait3A_114 = arith.constant 0 : i32
    %dma_wait3A_115 = arith.constant 0 : i32
    %dma_wait3A_116 = tpu.memref_slice %arg2[%dma_wait3A_114, %dma_wait3A_115] : memref<10000x128xf32, #tpu.memory_space<hbm>> -> memref<10000x128xf32, #tpu.memory_space<hbm>>
    tpu.wait_indirect_dma semaphore(%arg8 : memref<!tpu.dma_semaphore, #tpu.memory_space<semaphore_mem>>) src(%dma_wait3A_116 : memref<10000x128xf32, #tpu.memory_space<hbm>>) dst(%arg6 : memref<32x128xf32, #tpu.memory_space<vmem>>)
    "tpu.region"() ({
      %run_scoped3A = tpu.sem_alloc : memref<!tpu.dma_semaphore, #tpu.memory_space<semaphore_mem>>
      %dma_start3A_117 = arith.constant 0 : i32
      %dma_start3A_118 = tpu.memref_slice %arg4[%mul3A_2, %dma_start3A_117] : memref<1024x128xf32, #tpu.memory_space<hbm>> -> memref<32x128xf32, #tpu.memory_space<hbm>>
      %dma_start3A_119 = arith.constant 0 : i32
      %dma_start3A_120 = tpu.memref_slice %arg4[%mul3A_2, %dma_start3A_119] : memref<1024x128xf32, #tpu.memory_space<hbm>> -> memref<32x128xf32, #tpu.memory_space<hbm>>
      tpu.enqueue_dma source(%arg6 : memref<32x128xf32, #tpu.memory_space<vmem>>) target(%dma_start3A_120 : memref<32x128xf32, #tpu.memory_space<hbm>>) target_semaphore(%run_scoped3A : memref<!tpu.dma_semaphore, #tpu.memory_space<semaphore_mem>>)
      %dma_wait3A_121 = arith.constant 0 : i32
      %dma_wait3A_122 = tpu.memref_slice %arg4[%mul3A_2, %dma_wait3A_121] : memref<1024x128xf32, #tpu.memory_space<hbm>> -> memref<32x128xf32, #tpu.memory_space<hbm>>
      %dma_wait3A_123 = arith.constant 0 : i32
      %dma_wait3A_124 = tpu.memref_slice %arg4[%mul3A_2, %dma_wait3A_123] : memref<1024x128xf32, #tpu.memory_space<hbm>> -> memref<32x128xf32, #tpu.memory_space<hbm>>
      tpu.wait_dma2 semaphore(%run_scoped3A : memref<!tpu.dma_semaphore, #tpu.memory_space<semaphore_mem>>) src(%arg6 : memref<32x128xf32, #tpu.memory_space<vmem>>) dst(%dma_wait3A_124 : memref<32x128xf32, #tpu.memory_space<hbm>>)
      tpu.yield
    }) : () -> ()
    return
  }
}

#map = affine_map<(d0, d1) -> (0, 0)>
#map1 = affine_map<(d0, d1) -> (0)>
module attributes {stable_mosaic.version = 14 : i64} {
  func.func @_sc_layer1(%arg0: i32, %arg1: i32, %arg2: memref<10000x128xf32, #tpu.memory_space<hbm>>, %arg3: memref<100000xi32, #tpu.memory_space<hbm>>, %arg4: memref<1024xi32, #tpu.memory_space<hbm>>, %arg5: memref<10000x128xf32, #tpu.memory_space<hbm>>, %arg6: memref<11264xi32, #tpu.memory_space<hbm>>, %arg7: memref<30x128xi32, #tpu.memory_space<vmem>>, %arg8: memref<320x128xf32, #tpu.memory_space<vmem>>, %arg9: memref<32xi32, #tpu.memory_space<vmem>>, %arg10: memref<10x32xi32, #tpu.memory_space<vmem>>, %arg11: memref<352xi32, #tpu.memory_space<vmem>>, %arg12: memref<3x!tpu.dma_semaphore, #tpu.memory_space<semaphore_mem>>, %arg13: memref<3x!tpu.dma_semaphore, #tpu.memory_space<semaphore_mem>>, %arg14: memref<!tpu.dma_semaphore, #tpu.memory_space<semaphore_mem>>, %arg15: memref<!tpu.dma_semaphore, #tpu.memory_space<semaphore_mem>>) attributes {dimension_semantics = [#tpu.dimension_semantics<core_parallel>, #tpu.dimension_semantics<subcore_parallel>], iteration_bounds = array<i64: 2, 16>, scalar_prefetch = 0 : i64, scratch_operands = 9 : i64, tpu.core_type = #tpu.core_type<sc_vector_subcore>, window_params = [{transform_indices = #map}, {transform_indices = #map1}, {transform_indices = #map1}, {transform_indices = #map}, {transform_indices = #map1}]} {
    %mul3A = arith.constant 2 : i32
    %mul3A_0 = arith.muli %arg1, %mul3A : i32
    %add3A = arith.addi %mul3A_0, %arg0 : i32
    %mul3A_1 = arith.constant 320 : i32
    %mul3A_2 = arith.muli %add3A, %mul3A_1 : i32
    %min3A = arith.constant 9680 : i32
    %min3A_3 = arith.minsi %mul3A_2, %min3A : i32
    %multiple_of3A = tpu.assume_multiple %min3A_3, 16 : i32
    %add3A_4 = arith.constant 0 : i32
    %add3A_5 = arith.addi %add3A_4, %multiple_of3A : i32
    %add3A_6 = arith.constant 0 : i32
    %add3A_7 = arith.addi %add3A_5, %add3A_6 : i32
    %dma_start3A = arith.constant 0 : i32
    %dma_start3A_8 = arith.constant 0 : i32
    %dma_start3A_9 = arith.constant 0 : i32
    %dma_start3A_10 = tpu.memref_slice %arg7[%dma_start3A, %dma_start3A_9] : memref<30x128xi32, #tpu.memory_space<vmem>> -> memref<1x128xi32, #tpu.memory_space<vmem>>
    %dma_start3A_11 = tpu.memref_squeeze %dma_start3A_10 : memref<1x128xi32, #tpu.memory_space<vmem>> -> memref<128xi32, #tpu.memory_space<vmem>>
    %dma_start3A_12 = tpu.memref_slice %arg3[%add3A_7] : memref<100000xi32, #tpu.memory_space<hbm>> -> memref<128xi32, #tpu.memory_space<hbm>>
    %dma_start3A_13 = tpu.memref_slice %arg12[%dma_start3A_8] : memref<3x!tpu.dma_semaphore, #tpu.memory_space<semaphore_mem>> -> memref<1x!tpu.dma_semaphore, #tpu.memory_space<semaphore_mem>>
    %dma_start3A_14 = tpu.memref_squeeze %dma_start3A_13 : memref<1x!tpu.dma_semaphore, #tpu.memory_space<semaphore_mem>> -> memref<!tpu.dma_semaphore, #tpu.memory_space<semaphore_mem>>
    %dma_start3A_15 = arith.constant 0 : i32
    %dma_start3A_16 = tpu.memref_slice %arg7[%dma_start3A, %dma_start3A_15] : memref<30x128xi32, #tpu.memory_space<vmem>> -> memref<1x128xi32, #tpu.memory_space<vmem>>
    %dma_start3A_17 = tpu.memref_squeeze %dma_start3A_16 : memref<1x128xi32, #tpu.memory_space<vmem>> -> memref<128xi32, #tpu.memory_space<vmem>>
    %dma_start3A_18 = tpu.memref_slice %arg3[%add3A_7] : memref<100000xi32, #tpu.memory_space<hbm>> -> memref<128xi32, #tpu.memory_space<hbm>>
    tpu.enqueue_dma source(%dma_start3A_18 : memref<128xi32, #tpu.memory_space<hbm>>) target(%dma_start3A_17 : memref<128xi32, #tpu.memory_space<vmem>>) target_semaphore(%dma_start3A_14 : memref<!tpu.dma_semaphore, #tpu.memory_space<semaphore_mem>>)
    %add3A_19 = arith.constant 10000 : i32
    %add3A_20 = arith.addi %add3A_19, %multiple_of3A : i32
    %add3A_21 = arith.constant 0 : i32
    %add3A_22 = arith.addi %add3A_20, %add3A_21 : i32
    %dma_start3A_23 = arith.constant 3 : i32
    %dma_start3A_24 = arith.constant 0 : i32
    %dma_start3A_25 = arith.constant 0 : i32
    %dma_start3A_26 = tpu.memref_slice %arg7[%dma_start3A_23, %dma_start3A_25] : memref<30x128xi32, #tpu.memory_space<vmem>> -> memref<1x128xi32, #tpu.memory_space<vmem>>
    %dma_start3A_27 = tpu.memref_squeeze %dma_start3A_26 : memref<1x128xi32, #tpu.memory_space<vmem>> -> memref<128xi32, #tpu.memory_space<vmem>>
    %dma_start3A_28 = tpu.memref_slice %arg3[%add3A_22] : memref<100000xi32, #tpu.memory_space<hbm>> -> memref<128xi32, #tpu.memory_space<hbm>>
    %dma_start3A_29 = tpu.memref_slice %arg12[%dma_start3A_24] : memref<3x!tpu.dma_semaphore, #tpu.memory_space<semaphore_mem>> -> memref<1x!tpu.dma_semaphore, #tpu.memory_space<semaphore_mem>>
    %dma_start3A_30 = tpu.memref_squeeze %dma_start3A_29 : memref<1x!tpu.dma_semaphore, #tpu.memory_space<semaphore_mem>> -> memref<!tpu.dma_semaphore, #tpu.memory_space<semaphore_mem>>
    %dma_start3A_31 = arith.constant 0 : i32
    %dma_start3A_32 = tpu.memref_slice %arg7[%dma_start3A_23, %dma_start3A_31] : memref<30x128xi32, #tpu.memory_space<vmem>> -> memref<1x128xi32, #tpu.memory_space<vmem>>
    %dma_start3A_33 = tpu.memref_squeeze %dma_start3A_32 : memref<1x128xi32, #tpu.memory_space<vmem>> -> memref<128xi32, #tpu.memory_space<vmem>>
    %dma_start3A_34 = tpu.memref_slice %arg3[%add3A_22] : memref<100000xi32, #tpu.memory_space<hbm>> -> memref<128xi32, #tpu.memory_space<hbm>>
    tpu.enqueue_dma source(%dma_start3A_34 : memref<128xi32, #tpu.memory_space<hbm>>) target(%dma_start3A_33 : memref<128xi32, #tpu.memory_space<vmem>>) target_semaphore(%dma_start3A_30 : memref<!tpu.dma_semaphore, #tpu.memory_space<semaphore_mem>>)
    %add3A_35 = arith.constant 20000 : i32
    %add3A_36 = arith.addi %add3A_35, %multiple_of3A : i32
    %add3A_37 = arith.constant 0 : i32
    %add3A_38 = arith.addi %add3A_36, %add3A_37 : i32
    %dma_start3A_39 = arith.constant 6 : i32
    %dma_start3A_40 = arith.constant 0 : i32
    %dma_start3A_41 = arith.constant 0 : i32
    %dma_start3A_42 = tpu.memref_slice %arg7[%dma_start3A_39, %dma_start3A_41] : memref<30x128xi32, #tpu.memory_space<vmem>> -> memref<1x128xi32, #tpu.memory_space<vmem>>
    %dma_start3A_43 = tpu.memref_squeeze %dma_start3A_42 : memref<1x128xi32, #tpu.memory_space<vmem>> -> memref<128xi32, #tpu.memory_space<vmem>>
    %dma_start3A_44 = tpu.memref_slice %arg3[%add3A_38] : memref<100000xi32, #tpu.memory_space<hbm>> -> memref<128xi32, #tpu.memory_space<hbm>>
    %dma_start3A_45 = tpu.memref_slice %arg12[%dma_start3A_40] : memref<3x!tpu.dma_semaphore, #tpu.memory_space<semaphore_mem>> -> memref<1x!tpu.dma_semaphore, #tpu.memory_space<semaphore_mem>>
    %dma_start3A_46 = tpu.memref_squeeze %dma_start3A_45 : memref<1x!tpu.dma_semaphore, #tpu.memory_space<semaphore_mem>> -> memref<!tpu.dma_semaphore, #tpu.memory_space<semaphore_mem>>
    %dma_start3A_47 = arith.constant 0 : i32
    %dma_start3A_48 = tpu.memref_slice %arg7[%dma_start3A_39, %dma_start3A_47] : memref<30x128xi32, #tpu.memory_space<vmem>> -> memref<1x128xi32, #tpu.memory_space<vmem>>
    %dma_start3A_49 = tpu.memref_squeeze %dma_start3A_48 : memref<1x128xi32, #tpu.memory_space<vmem>> -> memref<128xi32, #tpu.memory_space<vmem>>
    %dma_start3A_50 = tpu.memref_slice %arg3[%add3A_38] : memref<100000xi32, #tpu.memory_space<hbm>> -> memref<128xi32, #tpu.memory_space<hbm>>
    tpu.enqueue_dma source(%dma_start3A_50 : memref<128xi32, #tpu.memory_space<hbm>>) target(%dma_start3A_49 : memref<128xi32, #tpu.memory_space<vmem>>) target_semaphore(%dma_start3A_46 : memref<!tpu.dma_semaphore, #tpu.memory_space<semaphore_mem>>)
    %add3A_51 = arith.constant 30000 : i32
    %add3A_52 = arith.addi %add3A_51, %multiple_of3A : i32
    %add3A_53 = arith.constant 0 : i32
    %add3A_54 = arith.addi %add3A_52, %add3A_53 : i32
    %dma_start3A_55 = arith.constant 9 : i32
    %dma_start3A_56 = arith.constant 0 : i32
    %dma_start3A_57 = arith.constant 0 : i32
    %dma_start3A_58 = tpu.memref_slice %arg7[%dma_start3A_55, %dma_start3A_57] : memref<30x128xi32, #tpu.memory_space<vmem>> -> memref<1x128xi32, #tpu.memory_space<vmem>>
    %dma_start3A_59 = tpu.memref_squeeze %dma_start3A_58 : memref<1x128xi32, #tpu.memory_space<vmem>> -> memref<128xi32, #tpu.memory_space<vmem>>
    %dma_start3A_60 = tpu.memref_slice %arg3[%add3A_54] : memref<100000xi32, #tpu.memory_space<hbm>> -> memref<128xi32, #tpu.memory_space<hbm>>
    %dma_start3A_61 = tpu.memref_slice %arg12[%dma_start3A_56] : memref<3x!tpu.dma_semaphore, #tpu.memory_space<semaphore_mem>> -> memref<1x!tpu.dma_semaphore, #tpu.memory_space<semaphore_mem>>
    %dma_start3A_62 = tpu.memref_squeeze %dma_start3A_61 : memref<1x!tpu.dma_semaphore, #tpu.memory_space<semaphore_mem>> -> memref<!tpu.dma_semaphore, #tpu.memory_space<semaphore_mem>>
    %dma_start3A_63 = arith.constant 0 : i32
    %dma_start3A_64 = tpu.memref_slice %arg7[%dma_start3A_55, %dma_start3A_63] : memref<30x128xi32, #tpu.memory_space<vmem>> -> memref<1x128xi32, #tpu.memory_space<vmem>>
    %dma_start3A_65 = tpu.memref_squeeze %dma_start3A_64 : memref<1x128xi32, #tpu.memory_space<vmem>> -> memref<128xi32, #tpu.memory_space<vmem>>
    %dma_start3A_66 = tpu.memref_slice %arg3[%add3A_54] : memref<100000xi32, #tpu.memory_space<hbm>> -> memref<128xi32, #tpu.memory_space<hbm>>
    tpu.enqueue_dma source(%dma_start3A_66 : memref<128xi32, #tpu.memory_space<hbm>>) target(%dma_start3A_65 : memref<128xi32, #tpu.memory_space<vmem>>) target_semaphore(%dma_start3A_62 : memref<!tpu.dma_semaphore, #tpu.memory_space<semaphore_mem>>)
    %add3A_67 = arith.constant 40000 : i32
    %add3A_68 = arith.addi %add3A_67, %multiple_of3A : i32
    %add3A_69 = arith.constant 0 : i32
    %add3A_70 = arith.addi %add3A_68, %add3A_69 : i32
    %dma_start3A_71 = arith.constant 12 : i32
    %dma_start3A_72 = arith.constant 0 : i32
    %dma_start3A_73 = arith.constant 0 : i32
    %dma_start3A_74 = tpu.memref_slice %arg7[%dma_start3A_71, %dma_start3A_73] : memref<30x128xi32, #tpu.memory_space<vmem>> -> memref<1x128xi32, #tpu.memory_space<vmem>>
    %dma_start3A_75 = tpu.memref_squeeze %dma_start3A_74 : memref<1x128xi32, #tpu.memory_space<vmem>> -> memref<128xi32, #tpu.memory_space<vmem>>
    %dma_start3A_76 = tpu.memref_slice %arg3[%add3A_70] : memref<100000xi32, #tpu.memory_space<hbm>> -> memref<128xi32, #tpu.memory_space<hbm>>
    %dma_start3A_77 = tpu.memref_slice %arg12[%dma_start3A_72] : memref<3x!tpu.dma_semaphore, #tpu.memory_space<semaphore_mem>> -> memref<1x!tpu.dma_semaphore, #tpu.memory_space<semaphore_mem>>
    %dma_start3A_78 = tpu.memref_squeeze %dma_start3A_77 : memref<1x!tpu.dma_semaphore, #tpu.memory_space<semaphore_mem>> -> memref<!tpu.dma_semaphore, #tpu.memory_space<semaphore_mem>>
    %dma_start3A_79 = arith.constant 0 : i32
    %dma_start3A_80 = tpu.memref_slice %arg7[%dma_start3A_71, %dma_start3A_79] : memref<30x128xi32, #tpu.memory_space<vmem>> -> memref<1x128xi32, #tpu.memory_space<vmem>>
    %dma_start3A_81 = tpu.memref_squeeze %dma_start3A_80 : memref<1x128xi32, #tpu.memory_space<vmem>> -> memref<128xi32, #tpu.memory_space<vmem>>
    %dma_start3A_82 = tpu.memref_slice %arg3[%add3A_70] : memref<100000xi32, #tpu.memory_space<hbm>> -> memref<128xi32, #tpu.memory_space<hbm>>
    tpu.enqueue_dma source(%dma_start3A_82 : memref<128xi32, #tpu.memory_space<hbm>>) target(%dma_start3A_81 : memref<128xi32, #tpu.memory_space<vmem>>) target_semaphore(%dma_start3A_78 : memref<!tpu.dma_semaphore, #tpu.memory_space<semaphore_mem>>)
    %add3A_83 = arith.constant 50000 : i32
    %add3A_84 = arith.addi %add3A_83, %multiple_of3A : i32
    %add3A_85 = arith.constant 0 : i32
    %add3A_86 = arith.addi %add3A_84, %add3A_85 : i32
    %dma_start3A_87 = arith.constant 15 : i32
    %dma_start3A_88 = arith.constant 0 : i32
    %dma_start3A_89 = arith.constant 0 : i32
    %dma_start3A_90 = tpu.memref_slice %arg7[%dma_start3A_87, %dma_start3A_89] : memref<30x128xi32, #tpu.memory_space<vmem>> -> memref<1x128xi32, #tpu.memory_space<vmem>>
    %dma_start3A_91 = tpu.memref_squeeze %dma_start3A_90 : memref<1x128xi32, #tpu.memory_space<vmem>> -> memref<128xi32, #tpu.memory_space<vmem>>
    %dma_start3A_92 = tpu.memref_slice %arg3[%add3A_86] : memref<100000xi32, #tpu.memory_space<hbm>> -> memref<128xi32, #tpu.memory_space<hbm>>
    %dma_start3A_93 = tpu.memref_slice %arg12[%dma_start3A_88] : memref<3x!tpu.dma_semaphore, #tpu.memory_space<semaphore_mem>> -> memref<1x!tpu.dma_semaphore, #tpu.memory_space<semaphore_mem>>
    %dma_start3A_94 = tpu.memref_squeeze %dma_start3A_93 : memref<1x!tpu.dma_semaphore, #tpu.memory_space<semaphore_mem>> -> memref<!tpu.dma_semaphore, #tpu.memory_space<semaphore_mem>>
    %dma_start3A_95 = arith.constant 0 : i32
    %dma_start3A_96 = tpu.memref_slice %arg7[%dma_start3A_87, %dma_start3A_95] : memref<30x128xi32, #tpu.memory_space<vmem>> -> memref<1x128xi32, #tpu.memory_space<vmem>>
    %dma_start3A_97 = tpu.memref_squeeze %dma_start3A_96 : memref<1x128xi32, #tpu.memory_space<vmem>> -> memref<128xi32, #tpu.memory_space<vmem>>
    %dma_start3A_98 = tpu.memref_slice %arg3[%add3A_86] : memref<100000xi32, #tpu.memory_space<hbm>> -> memref<128xi32, #tpu.memory_space<hbm>>
    tpu.enqueue_dma source(%dma_start3A_98 : memref<128xi32, #tpu.memory_space<hbm>>) target(%dma_start3A_97 : memref<128xi32, #tpu.memory_space<vmem>>) target_semaphore(%dma_start3A_94 : memref<!tpu.dma_semaphore, #tpu.memory_space<semaphore_mem>>)
    %add3A_99 = arith.constant 60000 : i32
    %add3A_100 = arith.addi %add3A_99, %multiple_of3A : i32
    %add3A_101 = arith.constant 0 : i32
    %add3A_102 = arith.addi %add3A_100, %add3A_101 : i32
    %dma_start3A_103 = arith.constant 18 : i32
    %dma_start3A_104 = arith.constant 0 : i32
    %dma_start3A_105 = arith.constant 0 : i32
    %dma_start3A_106 = tpu.memref_slice %arg7[%dma_start3A_103, %dma_start3A_105] : memref<30x128xi32, #tpu.memory_space<vmem>> -> memref<1x128xi32, #tpu.memory_space<vmem>>
    %dma_start3A_107 = tpu.memref_squeeze %dma_start3A_106 : memref<1x128xi32, #tpu.memory_space<vmem>> -> memref<128xi32, #tpu.memory_space<vmem>>
    %dma_start3A_108 = tpu.memref_slice %arg3[%add3A_102] : memref<100000xi32, #tpu.memory_space<hbm>> -> memref<128xi32, #tpu.memory_space<hbm>>
    %dma_start3A_109 = tpu.memref_slice %arg12[%dma_start3A_104] : memref<3x!tpu.dma_semaphore, #tpu.memory_space<semaphore_mem>> -> memref<1x!tpu.dma_semaphore, #tpu.memory_space<semaphore_mem>>
    %dma_start3A_110 = tpu.memref_squeeze %dma_start3A_109 : memref<1x!tpu.dma_semaphore, #tpu.memory_space<semaphore_mem>> -> memref<!tpu.dma_semaphore, #tpu.memory_space<semaphore_mem>>
    %dma_start3A_111 = arith.constant 0 : i32
    %dma_start3A_112 = tpu.memref_slice %arg7[%dma_start3A_103, %dma_start3A_111] : memref<30x128xi32, #tpu.memory_space<vmem>> -> memref<1x128xi32, #tpu.memory_space<vmem>>
    %dma_start3A_113 = tpu.memref_squeeze %dma_start3A_112 : memref<1x128xi32, #tpu.memory_space<vmem>> -> memref<128xi32, #tpu.memory_space<vmem>>
    %dma_start3A_114 = tpu.memref_slice %arg3[%add3A_102] : memref<100000xi32, #tpu.memory_space<hbm>> -> memref<128xi32, #tpu.memory_space<hbm>>
    tpu.enqueue_dma source(%dma_start3A_114 : memref<128xi32, #tpu.memory_space<hbm>>) target(%dma_start3A_113 : memref<128xi32, #tpu.memory_space<vmem>>) target_semaphore(%dma_start3A_110 : memref<!tpu.dma_semaphore, #tpu.memory_space<semaphore_mem>>)
    %add3A_115 = arith.constant 70000 : i32
    %add3A_116 = arith.addi %add3A_115, %multiple_of3A : i32
    %add3A_117 = arith.constant 0 : i32
    %add3A_118 = arith.addi %add3A_116, %add3A_117 : i32
    %dma_start3A_119 = arith.constant 21 : i32
    %dma_start3A_120 = arith.constant 0 : i32
    %dma_start3A_121 = arith.constant 0 : i32
    %dma_start3A_122 = tpu.memref_slice %arg7[%dma_start3A_119, %dma_start3A_121] : memref<30x128xi32, #tpu.memory_space<vmem>> -> memref<1x128xi32, #tpu.memory_space<vmem>>
    %dma_start3A_123 = tpu.memref_squeeze %dma_start3A_122 : memref<1x128xi32, #tpu.memory_space<vmem>> -> memref<128xi32, #tpu.memory_space<vmem>>
    %dma_start3A_124 = tpu.memref_slice %arg3[%add3A_118] : memref<100000xi32, #tpu.memory_space<hbm>> -> memref<128xi32, #tpu.memory_space<hbm>>
    %dma_start3A_125 = tpu.memref_slice %arg12[%dma_start3A_120] : memref<3x!tpu.dma_semaphore, #tpu.memory_space<semaphore_mem>> -> memref<1x!tpu.dma_semaphore, #tpu.memory_space<semaphore_mem>>
    %dma_start3A_126 = tpu.memref_squeeze %dma_start3A_125 : memref<1x!tpu.dma_semaphore, #tpu.memory_space<semaphore_mem>> -> memref<!tpu.dma_semaphore, #tpu.memory_space<semaphore_mem>>
    %dma_start3A_127 = arith.constant 0 : i32
    %dma_start3A_128 = tpu.memref_slice %arg7[%dma_start3A_119, %dma_start3A_127] : memref<30x128xi32, #tpu.memory_space<vmem>> -> memref<1x128xi32, #tpu.memory_space<vmem>>
    %dma_start3A_129 = tpu.memref_squeeze %dma_start3A_128 : memref<1x128xi32, #tpu.memory_space<vmem>> -> memref<128xi32, #tpu.memory_space<vmem>>
    %dma_start3A_130 = tpu.memref_slice %arg3[%add3A_118] : memref<100000xi32, #tpu.memory_space<hbm>> -> memref<128xi32, #tpu.memory_space<hbm>>
    tpu.enqueue_dma source(%dma_start3A_130 : memref<128xi32, #tpu.memory_space<hbm>>) target(%dma_start3A_129 : memref<128xi32, #tpu.memory_space<vmem>>) target_semaphore(%dma_start3A_126 : memref<!tpu.dma_semaphore, #tpu.memory_space<semaphore_mem>>)
    %add3A_131 = arith.constant 80000 : i32
    %add3A_132 = arith.addi %add3A_131, %multiple_of3A : i32
    %add3A_133 = arith.constant 0 : i32
    %add3A_134 = arith.addi %add3A_132, %add3A_133 : i32
    %dma_start3A_135 = arith.constant 24 : i32
    %dma_start3A_136 = arith.constant 0 : i32
    %dma_start3A_137 = arith.constant 0 : i32
    %dma_start3A_138 = tpu.memref_slice %arg7[%dma_start3A_135, %dma_start3A_137] : memref<30x128xi32, #tpu.memory_space<vmem>> -> memref<1x128xi32, #tpu.memory_space<vmem>>
    %dma_start3A_139 = tpu.memref_squeeze %dma_start3A_138 : memref<1x128xi32, #tpu.memory_space<vmem>> -> memref<128xi32, #tpu.memory_space<vmem>>
    %dma_start3A_140 = tpu.memref_slice %arg3[%add3A_134] : memref<100000xi32, #tpu.memory_space<hbm>> -> memref<128xi32, #tpu.memory_space<hbm>>
    %dma_start3A_141 = tpu.memref_slice %arg12[%dma_start3A_136] : memref<3x!tpu.dma_semaphore, #tpu.memory_space<semaphore_mem>> -> memref<1x!tpu.dma_semaphore, #tpu.memory_space<semaphore_mem>>
    %dma_start3A_142 = tpu.memref_squeeze %dma_start3A_141 : memref<1x!tpu.dma_semaphore, #tpu.memory_space<semaphore_mem>> -> memref<!tpu.dma_semaphore, #tpu.memory_space<semaphore_mem>>
    %dma_start3A_143 = arith.constant 0 : i32
    %dma_start3A_144 = tpu.memref_slice %arg7[%dma_start3A_135, %dma_start3A_143] : memref<30x128xi32, #tpu.memory_space<vmem>> -> memref<1x128xi32, #tpu.memory_space<vmem>>
    %dma_start3A_145 = tpu.memref_squeeze %dma_start3A_144 : memref<1x128xi32, #tpu.memory_space<vmem>> -> memref<128xi32, #tpu.memory_space<vmem>>
    %dma_start3A_146 = tpu.memref_slice %arg3[%add3A_134] : memref<100000xi32, #tpu.memory_space<hbm>> -> memref<128xi32, #tpu.memory_space<hbm>>
    tpu.enqueue_dma source(%dma_start3A_146 : memref<128xi32, #tpu.memory_space<hbm>>) target(%dma_start3A_145 : memref<128xi32, #tpu.memory_space<vmem>>) target_semaphore(%dma_start3A_142 : memref<!tpu.dma_semaphore, #tpu.memory_space<semaphore_mem>>)
    %add3A_147 = arith.constant 90000 : i32
    %add3A_148 = arith.addi %add3A_147, %multiple_of3A : i32
    %add3A_149 = arith.constant 0 : i32
    %add3A_150 = arith.addi %add3A_148, %add3A_149 : i32
    %dma_start3A_151 = arith.constant 27 : i32
    %dma_start3A_152 = arith.constant 0 : i32
    %dma_start3A_153 = arith.constant 0 : i32
    %dma_start3A_154 = tpu.memref_slice %arg7[%dma_start3A_151, %dma_start3A_153] : memref<30x128xi32, #tpu.memory_space<vmem>> -> memref<1x128xi32, #tpu.memory_space<vmem>>
    %dma_start3A_155 = tpu.memref_squeeze %dma_start3A_154 : memref<1x128xi32, #tpu.memory_space<vmem>> -> memref<128xi32, #tpu.memory_space<vmem>>
    %dma_start3A_156 = tpu.memref_slice %arg3[%add3A_150] : memref<100000xi32, #tpu.memory_space<hbm>> -> memref<128xi32, #tpu.memory_space<hbm>>
    %dma_start3A_157 = tpu.memref_slice %arg12[%dma_start3A_152] : memref<3x!tpu.dma_semaphore, #tpu.memory_space<semaphore_mem>> -> memref<1x!tpu.dma_semaphore, #tpu.memory_space<semaphore_mem>>
    %dma_start3A_158 = tpu.memref_squeeze %dma_start3A_157 : memref<1x!tpu.dma_semaphore, #tpu.memory_space<semaphore_mem>> -> memref<!tpu.dma_semaphore, #tpu.memory_space<semaphore_mem>>
    %dma_start3A_159 = arith.constant 0 : i32
    %dma_start3A_160 = tpu.memref_slice %arg7[%dma_start3A_151, %dma_start3A_159] : memref<30x128xi32, #tpu.memory_space<vmem>> -> memref<1x128xi32, #tpu.memory_space<vmem>>
    %dma_start3A_161 = tpu.memref_squeeze %dma_start3A_160 : memref<1x128xi32, #tpu.memory_space<vmem>> -> memref<128xi32, #tpu.memory_space<vmem>>
    %dma_start3A_162 = tpu.memref_slice %arg3[%add3A_150] : memref<100000xi32, #tpu.memory_space<hbm>> -> memref<128xi32, #tpu.memory_space<hbm>>
    tpu.enqueue_dma source(%dma_start3A_162 : memref<128xi32, #tpu.memory_space<hbm>>) target(%dma_start3A_161 : memref<128xi32, #tpu.memory_space<vmem>>) target_semaphore(%dma_start3A_158 : memref<!tpu.dma_semaphore, #tpu.memory_space<semaphore_mem>>)
    %add3A_163 = arith.constant 0 : i32
    %add3A_164 = arith.addi %multiple_of3A, %add3A_163 : i32
    %dma_start3A_165 = arith.constant 0 : i32
    %dma_start3A_166 = arith.constant 0 : i32
    %dma_start3A_167 = arith.constant 0 : i32
    %dma_start3A_168 = tpu.memref_slice %arg8[%dma_start3A_166, %dma_start3A_167] : memref<320x128xf32, #tpu.memory_space<vmem>> -> memref<128x128xf32, #tpu.memory_space<vmem>>
    %dma_start3A_169 = arith.constant 0 : i32
    %dma_start3A_170 = tpu.memref_slice %arg2[%add3A_164, %dma_start3A_169] : memref<10000x128xf32, #tpu.memory_space<hbm>> -> memref<128x128xf32, #tpu.memory_space<hbm>>
    %dma_start3A_171 = tpu.memref_slice %arg12[%dma_start3A_165] : memref<3x!tpu.dma_semaphore, #tpu.memory_space<semaphore_mem>> -> memref<1x!tpu.dma_semaphore, #tpu.memory_space<semaphore_mem>>
    %dma_start3A_172 = tpu.memref_squeeze %dma_start3A_171 : memref<1x!tpu.dma_semaphore, #tpu.memory_space<semaphore_mem>> -> memref<!tpu.dma_semaphore, #tpu.memory_space<semaphore_mem>>
    %dma_start3A_173 = arith.constant 0 : i32
    %dma_start3A_174 = arith.constant 0 : i32
    %dma_start3A_175 = tpu.memref_slice %arg8[%dma_start3A_173, %dma_start3A_174] : memref<320x128xf32, #tpu.memory_space<vmem>> -> memref<128x128xf32, #tpu.memory_space<vmem>>
    %dma_start3A_176 = arith.constant 0 : i32
    %dma_start3A_177 = tpu.memref_slice %arg2[%add3A_164, %dma_start3A_176] : memref<10000x128xf32, #tpu.memory_space<hbm>> -> memref<128x128xf32, #tpu.memory_space<hbm>>
    tpu.enqueue_dma source(%dma_start3A_177 : memref<128x128xf32, #tpu.memory_space<hbm>>) target(%dma_start3A_175 : memref<128x128xf32, #tpu.memory_space<vmem>>) target_semaphore(%dma_start3A_172 : memref<!tpu.dma_semaphore, #tpu.memory_space<semaphore_mem>>)
    %add3A_178 = arith.constant 0 : i32
    %add3A_179 = arith.addi %add3A_178, %multiple_of3A : i32
    %add3A_180 = arith.constant 128 : i32
    %add3A_181 = arith.addi %add3A_179, %add3A_180 : i32
    %dma_start3A_182 = arith.constant 1 : i32
    %dma_start3A_183 = arith.constant 1 : i32
    %dma_start3A_184 = arith.constant 0 : i32
    %dma_start3A_185 = tpu.memref_slice %arg7[%dma_start3A_182, %dma_start3A_184] : memref<30x128xi32, #tpu.memory_space<vmem>> -> memref<1x128xi32, #tpu.memory_space<vmem>>
    %dma_start3A_186 = tpu.memref_squeeze %dma_start3A_185 : memref<1x128xi32, #tpu.memory_space<vmem>> -> memref<128xi32, #tpu.memory_space<vmem>>
    %dma_start3A_187 = tpu.memref_slice %arg3[%add3A_181] : memref<100000xi32, #tpu.memory_space<hbm>> -> memref<128xi32, #tpu.memory_space<hbm>>
    %dma_start3A_188 = tpu.memref_slice %arg12[%dma_start3A_183] : memref<3x!tpu.dma_semaphore, #tpu.memory_space<semaphore_mem>> -> memref<1x!tpu.dma_semaphore, #tpu.memory_space<semaphore_mem>>
    %dma_start3A_189 = tpu.memref_squeeze %dma_start3A_188 : memref<1x!tpu.dma_semaphore, #tpu.memory_space<semaphore_mem>> -> memref<!tpu.dma_semaphore, #tpu.memory_space<semaphore_mem>>
    %dma_start3A_190 = arith.constant 0 : i32
    %dma_start3A_191 = tpu.memref_slice %arg7[%dma_start3A_182, %dma_start3A_190] : memref<30x128xi32, #tpu.memory_space<vmem>> -> memref<1x128xi32, #tpu.memory_space<vmem>>
    %dma_start3A_192 = tpu.memref_squeeze %dma_start3A_191 : memref<1x128xi32, #tpu.memory_space<vmem>> -> memref<128xi32, #tpu.memory_space<vmem>>
    %dma_start3A_193 = tpu.memref_slice %arg3[%add3A_181] : memref<100000xi32, #tpu.memory_space<hbm>> -> memref<128xi32, #tpu.memory_space<hbm>>
    tpu.enqueue_dma source(%dma_start3A_193 : memref<128xi32, #tpu.memory_space<hbm>>) target(%dma_start3A_192 : memref<128xi32, #tpu.memory_space<vmem>>) target_semaphore(%dma_start3A_189 : memref<!tpu.dma_semaphore, #tpu.memory_space<semaphore_mem>>)
    %add3A_194 = arith.constant 10000 : i32
    %add3A_195 = arith.addi %add3A_194, %multiple_of3A : i32
    %add3A_196 = arith.constant 128 : i32
    %add3A_197 = arith.addi %add3A_195, %add3A_196 : i32
    %dma_start3A_198 = arith.constant 4 : i32
    %dma_start3A_199 = arith.constant 1 : i32
    %dma_start3A_200 = arith.constant 0 : i32
    %dma_start3A_201 = tpu.memref_slice %arg7[%dma_start3A_198, %dma_start3A_200] : memref<30x128xi32, #tpu.memory_space<vmem>> -> memref<1x128xi32, #tpu.memory_space<vmem>>
    %dma_start3A_202 = tpu.memref_squeeze %dma_start3A_201 : memref<1x128xi32, #tpu.memory_space<vmem>> -> memref<128xi32, #tpu.memory_space<vmem>>
    %dma_start3A_203 = tpu.memref_slice %arg3[%add3A_197] : memref<100000xi32, #tpu.memory_space<hbm>> -> memref<128xi32, #tpu.memory_space<hbm>>
    %dma_start3A_204 = tpu.memref_slice %arg12[%dma_start3A_199] : memref<3x!tpu.dma_semaphore, #tpu.memory_space<semaphore_mem>> -> memref<1x!tpu.dma_semaphore, #tpu.memory_space<semaphore_mem>>
    %dma_start3A_205 = tpu.memref_squeeze %dma_start3A_204 : memref<1x!tpu.dma_semaphore, #tpu.memory_space<semaphore_mem>> -> memref<!tpu.dma_semaphore, #tpu.memory_space<semaphore_mem>>
    %dma_start3A_206 = arith.constant 0 : i32
    %dma_start3A_207 = tpu.memref_slice %arg7[%dma_start3A_198, %dma_start3A_206] : memref<30x128xi32, #tpu.memory_space<vmem>> -> memref<1x128xi32, #tpu.memory_space<vmem>>
    %dma_start3A_208 = tpu.memref_squeeze %dma_start3A_207 : memref<1x128xi32, #tpu.memory_space<vmem>> -> memref<128xi32, #tpu.memory_space<vmem>>
    %dma_start3A_209 = tpu.memref_slice %arg3[%add3A_197] : memref<100000xi32, #tpu.memory_space<hbm>> -> memref<128xi32, #tpu.memory_space<hbm>>
    tpu.enqueue_dma source(%dma_start3A_209 : memref<128xi32, #tpu.memory_space<hbm>>) target(%dma_start3A_208 : memref<128xi32, #tpu.memory_space<vmem>>) target_semaphore(%dma_start3A_205 : memref<!tpu.dma_semaphore, #tpu.memory_space<semaphore_mem>>)
    %add3A_210 = arith.constant 20000 : i32
    %add3A_211 = arith.addi %add3A_210, %multiple_of3A : i32
    %add3A_212 = arith.constant 128 : i32
    %add3A_213 = arith.addi %add3A_211, %add3A_212 : i32
    %dma_start3A_214 = arith.constant 7 : i32
    %dma_start3A_215 = arith.constant 1 : i32
    %dma_start3A_216 = arith.constant 0 : i32
    %dma_start3A_217 = tpu.memref_slice %arg7[%dma_start3A_214, %dma_start3A_216] : memref<30x128xi32, #tpu.memory_space<vmem>> -> memref<1x128xi32, #tpu.memory_space<vmem>>
    %dma_start3A_218 = tpu.memref_squeeze %dma_start3A_217 : memref<1x128xi32, #tpu.memory_space<vmem>> -> memref<128xi32, #tpu.memory_space<vmem>>
    %dma_start3A_219 = tpu.memref_slice %arg3[%add3A_213] : memref<100000xi32, #tpu.memory_space<hbm>> -> memref<128xi32, #tpu.memory_space<hbm>>
    %dma_start3A_220 = tpu.memref_slice %arg12[%dma_start3A_215] : memref<3x!tpu.dma_semaphore, #tpu.memory_space<semaphore_mem>> -> memref<1x!tpu.dma_semaphore, #tpu.memory_space<semaphore_mem>>
    %dma_start3A_221 = tpu.memref_squeeze %dma_start3A_220 : memref<1x!tpu.dma_semaphore, #tpu.memory_space<semaphore_mem>> -> memref<!tpu.dma_semaphore, #tpu.memory_space<semaphore_mem>>
    %dma_start3A_222 = arith.constant 0 : i32
    %dma_start3A_223 = tpu.memref_slice %arg7[%dma_start3A_214, %dma_start3A_222] : memref<30x128xi32, #tpu.memory_space<vmem>> -> memref<1x128xi32, #tpu.memory_space<vmem>>
    %dma_start3A_224 = tpu.memref_squeeze %dma_start3A_223 : memref<1x128xi32, #tpu.memory_space<vmem>> -> memref<128xi32, #tpu.memory_space<vmem>>
    %dma_start3A_225 = tpu.memref_slice %arg3[%add3A_213] : memref<100000xi32, #tpu.memory_space<hbm>> -> memref<128xi32, #tpu.memory_space<hbm>>
    tpu.enqueue_dma source(%dma_start3A_225 : memref<128xi32, #tpu.memory_space<hbm>>) target(%dma_start3A_224 : memref<128xi32, #tpu.memory_space<vmem>>) target_semaphore(%dma_start3A_221 : memref<!tpu.dma_semaphore, #tpu.memory_space<semaphore_mem>>)
    %add3A_226 = arith.constant 30000 : i32
    %add3A_227 = arith.addi %add3A_226, %multiple_of3A : i32
    %add3A_228 = arith.constant 128 : i32
    %add3A_229 = arith.addi %add3A_227, %add3A_228 : i32
    %dma_start3A_230 = arith.constant 10 : i32
    %dma_start3A_231 = arith.constant 1 : i32
    %dma_start3A_232 = arith.constant 0 : i32
    %dma_start3A_233 = tpu.memref_slice %arg7[%dma_start3A_230, %dma_start3A_232] : memref<30x128xi32, #tpu.memory_space<vmem>> -> memref<1x128xi32, #tpu.memory_space<vmem>>
    %dma_start3A_234 = tpu.memref_squeeze %dma_start3A_233 : memref<1x128xi32, #tpu.memory_space<vmem>> -> memref<128xi32, #tpu.memory_space<vmem>>
    %dma_start3A_235 = tpu.memref_slice %arg3[%add3A_229] : memref<100000xi32, #tpu.memory_space<hbm>> -> memref<128xi32, #tpu.memory_space<hbm>>
    %dma_start3A_236 = tpu.memref_slice %arg12[%dma_start3A_231] : memref<3x!tpu.dma_semaphore, #tpu.memory_space<semaphore_mem>> -> memref<1x!tpu.dma_semaphore, #tpu.memory_space<semaphore_mem>>
    %dma_start3A_237 = tpu.memref_squeeze %dma_start3A_236 : memref<1x!tpu.dma_semaphore, #tpu.memory_space<semaphore_mem>> -> memref<!tpu.dma_semaphore, #tpu.memory_space<semaphore_mem>>
    %dma_start3A_238 = arith.constant 0 : i32
    %dma_start3A_239 = tpu.memref_slice %arg7[%dma_start3A_230, %dma_start3A_238] : memref<30x128xi32, #tpu.memory_space<vmem>> -> memref<1x128xi32, #tpu.memory_space<vmem>>
    %dma_start3A_240 = tpu.memref_squeeze %dma_start3A_239 : memref<1x128xi32, #tpu.memory_space<vmem>> -> memref<128xi32, #tpu.memory_space<vmem>>
    %dma_start3A_241 = tpu.memref_slice %arg3[%add3A_229] : memref<100000xi32, #tpu.memory_space<hbm>> -> memref<128xi32, #tpu.memory_space<hbm>>
    tpu.enqueue_dma source(%dma_start3A_241 : memref<128xi32, #tpu.memory_space<hbm>>) target(%dma_start3A_240 : memref<128xi32, #tpu.memory_space<vmem>>) target_semaphore(%dma_start3A_237 : memref<!tpu.dma_semaphore, #tpu.memory_space<semaphore_mem>>)
    %add3A_242 = arith.constant 40000 : i32
    %add3A_243 = arith.addi %add3A_242, %multiple_of3A : i32
    %add3A_244 = arith.constant 128 : i32
    %add3A_245 = arith.addi %add3A_243, %add3A_244 : i32
    %dma_start3A_246 = arith.constant 13 : i32
    %dma_start3A_247 = arith.constant 1 : i32
    %dma_start3A_248 = arith.constant 0 : i32
    %dma_start3A_249 = tpu.memref_slice %arg7[%dma_start3A_246, %dma_start3A_248] : memref<30x128xi32, #tpu.memory_space<vmem>> -> memref<1x128xi32, #tpu.memory_space<vmem>>
    %dma_start3A_250 = tpu.memref_squeeze %dma_start3A_249 : memref<1x128xi32, #tpu.memory_space<vmem>> -> memref<128xi32, #tpu.memory_space<vmem>>
    %dma_start3A_251 = tpu.memref_slice %arg3[%add3A_245] : memref<100000xi32, #tpu.memory_space<hbm>> -> memref<128xi32, #tpu.memory_space<hbm>>
    %dma_start3A_252 = tpu.memref_slice %arg12[%dma_start3A_247] : memref<3x!tpu.dma_semaphore, #tpu.memory_space<semaphore_mem>> -> memref<1x!tpu.dma_semaphore, #tpu.memory_space<semaphore_mem>>
    %dma_start3A_253 = tpu.memref_squeeze %dma_start3A_252 : memref<1x!tpu.dma_semaphore, #tpu.memory_space<semaphore_mem>> -> memref<!tpu.dma_semaphore, #tpu.memory_space<semaphore_mem>>
    %dma_start3A_254 = arith.constant 0 : i32
    %dma_start3A_255 = tpu.memref_slice %arg7[%dma_start3A_246, %dma_start3A_254] : memref<30x128xi32, #tpu.memory_space<vmem>> -> memref<1x128xi32, #tpu.memory_space<vmem>>
    %dma_start3A_256 = tpu.memref_squeeze %dma_start3A_255 : memref<1x128xi32, #tpu.memory_space<vmem>> -> memref<128xi32, #tpu.memory_space<vmem>>
    %dma_start3A_257 = tpu.memref_slice %arg3[%add3A_245] : memref<100000xi32, #tpu.memory_space<hbm>> -> memref<128xi32, #tpu.memory_space<hbm>>
    tpu.enqueue_dma source(%dma_start3A_257 : memref<128xi32, #tpu.memory_space<hbm>>) target(%dma_start3A_256 : memref<128xi32, #tpu.memory_space<vmem>>) target_semaphore(%dma_start3A_253 : memref<!tpu.dma_semaphore, #tpu.memory_space<semaphore_mem>>)
    %add3A_258 = arith.constant 50000 : i32
    %add3A_259 = arith.addi %add3A_258, %multiple_of3A : i32
    %add3A_260 = arith.constant 128 : i32
    %add3A_261 = arith.addi %add3A_259, %add3A_260 : i32
    %dma_start3A_262 = arith.constant 16 : i32
    %dma_start3A_263 = arith.constant 1 : i32
    %dma_start3A_264 = arith.constant 0 : i32
    %dma_start3A_265 = tpu.memref_slice %arg7[%dma_start3A_262, %dma_start3A_264] : memref<30x128xi32, #tpu.memory_space<vmem>> -> memref<1x128xi32, #tpu.memory_space<vmem>>
    %dma_start3A_266 = tpu.memref_squeeze %dma_start3A_265 : memref<1x128xi32, #tpu.memory_space<vmem>> -> memref<128xi32, #tpu.memory_space<vmem>>
    %dma_start3A_267 = tpu.memref_slice %arg3[%add3A_261] : memref<100000xi32, #tpu.memory_space<hbm>> -> memref<128xi32, #tpu.memory_space<hbm>>
    %dma_start3A_268 = tpu.memref_slice %arg12[%dma_start3A_263] : memref<3x!tpu.dma_semaphore, #tpu.memory_space<semaphore_mem>> -> memref<1x!tpu.dma_semaphore, #tpu.memory_space<semaphore_mem>>
    %dma_start3A_269 = tpu.memref_squeeze %dma_start3A_268 : memref<1x!tpu.dma_semaphore, #tpu.memory_space<semaphore_mem>> -> memref<!tpu.dma_semaphore, #tpu.memory_space<semaphore_mem>>
    %dma_start3A_270 = arith.constant 0 : i32
    %dma_start3A_271 = tpu.memref_slice %arg7[%dma_start3A_262, %dma_start3A_270] : memref<30x128xi32, #tpu.memory_space<vmem>> -> memref<1x128xi32, #tpu.memory_space<vmem>>
    %dma_start3A_272 = tpu.memref_squeeze %dma_start3A_271 : memref<1x128xi32, #tpu.memory_space<vmem>> -> memref<128xi32, #tpu.memory_space<vmem>>
    %dma_start3A_273 = tpu.memref_slice %arg3[%add3A_261] : memref<100000xi32, #tpu.memory_space<hbm>> -> memref<128xi32, #tpu.memory_space<hbm>>
    tpu.enqueue_dma source(%dma_start3A_273 : memref<128xi32, #tpu.memory_space<hbm>>) target(%dma_start3A_272 : memref<128xi32, #tpu.memory_space<vmem>>) target_semaphore(%dma_start3A_269 : memref<!tpu.dma_semaphore, #tpu.memory_space<semaphore_mem>>)
    %add3A_274 = arith.constant 60000 : i32
    %add3A_275 = arith.addi %add3A_274, %multiple_of3A : i32
    %add3A_276 = arith.constant 128 : i32
    %add3A_277 = arith.addi %add3A_275, %add3A_276 : i32
    %dma_start3A_278 = arith.constant 19 : i32
    %dma_start3A_279 = arith.constant 1 : i32
    %dma_start3A_280 = arith.constant 0 : i32
    %dma_start3A_281 = tpu.memref_slice %arg7[%dma_start3A_278, %dma_start3A_280] : memref<30x128xi32, #tpu.memory_space<vmem>> -> memref<1x128xi32, #tpu.memory_space<vmem>>
    %dma_start3A_282 = tpu.memref_squeeze %dma_start3A_281 : memref<1x128xi32, #tpu.memory_space<vmem>> -> memref<128xi32, #tpu.memory_space<vmem>>
    %dma_start3A_283 = tpu.memref_slice %arg3[%add3A_277] : memref<100000xi32, #tpu.memory_space<hbm>> -> memref<128xi32, #tpu.memory_space<hbm>>
    %dma_start3A_284 = tpu.memref_slice %arg12[%dma_start3A_279] : memref<3x!tpu.dma_semaphore, #tpu.memory_space<semaphore_mem>> -> memref<1x!tpu.dma_semaphore, #tpu.memory_space<semaphore_mem>>
    %dma_start3A_285 = tpu.memref_squeeze %dma_start3A_284 : memref<1x!tpu.dma_semaphore, #tpu.memory_space<semaphore_mem>> -> memref<!tpu.dma_semaphore, #tpu.memory_space<semaphore_mem>>
    %dma_start3A_286 = arith.constant 0 : i32
    %dma_start3A_287 = tpu.memref_slice %arg7[%dma_start3A_278, %dma_start3A_286] : memref<30x128xi32, #tpu.memory_space<vmem>> -> memref<1x128xi32, #tpu.memory_space<vmem>>
    %dma_start3A_288 = tpu.memref_squeeze %dma_start3A_287 : memref<1x128xi32, #tpu.memory_space<vmem>> -> memref<128xi32, #tpu.memory_space<vmem>>
    %dma_start3A_289 = tpu.memref_slice %arg3[%add3A_277] : memref<100000xi32, #tpu.memory_space<hbm>> -> memref<128xi32, #tpu.memory_space<hbm>>
    tpu.enqueue_dma source(%dma_start3A_289 : memref<128xi32, #tpu.memory_space<hbm>>) target(%dma_start3A_288 : memref<128xi32, #tpu.memory_space<vmem>>) target_semaphore(%dma_start3A_285 : memref<!tpu.dma_semaphore, #tpu.memory_space<semaphore_mem>>)
    %add3A_290 = arith.constant 70000 : i32
    %add3A_291 = arith.addi %add3A_290, %multiple_of3A : i32
    %add3A_292 = arith.constant 128 : i32
    %add3A_293 = arith.addi %add3A_291, %add3A_292 : i32
    %dma_start3A_294 = arith.constant 22 : i32
    %dma_start3A_295 = arith.constant 1 : i32
    %dma_start3A_296 = arith.constant 0 : i32
    %dma_start3A_297 = tpu.memref_slice %arg7[%dma_start3A_294, %dma_start3A_296] : memref<30x128xi32, #tpu.memory_space<vmem>> -> memref<1x128xi32, #tpu.memory_space<vmem>>
    %dma_start3A_298 = tpu.memref_squeeze %dma_start3A_297 : memref<1x128xi32, #tpu.memory_space<vmem>> -> memref<128xi32, #tpu.memory_space<vmem>>
    %dma_start3A_299 = tpu.memref_slice %arg3[%add3A_293] : memref<100000xi32, #tpu.memory_space<hbm>> -> memref<128xi32, #tpu.memory_space<hbm>>
    %dma_start3A_300 = tpu.memref_slice %arg12[%dma_start3A_295] : memref<3x!tpu.dma_semaphore, #tpu.memory_space<semaphore_mem>> -> memref<1x!tpu.dma_semaphore, #tpu.memory_space<semaphore_mem>>
    %dma_start3A_301 = tpu.memref_squeeze %dma_start3A_300 : memref<1x!tpu.dma_semaphore, #tpu.memory_space<semaphore_mem>> -> memref<!tpu.dma_semaphore, #tpu.memory_space<semaphore_mem>>
    %dma_start3A_302 = arith.constant 0 : i32
    %dma_start3A_303 = tpu.memref_slice %arg7[%dma_start3A_294, %dma_start3A_302] : memref<30x128xi32, #tpu.memory_space<vmem>> -> memref<1x128xi32, #tpu.memory_space<vmem>>
    %dma_start3A_304 = tpu.memref_squeeze %dma_start3A_303 : memref<1x128xi32, #tpu.memory_space<vmem>> -> memref<128xi32, #tpu.memory_space<vmem>>
    %dma_start3A_305 = tpu.memref_slice %arg3[%add3A_293] : memref<100000xi32, #tpu.memory_space<hbm>> -> memref<128xi32, #tpu.memory_space<hbm>>
    tpu.enqueue_dma source(%dma_start3A_305 : memref<128xi32, #tpu.memory_space<hbm>>) target(%dma_start3A_304 : memref<128xi32, #tpu.memory_space<vmem>>) target_semaphore(%dma_start3A_301 : memref<!tpu.dma_semaphore, #tpu.memory_space<semaphore_mem>>)
    %add3A_306 = arith.constant 80000 : i32
    %add3A_307 = arith.addi %add3A_306, %multiple_of3A : i32
    %add3A_308 = arith.constant 128 : i32
    %add3A_309 = arith.addi %add3A_307, %add3A_308 : i32
    %dma_start3A_310 = arith.constant 25 : i32
    %dma_start3A_311 = arith.constant 1 : i32
    %dma_start3A_312 = arith.constant 0 : i32
    %dma_start3A_313 = tpu.memref_slice %arg7[%dma_start3A_310, %dma_start3A_312] : memref<30x128xi32, #tpu.memory_space<vmem>> -> memref<1x128xi32, #tpu.memory_space<vmem>>
    %dma_start3A_314 = tpu.memref_squeeze %dma_start3A_313 : memref<1x128xi32, #tpu.memory_space<vmem>> -> memref<128xi32, #tpu.memory_space<vmem>>
    %dma_start3A_315 = tpu.memref_slice %arg3[%add3A_309] : memref<100000xi32, #tpu.memory_space<hbm>> -> memref<128xi32, #tpu.memory_space<hbm>>
    %dma_start3A_316 = tpu.memref_slice %arg12[%dma_start3A_311] : memref<3x!tpu.dma_semaphore, #tpu.memory_space<semaphore_mem>> -> memref<1x!tpu.dma_semaphore, #tpu.memory_space<semaphore_mem>>
    %dma_start3A_317 = tpu.memref_squeeze %dma_start3A_316 : memref<1x!tpu.dma_semaphore, #tpu.memory_space<semaphore_mem>> -> memref<!tpu.dma_semaphore, #tpu.memory_space<semaphore_mem>>
    %dma_start3A_318 = arith.constant 0 : i32
    %dma_start3A_319 = tpu.memref_slice %arg7[%dma_start3A_310, %dma_start3A_318] : memref<30x128xi32, #tpu.memory_space<vmem>> -> memref<1x128xi32, #tpu.memory_space<vmem>>
    %dma_start3A_320 = tpu.memref_squeeze %dma_start3A_319 : memref<1x128xi32, #tpu.memory_space<vmem>> -> memref<128xi32, #tpu.memory_space<vmem>>
    %dma_start3A_321 = tpu.memref_slice %arg3[%add3A_309] : memref<100000xi32, #tpu.memory_space<hbm>> -> memref<128xi32, #tpu.memory_space<hbm>>
    tpu.enqueue_dma source(%dma_start3A_321 : memref<128xi32, #tpu.memory_space<hbm>>) target(%dma_start3A_320 : memref<128xi32, #tpu.memory_space<vmem>>) target_semaphore(%dma_start3A_317 : memref<!tpu.dma_semaphore, #tpu.memory_space<semaphore_mem>>)
    %add3A_322 = arith.constant 90000 : i32
    %add3A_323 = arith.addi %add3A_322, %multiple_of3A : i32
    %add3A_324 = arith.constant 128 : i32
    %add3A_325 = arith.addi %add3A_323, %add3A_324 : i32
    %dma_start3A_326 = arith.constant 28 : i32
    %dma_start3A_327 = arith.constant 1 : i32
    %dma_start3A_328 = arith.constant 0 : i32
    %dma_start3A_329 = tpu.memref_slice %arg7[%dma_start3A_326, %dma_start3A_328] : memref<30x128xi32, #tpu.memory_space<vmem>> -> memref<1x128xi32, #tpu.memory_space<vmem>>
    %dma_start3A_330 = tpu.memref_squeeze %dma_start3A_329 : memref<1x128xi32, #tpu.memory_space<vmem>> -> memref<128xi32, #tpu.memory_space<vmem>>
    %dma_start3A_331 = tpu.memref_slice %arg3[%add3A_325] : memref<100000xi32, #tpu.memory_space<hbm>> -> memref<128xi32, #tpu.memory_space<hbm>>
    %dma_start3A_332 = tpu.memref_slice %arg12[%dma_start3A_327] : memref<3x!tpu.dma_semaphore, #tpu.memory_space<semaphore_mem>> -> memref<1x!tpu.dma_semaphore, #tpu.memory_space<semaphore_mem>>
    %dma_start3A_333 = tpu.memref_squeeze %dma_start3A_332 : memref<1x!tpu.dma_semaphore, #tpu.memory_space<semaphore_mem>> -> memref<!tpu.dma_semaphore, #tpu.memory_space<semaphore_mem>>
    %dma_start3A_334 = arith.constant 0 : i32
    %dma_start3A_335 = tpu.memref_slice %arg7[%dma_start3A_326, %dma_start3A_334] : memref<30x128xi32, #tpu.memory_space<vmem>> -> memref<1x128xi32, #tpu.memory_space<vmem>>
    %dma_start3A_336 = tpu.memref_squeeze %dma_start3A_335 : memref<1x128xi32, #tpu.memory_space<vmem>> -> memref<128xi32, #tpu.memory_space<vmem>>
    %dma_start3A_337 = tpu.memref_slice %arg3[%add3A_325] : memref<100000xi32, #tpu.memory_space<hbm>> -> memref<128xi32, #tpu.memory_space<hbm>>
    tpu.enqueue_dma source(%dma_start3A_337 : memref<128xi32, #tpu.memory_space<hbm>>) target(%dma_start3A_336 : memref<128xi32, #tpu.memory_space<vmem>>) target_semaphore(%dma_start3A_333 : memref<!tpu.dma_semaphore, #tpu.memory_space<semaphore_mem>>)
    %add3A_338 = arith.constant 128 : i32
    %add3A_339 = arith.addi %multiple_of3A, %add3A_338 : i32
    %dma_start3A_340 = arith.constant 1 : i32
    %dma_start3A_341 = arith.constant 128 : i32
    %dma_start3A_342 = arith.constant 0 : i32
    %dma_start3A_343 = tpu.memref_slice %arg8[%dma_start3A_341, %dma_start3A_342] : memref<320x128xf32, #tpu.memory_space<vmem>> -> memref<128x128xf32, #tpu.memory_space<vmem>>
    %dma_start3A_344 = arith.constant 0 : i32
    %dma_start3A_345 = tpu.memref_slice %arg2[%add3A_339, %dma_start3A_344] : memref<10000x128xf32, #tpu.memory_space<hbm>> -> memref<128x128xf32, #tpu.memory_space<hbm>>
    %dma_start3A_346 = tpu.memref_slice %arg12[%dma_start3A_340] : memref<3x!tpu.dma_semaphore, #tpu.memory_space<semaphore_mem>> -> memref<1x!tpu.dma_semaphore, #tpu.memory_space<semaphore_mem>>
    %dma_start3A_347 = tpu.memref_squeeze %dma_start3A_346 : memref<1x!tpu.dma_semaphore, #tpu.memory_space<semaphore_mem>> -> memref<!tpu.dma_semaphore, #tpu.memory_space<semaphore_mem>>
    %dma_start3A_348 = arith.constant 128 : i32
    %dma_start3A_349 = arith.constant 0 : i32
    %dma_start3A_350 = tpu.memref_slice %arg8[%dma_start3A_348, %dma_start3A_349] : memref<320x128xf32, #tpu.memory_space<vmem>> -> memref<128x128xf32, #tpu.memory_space<vmem>>
    %dma_start3A_351 = arith.constant 0 : i32
    %dma_start3A_352 = tpu.memref_slice %arg2[%add3A_339, %dma_start3A_351] : memref<10000x128xf32, #tpu.memory_space<hbm>> -> memref<128x128xf32, #tpu.memory_space<hbm>>
    tpu.enqueue_dma source(%dma_start3A_352 : memref<128x128xf32, #tpu.memory_space<hbm>>) target(%dma_start3A_350 : memref<128x128xf32, #tpu.memory_space<vmem>>) target_semaphore(%dma_start3A_347 : memref<!tpu.dma_semaphore, #tpu.memory_space<semaphore_mem>>)
    %add3A_353 = arith.constant 0 : i32
    %add3A_354 = arith.addi %add3A_353, %multiple_of3A : i32
    %add3A_355 = arith.constant 256 : i32
    %add3A_356 = arith.addi %add3A_354, %add3A_355 : i32
    %dma_start3A_357 = arith.constant 2 : i32
    %dma_start3A_358 = arith.constant 2 : i32
    %dma_start3A_359 = arith.constant 0 : i32
    %dma_start3A_360 = tpu.memref_slice %arg7[%dma_start3A_357, %dma_start3A_359] : memref<30x128xi32, #tpu.memory_space<vmem>> -> memref<1x64xi32, #tpu.memory_space<vmem>>
    %dma_start3A_361 = tpu.memref_squeeze %dma_start3A_360 : memref<1x64xi32, #tpu.memory_space<vmem>> -> memref<64xi32, #tpu.memory_space<vmem>>
    %dma_start3A_362 = tpu.memref_slice %arg3[%add3A_356] : memref<100000xi32, #tpu.memory_space<hbm>> -> memref<64xi32, #tpu.memory_space<hbm>>
    %dma_start3A_363 = tpu.memref_slice %arg12[%dma_start3A_358] : memref<3x!tpu.dma_semaphore, #tpu.memory_space<semaphore_mem>> -> memref<1x!tpu.dma_semaphore, #tpu.memory_space<semaphore_mem>>
    %dma_start3A_364 = tpu.memref_squeeze %dma_start3A_363 : memref<1x!tpu.dma_semaphore, #tpu.memory_space<semaphore_mem>> -> memref<!tpu.dma_semaphore, #tpu.memory_space<semaphore_mem>>
    %dma_start3A_365 = arith.constant 0 : i32
    %dma_start3A_366 = tpu.memref_slice %arg7[%dma_start3A_357, %dma_start3A_365] : memref<30x128xi32, #tpu.memory_space<vmem>> -> memref<1x64xi32, #tpu.memory_space<vmem>>
    %dma_start3A_367 = tpu.memref_squeeze %dma_start3A_366 : memref<1x64xi32, #tpu.memory_space<vmem>> -> memref<64xi32, #tpu.memory_space<vmem>>
    %dma_start3A_368 = tpu.memref_slice %arg3[%add3A_356] : memref<100000xi32, #tpu.memory_space<hbm>> -> memref<64xi32, #tpu.memory_space<hbm>>
    tpu.enqueue_dma source(%dma_start3A_368 : memref<64xi32, #tpu.memory_space<hbm>>) target(%dma_start3A_367 : memref<64xi32, #tpu.memory_space<vmem>>) target_semaphore(%dma_start3A_364 : memref<!tpu.dma_semaphore, #tpu.memory_space<semaphore_mem>>)
    %add3A_369 = arith.constant 10000 : i32
    %add3A_370 = arith.addi %add3A_369, %multiple_of3A : i32
    %add3A_371 = arith.constant 256 : i32
    %add3A_372 = arith.addi %add3A_370, %add3A_371 : i32
    %dma_start3A_373 = arith.constant 5 : i32
    %dma_start3A_374 = arith.constant 2 : i32
    %dma_start3A_375 = arith.constant 0 : i32
    %dma_start3A_376 = tpu.memref_slice %arg7[%dma_start3A_373, %dma_start3A_375] : memref<30x128xi32, #tpu.memory_space<vmem>> -> memref<1x64xi32, #tpu.memory_space<vmem>>
    %dma_start3A_377 = tpu.memref_squeeze %dma_start3A_376 : memref<1x64xi32, #tpu.memory_space<vmem>> -> memref<64xi32, #tpu.memory_space<vmem>>
    %dma_start3A_378 = tpu.memref_slice %arg3[%add3A_372] : memref<100000xi32, #tpu.memory_space<hbm>> -> memref<64xi32, #tpu.memory_space<hbm>>
    %dma_start3A_379 = tpu.memref_slice %arg12[%dma_start3A_374] : memref<3x!tpu.dma_semaphore, #tpu.memory_space<semaphore_mem>> -> memref<1x!tpu.dma_semaphore, #tpu.memory_space<semaphore_mem>>
    %dma_start3A_380 = tpu.memref_squeeze %dma_start3A_379 : memref<1x!tpu.dma_semaphore, #tpu.memory_space<semaphore_mem>> -> memref<!tpu.dma_semaphore, #tpu.memory_space<semaphore_mem>>
    %dma_start3A_381 = arith.constant 0 : i32
    %dma_start3A_382 = tpu.memref_slice %arg7[%dma_start3A_373, %dma_start3A_381] : memref<30x128xi32, #tpu.memory_space<vmem>> -> memref<1x64xi32, #tpu.memory_space<vmem>>
    %dma_start3A_383 = tpu.memref_squeeze %dma_start3A_382 : memref<1x64xi32, #tpu.memory_space<vmem>> -> memref<64xi32, #tpu.memory_space<vmem>>
    %dma_start3A_384 = tpu.memref_slice %arg3[%add3A_372] : memref<100000xi32, #tpu.memory_space<hbm>> -> memref<64xi32, #tpu.memory_space<hbm>>
    tpu.enqueue_dma source(%dma_start3A_384 : memref<64xi32, #tpu.memory_space<hbm>>) target(%dma_start3A_383 : memref<64xi32, #tpu.memory_space<vmem>>) target_semaphore(%dma_start3A_380 : memref<!tpu.dma_semaphore, #tpu.memory_space<semaphore_mem>>)
    %add3A_385 = arith.constant 20000 : i32
    %add3A_386 = arith.addi %add3A_385, %multiple_of3A : i32
    %add3A_387 = arith.constant 256 : i32
    %add3A_388 = arith.addi %add3A_386, %add3A_387 : i32
    %dma_start3A_389 = arith.constant 8 : i32
    %dma_start3A_390 = arith.constant 2 : i32
    %dma_start3A_391 = arith.constant 0 : i32
    %dma_start3A_392 = tpu.memref_slice %arg7[%dma_start3A_389, %dma_start3A_391] : memref<30x128xi32, #tpu.memory_space<vmem>> -> memref<1x64xi32, #tpu.memory_space<vmem>>
    %dma_start3A_393 = tpu.memref_squeeze %dma_start3A_392 : memref<1x64xi32, #tpu.memory_space<vmem>> -> memref<64xi32, #tpu.memory_space<vmem>>
    %dma_start3A_394 = tpu.memref_slice %arg3[%add3A_388] : memref<100000xi32, #tpu.memory_space<hbm>> -> memref<64xi32, #tpu.memory_space<hbm>>
    %dma_start3A_395 = tpu.memref_slice %arg12[%dma_start3A_390] : memref<3x!tpu.dma_semaphore, #tpu.memory_space<semaphore_mem>> -> memref<1x!tpu.dma_semaphore, #tpu.memory_space<semaphore_mem>>
    %dma_start3A_396 = tpu.memref_squeeze %dma_start3A_395 : memref<1x!tpu.dma_semaphore, #tpu.memory_space<semaphore_mem>> -> memref<!tpu.dma_semaphore, #tpu.memory_space<semaphore_mem>>
    %dma_start3A_397 = arith.constant 0 : i32
    %dma_start3A_398 = tpu.memref_slice %arg7[%dma_start3A_389, %dma_start3A_397] : memref<30x128xi32, #tpu.memory_space<vmem>> -> memref<1x64xi32, #tpu.memory_space<vmem>>
    %dma_start3A_399 = tpu.memref_squeeze %dma_start3A_398 : memref<1x64xi32, #tpu.memory_space<vmem>> -> memref<64xi32, #tpu.memory_space<vmem>>
    %dma_start3A_400 = tpu.memref_slice %arg3[%add3A_388] : memref<100000xi32, #tpu.memory_space<hbm>> -> memref<64xi32, #tpu.memory_space<hbm>>
    tpu.enqueue_dma source(%dma_start3A_400 : memref<64xi32, #tpu.memory_space<hbm>>) target(%dma_start3A_399 : memref<64xi32, #tpu.memory_space<vmem>>) target_semaphore(%dma_start3A_396 : memref<!tpu.dma_semaphore, #tpu.memory_space<semaphore_mem>>)
    %add3A_401 = arith.constant 30000 : i32
    %add3A_402 = arith.addi %add3A_401, %multiple_of3A : i32
    %add3A_403 = arith.constant 256 : i32
    %add3A_404 = arith.addi %add3A_402, %add3A_403 : i32
    %dma_start3A_405 = arith.constant 11 : i32
    %dma_start3A_406 = arith.constant 2 : i32
    %dma_start3A_407 = arith.constant 0 : i32
    %dma_start3A_408 = tpu.memref_slice %arg7[%dma_start3A_405, %dma_start3A_407] : memref<30x128xi32, #tpu.memory_space<vmem>> -> memref<1x64xi32, #tpu.memory_space<vmem>>
    %dma_start3A_409 = tpu.memref_squeeze %dma_start3A_408 : memref<1x64xi32, #tpu.memory_space<vmem>> -> memref<64xi32, #tpu.memory_space<vmem>>
    %dma_start3A_410 = tpu.memref_slice %arg3[%add3A_404] : memref<100000xi32, #tpu.memory_space<hbm>> -> memref<64xi32, #tpu.memory_space<hbm>>
    %dma_start3A_411 = tpu.memref_slice %arg12[%dma_start3A_406] : memref<3x!tpu.dma_semaphore, #tpu.memory_space<semaphore_mem>> -> memref<1x!tpu.dma_semaphore, #tpu.memory_space<semaphore_mem>>
    %dma_start3A_412 = tpu.memref_squeeze %dma_start3A_411 : memref<1x!tpu.dma_semaphore, #tpu.memory_space<semaphore_mem>> -> memref<!tpu.dma_semaphore, #tpu.memory_space<semaphore_mem>>
    %dma_start3A_413 = arith.constant 0 : i32
    %dma_start3A_414 = tpu.memref_slice %arg7[%dma_start3A_405, %dma_start3A_413] : memref<30x128xi32, #tpu.memory_space<vmem>> -> memref<1x64xi32, #tpu.memory_space<vmem>>
    %dma_start3A_415 = tpu.memref_squeeze %dma_start3A_414 : memref<1x64xi32, #tpu.memory_space<vmem>> -> memref<64xi32, #tpu.memory_space<vmem>>
    %dma_start3A_416 = tpu.memref_slice %arg3[%add3A_404] : memref<100000xi32, #tpu.memory_space<hbm>> -> memref<64xi32, #tpu.memory_space<hbm>>
    tpu.enqueue_dma source(%dma_start3A_416 : memref<64xi32, #tpu.memory_space<hbm>>) target(%dma_start3A_415 : memref<64xi32, #tpu.memory_space<vmem>>) target_semaphore(%dma_start3A_412 : memref<!tpu.dma_semaphore, #tpu.memory_space<semaphore_mem>>)
    %add3A_417 = arith.constant 40000 : i32
    %add3A_418 = arith.addi %add3A_417, %multiple_of3A : i32
    %add3A_419 = arith.constant 256 : i32
    %add3A_420 = arith.addi %add3A_418, %add3A_419 : i32
    %dma_start3A_421 = arith.constant 14 : i32
    %dma_start3A_422 = arith.constant 2 : i32
    %dma_start3A_423 = arith.constant 0 : i32
    %dma_start3A_424 = tpu.memref_slice %arg7[%dma_start3A_421, %dma_start3A_423] : memref<30x128xi32, #tpu.memory_space<vmem>> -> memref<1x64xi32, #tpu.memory_space<vmem>>
    %dma_start3A_425 = tpu.memref_squeeze %dma_start3A_424 : memref<1x64xi32, #tpu.memory_space<vmem>> -> memref<64xi32, #tpu.memory_space<vmem>>
    %dma_start3A_426 = tpu.memref_slice %arg3[%add3A_420] : memref<100000xi32, #tpu.memory_space<hbm>> -> memref<64xi32, #tpu.memory_space<hbm>>
    %dma_start3A_427 = tpu.memref_slice %arg12[%dma_start3A_422] : memref<3x!tpu.dma_semaphore, #tpu.memory_space<semaphore_mem>> -> memref<1x!tpu.dma_semaphore, #tpu.memory_space<semaphore_mem>>
    %dma_start3A_428 = tpu.memref_squeeze %dma_start3A_427 : memref<1x!tpu.dma_semaphore, #tpu.memory_space<semaphore_mem>> -> memref<!tpu.dma_semaphore, #tpu.memory_space<semaphore_mem>>
    %dma_start3A_429 = arith.constant 0 : i32
    %dma_start3A_430 = tpu.memref_slice %arg7[%dma_start3A_421, %dma_start3A_429] : memref<30x128xi32, #tpu.memory_space<vmem>> -> memref<1x64xi32, #tpu.memory_space<vmem>>
    %dma_start3A_431 = tpu.memref_squeeze %dma_start3A_430 : memref<1x64xi32, #tpu.memory_space<vmem>> -> memref<64xi32, #tpu.memory_space<vmem>>
    %dma_start3A_432 = tpu.memref_slice %arg3[%add3A_420] : memref<100000xi32, #tpu.memory_space<hbm>> -> memref<64xi32, #tpu.memory_space<hbm>>
    tpu.enqueue_dma source(%dma_start3A_432 : memref<64xi32, #tpu.memory_space<hbm>>) target(%dma_start3A_431 : memref<64xi32, #tpu.memory_space<vmem>>) target_semaphore(%dma_start3A_428 : memref<!tpu.dma_semaphore, #tpu.memory_space<semaphore_mem>>)
    %add3A_433 = arith.constant 50000 : i32
    %add3A_434 = arith.addi %add3A_433, %multiple_of3A : i32
    %add3A_435 = arith.constant 256 : i32
    %add3A_436 = arith.addi %add3A_434, %add3A_435 : i32
    %dma_start3A_437 = arith.constant 17 : i32
    %dma_start3A_438 = arith.constant 2 : i32
    %dma_start3A_439 = arith.constant 0 : i32
    %dma_start3A_440 = tpu.memref_slice %arg7[%dma_start3A_437, %dma_start3A_439] : memref<30x128xi32, #tpu.memory_space<vmem>> -> memref<1x64xi32, #tpu.memory_space<vmem>>
    %dma_start3A_441 = tpu.memref_squeeze %dma_start3A_440 : memref<1x64xi32, #tpu.memory_space<vmem>> -> memref<64xi32, #tpu.memory_space<vmem>>
    %dma_start3A_442 = tpu.memref_slice %arg3[%add3A_436] : memref<100000xi32, #tpu.memory_space<hbm>> -> memref<64xi32, #tpu.memory_space<hbm>>
    %dma_start3A_443 = tpu.memref_slice %arg12[%dma_start3A_438] : memref<3x!tpu.dma_semaphore, #tpu.memory_space<semaphore_mem>> -> memref<1x!tpu.dma_semaphore, #tpu.memory_space<semaphore_mem>>
    %dma_start3A_444 = tpu.memref_squeeze %dma_start3A_443 : memref<1x!tpu.dma_semaphore, #tpu.memory_space<semaphore_mem>> -> memref<!tpu.dma_semaphore, #tpu.memory_space<semaphore_mem>>
    %dma_start3A_445 = arith.constant 0 : i32
    %dma_start3A_446 = tpu.memref_slice %arg7[%dma_start3A_437, %dma_start3A_445] : memref<30x128xi32, #tpu.memory_space<vmem>> -> memref<1x64xi32, #tpu.memory_space<vmem>>
    %dma_start3A_447 = tpu.memref_squeeze %dma_start3A_446 : memref<1x64xi32, #tpu.memory_space<vmem>> -> memref<64xi32, #tpu.memory_space<vmem>>
    %dma_start3A_448 = tpu.memref_slice %arg3[%add3A_436] : memref<100000xi32, #tpu.memory_space<hbm>> -> memref<64xi32, #tpu.memory_space<hbm>>
    tpu.enqueue_dma source(%dma_start3A_448 : memref<64xi32, #tpu.memory_space<hbm>>) target(%dma_start3A_447 : memref<64xi32, #tpu.memory_space<vmem>>) target_semaphore(%dma_start3A_444 : memref<!tpu.dma_semaphore, #tpu.memory_space<semaphore_mem>>)
    %add3A_449 = arith.constant 60000 : i32
    %add3A_450 = arith.addi %add3A_449, %multiple_of3A : i32
    %add3A_451 = arith.constant 256 : i32
    %add3A_452 = arith.addi %add3A_450, %add3A_451 : i32
    %dma_start3A_453 = arith.constant 20 : i32
    %dma_start3A_454 = arith.constant 2 : i32
    %dma_start3A_455 = arith.constant 0 : i32
    %dma_start3A_456 = tpu.memref_slice %arg7[%dma_start3A_453, %dma_start3A_455] : memref<30x128xi32, #tpu.memory_space<vmem>> -> memref<1x64xi32, #tpu.memory_space<vmem>>
    %dma_start3A_457 = tpu.memref_squeeze %dma_start3A_456 : memref<1x64xi32, #tpu.memory_space<vmem>> -> memref<64xi32, #tpu.memory_space<vmem>>
    %dma_start3A_458 = tpu.memref_slice %arg3[%add3A_452] : memref<100000xi32, #tpu.memory_space<hbm>> -> memref<64xi32, #tpu.memory_space<hbm>>
    %dma_start3A_459 = tpu.memref_slice %arg12[%dma_start3A_454] : memref<3x!tpu.dma_semaphore, #tpu.memory_space<semaphore_mem>> -> memref<1x!tpu.dma_semaphore, #tpu.memory_space<semaphore_mem>>
    %dma_start3A_460 = tpu.memref_squeeze %dma_start3A_459 : memref<1x!tpu.dma_semaphore, #tpu.memory_space<semaphore_mem>> -> memref<!tpu.dma_semaphore, #tpu.memory_space<semaphore_mem>>
    %dma_start3A_461 = arith.constant 0 : i32
    %dma_start3A_462 = tpu.memref_slice %arg7[%dma_start3A_453, %dma_start3A_461] : memref<30x128xi32, #tpu.memory_space<vmem>> -> memref<1x64xi32, #tpu.memory_space<vmem>>
    %dma_start3A_463 = tpu.memref_squeeze %dma_start3A_462 : memref<1x64xi32, #tpu.memory_space<vmem>> -> memref<64xi32, #tpu.memory_space<vmem>>
    %dma_start3A_464 = tpu.memref_slice %arg3[%add3A_452] : memref<100000xi32, #tpu.memory_space<hbm>> -> memref<64xi32, #tpu.memory_space<hbm>>
    tpu.enqueue_dma source(%dma_start3A_464 : memref<64xi32, #tpu.memory_space<hbm>>) target(%dma_start3A_463 : memref<64xi32, #tpu.memory_space<vmem>>) target_semaphore(%dma_start3A_460 : memref<!tpu.dma_semaphore, #tpu.memory_space<semaphore_mem>>)
    %add3A_465 = arith.constant 70000 : i32
    %add3A_466 = arith.addi %add3A_465, %multiple_of3A : i32
    %add3A_467 = arith.constant 256 : i32
    %add3A_468 = arith.addi %add3A_466, %add3A_467 : i32
    %dma_start3A_469 = arith.constant 23 : i32
    %dma_start3A_470 = arith.constant 2 : i32
    %dma_start3A_471 = arith.constant 0 : i32
    %dma_start3A_472 = tpu.memref_slice %arg7[%dma_start3A_469, %dma_start3A_471] : memref<30x128xi32, #tpu.memory_space<vmem>> -> memref<1x64xi32, #tpu.memory_space<vmem>>
    %dma_start3A_473 = tpu.memref_squeeze %dma_start3A_472 : memref<1x64xi32, #tpu.memory_space<vmem>> -> memref<64xi32, #tpu.memory_space<vmem>>
    %dma_start3A_474 = tpu.memref_slice %arg3[%add3A_468] : memref<100000xi32, #tpu.memory_space<hbm>> -> memref<64xi32, #tpu.memory_space<hbm>>
    %dma_start3A_475 = tpu.memref_slice %arg12[%dma_start3A_470] : memref<3x!tpu.dma_semaphore, #tpu.memory_space<semaphore_mem>> -> memref<1x!tpu.dma_semaphore, #tpu.memory_space<semaphore_mem>>
    %dma_start3A_476 = tpu.memref_squeeze %dma_start3A_475 : memref<1x!tpu.dma_semaphore, #tpu.memory_space<semaphore_mem>> -> memref<!tpu.dma_semaphore, #tpu.memory_space<semaphore_mem>>
    %dma_start3A_477 = arith.constant 0 : i32
    %dma_start3A_478 = tpu.memref_slice %arg7[%dma_start3A_469, %dma_start3A_477] : memref<30x128xi32, #tpu.memory_space<vmem>> -> memref<1x64xi32, #tpu.memory_space<vmem>>
    %dma_start3A_479 = tpu.memref_squeeze %dma_start3A_478 : memref<1x64xi32, #tpu.memory_space<vmem>> -> memref<64xi32, #tpu.memory_space<vmem>>
    %dma_start3A_480 = tpu.memref_slice %arg3[%add3A_468] : memref<100000xi32, #tpu.memory_space<hbm>> -> memref<64xi32, #tpu.memory_space<hbm>>
    tpu.enqueue_dma source(%dma_start3A_480 : memref<64xi32, #tpu.memory_space<hbm>>) target(%dma_start3A_479 : memref<64xi32, #tpu.memory_space<vmem>>) target_semaphore(%dma_start3A_476 : memref<!tpu.dma_semaphore, #tpu.memory_space<semaphore_mem>>)
    %add3A_481 = arith.constant 80000 : i32
    %add3A_482 = arith.addi %add3A_481, %multiple_of3A : i32
    %add3A_483 = arith.constant 256 : i32
    %add3A_484 = arith.addi %add3A_482, %add3A_483 : i32
    %dma_start3A_485 = arith.constant 26 : i32
    %dma_start3A_486 = arith.constant 2 : i32
    %dma_start3A_487 = arith.constant 0 : i32
    %dma_start3A_488 = tpu.memref_slice %arg7[%dma_start3A_485, %dma_start3A_487] : memref<30x128xi32, #tpu.memory_space<vmem>> -> memref<1x64xi32, #tpu.memory_space<vmem>>
    %dma_start3A_489 = tpu.memref_squeeze %dma_start3A_488 : memref<1x64xi32, #tpu.memory_space<vmem>> -> memref<64xi32, #tpu.memory_space<vmem>>
    %dma_start3A_490 = tpu.memref_slice %arg3[%add3A_484] : memref<100000xi32, #tpu.memory_space<hbm>> -> memref<64xi32, #tpu.memory_space<hbm>>
    %dma_start3A_491 = tpu.memref_slice %arg12[%dma_start3A_486] : memref<3x!tpu.dma_semaphore, #tpu.memory_space<semaphore_mem>> -> memref<1x!tpu.dma_semaphore, #tpu.memory_space<semaphore_mem>>
    %dma_start3A_492 = tpu.memref_squeeze %dma_start3A_491 : memref<1x!tpu.dma_semaphore, #tpu.memory_space<semaphore_mem>> -> memref<!tpu.dma_semaphore, #tpu.memory_space<semaphore_mem>>
    %dma_start3A_493 = arith.constant 0 : i32
    %dma_start3A_494 = tpu.memref_slice %arg7[%dma_start3A_485, %dma_start3A_493] : memref<30x128xi32, #tpu.memory_space<vmem>> -> memref<1x64xi32, #tpu.memory_space<vmem>>
    %dma_start3A_495 = tpu.memref_squeeze %dma_start3A_494 : memref<1x64xi32, #tpu.memory_space<vmem>> -> memref<64xi32, #tpu.memory_space<vmem>>
    %dma_start3A_496 = tpu.memref_slice %arg3[%add3A_484] : memref<100000xi32, #tpu.memory_space<hbm>> -> memref<64xi32, #tpu.memory_space<hbm>>
    tpu.enqueue_dma source(%dma_start3A_496 : memref<64xi32, #tpu.memory_space<hbm>>) target(%dma_start3A_495 : memref<64xi32, #tpu.memory_space<vmem>>) target_semaphore(%dma_start3A_492 : memref<!tpu.dma_semaphore, #tpu.memory_space<semaphore_mem>>)
    %add3A_497 = arith.constant 90000 : i32
    %add3A_498 = arith.addi %add3A_497, %multiple_of3A : i32
    %add3A_499 = arith.constant 256 : i32
    %add3A_500 = arith.addi %add3A_498, %add3A_499 : i32
    %dma_start3A_501 = arith.constant 29 : i32
    %dma_start3A_502 = arith.constant 2 : i32
    %dma_start3A_503 = arith.constant 0 : i32
    %dma_start3A_504 = tpu.memref_slice %arg7[%dma_start3A_501, %dma_start3A_503] : memref<30x128xi32, #tpu.memory_space<vmem>> -> memref<1x64xi32, #tpu.memory_space<vmem>>
    %dma_start3A_505 = tpu.memref_squeeze %dma_start3A_504 : memref<1x64xi32, #tpu.memory_space<vmem>> -> memref<64xi32, #tpu.memory_space<vmem>>
    %dma_start3A_506 = tpu.memref_slice %arg3[%add3A_500] : memref<100000xi32, #tpu.memory_space<hbm>> -> memref<64xi32, #tpu.memory_space<hbm>>
    %dma_start3A_507 = tpu.memref_slice %arg12[%dma_start3A_502] : memref<3x!tpu.dma_semaphore, #tpu.memory_space<semaphore_mem>> -> memref<1x!tpu.dma_semaphore, #tpu.memory_space<semaphore_mem>>
    %dma_start3A_508 = tpu.memref_squeeze %dma_start3A_507 : memref<1x!tpu.dma_semaphore, #tpu.memory_space<semaphore_mem>> -> memref<!tpu.dma_semaphore, #tpu.memory_space<semaphore_mem>>
    %dma_start3A_509 = arith.constant 0 : i32
    %dma_start3A_510 = tpu.memref_slice %arg7[%dma_start3A_501, %dma_start3A_509] : memref<30x128xi32, #tpu.memory_space<vmem>> -> memref<1x64xi32, #tpu.memory_space<vmem>>
    %dma_start3A_511 = tpu.memref_squeeze %dma_start3A_510 : memref<1x64xi32, #tpu.memory_space<vmem>> -> memref<64xi32, #tpu.memory_space<vmem>>
    %dma_start3A_512 = tpu.memref_slice %arg3[%add3A_500] : memref<100000xi32, #tpu.memory_space<hbm>> -> memref<64xi32, #tpu.memory_space<hbm>>
    tpu.enqueue_dma source(%dma_start3A_512 : memref<64xi32, #tpu.memory_space<hbm>>) target(%dma_start3A_511 : memref<64xi32, #tpu.memory_space<vmem>>) target_semaphore(%dma_start3A_508 : memref<!tpu.dma_semaphore, #tpu.memory_space<semaphore_mem>>)
    %add3A_513 = arith.constant 256 : i32
    %add3A_514 = arith.addi %multiple_of3A, %add3A_513 : i32
    %dma_start3A_515 = arith.constant 2 : i32
    %dma_start3A_516 = arith.constant 256 : i32
    %dma_start3A_517 = arith.constant 0 : i32
    %dma_start3A_518 = tpu.memref_slice %arg8[%dma_start3A_516, %dma_start3A_517] : memref<320x128xf32, #tpu.memory_space<vmem>> -> memref<64x128xf32, #tpu.memory_space<vmem>>
    %dma_start3A_519 = arith.constant 0 : i32
    %dma_start3A_520 = tpu.memref_slice %arg2[%add3A_514, %dma_start3A_519] : memref<10000x128xf32, #tpu.memory_space<hbm>> -> memref<64x128xf32, #tpu.memory_space<hbm>>
    %dma_start3A_521 = tpu.memref_slice %arg12[%dma_start3A_515] : memref<3x!tpu.dma_semaphore, #tpu.memory_space<semaphore_mem>> -> memref<1x!tpu.dma_semaphore, #tpu.memory_space<semaphore_mem>>
    %dma_start3A_522 = tpu.memref_squeeze %dma_start3A_521 : memref<1x!tpu.dma_semaphore, #tpu.memory_space<semaphore_mem>> -> memref<!tpu.dma_semaphore, #tpu.memory_space<semaphore_mem>>
    %dma_start3A_523 = arith.constant 256 : i32
    %dma_start3A_524 = arith.constant 0 : i32
    %dma_start3A_525 = tpu.memref_slice %arg8[%dma_start3A_523, %dma_start3A_524] : memref<320x128xf32, #tpu.memory_space<vmem>> -> memref<64x128xf32, #tpu.memory_space<vmem>>
    %dma_start3A_526 = arith.constant 0 : i32
    %dma_start3A_527 = tpu.memref_slice %arg2[%add3A_514, %dma_start3A_526] : memref<10000x128xf32, #tpu.memory_space<hbm>> -> memref<64x128xf32, #tpu.memory_space<hbm>>
    tpu.enqueue_dma source(%dma_start3A_527 : memref<64x128xf32, #tpu.memory_space<hbm>>) target(%dma_start3A_525 : memref<64x128xf32, #tpu.memory_space<vmem>>) target_semaphore(%dma_start3A_522 : memref<!tpu.dma_semaphore, #tpu.memory_space<semaphore_mem>>)
    %mul3A_528 = arith.constant 352 : i32
    %mul3A_529 = arith.muli %add3A, %mul3A_528 : i32
    %mul3A_530 = arith.constant 32 : i32
    %mul3A_531 = arith.muli %add3A, %mul3A_530 : i32
    "tpu.region"() ({
      %run_scoped3A = tpu.sem_alloc : memref<!tpu.dma_semaphore, #tpu.memory_space<semaphore_mem>>
      %dma_start3A_2152 = tpu.memref_slice %arg4[%mul3A_531] : memref<1024xi32, #tpu.memory_space<hbm>> -> memref<32xi32, #tpu.memory_space<hbm>>
      %dma_start3A_2153 = tpu.memref_slice %arg4[%mul3A_531] : memref<1024xi32, #tpu.memory_space<hbm>> -> memref<32xi32, #tpu.memory_space<hbm>>
      tpu.enqueue_dma source(%dma_start3A_2153 : memref<32xi32, #tpu.memory_space<hbm>>) target(%arg9 : memref<32xi32, #tpu.memory_space<vmem>>) target_semaphore(%run_scoped3A : memref<!tpu.dma_semaphore, #tpu.memory_space<semaphore_mem>>)
      %dma_wait3A_2154 = tpu.memref_slice %arg4[%mul3A_531] : memref<1024xi32, #tpu.memory_space<hbm>> -> memref<32xi32, #tpu.memory_space<hbm>>
      %dma_wait3A_2155 = tpu.memref_slice %arg4[%mul3A_531] : memref<1024xi32, #tpu.memory_space<hbm>> -> memref<32xi32, #tpu.memory_space<hbm>>
      tpu.wait_dma2 semaphore(%run_scoped3A : memref<!tpu.dma_semaphore, #tpu.memory_space<semaphore_mem>>) src(%dma_wait3A_2155 : memref<32xi32, #tpu.memory_space<hbm>>) dst(%arg9 : memref<32xi32, #tpu.memory_space<vmem>>)
      tpu.yield
    }) : () -> ()
    %get3A = arith.constant 0 : index
    %get3A_532 = tpu.vector_load %arg9[%get3A] {strides = array<i32>} : memref<32xi32, #tpu.memory_space<vmem>>, vector<16xi32>,
    %get3A_533 = vector.shape_cast %get3A_532 : vector<16xi32> to vector<16xi32>
    %swap3A = arith.constant 320 : index
    %swap3A_534 = tpu.vector_load %arg11[%swap3A] {strides = array<i32>} : memref<352xi32, #tpu.memory_space<vmem>>, vector<16xi32>,
    %swap3A_535 = vector.shape_cast %swap3A_534 : vector<16xi32> to vector<16xi32>
    %swap3A_536 = vector.shape_cast %get3A_533 : vector<16xi32> to vector<16xi32>
    tpu.vector_store %arg11[%swap3A], %swap3A_536 {strides = array<i32>} : memref<352xi32, #tpu.memory_space<vmem>>, vector<16xi32>,
    %add3A_537 = arith.constant 0 : i32
    %add3A_538 = vector.broadcast %add3A_537 : i32 to vector<16xi32>
    %add3A_539 = arith.addi %get3A_533, %add3A_538 : vector<16xi32>
    %swap3A_540 = arith.constant 0 : i32
    %swap3A_541 = arith.index_cast %swap3A_540 : i32 to index
    %swap3A_542 = arith.constant 0 : index
    %swap3A_543 = tpu.vector_load %arg10[%swap3A_541, %swap3A_542] {strides = array<i32>} : memref<10x32xi32, #tpu.memory_space<vmem>>, vector<1x16xi32>,
    %swap3A_544 = vector.shape_cast %swap3A_543 : vector<1x16xi32> to vector<16xi32>
    %swap3A_545 = vector.shape_cast %add3A_539 : vector<16xi32> to vector<1x16xi32>
    tpu.vector_store %arg10[%swap3A_541, %swap3A_542], %swap3A_545 {strides = array<i32>} : memref<10x32xi32, #tpu.memory_space<vmem>>, vector<1x16xi32>,
    %add3A_546 = arith.constant 10000 : i32
    %add3A_547 = vector.broadcast %add3A_546 : i32 to vector<16xi32>
    %add3A_548 = arith.addi %get3A_533, %add3A_547 : vector<16xi32>
    %swap3A_549 = arith.constant 1 : i32
    %swap3A_550 = arith.index_cast %swap3A_549 : i32 to index
    %swap3A_551 = arith.constant 0 : index
    %swap3A_552 = tpu.vector_load %arg10[%swap3A_550, %swap3A_551] {strides = array<i32>} : memref<10x32xi32, #tpu.memory_space<vmem>>, vector<1x16xi32>,
    %swap3A_553 = vector.shape_cast %swap3A_552 : vector<1x16xi32> to vector<16xi32>
    %swap3A_554 = vector.shape_cast %add3A_548 : vector<16xi32> to vector<1x16xi32>
    tpu.vector_store %arg10[%swap3A_550, %swap3A_551], %swap3A_554 {strides = array<i32>} : memref<10x32xi32, #tpu.memory_space<vmem>>, vector<1x16xi32>,
    %add3A_555 = arith.constant 20000 : i32
    %add3A_556 = vector.broadcast %add3A_555 : i32 to vector<16xi32>
    %add3A_557 = arith.addi %get3A_533, %add3A_556 : vector<16xi32>
    %swap3A_558 = arith.constant 2 : i32
    %swap3A_559 = arith.index_cast %swap3A_558 : i32 to index
    %swap3A_560 = arith.constant 0 : index
    %swap3A_561 = tpu.vector_load %arg10[%swap3A_559, %swap3A_560] {strides = array<i32>} : memref<10x32xi32, #tpu.memory_space<vmem>>, vector<1x16xi32>,
    %swap3A_562 = vector.shape_cast %swap3A_561 : vector<1x16xi32> to vector<16xi32>
    %swap3A_563 = vector.shape_cast %add3A_557 : vector<16xi32> to vector<1x16xi32>
    tpu.vector_store %arg10[%swap3A_559, %swap3A_560], %swap3A_563 {strides = array<i32>} : memref<10x32xi32, #tpu.memory_space<vmem>>, vector<1x16xi32>,
    %add3A_564 = arith.constant 30000 : i32
    %add3A_565 = vector.broadcast %add3A_564 : i32 to vector<16xi32>
    %add3A_566 = arith.addi %get3A_533, %add3A_565 : vector<16xi32>
    %swap3A_567 = arith.constant 3 : i32
    %swap3A_568 = arith.index_cast %swap3A_567 : i32 to index
    %swap3A_569 = arith.constant 0 : index
    %swap3A_570 = tpu.vector_load %arg10[%swap3A_568, %swap3A_569] {strides = array<i32>} : memref<10x32xi32, #tpu.memory_space<vmem>>, vector<1x16xi32>,
    %swap3A_571 = vector.shape_cast %swap3A_570 : vector<1x16xi32> to vector<16xi32>
    %swap3A_572 = vector.shape_cast %add3A_566 : vector<16xi32> to vector<1x16xi32>
    tpu.vector_store %arg10[%swap3A_568, %swap3A_569], %swap3A_572 {strides = array<i32>} : memref<10x32xi32, #tpu.memory_space<vmem>>, vector<1x16xi32>,
    %add3A_573 = arith.constant 40000 : i32
    %add3A_574 = vector.broadcast %add3A_573 : i32 to vector<16xi32>
    %add3A_575 = arith.addi %get3A_533, %add3A_574 : vector<16xi32>
    %swap3A_576 = arith.constant 4 : i32
    %swap3A_577 = arith.index_cast %swap3A_576 : i32 to index
    %swap3A_578 = arith.constant 0 : index
    %swap3A_579 = tpu.vector_load %arg10[%swap3A_577, %swap3A_578] {strides = array<i32>} : memref<10x32xi32, #tpu.memory_space<vmem>>, vector<1x16xi32>,
    %swap3A_580 = vector.shape_cast %swap3A_579 : vector<1x16xi32> to vector<16xi32>
    %swap3A_581 = vector.shape_cast %add3A_575 : vector<16xi32> to vector<1x16xi32>
    tpu.vector_store %arg10[%swap3A_577, %swap3A_578], %swap3A_581 {strides = array<i32>} : memref<10x32xi32, #tpu.memory_space<vmem>>, vector<1x16xi32>,
    %add3A_582 = arith.constant 50000 : i32
    %add3A_583 = vector.broadcast %add3A_582 : i32 to vector<16xi32>
    %add3A_584 = arith.addi %get3A_533, %add3A_583 : vector<16xi32>
    %swap3A_585 = arith.constant 5 : i32
    %swap3A_586 = arith.index_cast %swap3A_585 : i32 to index
    %swap3A_587 = arith.constant 0 : index
    %swap3A_588 = tpu.vector_load %arg10[%swap3A_586, %swap3A_587] {strides = array<i32>} : memref<10x32xi32, #tpu.memory_space<vmem>>, vector<1x16xi32>,
    %swap3A_589 = vector.shape_cast %swap3A_588 : vector<1x16xi32> to vector<16xi32>
    %swap3A_590 = vector.shape_cast %add3A_584 : vector<16xi32> to vector<1x16xi32>
    tpu.vector_store %arg10[%swap3A_586, %swap3A_587], %swap3A_590 {strides = array<i32>} : memref<10x32xi32, #tpu.memory_space<vmem>>, vector<1x16xi32>,
    %add3A_591 = arith.constant 60000 : i32
    %add3A_592 = vector.broadcast %add3A_591 : i32 to vector<16xi32>
    %add3A_593 = arith.addi %get3A_533, %add3A_592 : vector<16xi32>
    %swap3A_594 = arith.constant 6 : i32
    %swap3A_595 = arith.index_cast %swap3A_594 : i32 to index
    %swap3A_596 = arith.constant 0 : index
    %swap3A_597 = tpu.vector_load %arg10[%swap3A_595, %swap3A_596] {strides = array<i32>} : memref<10x32xi32, #tpu.memory_space<vmem>>, vector<1x16xi32>,
    %swap3A_598 = vector.shape_cast %swap3A_597 : vector<1x16xi32> to vector<16xi32>
    %swap3A_599 = vector.shape_cast %add3A_593 : vector<16xi32> to vector<1x16xi32>
    tpu.vector_store %arg10[%swap3A_595, %swap3A_596], %swap3A_599 {strides = array<i32>} : memref<10x32xi32, #tpu.memory_space<vmem>>, vector<1x16xi32>,
    %add3A_600 = arith.constant 70000 : i32
    %add3A_601 = vector.broadcast %add3A_600 : i32 to vector<16xi32>
    %add3A_602 = arith.addi %get3A_533, %add3A_601 : vector<16xi32>
    %swap3A_603 = arith.constant 7 : i32
    %swap3A_604 = arith.index_cast %swap3A_603 : i32 to index
    %swap3A_605 = arith.constant 0 : index
    %swap3A_606 = tpu.vector_load %arg10[%swap3A_604, %swap3A_605] {strides = array<i32>} : memref<10x32xi32, #tpu.memory_space<vmem>>, vector<1x16xi32>,
    %swap3A_607 = vector.shape_cast %swap3A_606 : vector<1x16xi32> to vector<16xi32>
    %swap3A_608 = vector.shape_cast %add3A_602 : vector<16xi32> to vector<1x16xi32>
    tpu.vector_store %arg10[%swap3A_604, %swap3A_605], %swap3A_608 {strides = array<i32>} : memref<10x32xi32, #tpu.memory_space<vmem>>, vector<1x16xi32>,
    %add3A_609 = arith.constant 80000 : i32
    %add3A_610 = vector.broadcast %add3A_609 : i32 to vector<16xi32>
    %add3A_611 = arith.addi %get3A_533, %add3A_610 : vector<16xi32>
    %swap3A_612 = arith.constant 8 : i32
    %swap3A_613 = arith.index_cast %swap3A_612 : i32 to index
    %swap3A_614 = arith.constant 0 : index
    %swap3A_615 = tpu.vector_load %arg10[%swap3A_613, %swap3A_614] {strides = array<i32>} : memref<10x32xi32, #tpu.memory_space<vmem>>, vector<1x16xi32>,
    %swap3A_616 = vector.shape_cast %swap3A_615 : vector<1x16xi32> to vector<16xi32>
    %swap3A_617 = vector.shape_cast %add3A_611 : vector<16xi32> to vector<1x16xi32>
    tpu.vector_store %arg10[%swap3A_613, %swap3A_614], %swap3A_617 {strides = array<i32>} : memref<10x32xi32, #tpu.memory_space<vmem>>, vector<1x16xi32>,
    %add3A_618 = arith.constant 90000 : i32
    %add3A_619 = vector.broadcast %add3A_618 : i32 to vector<16xi32>
    %add3A_620 = arith.addi %get3A_533, %add3A_619 : vector<16xi32>
    %swap3A_621 = arith.constant 9 : i32
    %swap3A_622 = arith.index_cast %swap3A_621 : i32 to index
    %swap3A_623 = arith.constant 0 : index
    %swap3A_624 = tpu.vector_load %arg10[%swap3A_622, %swap3A_623] {strides = array<i32>} : memref<10x32xi32, #tpu.memory_space<vmem>>, vector<1x16xi32>,
    %swap3A_625 = vector.shape_cast %swap3A_624 : vector<1x16xi32> to vector<16xi32>
    %swap3A_626 = vector.shape_cast %add3A_620 : vector<16xi32> to vector<1x16xi32>
    tpu.vector_store %arg10[%swap3A_622, %swap3A_623], %swap3A_626 {strides = array<i32>} : memref<10x32xi32, #tpu.memory_space<vmem>>, vector<1x16xi32>,
    %get3A_627 = arith.constant 16 : index
    %get3A_628 = tpu.vector_load %arg9[%get3A_627] {strides = array<i32>} : memref<32xi32, #tpu.memory_space<vmem>>, vector<16xi32>,
    %get3A_629 = vector.shape_cast %get3A_628 : vector<16xi32> to vector<16xi32>
    %swap3A_630 = arith.constant 336 : index
    %swap3A_631 = tpu.vector_load %arg11[%swap3A_630] {strides = array<i32>} : memref<352xi32, #tpu.memory_space<vmem>>, vector<16xi32>,
    %swap3A_632 = vector.shape_cast %swap3A_631 : vector<16xi32> to vector<16xi32>
    %swap3A_633 = vector.shape_cast %get3A_629 : vector<16xi32> to vector<16xi32>
    tpu.vector_store %arg11[%swap3A_630], %swap3A_633 {strides = array<i32>} : memref<352xi32, #tpu.memory_space<vmem>>, vector<16xi32>,
    %add3A_634 = arith.constant 0 : i32
    %add3A_635 = vector.broadcast %add3A_634 : i32 to vector<16xi32>
    %add3A_636 = arith.addi %get3A_629, %add3A_635 : vector<16xi32>
    %swap3A_637 = arith.constant 0 : i32
    %swap3A_638 = arith.index_cast %swap3A_637 : i32 to index
    %swap3A_639 = arith.constant 16 : index
    %swap3A_640 = tpu.vector_load %arg10[%swap3A_638, %swap3A_639] {strides = array<i32>} : memref<10x32xi32, #tpu.memory_space<vmem>>, vector<1x16xi32>,
    %swap3A_641 = vector.shape_cast %swap3A_640 : vector<1x16xi32> to vector<16xi32>
    %swap3A_642 = vector.shape_cast %add3A_636 : vector<16xi32> to vector<1x16xi32>
    tpu.vector_store %arg10[%swap3A_638, %swap3A_639], %swap3A_642 {strides = array<i32>} : memref<10x32xi32, #tpu.memory_space<vmem>>, vector<1x16xi32>,
    %add3A_643 = arith.constant 10000 : i32
    %add3A_644 = vector.broadcast %add3A_643 : i32 to vector<16xi32>
    %add3A_645 = arith.addi %get3A_629, %add3A_644 : vector<16xi32>
    %swap3A_646 = arith.constant 1 : i32
    %swap3A_647 = arith.index_cast %swap3A_646 : i32 to index
    %swap3A_648 = arith.constant 16 : index
    %swap3A_649 = tpu.vector_load %arg10[%swap3A_647, %swap3A_648] {strides = array<i32>} : memref<10x32xi32, #tpu.memory_space<vmem>>, vector<1x16xi32>,
    %swap3A_650 = vector.shape_cast %swap3A_649 : vector<1x16xi32> to vector<16xi32>
    %swap3A_651 = vector.shape_cast %add3A_645 : vector<16xi32> to vector<1x16xi32>
    tpu.vector_store %arg10[%swap3A_647, %swap3A_648], %swap3A_651 {strides = array<i32>} : memref<10x32xi32, #tpu.memory_space<vmem>>, vector<1x16xi32>,
    %add3A_652 = arith.constant 20000 : i32
    %add3A_653 = vector.broadcast %add3A_652 : i32 to vector<16xi32>
    %add3A_654 = arith.addi %get3A_629, %add3A_653 : vector<16xi32>
    %swap3A_655 = arith.constant 2 : i32
    %swap3A_656 = arith.index_cast %swap3A_655 : i32 to index
    %swap3A_657 = arith.constant 16 : index
    %swap3A_658 = tpu.vector_load %arg10[%swap3A_656, %swap3A_657] {strides = array<i32>} : memref<10x32xi32, #tpu.memory_space<vmem>>, vector<1x16xi32>,
    %swap3A_659 = vector.shape_cast %swap3A_658 : vector<1x16xi32> to vector<16xi32>
    %swap3A_660 = vector.shape_cast %add3A_654 : vector<16xi32> to vector<1x16xi32>
    tpu.vector_store %arg10[%swap3A_656, %swap3A_657], %swap3A_660 {strides = array<i32>} : memref<10x32xi32, #tpu.memory_space<vmem>>, vector<1x16xi32>,
    %add3A_661 = arith.constant 30000 : i32
    %add3A_662 = vector.broadcast %add3A_661 : i32 to vector<16xi32>
    %add3A_663 = arith.addi %get3A_629, %add3A_662 : vector<16xi32>
    %swap3A_664 = arith.constant 3 : i32
    %swap3A_665 = arith.index_cast %swap3A_664 : i32 to index
    %swap3A_666 = arith.constant 16 : index
    %swap3A_667 = tpu.vector_load %arg10[%swap3A_665, %swap3A_666] {strides = array<i32>} : memref<10x32xi32, #tpu.memory_space<vmem>>, vector<1x16xi32>,
    %swap3A_668 = vector.shape_cast %swap3A_667 : vector<1x16xi32> to vector<16xi32>
    %swap3A_669 = vector.shape_cast %add3A_663 : vector<16xi32> to vector<1x16xi32>
    tpu.vector_store %arg10[%swap3A_665, %swap3A_666], %swap3A_669 {strides = array<i32>} : memref<10x32xi32, #tpu.memory_space<vmem>>, vector<1x16xi32>,
    %add3A_670 = arith.constant 40000 : i32
    %add3A_671 = vector.broadcast %add3A_670 : i32 to vector<16xi32>
    %add3A_672 = arith.addi %get3A_629, %add3A_671 : vector<16xi32>
    %swap3A_673 = arith.constant 4 : i32
    %swap3A_674 = arith.index_cast %swap3A_673 : i32 to index
    %swap3A_675 = arith.constant 16 : index
    %swap3A_676 = tpu.vector_load %arg10[%swap3A_674, %swap3A_675] {strides = array<i32>} : memref<10x32xi32, #tpu.memory_space<vmem>>, vector<1x16xi32>,
    %swap3A_677 = vector.shape_cast %swap3A_676 : vector<1x16xi32> to vector<16xi32>
    %swap3A_678 = vector.shape_cast %add3A_672 : vector<16xi32> to vector<1x16xi32>
    tpu.vector_store %arg10[%swap3A_674, %swap3A_675], %swap3A_678 {strides = array<i32>} : memref<10x32xi32, #tpu.memory_space<vmem>>, vector<1x16xi32>,
    %add3A_679 = arith.constant 50000 : i32
    %add3A_680 = vector.broadcast %add3A_679 : i32 to vector<16xi32>
    %add3A_681 = arith.addi %get3A_629, %add3A_680 : vector<16xi32>
    %swap3A_682 = arith.constant 5 : i32
    %swap3A_683 = arith.index_cast %swap3A_682 : i32 to index
    %swap3A_684 = arith.constant 16 : index
    %swap3A_685 = tpu.vector_load %arg10[%swap3A_683, %swap3A_684] {strides = array<i32>} : memref<10x32xi32, #tpu.memory_space<vmem>>, vector<1x16xi32>,
    %swap3A_686 = vector.shape_cast %swap3A_685 : vector<1x16xi32> to vector<16xi32>
    %swap3A_687 = vector.shape_cast %add3A_681 : vector<16xi32> to vector<1x16xi32>
    tpu.vector_store %arg10[%swap3A_683, %swap3A_684], %swap3A_687 {strides = array<i32>} : memref<10x32xi32, #tpu.memory_space<vmem>>, vector<1x16xi32>,
    %add3A_688 = arith.constant 60000 : i32
    %add3A_689 = vector.broadcast %add3A_688 : i32 to vector<16xi32>
    %add3A_690 = arith.addi %get3A_629, %add3A_689 : vector<16xi32>
    %swap3A_691 = arith.constant 6 : i32
    %swap3A_692 = arith.index_cast %swap3A_691 : i32 to index
    %swap3A_693 = arith.constant 16 : index
    %swap3A_694 = tpu.vector_load %arg10[%swap3A_692, %swap3A_693] {strides = array<i32>} : memref<10x32xi32, #tpu.memory_space<vmem>>, vector<1x16xi32>,
    %swap3A_695 = vector.shape_cast %swap3A_694 : vector<1x16xi32> to vector<16xi32>
    %swap3A_696 = vector.shape_cast %add3A_690 : vector<16xi32> to vector<1x16xi32>
    tpu.vector_store %arg10[%swap3A_692, %swap3A_693], %swap3A_696 {strides = array<i32>} : memref<10x32xi32, #tpu.memory_space<vmem>>, vector<1x16xi32>,
    %add3A_697 = arith.constant 70000 : i32
    %add3A_698 = vector.broadcast %add3A_697 : i32 to vector<16xi32>
    %add3A_699 = arith.addi %get3A_629, %add3A_698 : vector<16xi32>
    %swap3A_700 = arith.constant 7 : i32
    %swap3A_701 = arith.index_cast %swap3A_700 : i32 to index
    %swap3A_702 = arith.constant 16 : index
    %swap3A_703 = tpu.vector_load %arg10[%swap3A_701, %swap3A_702] {strides = array<i32>} : memref<10x32xi32, #tpu.memory_space<vmem>>, vector<1x16xi32>,
    %swap3A_704 = vector.shape_cast %swap3A_703 : vector<1x16xi32> to vector<16xi32>
    %swap3A_705 = vector.shape_cast %add3A_699 : vector<16xi32> to vector<1x16xi32>
    tpu.vector_store %arg10[%swap3A_701, %swap3A_702], %swap3A_705 {strides = array<i32>} : memref<10x32xi32, #tpu.memory_space<vmem>>, vector<1x16xi32>,
    %add3A_706 = arith.constant 80000 : i32
    %add3A_707 = vector.broadcast %add3A_706 : i32 to vector<16xi32>
    %add3A_708 = arith.addi %get3A_629, %add3A_707 : vector<16xi32>
    %swap3A_709 = arith.constant 8 : i32
    %swap3A_710 = arith.index_cast %swap3A_709 : i32 to index
    %swap3A_711 = arith.constant 16 : index
    %swap3A_712 = tpu.vector_load %arg10[%swap3A_710, %swap3A_711] {strides = array<i32>} : memref<10x32xi32, #tpu.memory_space<vmem>>, vector<1x16xi32>,
    %swap3A_713 = vector.shape_cast %swap3A_712 : vector<1x16xi32> to vector<16xi32>
    %swap3A_714 = vector.shape_cast %add3A_708 : vector<16xi32> to vector<1x16xi32>
    tpu.vector_store %arg10[%swap3A_710, %swap3A_711], %swap3A_714 {strides = array<i32>} : memref<10x32xi32, #tpu.memory_space<vmem>>, vector<1x16xi32>,
    %add3A_715 = arith.constant 90000 : i32
    %add3A_716 = vector.broadcast %add3A_715 : i32 to vector<16xi32>
    %add3A_717 = arith.addi %get3A_629, %add3A_716 : vector<16xi32>
    %swap3A_718 = arith.constant 9 : i32
    %swap3A_719 = arith.index_cast %swap3A_718 : i32 to index
    %swap3A_720 = arith.constant 16 : index
    %swap3A_721 = tpu.vector_load %arg10[%swap3A_719, %swap3A_720] {strides = array<i32>} : memref<10x32xi32, #tpu.memory_space<vmem>>, vector<1x16xi32>,
    %swap3A_722 = vector.shape_cast %swap3A_721 : vector<1x16xi32> to vector<16xi32>
    %swap3A_723 = vector.shape_cast %add3A_717 : vector<16xi32> to vector<1x16xi32>
    tpu.vector_store %arg10[%swap3A_719, %swap3A_720], %swap3A_723 {strides = array<i32>} : memref<10x32xi32, #tpu.memory_space<vmem>>, vector<1x16xi32>,
    %dma_start3A_724 = arith.constant 0 : i32
    %dma_start3A_725 = arith.constant 0 : i32
    %dma_start3A_726 = tpu.memref_slice %arg11[%dma_start3A_725] : memref<352xi32, #tpu.memory_space<vmem>> -> memref<32xi32, #tpu.memory_space<vmem>>
    %dma_start3A_727 = arith.constant 0 : i32
    %dma_start3A_728 = tpu.memref_slice %arg10[%dma_start3A_724, %dma_start3A_727] : memref<10x32xi32, #tpu.memory_space<vmem>> -> memref<1x32xi32, #tpu.memory_space<vmem>>
    %dma_start3A_729 = tpu.memref_squeeze %dma_start3A_728 : memref<1x32xi32, #tpu.memory_space<vmem>> -> memref<32xi32, #tpu.memory_space<vmem>>
    %dma_start3A_730 = arith.constant 0 : i32
    %dma_start3A_731 = tpu.memref_slice %arg3[%dma_start3A_730] : memref<100000xi32, #tpu.memory_space<hbm>> -> memref<100000xi32, #tpu.memory_space<hbm>>
    tpu.enqueue_indirect_dma source(%dma_start3A_731 : memref<100000xi32, #tpu.memory_space<hbm>>) target(%dma_start3A_726 : memref<32xi32, #tpu.memory_space<vmem>>) offsets(%dma_start3A_729 : memref<32xi32, #tpu.memory_space<vmem>>) semaphore(%arg15 : memref<!tpu.dma_semaphore, #tpu.memory_space<semaphore_mem>>)
    %dma_start3A_732 = arith.constant 1 : i32
    %dma_start3A_733 = arith.constant 32 : i32
    %dma_start3A_734 = tpu.memref_slice %arg11[%dma_start3A_733] : memref<352xi32, #tpu.memory_space<vmem>> -> memref<32xi32, #tpu.memory_space<vmem>>
    %dma_start3A_735 = arith.constant 0 : i32
    %dma_start3A_736 = tpu.memref_slice %arg10[%dma_start3A_732, %dma_start3A_735] : memref<10x32xi32, #tpu.memory_space<vmem>> -> memref<1x32xi32, #tpu.memory_space<vmem>>
    %dma_start3A_737 = tpu.memref_squeeze %dma_start3A_736 : memref<1x32xi32, #tpu.memory_space<vmem>> -> memref<32xi32, #tpu.memory_space<vmem>>
    %dma_start3A_738 = arith.constant 0 : i32
    %dma_start3A_739 = tpu.memref_slice %arg3[%dma_start3A_738] : memref<100000xi32, #tpu.memory_space<hbm>> -> memref<100000xi32, #tpu.memory_space<hbm>>
    tpu.enqueue_indirect_dma source(%dma_start3A_739 : memref<100000xi32, #tpu.memory_space<hbm>>) target(%dma_start3A_734 : memref<32xi32, #tpu.memory_space<vmem>>) offsets(%dma_start3A_737 : memref<32xi32, #tpu.memory_space<vmem>>) semaphore(%arg15 : memref<!tpu.dma_semaphore, #tpu.memory_space<semaphore_mem>>)
    %dma_start3A_740 = arith.constant 2 : i32
    %dma_start3A_741 = arith.constant 64 : i32
    %dma_start3A_742 = tpu.memref_slice %arg11[%dma_start3A_741] : memref<352xi32, #tpu.memory_space<vmem>> -> memref<32xi32, #tpu.memory_space<vmem>>
    %dma_start3A_743 = arith.constant 0 : i32
    %dma_start3A_744 = tpu.memref_slice %arg10[%dma_start3A_740, %dma_start3A_743] : memref<10x32xi32, #tpu.memory_space<vmem>> -> memref<1x32xi32, #tpu.memory_space<vmem>>
    %dma_start3A_745 = tpu.memref_squeeze %dma_start3A_744 : memref<1x32xi32, #tpu.memory_space<vmem>> -> memref<32xi32, #tpu.memory_space<vmem>>
    %dma_start3A_746 = arith.constant 0 : i32
    %dma_start3A_747 = tpu.memref_slice %arg3[%dma_start3A_746] : memref<100000xi32, #tpu.memory_space<hbm>> -> memref<100000xi32, #tpu.memory_space<hbm>>
    tpu.enqueue_indirect_dma source(%dma_start3A_747 : memref<100000xi32, #tpu.memory_space<hbm>>) target(%dma_start3A_742 : memref<32xi32, #tpu.memory_space<vmem>>) offsets(%dma_start3A_745 : memref<32xi32, #tpu.memory_space<vmem>>) semaphore(%arg15 : memref<!tpu.dma_semaphore, #tpu.memory_space<semaphore_mem>>)
    %dma_start3A_748 = arith.constant 3 : i32
    %dma_start3A_749 = arith.constant 96 : i32
    %dma_start3A_750 = tpu.memref_slice %arg11[%dma_start3A_749] : memref<352xi32, #tpu.memory_space<vmem>> -> memref<32xi32, #tpu.memory_space<vmem>>
    %dma_start3A_751 = arith.constant 0 : i32
    %dma_start3A_752 = tpu.memref_slice %arg10[%dma_start3A_748, %dma_start3A_751] : memref<10x32xi32, #tpu.memory_space<vmem>> -> memref<1x32xi32, #tpu.memory_space<vmem>>
    %dma_start3A_753 = tpu.memref_squeeze %dma_start3A_752 : memref<1x32xi32, #tpu.memory_space<vmem>> -> memref<32xi32, #tpu.memory_space<vmem>>
    %dma_start3A_754 = arith.constant 0 : i32
    %dma_start3A_755 = tpu.memref_slice %arg3[%dma_start3A_754] : memref<100000xi32, #tpu.memory_space<hbm>> -> memref<100000xi32, #tpu.memory_space<hbm>>
    tpu.enqueue_indirect_dma source(%dma_start3A_755 : memref<100000xi32, #tpu.memory_space<hbm>>) target(%dma_start3A_750 : memref<32xi32, #tpu.memory_space<vmem>>) offsets(%dma_start3A_753 : memref<32xi32, #tpu.memory_space<vmem>>) semaphore(%arg15 : memref<!tpu.dma_semaphore, #tpu.memory_space<semaphore_mem>>)
    %dma_start3A_756 = arith.constant 4 : i32
    %dma_start3A_757 = arith.constant 128 : i32
    %dma_start3A_758 = tpu.memref_slice %arg11[%dma_start3A_757] : memref<352xi32, #tpu.memory_space<vmem>> -> memref<32xi32, #tpu.memory_space<vmem>>
    %dma_start3A_759 = arith.constant 0 : i32
    %dma_start3A_760 = tpu.memref_slice %arg10[%dma_start3A_756, %dma_start3A_759] : memref<10x32xi32, #tpu.memory_space<vmem>> -> memref<1x32xi32, #tpu.memory_space<vmem>>
    %dma_start3A_761 = tpu.memref_squeeze %dma_start3A_760 : memref<1x32xi32, #tpu.memory_space<vmem>> -> memref<32xi32, #tpu.memory_space<vmem>>
    %dma_start3A_762 = arith.constant 0 : i32
    %dma_start3A_763 = tpu.memref_slice %arg3[%dma_start3A_762] : memref<100000xi32, #tpu.memory_space<hbm>> -> memref<100000xi32, #tpu.memory_space<hbm>>
    tpu.enqueue_indirect_dma source(%dma_start3A_763 : memref<100000xi32, #tpu.memory_space<hbm>>) target(%dma_start3A_758 : memref<32xi32, #tpu.memory_space<vmem>>) offsets(%dma_start3A_761 : memref<32xi32, #tpu.memory_space<vmem>>) semaphore(%arg15 : memref<!tpu.dma_semaphore, #tpu.memory_space<semaphore_mem>>)
    %dma_start3A_764 = arith.constant 5 : i32
    %dma_start3A_765 = arith.constant 160 : i32
    %dma_start3A_766 = tpu.memref_slice %arg11[%dma_start3A_765] : memref<352xi32, #tpu.memory_space<vmem>> -> memref<32xi32, #tpu.memory_space<vmem>>
    %dma_start3A_767 = arith.constant 0 : i32
    %dma_start3A_768 = tpu.memref_slice %arg10[%dma_start3A_764, %dma_start3A_767] : memref<10x32xi32, #tpu.memory_space<vmem>> -> memref<1x32xi32, #tpu.memory_space<vmem>>
    %dma_start3A_769 = tpu.memref_squeeze %dma_start3A_768 : memref<1x32xi32, #tpu.memory_space<vmem>> -> memref<32xi32, #tpu.memory_space<vmem>>
    %dma_start3A_770 = arith.constant 0 : i32
    %dma_start3A_771 = tpu.memref_slice %arg3[%dma_start3A_770] : memref<100000xi32, #tpu.memory_space<hbm>> -> memref<100000xi32, #tpu.memory_space<hbm>>
    tpu.enqueue_indirect_dma source(%dma_start3A_771 : memref<100000xi32, #tpu.memory_space<hbm>>) target(%dma_start3A_766 : memref<32xi32, #tpu.memory_space<vmem>>) offsets(%dma_start3A_769 : memref<32xi32, #tpu.memory_space<vmem>>) semaphore(%arg15 : memref<!tpu.dma_semaphore, #tpu.memory_space<semaphore_mem>>)
    %dma_start3A_772 = arith.constant 6 : i32
    %dma_start3A_773 = arith.constant 192 : i32
    %dma_start3A_774 = tpu.memref_slice %arg11[%dma_start3A_773] : memref<352xi32, #tpu.memory_space<vmem>> -> memref<32xi32, #tpu.memory_space<vmem>>
    %dma_start3A_775 = arith.constant 0 : i32
    %dma_start3A_776 = tpu.memref_slice %arg10[%dma_start3A_772, %dma_start3A_775] : memref<10x32xi32, #tpu.memory_space<vmem>> -> memref<1x32xi32, #tpu.memory_space<vmem>>
    %dma_start3A_777 = tpu.memref_squeeze %dma_start3A_776 : memref<1x32xi32, #tpu.memory_space<vmem>> -> memref<32xi32, #tpu.memory_space<vmem>>
    %dma_start3A_778 = arith.constant 0 : i32
    %dma_start3A_779 = tpu.memref_slice %arg3[%dma_start3A_778] : memref<100000xi32, #tpu.memory_space<hbm>> -> memref<100000xi32, #tpu.memory_space<hbm>>
    tpu.enqueue_indirect_dma source(%dma_start3A_779 : memref<100000xi32, #tpu.memory_space<hbm>>) target(%dma_start3A_774 : memref<32xi32, #tpu.memory_space<vmem>>) offsets(%dma_start3A_777 : memref<32xi32, #tpu.memory_space<vmem>>) semaphore(%arg15 : memref<!tpu.dma_semaphore, #tpu.memory_space<semaphore_mem>>)
    %dma_start3A_780 = arith.constant 7 : i32
    %dma_start3A_781 = arith.constant 224 : i32
    %dma_start3A_782 = tpu.memref_slice %arg11[%dma_start3A_781] : memref<352xi32, #tpu.memory_space<vmem>> -> memref<32xi32, #tpu.memory_space<vmem>>
    %dma_start3A_783 = arith.constant 0 : i32
    %dma_start3A_784 = tpu.memref_slice %arg10[%dma_start3A_780, %dma_start3A_783] : memref<10x32xi32, #tpu.memory_space<vmem>> -> memref<1x32xi32, #tpu.memory_space<vmem>>
    %dma_start3A_785 = tpu.memref_squeeze %dma_start3A_784 : memref<1x32xi32, #tpu.memory_space<vmem>> -> memref<32xi32, #tpu.memory_space<vmem>>
    %dma_start3A_786 = arith.constant 0 : i32
    %dma_start3A_787 = tpu.memref_slice %arg3[%dma_start3A_786] : memref<100000xi32, #tpu.memory_space<hbm>> -> memref<100000xi32, #tpu.memory_space<hbm>>
    tpu.enqueue_indirect_dma source(%dma_start3A_787 : memref<100000xi32, #tpu.memory_space<hbm>>) target(%dma_start3A_782 : memref<32xi32, #tpu.memory_space<vmem>>) offsets(%dma_start3A_785 : memref<32xi32, #tpu.memory_space<vmem>>) semaphore(%arg15 : memref<!tpu.dma_semaphore, #tpu.memory_space<semaphore_mem>>)
    %dma_start3A_788 = arith.constant 8 : i32
    %dma_start3A_789 = arith.constant 256 : i32
    %dma_start3A_790 = tpu.memref_slice %arg11[%dma_start3A_789] : memref<352xi32, #tpu.memory_space<vmem>> -> memref<32xi32, #tpu.memory_space<vmem>>
    %dma_start3A_791 = arith.constant 0 : i32
    %dma_start3A_792 = tpu.memref_slice %arg10[%dma_start3A_788, %dma_start3A_791] : memref<10x32xi32, #tpu.memory_space<vmem>> -> memref<1x32xi32, #tpu.memory_space<vmem>>
    %dma_start3A_793 = tpu.memref_squeeze %dma_start3A_792 : memref<1x32xi32, #tpu.memory_space<vmem>> -> memref<32xi32, #tpu.memory_space<vmem>>
    %dma_start3A_794 = arith.constant 0 : i32
    %dma_start3A_795 = tpu.memref_slice %arg3[%dma_start3A_794] : memref<100000xi32, #tpu.memory_space<hbm>> -> memref<100000xi32, #tpu.memory_space<hbm>>
    tpu.enqueue_indirect_dma source(%dma_start3A_795 : memref<100000xi32, #tpu.memory_space<hbm>>) target(%dma_start3A_790 : memref<32xi32, #tpu.memory_space<vmem>>) offsets(%dma_start3A_793 : memref<32xi32, #tpu.memory_space<vmem>>) semaphore(%arg15 : memref<!tpu.dma_semaphore, #tpu.memory_space<semaphore_mem>>)
    %dma_start3A_796 = arith.constant 9 : i32
    %dma_start3A_797 = arith.constant 288 : i32
    %dma_start3A_798 = tpu.memref_slice %arg11[%dma_start3A_797] : memref<352xi32, #tpu.memory_space<vmem>> -> memref<32xi32, #tpu.memory_space<vmem>>
    %dma_start3A_799 = arith.constant 0 : i32
    %dma_start3A_800 = tpu.memref_slice %arg10[%dma_start3A_796, %dma_start3A_799] : memref<10x32xi32, #tpu.memory_space<vmem>> -> memref<1x32xi32, #tpu.memory_space<vmem>>
    %dma_start3A_801 = tpu.memref_squeeze %dma_start3A_800 : memref<1x32xi32, #tpu.memory_space<vmem>> -> memref<32xi32, #tpu.memory_space<vmem>>
    %dma_start3A_802 = arith.constant 0 : i32
    %dma_start3A_803 = tpu.memref_slice %arg3[%dma_start3A_802] : memref<100000xi32, #tpu.memory_space<hbm>> -> memref<100000xi32, #tpu.memory_space<hbm>>
    tpu.enqueue_indirect_dma source(%dma_start3A_803 : memref<100000xi32, #tpu.memory_space<hbm>>) target(%dma_start3A_798 : memref<32xi32, #tpu.memory_space<vmem>>) offsets(%dma_start3A_801 : memref<32xi32, #tpu.memory_space<vmem>>) semaphore(%arg15 : memref<!tpu.dma_semaphore, #tpu.memory_space<semaphore_mem>>)
    %dma_wait3A = arith.constant 0 : i32
    %dma_wait3A_804 = arith.constant 0 : i32
    %dma_wait3A_805 = arith.constant 0 : i32
    %dma_wait3A_806 = tpu.memref_slice %arg7[%dma_wait3A, %dma_wait3A_805] : memref<30x128xi32, #tpu.memory_space<vmem>> -> memref<1x128xi32, #tpu.memory_space<vmem>>
    %dma_wait3A_807 = tpu.memref_squeeze %dma_wait3A_806 : memref<1x128xi32, #tpu.memory_space<vmem>> -> memref<128xi32, #tpu.memory_space<vmem>>
    %dma_wait3A_808 = tpu.memref_slice %arg3[%add3A_7] : memref<100000xi32, #tpu.memory_space<hbm>> -> memref<128xi32, #tpu.memory_space<hbm>>
    %dma_wait3A_809 = tpu.memref_slice %arg12[%dma_wait3A_804] : memref<3x!tpu.dma_semaphore, #tpu.memory_space<semaphore_mem>> -> memref<1x!tpu.dma_semaphore, #tpu.memory_space<semaphore_mem>>
    %dma_wait3A_810 = tpu.memref_squeeze %dma_wait3A_809 : memref<1x!tpu.dma_semaphore, #tpu.memory_space<semaphore_mem>> -> memref<!tpu.dma_semaphore, #tpu.memory_space<semaphore_mem>>
    %dma_wait3A_811 = arith.constant 0 : i32
    %dma_wait3A_812 = tpu.memref_slice %arg7[%dma_wait3A, %dma_wait3A_811] : memref<30x128xi32, #tpu.memory_space<vmem>> -> memref<1x128xi32, #tpu.memory_space<vmem>>
    %dma_wait3A_813 = tpu.memref_squeeze %dma_wait3A_812 : memref<1x128xi32, #tpu.memory_space<vmem>> -> memref<128xi32, #tpu.memory_space<vmem>>
    %dma_wait3A_814 = tpu.memref_slice %arg3[%add3A_7] : memref<100000xi32, #tpu.memory_space<hbm>> -> memref<128xi32, #tpu.memory_space<hbm>>
    tpu.wait_dma2 semaphore(%dma_wait3A_810 : memref<!tpu.dma_semaphore, #tpu.memory_space<semaphore_mem>>) src(%dma_wait3A_814 : memref<128xi32, #tpu.memory_space<hbm>>) dst(%dma_wait3A_813 : memref<128xi32, #tpu.memory_space<vmem>>)
    %dma_wait3A_815 = arith.constant 3 : i32
    %dma_wait3A_816 = arith.constant 0 : i32
    %dma_wait3A_817 = arith.constant 0 : i32
    %dma_wait3A_818 = tpu.memref_slice %arg7[%dma_wait3A_815, %dma_wait3A_817] : memref<30x128xi32, #tpu.memory_space<vmem>> -> memref<1x128xi32, #tpu.memory_space<vmem>>
    %dma_wait3A_819 = tpu.memref_squeeze %dma_wait3A_818 : memref<1x128xi32, #tpu.memory_space<vmem>> -> memref<128xi32, #tpu.memory_space<vmem>>
    %dma_wait3A_820 = tpu.memref_slice %arg3[%add3A_22] : memref<100000xi32, #tpu.memory_space<hbm>> -> memref<128xi32, #tpu.memory_space<hbm>>
    %dma_wait3A_821 = tpu.memref_slice %arg12[%dma_wait3A_816] : memref<3x!tpu.dma_semaphore, #tpu.memory_space<semaphore_mem>> -> memref<1x!tpu.dma_semaphore, #tpu.memory_space<semaphore_mem>>
    %dma_wait3A_822 = tpu.memref_squeeze %dma_wait3A_821 : memref<1x!tpu.dma_semaphore, #tpu.memory_space<semaphore_mem>> -> memref<!tpu.dma_semaphore, #tpu.memory_space<semaphore_mem>>
    %dma_wait3A_823 = arith.constant 0 : i32
    %dma_wait3A_824 = tpu.memref_slice %arg7[%dma_wait3A_815, %dma_wait3A_823] : memref<30x128xi32, #tpu.memory_space<vmem>> -> memref<1x128xi32, #tpu.memory_space<vmem>>
    %dma_wait3A_825 = tpu.memref_squeeze %dma_wait3A_824 : memref<1x128xi32, #tpu.memory_space<vmem>> -> memref<128xi32, #tpu.memory_space<vmem>>
    %dma_wait3A_826 = tpu.memref_slice %arg3[%add3A_22] : memref<100000xi32, #tpu.memory_space<hbm>> -> memref<128xi32, #tpu.memory_space<hbm>>
    tpu.wait_dma2 semaphore(%dma_wait3A_822 : memref<!tpu.dma_semaphore, #tpu.memory_space<semaphore_mem>>) src(%dma_wait3A_826 : memref<128xi32, #tpu.memory_space<hbm>>) dst(%dma_wait3A_825 : memref<128xi32, #tpu.memory_space<vmem>>)
    %dma_wait3A_827 = arith.constant 6 : i32
    %dma_wait3A_828 = arith.constant 0 : i32
    %dma_wait3A_829 = arith.constant 0 : i32
    %dma_wait3A_830 = tpu.memref_slice %arg7[%dma_wait3A_827, %dma_wait3A_829] : memref<30x128xi32, #tpu.memory_space<vmem>> -> memref<1x128xi32, #tpu.memory_space<vmem>>
    %dma_wait3A_831 = tpu.memref_squeeze %dma_wait3A_830 : memref<1x128xi32, #tpu.memory_space<vmem>> -> memref<128xi32, #tpu.memory_space<vmem>>
    %dma_wait3A_832 = tpu.memref_slice %arg3[%add3A_38] : memref<100000xi32, #tpu.memory_space<hbm>> -> memref<128xi32, #tpu.memory_space<hbm>>
    %dma_wait3A_833 = tpu.memref_slice %arg12[%dma_wait3A_828] : memref<3x!tpu.dma_semaphore, #tpu.memory_space<semaphore_mem>> -> memref<1x!tpu.dma_semaphore, #tpu.memory_space<semaphore_mem>>
    %dma_wait3A_834 = tpu.memref_squeeze %dma_wait3A_833 : memref<1x!tpu.dma_semaphore, #tpu.memory_space<semaphore_mem>> -> memref<!tpu.dma_semaphore, #tpu.memory_space<semaphore_mem>>
    %dma_wait3A_835 = arith.constant 0 : i32
    %dma_wait3A_836 = tpu.memref_slice %arg7[%dma_wait3A_827, %dma_wait3A_835] : memref<30x128xi32, #tpu.memory_space<vmem>> -> memref<1x128xi32, #tpu.memory_space<vmem>>
    %dma_wait3A_837 = tpu.memref_squeeze %dma_wait3A_836 : memref<1x128xi32, #tpu.memory_space<vmem>> -> memref<128xi32, #tpu.memory_space<vmem>>
    %dma_wait3A_838 = tpu.memref_slice %arg3[%add3A_38] : memref<100000xi32, #tpu.memory_space<hbm>> -> memref<128xi32, #tpu.memory_space<hbm>>
    tpu.wait_dma2 semaphore(%dma_wait3A_834 : memref<!tpu.dma_semaphore, #tpu.memory_space<semaphore_mem>>) src(%dma_wait3A_838 : memref<128xi32, #tpu.memory_space<hbm>>) dst(%dma_wait3A_837 : memref<128xi32, #tpu.memory_space<vmem>>)
    %dma_wait3A_839 = arith.constant 9 : i32
    %dma_wait3A_840 = arith.constant 0 : i32
    %dma_wait3A_841 = arith.constant 0 : i32
    %dma_wait3A_842 = tpu.memref_slice %arg7[%dma_wait3A_839, %dma_wait3A_841] : memref<30x128xi32, #tpu.memory_space<vmem>> -> memref<1x128xi32, #tpu.memory_space<vmem>>
    %dma_wait3A_843 = tpu.memref_squeeze %dma_wait3A_842 : memref<1x128xi32, #tpu.memory_space<vmem>> -> memref<128xi32, #tpu.memory_space<vmem>>
    %dma_wait3A_844 = tpu.memref_slice %arg3[%add3A_54] : memref<100000xi32, #tpu.memory_space<hbm>> -> memref<128xi32, #tpu.memory_space<hbm>>
    %dma_wait3A_845 = tpu.memref_slice %arg12[%dma_wait3A_840] : memref<3x!tpu.dma_semaphore, #tpu.memory_space<semaphore_mem>> -> memref<1x!tpu.dma_semaphore, #tpu.memory_space<semaphore_mem>>
    %dma_wait3A_846 = tpu.memref_squeeze %dma_wait3A_845 : memref<1x!tpu.dma_semaphore, #tpu.memory_space<semaphore_mem>> -> memref<!tpu.dma_semaphore, #tpu.memory_space<semaphore_mem>>
    %dma_wait3A_847 = arith.constant 0 : i32
    %dma_wait3A_848 = tpu.memref_slice %arg7[%dma_wait3A_839, %dma_wait3A_847] : memref<30x128xi32, #tpu.memory_space<vmem>> -> memref<1x128xi32, #tpu.memory_space<vmem>>
    %dma_wait3A_849 = tpu.memref_squeeze %dma_wait3A_848 : memref<1x128xi32, #tpu.memory_space<vmem>> -> memref<128xi32, #tpu.memory_space<vmem>>
    %dma_wait3A_850 = tpu.memref_slice %arg3[%add3A_54] : memref<100000xi32, #tpu.memory_space<hbm>> -> memref<128xi32, #tpu.memory_space<hbm>>
    tpu.wait_dma2 semaphore(%dma_wait3A_846 : memref<!tpu.dma_semaphore, #tpu.memory_space<semaphore_mem>>) src(%dma_wait3A_850 : memref<128xi32, #tpu.memory_space<hbm>>) dst(%dma_wait3A_849 : memref<128xi32, #tpu.memory_space<vmem>>)
    %dma_wait3A_851 = arith.constant 12 : i32
    %dma_wait3A_852 = arith.constant 0 : i32
    %dma_wait3A_853 = arith.constant 0 : i32
    %dma_wait3A_854 = tpu.memref_slice %arg7[%dma_wait3A_851, %dma_wait3A_853] : memref<30x128xi32, #tpu.memory_space<vmem>> -> memref<1x128xi32, #tpu.memory_space<vmem>>
    %dma_wait3A_855 = tpu.memref_squeeze %dma_wait3A_854 : memref<1x128xi32, #tpu.memory_space<vmem>> -> memref<128xi32, #tpu.memory_space<vmem>>
    %dma_wait3A_856 = tpu.memref_slice %arg3[%add3A_70] : memref<100000xi32, #tpu.memory_space<hbm>> -> memref<128xi32, #tpu.memory_space<hbm>>
    %dma_wait3A_857 = tpu.memref_slice %arg12[%dma_wait3A_852] : memref<3x!tpu.dma_semaphore, #tpu.memory_space<semaphore_mem>> -> memref<1x!tpu.dma_semaphore, #tpu.memory_space<semaphore_mem>>
    %dma_wait3A_858 = tpu.memref_squeeze %dma_wait3A_857 : memref<1x!tpu.dma_semaphore, #tpu.memory_space<semaphore_mem>> -> memref<!tpu.dma_semaphore, #tpu.memory_space<semaphore_mem>>
    %dma_wait3A_859 = arith.constant 0 : i32
    %dma_wait3A_860 = tpu.memref_slice %arg7[%dma_wait3A_851, %dma_wait3A_859] : memref<30x128xi32, #tpu.memory_space<vmem>> -> memref<1x128xi32, #tpu.memory_space<vmem>>
    %dma_wait3A_861 = tpu.memref_squeeze %dma_wait3A_860 : memref<1x128xi32, #tpu.memory_space<vmem>> -> memref<128xi32, #tpu.memory_space<vmem>>
    %dma_wait3A_862 = tpu.memref_slice %arg3[%add3A_70] : memref<100000xi32, #tpu.memory_space<hbm>> -> memref<128xi32, #tpu.memory_space<hbm>>
    tpu.wait_dma2 semaphore(%dma_wait3A_858 : memref<!tpu.dma_semaphore, #tpu.memory_space<semaphore_mem>>) src(%dma_wait3A_862 : memref<128xi32, #tpu.memory_space<hbm>>) dst(%dma_wait3A_861 : memref<128xi32, #tpu.memory_space<vmem>>)
    %dma_wait3A_863 = arith.constant 15 : i32
    %dma_wait3A_864 = arith.constant 0 : i32
    %dma_wait3A_865 = arith.constant 0 : i32
    %dma_wait3A_866 = tpu.memref_slice %arg7[%dma_wait3A_863, %dma_wait3A_865] : memref<30x128xi32, #tpu.memory_space<vmem>> -> memref<1x128xi32, #tpu.memory_space<vmem>>
    %dma_wait3A_867 = tpu.memref_squeeze %dma_wait3A_866 : memref<1x128xi32, #tpu.memory_space<vmem>> -> memref<128xi32, #tpu.memory_space<vmem>>
    %dma_wait3A_868 = tpu.memref_slice %arg3[%add3A_86] : memref<100000xi32, #tpu.memory_space<hbm>> -> memref<128xi32, #tpu.memory_space<hbm>>
    %dma_wait3A_869 = tpu.memref_slice %arg12[%dma_wait3A_864] : memref<3x!tpu.dma_semaphore, #tpu.memory_space<semaphore_mem>> -> memref<1x!tpu.dma_semaphore, #tpu.memory_space<semaphore_mem>>
    %dma_wait3A_870 = tpu.memref_squeeze %dma_wait3A_869 : memref<1x!tpu.dma_semaphore, #tpu.memory_space<semaphore_mem>> -> memref<!tpu.dma_semaphore, #tpu.memory_space<semaphore_mem>>
    %dma_wait3A_871 = arith.constant 0 : i32
    %dma_wait3A_872 = tpu.memref_slice %arg7[%dma_wait3A_863, %dma_wait3A_871] : memref<30x128xi32, #tpu.memory_space<vmem>> -> memref<1x128xi32, #tpu.memory_space<vmem>>
    %dma_wait3A_873 = tpu.memref_squeeze %dma_wait3A_872 : memref<1x128xi32, #tpu.memory_space<vmem>> -> memref<128xi32, #tpu.memory_space<vmem>>
    %dma_wait3A_874 = tpu.memref_slice %arg3[%add3A_86] : memref<100000xi32, #tpu.memory_space<hbm>> -> memref<128xi32, #tpu.memory_space<hbm>>
    tpu.wait_dma2 semaphore(%dma_wait3A_870 : memref<!tpu.dma_semaphore, #tpu.memory_space<semaphore_mem>>) src(%dma_wait3A_874 : memref<128xi32, #tpu.memory_space<hbm>>) dst(%dma_wait3A_873 : memref<128xi32, #tpu.memory_space<vmem>>)
    %dma_wait3A_875 = arith.constant 18 : i32
    %dma_wait3A_876 = arith.constant 0 : i32
    %dma_wait3A_877 = arith.constant 0 : i32
    %dma_wait3A_878 = tpu.memref_slice %arg7[%dma_wait3A_875, %dma_wait3A_877] : memref<30x128xi32, #tpu.memory_space<vmem>> -> memref<1x128xi32, #tpu.memory_space<vmem>>
    %dma_wait3A_879 = tpu.memref_squeeze %dma_wait3A_878 : memref<1x128xi32, #tpu.memory_space<vmem>> -> memref<128xi32, #tpu.memory_space<vmem>>
    %dma_wait3A_880 = tpu.memref_slice %arg3[%add3A_102] : memref<100000xi32, #tpu.memory_space<hbm>> -> memref<128xi32, #tpu.memory_space<hbm>>
    %dma_wait3A_881 = tpu.memref_slice %arg12[%dma_wait3A_876] : memref<3x!tpu.dma_semaphore, #tpu.memory_space<semaphore_mem>> -> memref<1x!tpu.dma_semaphore, #tpu.memory_space<semaphore_mem>>
    %dma_wait3A_882 = tpu.memref_squeeze %dma_wait3A_881 : memref<1x!tpu.dma_semaphore, #tpu.memory_space<semaphore_mem>> -> memref<!tpu.dma_semaphore, #tpu.memory_space<semaphore_mem>>
    %dma_wait3A_883 = arith.constant 0 : i32
    %dma_wait3A_884 = tpu.memref_slice %arg7[%dma_wait3A_875, %dma_wait3A_883] : memref<30x128xi32, #tpu.memory_space<vmem>> -> memref<1x128xi32, #tpu.memory_space<vmem>>
    %dma_wait3A_885 = tpu.memref_squeeze %dma_wait3A_884 : memref<1x128xi32, #tpu.memory_space<vmem>> -> memref<128xi32, #tpu.memory_space<vmem>>
    %dma_wait3A_886 = tpu.memref_slice %arg3[%add3A_102] : memref<100000xi32, #tpu.memory_space<hbm>> -> memref<128xi32, #tpu.memory_space<hbm>>
    tpu.wait_dma2 semaphore(%dma_wait3A_882 : memref<!tpu.dma_semaphore, #tpu.memory_space<semaphore_mem>>) src(%dma_wait3A_886 : memref<128xi32, #tpu.memory_space<hbm>>) dst(%dma_wait3A_885 : memref<128xi32, #tpu.memory_space<vmem>>)
    %dma_wait3A_887 = arith.constant 21 : i32
    %dma_wait3A_888 = arith.constant 0 : i32
    %dma_wait3A_889 = arith.constant 0 : i32
    %dma_wait3A_890 = tpu.memref_slice %arg7[%dma_wait3A_887, %dma_wait3A_889] : memref<30x128xi32, #tpu.memory_space<vmem>> -> memref<1x128xi32, #tpu.memory_space<vmem>>
    %dma_wait3A_891 = tpu.memref_squeeze %dma_wait3A_890 : memref<1x128xi32, #tpu.memory_space<vmem>> -> memref<128xi32, #tpu.memory_space<vmem>>
    %dma_wait3A_892 = tpu.memref_slice %arg3[%add3A_118] : memref<100000xi32, #tpu.memory_space<hbm>> -> memref<128xi32, #tpu.memory_space<hbm>>
    %dma_wait3A_893 = tpu.memref_slice %arg12[%dma_wait3A_888] : memref<3x!tpu.dma_semaphore, #tpu.memory_space<semaphore_mem>> -> memref<1x!tpu.dma_semaphore, #tpu.memory_space<semaphore_mem>>
    %dma_wait3A_894 = tpu.memref_squeeze %dma_wait3A_893 : memref<1x!tpu.dma_semaphore, #tpu.memory_space<semaphore_mem>> -> memref<!tpu.dma_semaphore, #tpu.memory_space<semaphore_mem>>
    %dma_wait3A_895 = arith.constant 0 : i32
    %dma_wait3A_896 = tpu.memref_slice %arg7[%dma_wait3A_887, %dma_wait3A_895] : memref<30x128xi32, #tpu.memory_space<vmem>> -> memref<1x128xi32, #tpu.memory_space<vmem>>
    %dma_wait3A_897 = tpu.memref_squeeze %dma_wait3A_896 : memref<1x128xi32, #tpu.memory_space<vmem>> -> memref<128xi32, #tpu.memory_space<vmem>>
    %dma_wait3A_898 = tpu.memref_slice %arg3[%add3A_118] : memref<100000xi32, #tpu.memory_space<hbm>> -> memref<128xi32, #tpu.memory_space<hbm>>
    tpu.wait_dma2 semaphore(%dma_wait3A_894 : memref<!tpu.dma_semaphore, #tpu.memory_space<semaphore_mem>>) src(%dma_wait3A_898 : memref<128xi32, #tpu.memory_space<hbm>>) dst(%dma_wait3A_897 : memref<128xi32, #tpu.memory_space<vmem>>)
    %dma_wait3A_899 = arith.constant 24 : i32
    %dma_wait3A_900 = arith.constant 0 : i32
    %dma_wait3A_901 = arith.constant 0 : i32
    %dma_wait3A_902 = tpu.memref_slice %arg7[%dma_wait3A_899, %dma_wait3A_901] : memref<30x128xi32, #tpu.memory_space<vmem>> -> memref<1x128xi32, #tpu.memory_space<vmem>>
    %dma_wait3A_903 = tpu.memref_squeeze %dma_wait3A_902 : memref<1x128xi32, #tpu.memory_space<vmem>> -> memref<128xi32, #tpu.memory_space<vmem>>
    %dma_wait3A_904 = tpu.memref_slice %arg3[%add3A_134] : memref<100000xi32, #tpu.memory_space<hbm>> -> memref<128xi32, #tpu.memory_space<hbm>>
    %dma_wait3A_905 = tpu.memref_slice %arg12[%dma_wait3A_900] : memref<3x!tpu.dma_semaphore, #tpu.memory_space<semaphore_mem>> -> memref<1x!tpu.dma_semaphore, #tpu.memory_space<semaphore_mem>>
    %dma_wait3A_906 = tpu.memref_squeeze %dma_wait3A_905 : memref<1x!tpu.dma_semaphore, #tpu.memory_space<semaphore_mem>> -> memref<!tpu.dma_semaphore, #tpu.memory_space<semaphore_mem>>
    %dma_wait3A_907 = arith.constant 0 : i32
    %dma_wait3A_908 = tpu.memref_slice %arg7[%dma_wait3A_899, %dma_wait3A_907] : memref<30x128xi32, #tpu.memory_space<vmem>> -> memref<1x128xi32, #tpu.memory_space<vmem>>
    %dma_wait3A_909 = tpu.memref_squeeze %dma_wait3A_908 : memref<1x128xi32, #tpu.memory_space<vmem>> -> memref<128xi32, #tpu.memory_space<vmem>>
    %dma_wait3A_910 = tpu.memref_slice %arg3[%add3A_134] : memref<100000xi32, #tpu.memory_space<hbm>> -> memref<128xi32, #tpu.memory_space<hbm>>
    tpu.wait_dma2 semaphore(%dma_wait3A_906 : memref<!tpu.dma_semaphore, #tpu.memory_space<semaphore_mem>>) src(%dma_wait3A_910 : memref<128xi32, #tpu.memory_space<hbm>>) dst(%dma_wait3A_909 : memref<128xi32, #tpu.memory_space<vmem>>)
    %dma_wait3A_911 = arith.constant 27 : i32
    %dma_wait3A_912 = arith.constant 0 : i32
    %dma_wait3A_913 = arith.constant 0 : i32
    %dma_wait3A_914 = tpu.memref_slice %arg7[%dma_wait3A_911, %dma_wait3A_913] : memref<30x128xi32, #tpu.memory_space<vmem>> -> memref<1x128xi32, #tpu.memory_space<vmem>>
    %dma_wait3A_915 = tpu.memref_squeeze %dma_wait3A_914 : memref<1x128xi32, #tpu.memory_space<vmem>> -> memref<128xi32, #tpu.memory_space<vmem>>
    %dma_wait3A_916 = tpu.memref_slice %arg3[%add3A_150] : memref<100000xi32, #tpu.memory_space<hbm>> -> memref<128xi32, #tpu.memory_space<hbm>>
    %dma_wait3A_917 = tpu.memref_slice %arg12[%dma_wait3A_912] : memref<3x!tpu.dma_semaphore, #tpu.memory_space<semaphore_mem>> -> memref<1x!tpu.dma_semaphore, #tpu.memory_space<semaphore_mem>>
    %dma_wait3A_918 = tpu.memref_squeeze %dma_wait3A_917 : memref<1x!tpu.dma_semaphore, #tpu.memory_space<semaphore_mem>> -> memref<!tpu.dma_semaphore, #tpu.memory_space<semaphore_mem>>
    %dma_wait3A_919 = arith.constant 0 : i32
    %dma_wait3A_920 = tpu.memref_slice %arg7[%dma_wait3A_911, %dma_wait3A_919] : memref<30x128xi32, #tpu.memory_space<vmem>> -> memref<1x128xi32, #tpu.memory_space<vmem>>
    %dma_wait3A_921 = tpu.memref_squeeze %dma_wait3A_920 : memref<1x128xi32, #tpu.memory_space<vmem>> -> memref<128xi32, #tpu.memory_space<vmem>>
    %dma_wait3A_922 = tpu.memref_slice %arg3[%add3A_150] : memref<100000xi32, #tpu.memory_space<hbm>> -> memref<128xi32, #tpu.memory_space<hbm>>
    tpu.wait_dma2 semaphore(%dma_wait3A_918 : memref<!tpu.dma_semaphore, #tpu.memory_space<semaphore_mem>>) src(%dma_wait3A_922 : memref<128xi32, #tpu.memory_space<hbm>>) dst(%dma_wait3A_921 : memref<128xi32, #tpu.memory_space<vmem>>)
    %dma_wait3A_923 = arith.constant 0 : i32
    %dma_wait3A_924 = arith.constant 0 : i32
    %dma_wait3A_925 = arith.constant 0 : i32
    %dma_wait3A_926 = tpu.memref_slice %arg8[%dma_wait3A_924, %dma_wait3A_925] : memref<320x128xf32, #tpu.memory_space<vmem>> -> memref<128x128xf32, #tpu.memory_space<vmem>>
    %dma_wait3A_927 = arith.constant 0 : i32
    %dma_wait3A_928 = tpu.memref_slice %arg2[%add3A_164, %dma_wait3A_927] : memref<10000x128xf32, #tpu.memory_space<hbm>> -> memref<128x128xf32, #tpu.memory_space<hbm>>
    %dma_wait3A_929 = tpu.memref_slice %arg12[%dma_wait3A_923] : memref<3x!tpu.dma_semaphore, #tpu.memory_space<semaphore_mem>> -> memref<1x!tpu.dma_semaphore, #tpu.memory_space<semaphore_mem>>
    %dma_wait3A_930 = tpu.memref_squeeze %dma_wait3A_929 : memref<1x!tpu.dma_semaphore, #tpu.memory_space<semaphore_mem>> -> memref<!tpu.dma_semaphore, #tpu.memory_space<semaphore_mem>>
    %dma_wait3A_931 = arith.constant 0 : i32
    %dma_wait3A_932 = arith.constant 0 : i32
    %dma_wait3A_933 = tpu.memref_slice %arg8[%dma_wait3A_931, %dma_wait3A_932] : memref<320x128xf32, #tpu.memory_space<vmem>> -> memref<128x128xf32, #tpu.memory_space<vmem>>
    %dma_wait3A_934 = arith.constant 0 : i32
    %dma_wait3A_935 = tpu.memref_slice %arg2[%add3A_164, %dma_wait3A_934] : memref<10000x128xf32, #tpu.memory_space<hbm>> -> memref<128x128xf32, #tpu.memory_space<hbm>>
    tpu.wait_dma2 semaphore(%dma_wait3A_930 : memref<!tpu.dma_semaphore, #tpu.memory_space<semaphore_mem>>) src(%dma_wait3A_935 : memref<128x128xf32, #tpu.memory_space<hbm>>) dst(%dma_wait3A_933 : memref<128x128xf32, #tpu.memory_space<vmem>>)
    %dma_start3A_936 = arith.constant 0 : i32
    %dma_start3A_937 = arith.constant 0 : i32
    %dma_start3A_938 = arith.constant 0 : i32
    %dma_start3A_939 = arith.constant 0 : i32
    %dma_start3A_940 = tpu.memref_slice %arg8[%dma_start3A_938, %dma_start3A_939] : memref<320x128xf32, #tpu.memory_space<vmem>> -> memref<128x128xf32, #tpu.memory_space<vmem>>
    %dma_start3A_941 = arith.constant 0 : i32
    %dma_start3A_942 = tpu.memref_slice %arg7[%dma_start3A_936, %dma_start3A_941] : memref<30x128xi32, #tpu.memory_space<vmem>> -> memref<1x128xi32, #tpu.memory_space<vmem>>
    %dma_start3A_943 = tpu.memref_squeeze %dma_start3A_942 : memref<1x128xi32, #tpu.memory_space<vmem>> -> memref<128xi32, #tpu.memory_space<vmem>>
    %dma_start3A_944 = arith.constant 0 : i32
    %dma_start3A_945 = arith.constant 0 : i32
    %dma_start3A_946 = tpu.memref_slice %arg2[%dma_start3A_944, %dma_start3A_945] : memref<10000x128xf32, #tpu.memory_space<hbm>> -> memref<10000x128xf32, #tpu.memory_space<hbm>>
    %dma_start3A_947 = tpu.memref_slice %arg13[%dma_start3A_937] : memref<3x!tpu.dma_semaphore, #tpu.memory_space<semaphore_mem>> -> memref<1x!tpu.dma_semaphore, #tpu.memory_space<semaphore_mem>>
    %dma_start3A_948 = tpu.memref_squeeze %dma_start3A_947 : memref<1x!tpu.dma_semaphore, #tpu.memory_space<semaphore_mem>> -> memref<!tpu.dma_semaphore, #tpu.memory_space<semaphore_mem>>
    tpu.enqueue_indirect_dma source(%dma_start3A_946 : memref<10000x128xf32, #tpu.memory_space<hbm>>) target(%dma_start3A_940 : memref<128x128xf32, #tpu.memory_space<vmem>>) offsets(%dma_start3A_943 : memref<128xi32, #tpu.memory_space<vmem>>) semaphore(%dma_start3A_948 : memref<!tpu.dma_semaphore, #tpu.memory_space<semaphore_mem>>) {add = true}
    %dma_start3A_949 = arith.constant 3 : i32
    %dma_start3A_950 = arith.constant 0 : i32
    %dma_start3A_951 = arith.constant 0 : i32
    %dma_start3A_952 = arith.constant 0 : i32
    %dma_start3A_953 = tpu.memref_slice %arg8[%dma_start3A_951, %dma_start3A_952] : memref<320x128xf32, #tpu.memory_space<vmem>> -> memref<128x128xf32, #tpu.memory_space<vmem>>
    %dma_start3A_954 = arith.constant 0 : i32
    %dma_start3A_955 = tpu.memref_slice %arg7[%dma_start3A_949, %dma_start3A_954] : memref<30x128xi32, #tpu.memory_space<vmem>> -> memref<1x128xi32, #tpu.memory_space<vmem>>
    %dma_start3A_956 = tpu.memref_squeeze %dma_start3A_955 : memref<1x128xi32, #tpu.memory_space<vmem>> -> memref<128xi32, #tpu.memory_space<vmem>>
    %dma_start3A_957 = arith.constant 0 : i32
    %dma_start3A_958 = arith.constant 0 : i32
    %dma_start3A_959 = tpu.memref_slice %arg2[%dma_start3A_957, %dma_start3A_958] : memref<10000x128xf32, #tpu.memory_space<hbm>> -> memref<10000x128xf32, #tpu.memory_space<hbm>>
    %dma_start3A_960 = tpu.memref_slice %arg13[%dma_start3A_950] : memref<3x!tpu.dma_semaphore, #tpu.memory_space<semaphore_mem>> -> memref<1x!tpu.dma_semaphore, #tpu.memory_space<semaphore_mem>>
    %dma_start3A_961 = tpu.memref_squeeze %dma_start3A_960 : memref<1x!tpu.dma_semaphore, #tpu.memory_space<semaphore_mem>> -> memref<!tpu.dma_semaphore, #tpu.memory_space<semaphore_mem>>
    tpu.enqueue_indirect_dma source(%dma_start3A_959 : memref<10000x128xf32, #tpu.memory_space<hbm>>) target(%dma_start3A_953 : memref<128x128xf32, #tpu.memory_space<vmem>>) offsets(%dma_start3A_956 : memref<128xi32, #tpu.memory_space<vmem>>) semaphore(%dma_start3A_961 : memref<!tpu.dma_semaphore, #tpu.memory_space<semaphore_mem>>) {add = true}
    %dma_start3A_962 = arith.constant 6 : i32
    %dma_start3A_963 = arith.constant 0 : i32
    %dma_start3A_964 = arith.constant 0 : i32
    %dma_start3A_965 = arith.constant 0 : i32
    %dma_start3A_966 = tpu.memref_slice %arg8[%dma_start3A_964, %dma_start3A_965] : memref<320x128xf32, #tpu.memory_space<vmem>> -> memref<128x128xf32, #tpu.memory_space<vmem>>
    %dma_start3A_967 = arith.constant 0 : i32
    %dma_start3A_968 = tpu.memref_slice %arg7[%dma_start3A_962, %dma_start3A_967] : memref<30x128xi32, #tpu.memory_space<vmem>> -> memref<1x128xi32, #tpu.memory_space<vmem>>
    %dma_start3A_969 = tpu.memref_squeeze %dma_start3A_968 : memref<1x128xi32, #tpu.memory_space<vmem>> -> memref<128xi32, #tpu.memory_space<vmem>>
    %dma_start3A_970 = arith.constant 0 : i32
    %dma_start3A_971 = arith.constant 0 : i32
    %dma_start3A_972 = tpu.memref_slice %arg2[%dma_start3A_970, %dma_start3A_971] : memref<10000x128xf32, #tpu.memory_space<hbm>> -> memref<10000x128xf32, #tpu.memory_space<hbm>>
    %dma_start3A_973 = tpu.memref_slice %arg13[%dma_start3A_963] : memref<3x!tpu.dma_semaphore, #tpu.memory_space<semaphore_mem>> -> memref<1x!tpu.dma_semaphore, #tpu.memory_space<semaphore_mem>>
    %dma_start3A_974 = tpu.memref_squeeze %dma_start3A_973 : memref<1x!tpu.dma_semaphore, #tpu.memory_space<semaphore_mem>> -> memref<!tpu.dma_semaphore, #tpu.memory_space<semaphore_mem>>
    tpu.enqueue_indirect_dma source(%dma_start3A_972 : memref<10000x128xf32, #tpu.memory_space<hbm>>) target(%dma_start3A_966 : memref<128x128xf32, #tpu.memory_space<vmem>>) offsets(%dma_start3A_969 : memref<128xi32, #tpu.memory_space<vmem>>) semaphore(%dma_start3A_974 : memref<!tpu.dma_semaphore, #tpu.memory_space<semaphore_mem>>) {add = true}
    %dma_start3A_975 = arith.constant 9 : i32
    %dma_start3A_976 = arith.constant 0 : i32
    %dma_start3A_977 = arith.constant 0 : i32
    %dma_start3A_978 = arith.constant 0 : i32
    %dma_start3A_979 = tpu.memref_slice %arg8[%dma_start3A_977, %dma_start3A_978] : memref<320x128xf32, #tpu.memory_space<vmem>> -> memref<128x128xf32, #tpu.memory_space<vmem>>
    %dma_start3A_980 = arith.constant 0 : i32
    %dma_start3A_981 = tpu.memref_slice %arg7[%dma_start3A_975, %dma_start3A_980] : memref<30x128xi32, #tpu.memory_space<vmem>> -> memref<1x128xi32, #tpu.memory_space<vmem>>
    %dma_start3A_982 = tpu.memref_squeeze %dma_start3A_981 : memref<1x128xi32, #tpu.memory_space<vmem>> -> memref<128xi32, #tpu.memory_space<vmem>>
    %dma_start3A_983 = arith.constant 0 : i32
    %dma_start3A_984 = arith.constant 0 : i32
    %dma_start3A_985 = tpu.memref_slice %arg2[%dma_start3A_983, %dma_start3A_984] : memref<10000x128xf32, #tpu.memory_space<hbm>> -> memref<10000x128xf32, #tpu.memory_space<hbm>>
    %dma_start3A_986 = tpu.memref_slice %arg13[%dma_start3A_976] : memref<3x!tpu.dma_semaphore, #tpu.memory_space<semaphore_mem>> -> memref<1x!tpu.dma_semaphore, #tpu.memory_space<semaphore_mem>>
    %dma_start3A_987 = tpu.memref_squeeze %dma_start3A_986 : memref<1x!tpu.dma_semaphore, #tpu.memory_space<semaphore_mem>> -> memref<!tpu.dma_semaphore, #tpu.memory_space<semaphore_mem>>
    tpu.enqueue_indirect_dma source(%dma_start3A_985 : memref<10000x128xf32, #tpu.memory_space<hbm>>) target(%dma_start3A_979 : memref<128x128xf32, #tpu.memory_space<vmem>>) offsets(%dma_start3A_982 : memref<128xi32, #tpu.memory_space<vmem>>) semaphore(%dma_start3A_987 : memref<!tpu.dma_semaphore, #tpu.memory_space<semaphore_mem>>) {add = true}
    %dma_start3A_988 = arith.constant 12 : i32
    %dma_start3A_989 = arith.constant 0 : i32
    %dma_start3A_990 = arith.constant 0 : i32
    %dma_start3A_991 = arith.constant 0 : i32
    %dma_start3A_992 = tpu.memref_slice %arg8[%dma_start3A_990, %dma_start3A_991] : memref<320x128xf32, #tpu.memory_space<vmem>> -> memref<128x128xf32, #tpu.memory_space<vmem>>
    %dma_start3A_993 = arith.constant 0 : i32
    %dma_start3A_994 = tpu.memref_slice %arg7[%dma_start3A_988, %dma_start3A_993] : memref<30x128xi32, #tpu.memory_space<vmem>> -> memref<1x128xi32, #tpu.memory_space<vmem>>
    %dma_start3A_995 = tpu.memref_squeeze %dma_start3A_994 : memref<1x128xi32, #tpu.memory_space<vmem>> -> memref<128xi32, #tpu.memory_space<vmem>>
    %dma_start3A_996 = arith.constant 0 : i32
    %dma_start3A_997 = arith.constant 0 : i32
    %dma_start3A_998 = tpu.memref_slice %arg2[%dma_start3A_996, %dma_start3A_997] : memref<10000x128xf32, #tpu.memory_space<hbm>> -> memref<10000x128xf32, #tpu.memory_space<hbm>>
    %dma_start3A_999 = tpu.memref_slice %arg13[%dma_start3A_989] : memref<3x!tpu.dma_semaphore, #tpu.memory_space<semaphore_mem>> -> memref<1x!tpu.dma_semaphore, #tpu.memory_space<semaphore_mem>>
    %dma_start3A_1000 = tpu.memref_squeeze %dma_start3A_999 : memref<1x!tpu.dma_semaphore, #tpu.memory_space<semaphore_mem>> -> memref<!tpu.dma_semaphore, #tpu.memory_space<semaphore_mem>>
    tpu.enqueue_indirect_dma source(%dma_start3A_998 : memref<10000x128xf32, #tpu.memory_space<hbm>>) target(%dma_start3A_992 : memref<128x128xf32, #tpu.memory_space<vmem>>) offsets(%dma_start3A_995 : memref<128xi32, #tpu.memory_space<vmem>>) semaphore(%dma_start3A_1000 : memref<!tpu.dma_semaphore, #tpu.memory_space<semaphore_mem>>) {add = true}
    %dma_start3A_1001 = arith.constant 15 : i32
    %dma_start3A_1002 = arith.constant 0 : i32
    %dma_start3A_1003 = arith.constant 0 : i32
    %dma_start3A_1004 = arith.constant 0 : i32
    %dma_start3A_1005 = tpu.memref_slice %arg8[%dma_start3A_1003, %dma_start3A_1004] : memref<320x128xf32, #tpu.memory_space<vmem>> -> memref<128x128xf32, #tpu.memory_space<vmem>>
    %dma_start3A_1006 = arith.constant 0 : i32
    %dma_start3A_1007 = tpu.memref_slice %arg7[%dma_start3A_1001, %dma_start3A_1006] : memref<30x128xi32, #tpu.memory_space<vmem>> -> memref<1x128xi32, #tpu.memory_space<vmem>>
    %dma_start3A_1008 = tpu.memref_squeeze %dma_start3A_1007 : memref<1x128xi32, #tpu.memory_space<vmem>> -> memref<128xi32, #tpu.memory_space<vmem>>
    %dma_start3A_1009 = arith.constant 0 : i32
    %dma_start3A_1010 = arith.constant 0 : i32
    %dma_start3A_1011 = tpu.memref_slice %arg2[%dma_start3A_1009, %dma_start3A_1010] : memref<10000x128xf32, #tpu.memory_space<hbm>> -> memref<10000x128xf32, #tpu.memory_space<hbm>>
    %dma_start3A_1012 = tpu.memref_slice %arg13[%dma_start3A_1002] : memref<3x!tpu.dma_semaphore, #tpu.memory_space<semaphore_mem>> -> memref<1x!tpu.dma_semaphore, #tpu.memory_space<semaphore_mem>>
    %dma_start3A_1013 = tpu.memref_squeeze %dma_start3A_1012 : memref<1x!tpu.dma_semaphore, #tpu.memory_space<semaphore_mem>> -> memref<!tpu.dma_semaphore, #tpu.memory_space<semaphore_mem>>
    tpu.enqueue_indirect_dma source(%dma_start3A_1011 : memref<10000x128xf32, #tpu.memory_space<hbm>>) target(%dma_start3A_1005 : memref<128x128xf32, #tpu.memory_space<vmem>>) offsets(%dma_start3A_1008 : memref<128xi32, #tpu.memory_space<vmem>>) semaphore(%dma_start3A_1013 : memref<!tpu.dma_semaphore, #tpu.memory_space<semaphore_mem>>) {add = true}
    %dma_start3A_1014 = arith.constant 18 : i32
    %dma_start3A_1015 = arith.constant 0 : i32
    %dma_start3A_1016 = arith.constant 0 : i32
    %dma_start3A_1017 = arith.constant 0 : i32
    %dma_start3A_1018 = tpu.memref_slice %arg8[%dma_start3A_1016, %dma_start3A_1017] : memref<320x128xf32, #tpu.memory_space<vmem>> -> memref<128x128xf32, #tpu.memory_space<vmem>>
    %dma_start3A_1019 = arith.constant 0 : i32
    %dma_start3A_1020 = tpu.memref_slice %arg7[%dma_start3A_1014, %dma_start3A_1019] : memref<30x128xi32, #tpu.memory_space<vmem>> -> memref<1x128xi32, #tpu.memory_space<vmem>>
    %dma_start3A_1021 = tpu.memref_squeeze %dma_start3A_1020 : memref<1x128xi32, #tpu.memory_space<vmem>> -> memref<128xi32, #tpu.memory_space<vmem>>
    %dma_start3A_1022 = arith.constant 0 : i32
    %dma_start3A_1023 = arith.constant 0 : i32
    %dma_start3A_1024 = tpu.memref_slice %arg2[%dma_start3A_1022, %dma_start3A_1023] : memref<10000x128xf32, #tpu.memory_space<hbm>> -> memref<10000x128xf32, #tpu.memory_space<hbm>>
    %dma_start3A_1025 = tpu.memref_slice %arg13[%dma_start3A_1015] : memref<3x!tpu.dma_semaphore, #tpu.memory_space<semaphore_mem>> -> memref<1x!tpu.dma_semaphore, #tpu.memory_space<semaphore_mem>>
    %dma_start3A_1026 = tpu.memref_squeeze %dma_start3A_1025 : memref<1x!tpu.dma_semaphore, #tpu.memory_space<semaphore_mem>> -> memref<!tpu.dma_semaphore, #tpu.memory_space<semaphore_mem>>
    tpu.enqueue_indirect_dma source(%dma_start3A_1024 : memref<10000x128xf32, #tpu.memory_space<hbm>>) target(%dma_start3A_1018 : memref<128x128xf32, #tpu.memory_space<vmem>>) offsets(%dma_start3A_1021 : memref<128xi32, #tpu.memory_space<vmem>>) semaphore(%dma_start3A_1026 : memref<!tpu.dma_semaphore, #tpu.memory_space<semaphore_mem>>) {add = true}
    %dma_start3A_1027 = arith.constant 21 : i32
    %dma_start3A_1028 = arith.constant 0 : i32
    %dma_start3A_1029 = arith.constant 0 : i32
    %dma_start3A_1030 = arith.constant 0 : i32
    %dma_start3A_1031 = tpu.memref_slice %arg8[%dma_start3A_1029, %dma_start3A_1030] : memref<320x128xf32, #tpu.memory_space<vmem>> -> memref<128x128xf32, #tpu.memory_space<vmem>>
    %dma_start3A_1032 = arith.constant 0 : i32
    %dma_start3A_1033 = tpu.memref_slice %arg7[%dma_start3A_1027, %dma_start3A_1032] : memref<30x128xi32, #tpu.memory_space<vmem>> -> memref<1x128xi32, #tpu.memory_space<vmem>>
    %dma_start3A_1034 = tpu.memref_squeeze %dma_start3A_1033 : memref<1x128xi32, #tpu.memory_space<vmem>> -> memref<128xi32, #tpu.memory_space<vmem>>
    %dma_start3A_1035 = arith.constant 0 : i32
    %dma_start3A_1036 = arith.constant 0 : i32
    %dma_start3A_1037 = tpu.memref_slice %arg2[%dma_start3A_1035, %dma_start3A_1036] : memref<10000x128xf32, #tpu.memory_space<hbm>> -> memref<10000x128xf32, #tpu.memory_space<hbm>>
    %dma_start3A_1038 = tpu.memref_slice %arg13[%dma_start3A_1028] : memref<3x!tpu.dma_semaphore, #tpu.memory_space<semaphore_mem>> -> memref<1x!tpu.dma_semaphore, #tpu.memory_space<semaphore_mem>>
    %dma_start3A_1039 = tpu.memref_squeeze %dma_start3A_1038 : memref<1x!tpu.dma_semaphore, #tpu.memory_space<semaphore_mem>> -> memref<!tpu.dma_semaphore, #tpu.memory_space<semaphore_mem>>
    tpu.enqueue_indirect_dma source(%dma_start3A_1037 : memref<10000x128xf32, #tpu.memory_space<hbm>>) target(%dma_start3A_1031 : memref<128x128xf32, #tpu.memory_space<vmem>>) offsets(%dma_start3A_1034 : memref<128xi32, #tpu.memory_space<vmem>>) semaphore(%dma_start3A_1039 : memref<!tpu.dma_semaphore, #tpu.memory_space<semaphore_mem>>) {add = true}
    %dma_start3A_1040 = arith.constant 24 : i32
    %dma_start3A_1041 = arith.constant 0 : i32
    %dma_start3A_1042 = arith.constant 0 : i32
    %dma_start3A_1043 = arith.constant 0 : i32
    %dma_start3A_1044 = tpu.memref_slice %arg8[%dma_start3A_1042, %dma_start3A_1043] : memref<320x128xf32, #tpu.memory_space<vmem>> -> memref<128x128xf32, #tpu.memory_space<vmem>>
    %dma_start3A_1045 = arith.constant 0 : i32
    %dma_start3A_1046 = tpu.memref_slice %arg7[%dma_start3A_1040, %dma_start3A_1045] : memref<30x128xi32, #tpu.memory_space<vmem>> -> memref<1x128xi32, #tpu.memory_space<vmem>>
    %dma_start3A_1047 = tpu.memref_squeeze %dma_start3A_1046 : memref<1x128xi32, #tpu.memory_space<vmem>> -> memref<128xi32, #tpu.memory_space<vmem>>
    %dma_start3A_1048 = arith.constant 0 : i32
    %dma_start3A_1049 = arith.constant 0 : i32
    %dma_start3A_1050 = tpu.memref_slice %arg2[%dma_start3A_1048, %dma_start3A_1049] : memref<10000x128xf32, #tpu.memory_space<hbm>> -> memref<10000x128xf32, #tpu.memory_space<hbm>>
    %dma_start3A_1051 = tpu.memref_slice %arg13[%dma_start3A_1041] : memref<3x!tpu.dma_semaphore, #tpu.memory_space<semaphore_mem>> -> memref<1x!tpu.dma_semaphore, #tpu.memory_space<semaphore_mem>>
    %dma_start3A_1052 = tpu.memref_squeeze %dma_start3A_1051 : memref<1x!tpu.dma_semaphore, #tpu.memory_space<semaphore_mem>> -> memref<!tpu.dma_semaphore, #tpu.memory_space<semaphore_mem>>
    tpu.enqueue_indirect_dma source(%dma_start3A_1050 : memref<10000x128xf32, #tpu.memory_space<hbm>>) target(%dma_start3A_1044 : memref<128x128xf32, #tpu.memory_space<vmem>>) offsets(%dma_start3A_1047 : memref<128xi32, #tpu.memory_space<vmem>>) semaphore(%dma_start3A_1052 : memref<!tpu.dma_semaphore, #tpu.memory_space<semaphore_mem>>) {add = true}
    %dma_start3A_1053 = arith.constant 27 : i32
    %dma_start3A_1054 = arith.constant 0 : i32
    %dma_start3A_1055 = arith.constant 0 : i32
    %dma_start3A_1056 = arith.constant 0 : i32
    %dma_start3A_1057 = tpu.memref_slice %arg8[%dma_start3A_1055, %dma_start3A_1056] : memref<320x128xf32, #tpu.memory_space<vmem>> -> memref<128x128xf32, #tpu.memory_space<vmem>>
    %dma_start3A_1058 = arith.constant 0 : i32
    %dma_start3A_1059 = tpu.memref_slice %arg7[%dma_start3A_1053, %dma_start3A_1058] : memref<30x128xi32, #tpu.memory_space<vmem>> -> memref<1x128xi32, #tpu.memory_space<vmem>>
    %dma_start3A_1060 = tpu.memref_squeeze %dma_start3A_1059 : memref<1x128xi32, #tpu.memory_space<vmem>> -> memref<128xi32, #tpu.memory_space<vmem>>
    %dma_start3A_1061 = arith.constant 0 : i32
    %dma_start3A_1062 = arith.constant 0 : i32
    %dma_start3A_1063 = tpu.memref_slice %arg2[%dma_start3A_1061, %dma_start3A_1062] : memref<10000x128xf32, #tpu.memory_space<hbm>> -> memref<10000x128xf32, #tpu.memory_space<hbm>>
    %dma_start3A_1064 = tpu.memref_slice %arg13[%dma_start3A_1054] : memref<3x!tpu.dma_semaphore, #tpu.memory_space<semaphore_mem>> -> memref<1x!tpu.dma_semaphore, #tpu.memory_space<semaphore_mem>>
    %dma_start3A_1065 = tpu.memref_squeeze %dma_start3A_1064 : memref<1x!tpu.dma_semaphore, #tpu.memory_space<semaphore_mem>> -> memref<!tpu.dma_semaphore, #tpu.memory_space<semaphore_mem>>
    tpu.enqueue_indirect_dma source(%dma_start3A_1063 : memref<10000x128xf32, #tpu.memory_space<hbm>>) target(%dma_start3A_1057 : memref<128x128xf32, #tpu.memory_space<vmem>>) offsets(%dma_start3A_1060 : memref<128xi32, #tpu.memory_space<vmem>>) semaphore(%dma_start3A_1065 : memref<!tpu.dma_semaphore, #tpu.memory_space<semaphore_mem>>) {add = true}
    %dma_wait3A_1066 = arith.constant 1 : i32
    %dma_wait3A_1067 = arith.constant 1 : i32
    %dma_wait3A_1068 = arith.constant 0 : i32
    %dma_wait3A_1069 = tpu.memref_slice %arg7[%dma_wait3A_1066, %dma_wait3A_1068] : memref<30x128xi32, #tpu.memory_space<vmem>> -> memref<1x128xi32, #tpu.memory_space<vmem>>
    %dma_wait3A_1070 = tpu.memref_squeeze %dma_wait3A_1069 : memref<1x128xi32, #tpu.memory_space<vmem>> -> memref<128xi32, #tpu.memory_space<vmem>>
    %dma_wait3A_1071 = tpu.memref_slice %arg3[%add3A_181] : memref<100000xi32, #tpu.memory_space<hbm>> -> memref<128xi32, #tpu.memory_space<hbm>>
    %dma_wait3A_1072 = tpu.memref_slice %arg12[%dma_wait3A_1067] : memref<3x!tpu.dma_semaphore, #tpu.memory_space<semaphore_mem>> -> memref<1x!tpu.dma_semaphore, #tpu.memory_space<semaphore_mem>>
    %dma_wait3A_1073 = tpu.memref_squeeze %dma_wait3A_1072 : memref<1x!tpu.dma_semaphore, #tpu.memory_space<semaphore_mem>> -> memref<!tpu.dma_semaphore, #tpu.memory_space<semaphore_mem>>
    %dma_wait3A_1074 = arith.constant 0 : i32
    %dma_wait3A_1075 = tpu.memref_slice %arg7[%dma_wait3A_1066, %dma_wait3A_1074] : memref<30x128xi32, #tpu.memory_space<vmem>> -> memref<1x128xi32, #tpu.memory_space<vmem>>
    %dma_wait3A_1076 = tpu.memref_squeeze %dma_wait3A_1075 : memref<1x128xi32, #tpu.memory_space<vmem>> -> memref<128xi32, #tpu.memory_space<vmem>>
    %dma_wait3A_1077 = tpu.memref_slice %arg3[%add3A_181] : memref<100000xi32, #tpu.memory_space<hbm>> -> memref<128xi32, #tpu.memory_space<hbm>>
    tpu.wait_dma2 semaphore(%dma_wait3A_1073 : memref<!tpu.dma_semaphore, #tpu.memory_space<semaphore_mem>>) src(%dma_wait3A_1077 : memref<128xi32, #tpu.memory_space<hbm>>) dst(%dma_wait3A_1076 : memref<128xi32, #tpu.memory_space<vmem>>)
    %dma_wait3A_1078 = arith.constant 4 : i32
    %dma_wait3A_1079 = arith.constant 1 : i32
    %dma_wait3A_1080 = arith.constant 0 : i32
    %dma_wait3A_1081 = tpu.memref_slice %arg7[%dma_wait3A_1078, %dma_wait3A_1080] : memref<30x128xi32, #tpu.memory_space<vmem>> -> memref<1x128xi32, #tpu.memory_space<vmem>>
    %dma_wait3A_1082 = tpu.memref_squeeze %dma_wait3A_1081 : memref<1x128xi32, #tpu.memory_space<vmem>> -> memref<128xi32, #tpu.memory_space<vmem>>
    %dma_wait3A_1083 = tpu.memref_slice %arg3[%add3A_197] : memref<100000xi32, #tpu.memory_space<hbm>> -> memref<128xi32, #tpu.memory_space<hbm>>
    %dma_wait3A_1084 = tpu.memref_slice %arg12[%dma_wait3A_1079] : memref<3x!tpu.dma_semaphore, #tpu.memory_space<semaphore_mem>> -> memref<1x!tpu.dma_semaphore, #tpu.memory_space<semaphore_mem>>
    %dma_wait3A_1085 = tpu.memref_squeeze %dma_wait3A_1084 : memref<1x!tpu.dma_semaphore, #tpu.memory_space<semaphore_mem>> -> memref<!tpu.dma_semaphore, #tpu.memory_space<semaphore_mem>>
    %dma_wait3A_1086 = arith.constant 0 : i32
    %dma_wait3A_1087 = tpu.memref_slice %arg7[%dma_wait3A_1078, %dma_wait3A_1086] : memref<30x128xi32, #tpu.memory_space<vmem>> -> memref<1x128xi32, #tpu.memory_space<vmem>>
    %dma_wait3A_1088 = tpu.memref_squeeze %dma_wait3A_1087 : memref<1x128xi32, #tpu.memory_space<vmem>> -> memref<128xi32, #tpu.memory_space<vmem>>
    %dma_wait3A_1089 = tpu.memref_slice %arg3[%add3A_197] : memref<100000xi32, #tpu.memory_space<hbm>> -> memref<128xi32, #tpu.memory_space<hbm>>
    tpu.wait_dma2 semaphore(%dma_wait3A_1085 : memref<!tpu.dma_semaphore, #tpu.memory_space<semaphore_mem>>) src(%dma_wait3A_1089 : memref<128xi32, #tpu.memory_space<hbm>>) dst(%dma_wait3A_1088 : memref<128xi32, #tpu.memory_space<vmem>>)
    %dma_wait3A_1090 = arith.constant 7 : i32
    %dma_wait3A_1091 = arith.constant 1 : i32
    %dma_wait3A_1092 = arith.constant 0 : i32
    %dma_wait3A_1093 = tpu.memref_slice %arg7[%dma_wait3A_1090, %dma_wait3A_1092] : memref<30x128xi32, #tpu.memory_space<vmem>> -> memref<1x128xi32, #tpu.memory_space<vmem>>
    %dma_wait3A_1094 = tpu.memref_squeeze %dma_wait3A_1093 : memref<1x128xi32, #tpu.memory_space<vmem>> -> memref<128xi32, #tpu.memory_space<vmem>>
    %dma_wait3A_1095 = tpu.memref_slice %arg3[%add3A_213] : memref<100000xi32, #tpu.memory_space<hbm>> -> memref<128xi32, #tpu.memory_space<hbm>>
    %dma_wait3A_1096 = tpu.memref_slice %arg12[%dma_wait3A_1091] : memref<3x!tpu.dma_semaphore, #tpu.memory_space<semaphore_mem>> -> memref<1x!tpu.dma_semaphore, #tpu.memory_space<semaphore_mem>>
    %dma_wait3A_1097 = tpu.memref_squeeze %dma_wait3A_1096 : memref<1x!tpu.dma_semaphore, #tpu.memory_space<semaphore_mem>> -> memref<!tpu.dma_semaphore, #tpu.memory_space<semaphore_mem>>
    %dma_wait3A_1098 = arith.constant 0 : i32
    %dma_wait3A_1099 = tpu.memref_slice %arg7[%dma_wait3A_1090, %dma_wait3A_1098] : memref<30x128xi32, #tpu.memory_space<vmem>> -> memref<1x128xi32, #tpu.memory_space<vmem>>
    %dma_wait3A_1100 = tpu.memref_squeeze %dma_wait3A_1099 : memref<1x128xi32, #tpu.memory_space<vmem>> -> memref<128xi32, #tpu.memory_space<vmem>>
    %dma_wait3A_1101 = tpu.memref_slice %arg3[%add3A_213] : memref<100000xi32, #tpu.memory_space<hbm>> -> memref<128xi32, #tpu.memory_space<hbm>>
    tpu.wait_dma2 semaphore(%dma_wait3A_1097 : memref<!tpu.dma_semaphore, #tpu.memory_space<semaphore_mem>>) src(%dma_wait3A_1101 : memref<128xi32, #tpu.memory_space<hbm>>) dst(%dma_wait3A_1100 : memref<128xi32, #tpu.memory_space<vmem>>)
    %dma_wait3A_1102 = arith.constant 10 : i32
    %dma_wait3A_1103 = arith.constant 1 : i32
    %dma_wait3A_1104 = arith.constant 0 : i32
    %dma_wait3A_1105 = tpu.memref_slice %arg7[%dma_wait3A_1102, %dma_wait3A_1104] : memref<30x128xi32, #tpu.memory_space<vmem>> -> memref<1x128xi32, #tpu.memory_space<vmem>>
    %dma_wait3A_1106 = tpu.memref_squeeze %dma_wait3A_1105 : memref<1x128xi32, #tpu.memory_space<vmem>> -> memref<128xi32, #tpu.memory_space<vmem>>
    %dma_wait3A_1107 = tpu.memref_slice %arg3[%add3A_229] : memref<100000xi32, #tpu.memory_space<hbm>> -> memref<128xi32, #tpu.memory_space<hbm>>
    %dma_wait3A_1108 = tpu.memref_slice %arg12[%dma_wait3A_1103] : memref<3x!tpu.dma_semaphore, #tpu.memory_space<semaphore_mem>> -> memref<1x!tpu.dma_semaphore, #tpu.memory_space<semaphore_mem>>
    %dma_wait3A_1109 = tpu.memref_squeeze %dma_wait3A_1108 : memref<1x!tpu.dma_semaphore, #tpu.memory_space<semaphore_mem>> -> memref<!tpu.dma_semaphore, #tpu.memory_space<semaphore_mem>>
    %dma_wait3A_1110 = arith.constant 0 : i32
    %dma_wait3A_1111 = tpu.memref_slice %arg7[%dma_wait3A_1102, %dma_wait3A_1110] : memref<30x128xi32, #tpu.memory_space<vmem>> -> memref<1x128xi32, #tpu.memory_space<vmem>>
    %dma_wait3A_1112 = tpu.memref_squeeze %dma_wait3A_1111 : memref<1x128xi32, #tpu.memory_space<vmem>> -> memref<128xi32, #tpu.memory_space<vmem>>
    %dma_wait3A_1113 = tpu.memref_slice %arg3[%add3A_229] : memref<100000xi32, #tpu.memory_space<hbm>> -> memref<128xi32, #tpu.memory_space<hbm>>
    tpu.wait_dma2 semaphore(%dma_wait3A_1109 : memref<!tpu.dma_semaphore, #tpu.memory_space<semaphore_mem>>) src(%dma_wait3A_1113 : memref<128xi32, #tpu.memory_space<hbm>>) dst(%dma_wait3A_1112 : memref<128xi32, #tpu.memory_space<vmem>>)
    %dma_wait3A_1114 = arith.constant 13 : i32
    %dma_wait3A_1115 = arith.constant 1 : i32
    %dma_wait3A_1116 = arith.constant 0 : i32
    %dma_wait3A_1117 = tpu.memref_slice %arg7[%dma_wait3A_1114, %dma_wait3A_1116] : memref<30x128xi32, #tpu.memory_space<vmem>> -> memref<1x128xi32, #tpu.memory_space<vmem>>
    %dma_wait3A_1118 = tpu.memref_squeeze %dma_wait3A_1117 : memref<1x128xi32, #tpu.memory_space<vmem>> -> memref<128xi32, #tpu.memory_space<vmem>>
    %dma_wait3A_1119 = tpu.memref_slice %arg3[%add3A_245] : memref<100000xi32, #tpu.memory_space<hbm>> -> memref<128xi32, #tpu.memory_space<hbm>>
    %dma_wait3A_1120 = tpu.memref_slice %arg12[%dma_wait3A_1115] : memref<3x!tpu.dma_semaphore, #tpu.memory_space<semaphore_mem>> -> memref<1x!tpu.dma_semaphore, #tpu.memory_space<semaphore_mem>>
    %dma_wait3A_1121 = tpu.memref_squeeze %dma_wait3A_1120 : memref<1x!tpu.dma_semaphore, #tpu.memory_space<semaphore_mem>> -> memref<!tpu.dma_semaphore, #tpu.memory_space<semaphore_mem>>
    %dma_wait3A_1122 = arith.constant 0 : i32
    %dma_wait3A_1123 = tpu.memref_slice %arg7[%dma_wait3A_1114, %dma_wait3A_1122] : memref<30x128xi32, #tpu.memory_space<vmem>> -> memref<1x128xi32, #tpu.memory_space<vmem>>
    %dma_wait3A_1124 = tpu.memref_squeeze %dma_wait3A_1123 : memref<1x128xi32, #tpu.memory_space<vmem>> -> memref<128xi32, #tpu.memory_space<vmem>>
    %dma_wait3A_1125 = tpu.memref_slice %arg3[%add3A_245] : memref<100000xi32, #tpu.memory_space<hbm>> -> memref<128xi32, #tpu.memory_space<hbm>>
    tpu.wait_dma2 semaphore(%dma_wait3A_1121 : memref<!tpu.dma_semaphore, #tpu.memory_space<semaphore_mem>>) src(%dma_wait3A_1125 : memref<128xi32, #tpu.memory_space<hbm>>) dst(%dma_wait3A_1124 : memref<128xi32, #tpu.memory_space<vmem>>)
    %dma_wait3A_1126 = arith.constant 16 : i32
    %dma_wait3A_1127 = arith.constant 1 : i32
    %dma_wait3A_1128 = arith.constant 0 : i32
    %dma_wait3A_1129 = tpu.memref_slice %arg7[%dma_wait3A_1126, %dma_wait3A_1128] : memref<30x128xi32, #tpu.memory_space<vmem>> -> memref<1x128xi32, #tpu.memory_space<vmem>>
    %dma_wait3A_1130 = tpu.memref_squeeze %dma_wait3A_1129 : memref<1x128xi32, #tpu.memory_space<vmem>> -> memref<128xi32, #tpu.memory_space<vmem>>
    %dma_wait3A_1131 = tpu.memref_slice %arg3[%add3A_261] : memref<100000xi32, #tpu.memory_space<hbm>> -> memref<128xi32, #tpu.memory_space<hbm>>
    %dma_wait3A_1132 = tpu.memref_slice %arg12[%dma_wait3A_1127] : memref<3x!tpu.dma_semaphore, #tpu.memory_space<semaphore_mem>> -> memref<1x!tpu.dma_semaphore, #tpu.memory_space<semaphore_mem>>
    %dma_wait3A_1133 = tpu.memref_squeeze %dma_wait3A_1132 : memref<1x!tpu.dma_semaphore, #tpu.memory_space<semaphore_mem>> -> memref<!tpu.dma_semaphore, #tpu.memory_space<semaphore_mem>>
    %dma_wait3A_1134 = arith.constant 0 : i32
    %dma_wait3A_1135 = tpu.memref_slice %arg7[%dma_wait3A_1126, %dma_wait3A_1134] : memref<30x128xi32, #tpu.memory_space<vmem>> -> memref<1x128xi32, #tpu.memory_space<vmem>>
    %dma_wait3A_1136 = tpu.memref_squeeze %dma_wait3A_1135 : memref<1x128xi32, #tpu.memory_space<vmem>> -> memref<128xi32, #tpu.memory_space<vmem>>
    %dma_wait3A_1137 = tpu.memref_slice %arg3[%add3A_261] : memref<100000xi32, #tpu.memory_space<hbm>> -> memref<128xi32, #tpu.memory_space<hbm>>
    tpu.wait_dma2 semaphore(%dma_wait3A_1133 : memref<!tpu.dma_semaphore, #tpu.memory_space<semaphore_mem>>) src(%dma_wait3A_1137 : memref<128xi32, #tpu.memory_space<hbm>>) dst(%dma_wait3A_1136 : memref<128xi32, #tpu.memory_space<vmem>>)
    %dma_wait3A_1138 = arith.constant 19 : i32
    %dma_wait3A_1139 = arith.constant 1 : i32
    %dma_wait3A_1140 = arith.constant 0 : i32
    %dma_wait3A_1141 = tpu.memref_slice %arg7[%dma_wait3A_1138, %dma_wait3A_1140] : memref<30x128xi32, #tpu.memory_space<vmem>> -> memref<1x128xi32, #tpu.memory_space<vmem>>
    %dma_wait3A_1142 = tpu.memref_squeeze %dma_wait3A_1141 : memref<1x128xi32, #tpu.memory_space<vmem>> -> memref<128xi32, #tpu.memory_space<vmem>>
    %dma_wait3A_1143 = tpu.memref_slice %arg3[%add3A_277] : memref<100000xi32, #tpu.memory_space<hbm>> -> memref<128xi32, #tpu.memory_space<hbm>>
    %dma_wait3A_1144 = tpu.memref_slice %arg12[%dma_wait3A_1139] : memref<3x!tpu.dma_semaphore, #tpu.memory_space<semaphore_mem>> -> memref<1x!tpu.dma_semaphore, #tpu.memory_space<semaphore_mem>>
    %dma_wait3A_1145 = tpu.memref_squeeze %dma_wait3A_1144 : memref<1x!tpu.dma_semaphore, #tpu.memory_space<semaphore_mem>> -> memref<!tpu.dma_semaphore, #tpu.memory_space<semaphore_mem>>
    %dma_wait3A_1146 = arith.constant 0 : i32
    %dma_wait3A_1147 = tpu.memref_slice %arg7[%dma_wait3A_1138, %dma_wait3A_1146] : memref<30x128xi32, #tpu.memory_space<vmem>> -> memref<1x128xi32, #tpu.memory_space<vmem>>
    %dma_wait3A_1148 = tpu.memref_squeeze %dma_wait3A_1147 : memref<1x128xi32, #tpu.memory_space<vmem>> -> memref<128xi32, #tpu.memory_space<vmem>>
    %dma_wait3A_1149 = tpu.memref_slice %arg3[%add3A_277] : memref<100000xi32, #tpu.memory_space<hbm>> -> memref<128xi32, #tpu.memory_space<hbm>>
    tpu.wait_dma2 semaphore(%dma_wait3A_1145 : memref<!tpu.dma_semaphore, #tpu.memory_space<semaphore_mem>>) src(%dma_wait3A_1149 : memref<128xi32, #tpu.memory_space<hbm>>) dst(%dma_wait3A_1148 : memref<128xi32, #tpu.memory_space<vmem>>)
    %dma_wait3A_1150 = arith.constant 22 : i32
    %dma_wait3A_1151 = arith.constant 1 : i32
    %dma_wait3A_1152 = arith.constant 0 : i32
    %dma_wait3A_1153 = tpu.memref_slice %arg7[%dma_wait3A_1150, %dma_wait3A_1152] : memref<30x128xi32, #tpu.memory_space<vmem>> -> memref<1x128xi32, #tpu.memory_space<vmem>>
    %dma_wait3A_1154 = tpu.memref_squeeze %dma_wait3A_1153 : memref<1x128xi32, #tpu.memory_space<vmem>> -> memref<128xi32, #tpu.memory_space<vmem>>
    %dma_wait3A_1155 = tpu.memref_slice %arg3[%add3A_293] : memref<100000xi32, #tpu.memory_space<hbm>> -> memref<128xi32, #tpu.memory_space<hbm>>
    %dma_wait3A_1156 = tpu.memref_slice %arg12[%dma_wait3A_1151] : memref<3x!tpu.dma_semaphore, #tpu.memory_space<semaphore_mem>> -> memref<1x!tpu.dma_semaphore, #tpu.memory_space<semaphore_mem>>
    %dma_wait3A_1157 = tpu.memref_squeeze %dma_wait3A_1156 : memref<1x!tpu.dma_semaphore, #tpu.memory_space<semaphore_mem>> -> memref<!tpu.dma_semaphore, #tpu.memory_space<semaphore_mem>>
    %dma_wait3A_1158 = arith.constant 0 : i32
    %dma_wait3A_1159 = tpu.memref_slice %arg7[%dma_wait3A_1150, %dma_wait3A_1158] : memref<30x128xi32, #tpu.memory_space<vmem>> -> memref<1x128xi32, #tpu.memory_space<vmem>>
    %dma_wait3A_1160 = tpu.memref_squeeze %dma_wait3A_1159 : memref<1x128xi32, #tpu.memory_space<vmem>> -> memref<128xi32, #tpu.memory_space<vmem>>
    %dma_wait3A_1161 = tpu.memref_slice %arg3[%add3A_293] : memref<100000xi32, #tpu.memory_space<hbm>> -> memref<128xi32, #tpu.memory_space<hbm>>
    tpu.wait_dma2 semaphore(%dma_wait3A_1157 : memref<!tpu.dma_semaphore, #tpu.memory_space<semaphore_mem>>) src(%dma_wait3A_1161 : memref<128xi32, #tpu.memory_space<hbm>>) dst(%dma_wait3A_1160 : memref<128xi32, #tpu.memory_space<vmem>>)
    %dma_wait3A_1162 = arith.constant 25 : i32
    %dma_wait3A_1163 = arith.constant 1 : i32
    %dma_wait3A_1164 = arith.constant 0 : i32
    %dma_wait3A_1165 = tpu.memref_slice %arg7[%dma_wait3A_1162, %dma_wait3A_1164] : memref<30x128xi32, #tpu.memory_space<vmem>> -> memref<1x128xi32, #tpu.memory_space<vmem>>
    %dma_wait3A_1166 = tpu.memref_squeeze %dma_wait3A_1165 : memref<1x128xi32, #tpu.memory_space<vmem>> -> memref<128xi32, #tpu.memory_space<vmem>>
    %dma_wait3A_1167 = tpu.memref_slice %arg3[%add3A_309] : memref<100000xi32, #tpu.memory_space<hbm>> -> memref<128xi32, #tpu.memory_space<hbm>>
    %dma_wait3A_1168 = tpu.memref_slice %arg12[%dma_wait3A_1163] : memref<3x!tpu.dma_semaphore, #tpu.memory_space<semaphore_mem>> -> memref<1x!tpu.dma_semaphore, #tpu.memory_space<semaphore_mem>>
    %dma_wait3A_1169 = tpu.memref_squeeze %dma_wait3A_1168 : memref<1x!tpu.dma_semaphore, #tpu.memory_space<semaphore_mem>> -> memref<!tpu.dma_semaphore, #tpu.memory_space<semaphore_mem>>
    %dma_wait3A_1170 = arith.constant 0 : i32
    %dma_wait3A_1171 = tpu.memref_slice %arg7[%dma_wait3A_1162, %dma_wait3A_1170] : memref<30x128xi32, #tpu.memory_space<vmem>> -> memref<1x128xi32, #tpu.memory_space<vmem>>
    %dma_wait3A_1172 = tpu.memref_squeeze %dma_wait3A_1171 : memref<1x128xi32, #tpu.memory_space<vmem>> -> memref<128xi32, #tpu.memory_space<vmem>>
    %dma_wait3A_1173 = tpu.memref_slice %arg3[%add3A_309] : memref<100000xi32, #tpu.memory_space<hbm>> -> memref<128xi32, #tpu.memory_space<hbm>>
    tpu.wait_dma2 semaphore(%dma_wait3A_1169 : memref<!tpu.dma_semaphore, #tpu.memory_space<semaphore_mem>>) src(%dma_wait3A_1173 : memref<128xi32, #tpu.memory_space<hbm>>) dst(%dma_wait3A_1172 : memref<128xi32, #tpu.memory_space<vmem>>)
    %dma_wait3A_1174 = arith.constant 28 : i32
    %dma_wait3A_1175 = arith.constant 1 : i32
    %dma_wait3A_1176 = arith.constant 0 : i32
    %dma_wait3A_1177 = tpu.memref_slice %arg7[%dma_wait3A_1174, %dma_wait3A_1176] : memref<30x128xi32, #tpu.memory_space<vmem>> -> memref<1x128xi32, #tpu.memory_space<vmem>>
    %dma_wait3A_1178 = tpu.memref_squeeze %dma_wait3A_1177 : memref<1x128xi32, #tpu.memory_space<vmem>> -> memref<128xi32, #tpu.memory_space<vmem>>
    %dma_wait3A_1179 = tpu.memref_slice %arg3[%add3A_325] : memref<100000xi32, #tpu.memory_space<hbm>> -> memref<128xi32, #tpu.memory_space<hbm>>
    %dma_wait3A_1180 = tpu.memref_slice %arg12[%dma_wait3A_1175] : memref<3x!tpu.dma_semaphore, #tpu.memory_space<semaphore_mem>> -> memref<1x!tpu.dma_semaphore, #tpu.memory_space<semaphore_mem>>
    %dma_wait3A_1181 = tpu.memref_squeeze %dma_wait3A_1180 : memref<1x!tpu.dma_semaphore, #tpu.memory_space<semaphore_mem>> -> memref<!tpu.dma_semaphore, #tpu.memory_space<semaphore_mem>>
    %dma_wait3A_1182 = arith.constant 0 : i32
    %dma_wait3A_1183 = tpu.memref_slice %arg7[%dma_wait3A_1174, %dma_wait3A_1182] : memref<30x128xi32, #tpu.memory_space<vmem>> -> memref<1x128xi32, #tpu.memory_space<vmem>>
    %dma_wait3A_1184 = tpu.memref_squeeze %dma_wait3A_1183 : memref<1x128xi32, #tpu.memory_space<vmem>> -> memref<128xi32, #tpu.memory_space<vmem>>
    %dma_wait3A_1185 = tpu.memref_slice %arg3[%add3A_325] : memref<100000xi32, #tpu.memory_space<hbm>> -> memref<128xi32, #tpu.memory_space<hbm>>
    tpu.wait_dma2 semaphore(%dma_wait3A_1181 : memref<!tpu.dma_semaphore, #tpu.memory_space<semaphore_mem>>) src(%dma_wait3A_1185 : memref<128xi32, #tpu.memory_space<hbm>>) dst(%dma_wait3A_1184 : memref<128xi32, #tpu.memory_space<vmem>>)
    %dma_wait3A_1186 = arith.constant 1 : i32
    %dma_wait3A_1187 = arith.constant 128 : i32
    %dma_wait3A_1188 = arith.constant 0 : i32
    %dma_wait3A_1189 = tpu.memref_slice %arg8[%dma_wait3A_1187, %dma_wait3A_1188] : memref<320x128xf32, #tpu.memory_space<vmem>> -> memref<128x128xf32, #tpu.memory_space<vmem>>
    %dma_wait3A_1190 = arith.constant 0 : i32
    %dma_wait3A_1191 = tpu.memref_slice %arg2[%add3A_339, %dma_wait3A_1190] : memref<10000x128xf32, #tpu.memory_space<hbm>> -> memref<128x128xf32, #tpu.memory_space<hbm>>
    %dma_wait3A_1192 = tpu.memref_slice %arg12[%dma_wait3A_1186] : memref<3x!tpu.dma_semaphore, #tpu.memory_space<semaphore_mem>> -> memref<1x!tpu.dma_semaphore, #tpu.memory_space<semaphore_mem>>
    %dma_wait3A_1193 = tpu.memref_squeeze %dma_wait3A_1192 : memref<1x!tpu.dma_semaphore, #tpu.memory_space<semaphore_mem>> -> memref<!tpu.dma_semaphore, #tpu.memory_space<semaphore_mem>>
    %dma_wait3A_1194 = arith.constant 128 : i32
    %dma_wait3A_1195 = arith.constant 0 : i32
    %dma_wait3A_1196 = tpu.memref_slice %arg8[%dma_wait3A_1194, %dma_wait3A_1195] : memref<320x128xf32, #tpu.memory_space<vmem>> -> memref<128x128xf32, #tpu.memory_space<vmem>>
    %dma_wait3A_1197 = arith.constant 0 : i32
    %dma_wait3A_1198 = tpu.memref_slice %arg2[%add3A_339, %dma_wait3A_1197] : memref<10000x128xf32, #tpu.memory_space<hbm>> -> memref<128x128xf32, #tpu.memory_space<hbm>>
    tpu.wait_dma2 semaphore(%dma_wait3A_1193 : memref<!tpu.dma_semaphore, #tpu.memory_space<semaphore_mem>>) src(%dma_wait3A_1198 : memref<128x128xf32, #tpu.memory_space<hbm>>) dst(%dma_wait3A_1196 : memref<128x128xf32, #tpu.memory_space<vmem>>)
    %dma_start3A_1199 = arith.constant 1 : i32
    %dma_start3A_1200 = arith.constant 1 : i32
    %dma_start3A_1201 = arith.constant 128 : i32
    %dma_start3A_1202 = arith.constant 0 : i32
    %dma_start3A_1203 = tpu.memref_slice %arg8[%dma_start3A_1201, %dma_start3A_1202] : memref<320x128xf32, #tpu.memory_space<vmem>> -> memref<128x128xf32, #tpu.memory_space<vmem>>
    %dma_start3A_1204 = arith.constant 0 : i32
    %dma_start3A_1205 = tpu.memref_slice %arg7[%dma_start3A_1199, %dma_start3A_1204] : memref<30x128xi32, #tpu.memory_space<vmem>> -> memref<1x128xi32, #tpu.memory_space<vmem>>
    %dma_start3A_1206 = tpu.memref_squeeze %dma_start3A_1205 : memref<1x128xi32, #tpu.memory_space<vmem>> -> memref<128xi32, #tpu.memory_space<vmem>>
    %dma_start3A_1207 = arith.constant 0 : i32
    %dma_start3A_1208 = arith.constant 0 : i32
    %dma_start3A_1209 = tpu.memref_slice %arg2[%dma_start3A_1207, %dma_start3A_1208] : memref<10000x128xf32, #tpu.memory_space<hbm>> -> memref<10000x128xf32, #tpu.memory_space<hbm>>
    %dma_start3A_1210 = tpu.memref_slice %arg13[%dma_start3A_1200] : memref<3x!tpu.dma_semaphore, #tpu.memory_space<semaphore_mem>> -> memref<1x!tpu.dma_semaphore, #tpu.memory_space<semaphore_mem>>
    %dma_start3A_1211 = tpu.memref_squeeze %dma_start3A_1210 : memref<1x!tpu.dma_semaphore, #tpu.memory_space<semaphore_mem>> -> memref<!tpu.dma_semaphore, #tpu.memory_space<semaphore_mem>>
    tpu.enqueue_indirect_dma source(%dma_start3A_1209 : memref<10000x128xf32, #tpu.memory_space<hbm>>) target(%dma_start3A_1203 : memref<128x128xf32, #tpu.memory_space<vmem>>) offsets(%dma_start3A_1206 : memref<128xi32, #tpu.memory_space<vmem>>) semaphore(%dma_start3A_1211 : memref<!tpu.dma_semaphore, #tpu.memory_space<semaphore_mem>>) {add = true}
    %dma_start3A_1212 = arith.constant 4 : i32
    %dma_start3A_1213 = arith.constant 1 : i32
    %dma_start3A_1214 = arith.constant 128 : i32
    %dma_start3A_1215 = arith.constant 0 : i32
    %dma_start3A_1216 = tpu.memref_slice %arg8[%dma_start3A_1214, %dma_start3A_1215] : memref<320x128xf32, #tpu.memory_space<vmem>> -> memref<128x128xf32, #tpu.memory_space<vmem>>
    %dma_start3A_1217 = arith.constant 0 : i32
    %dma_start3A_1218 = tpu.memref_slice %arg7[%dma_start3A_1212, %dma_start3A_1217] : memref<30x128xi32, #tpu.memory_space<vmem>> -> memref<1x128xi32, #tpu.memory_space<vmem>>
    %dma_start3A_1219 = tpu.memref_squeeze %dma_start3A_1218 : memref<1x128xi32, #tpu.memory_space<vmem>> -> memref<128xi32, #tpu.memory_space<vmem>>
    %dma_start3A_1220 = arith.constant 0 : i32
    %dma_start3A_1221 = arith.constant 0 : i32
    %dma_start3A_1222 = tpu.memref_slice %arg2[%dma_start3A_1220, %dma_start3A_1221] : memref<10000x128xf32, #tpu.memory_space<hbm>> -> memref<10000x128xf32, #tpu.memory_space<hbm>>
    %dma_start3A_1223 = tpu.memref_slice %arg13[%dma_start3A_1213] : memref<3x!tpu.dma_semaphore, #tpu.memory_space<semaphore_mem>> -> memref<1x!tpu.dma_semaphore, #tpu.memory_space<semaphore_mem>>
    %dma_start3A_1224 = tpu.memref_squeeze %dma_start3A_1223 : memref<1x!tpu.dma_semaphore, #tpu.memory_space<semaphore_mem>> -> memref<!tpu.dma_semaphore, #tpu.memory_space<semaphore_mem>>
    tpu.enqueue_indirect_dma source(%dma_start3A_1222 : memref<10000x128xf32, #tpu.memory_space<hbm>>) target(%dma_start3A_1216 : memref<128x128xf32, #tpu.memory_space<vmem>>) offsets(%dma_start3A_1219 : memref<128xi32, #tpu.memory_space<vmem>>) semaphore(%dma_start3A_1224 : memref<!tpu.dma_semaphore, #tpu.memory_space<semaphore_mem>>) {add = true}
    %dma_start3A_1225 = arith.constant 7 : i32
    %dma_start3A_1226 = arith.constant 1 : i32
    %dma_start3A_1227 = arith.constant 128 : i32
    %dma_start3A_1228 = arith.constant 0 : i32
    %dma_start3A_1229 = tpu.memref_slice %arg8[%dma_start3A_1227, %dma_start3A_1228] : memref<320x128xf32, #tpu.memory_space<vmem>> -> memref<128x128xf32, #tpu.memory_space<vmem>>
    %dma_start3A_1230 = arith.constant 0 : i32
    %dma_start3A_1231 = tpu.memref_slice %arg7[%dma_start3A_1225, %dma_start3A_1230] : memref<30x128xi32, #tpu.memory_space<vmem>> -> memref<1x128xi32, #tpu.memory_space<vmem>>
    %dma_start3A_1232 = tpu.memref_squeeze %dma_start3A_1231 : memref<1x128xi32, #tpu.memory_space<vmem>> -> memref<128xi32, #tpu.memory_space<vmem>>
    %dma_start3A_1233 = arith.constant 0 : i32
    %dma_start3A_1234 = arith.constant 0 : i32
    %dma_start3A_1235 = tpu.memref_slice %arg2[%dma_start3A_1233, %dma_start3A_1234] : memref<10000x128xf32, #tpu.memory_space<hbm>> -> memref<10000x128xf32, #tpu.memory_space<hbm>>
    %dma_start3A_1236 = tpu.memref_slice %arg13[%dma_start3A_1226] : memref<3x!tpu.dma_semaphore, #tpu.memory_space<semaphore_mem>> -> memref<1x!tpu.dma_semaphore, #tpu.memory_space<semaphore_mem>>
    %dma_start3A_1237 = tpu.memref_squeeze %dma_start3A_1236 : memref<1x!tpu.dma_semaphore, #tpu.memory_space<semaphore_mem>> -> memref<!tpu.dma_semaphore, #tpu.memory_space<semaphore_mem>>
    tpu.enqueue_indirect_dma source(%dma_start3A_1235 : memref<10000x128xf32, #tpu.memory_space<hbm>>) target(%dma_start3A_1229 : memref<128x128xf32, #tpu.memory_space<vmem>>) offsets(%dma_start3A_1232 : memref<128xi32, #tpu.memory_space<vmem>>) semaphore(%dma_start3A_1237 : memref<!tpu.dma_semaphore, #tpu.memory_space<semaphore_mem>>) {add = true}
    %dma_start3A_1238 = arith.constant 10 : i32
    %dma_start3A_1239 = arith.constant 1 : i32
    %dma_start3A_1240 = arith.constant 128 : i32
    %dma_start3A_1241 = arith.constant 0 : i32
    %dma_start3A_1242 = tpu.memref_slice %arg8[%dma_start3A_1240, %dma_start3A_1241] : memref<320x128xf32, #tpu.memory_space<vmem>> -> memref<128x128xf32, #tpu.memory_space<vmem>>
    %dma_start3A_1243 = arith.constant 0 : i32
    %dma_start3A_1244 = tpu.memref_slice %arg7[%dma_start3A_1238, %dma_start3A_1243] : memref<30x128xi32, #tpu.memory_space<vmem>> -> memref<1x128xi32, #tpu.memory_space<vmem>>
    %dma_start3A_1245 = tpu.memref_squeeze %dma_start3A_1244 : memref<1x128xi32, #tpu.memory_space<vmem>> -> memref<128xi32, #tpu.memory_space<vmem>>
    %dma_start3A_1246 = arith.constant 0 : i32
    %dma_start3A_1247 = arith.constant 0 : i32
    %dma_start3A_1248 = tpu.memref_slice %arg2[%dma_start3A_1246, %dma_start3A_1247] : memref<10000x128xf32, #tpu.memory_space<hbm>> -> memref<10000x128xf32, #tpu.memory_space<hbm>>
    %dma_start3A_1249 = tpu.memref_slice %arg13[%dma_start3A_1239] : memref<3x!tpu.dma_semaphore, #tpu.memory_space<semaphore_mem>> -> memref<1x!tpu.dma_semaphore, #tpu.memory_space<semaphore_mem>>
    %dma_start3A_1250 = tpu.memref_squeeze %dma_start3A_1249 : memref<1x!tpu.dma_semaphore, #tpu.memory_space<semaphore_mem>> -> memref<!tpu.dma_semaphore, #tpu.memory_space<semaphore_mem>>
    tpu.enqueue_indirect_dma source(%dma_start3A_1248 : memref<10000x128xf32, #tpu.memory_space<hbm>>) target(%dma_start3A_1242 : memref<128x128xf32, #tpu.memory_space<vmem>>) offsets(%dma_start3A_1245 : memref<128xi32, #tpu.memory_space<vmem>>) semaphore(%dma_start3A_1250 : memref<!tpu.dma_semaphore, #tpu.memory_space<semaphore_mem>>) {add = true}
    %dma_start3A_1251 = arith.constant 13 : i32
    %dma_start3A_1252 = arith.constant 1 : i32
    %dma_start3A_1253 = arith.constant 128 : i32
    %dma_start3A_1254 = arith.constant 0 : i32
    %dma_start3A_1255 = tpu.memref_slice %arg8[%dma_start3A_1253, %dma_start3A_1254] : memref<320x128xf32, #tpu.memory_space<vmem>> -> memref<128x128xf32, #tpu.memory_space<vmem>>
    %dma_start3A_1256 = arith.constant 0 : i32
    %dma_start3A_1257 = tpu.memref_slice %arg7[%dma_start3A_1251, %dma_start3A_1256] : memref<30x128xi32, #tpu.memory_space<vmem>> -> memref<1x128xi32, #tpu.memory_space<vmem>>
    %dma_start3A_1258 = tpu.memref_squeeze %dma_start3A_1257 : memref<1x128xi32, #tpu.memory_space<vmem>> -> memref<128xi32, #tpu.memory_space<vmem>>
    %dma_start3A_1259 = arith.constant 0 : i32
    %dma_start3A_1260 = arith.constant 0 : i32
    %dma_start3A_1261 = tpu.memref_slice %arg2[%dma_start3A_1259, %dma_start3A_1260] : memref<10000x128xf32, #tpu.memory_space<hbm>> -> memref<10000x128xf32, #tpu.memory_space<hbm>>
    %dma_start3A_1262 = tpu.memref_slice %arg13[%dma_start3A_1252] : memref<3x!tpu.dma_semaphore, #tpu.memory_space<semaphore_mem>> -> memref<1x!tpu.dma_semaphore, #tpu.memory_space<semaphore_mem>>
    %dma_start3A_1263 = tpu.memref_squeeze %dma_start3A_1262 : memref<1x!tpu.dma_semaphore, #tpu.memory_space<semaphore_mem>> -> memref<!tpu.dma_semaphore, #tpu.memory_space<semaphore_mem>>
    tpu.enqueue_indirect_dma source(%dma_start3A_1261 : memref<10000x128xf32, #tpu.memory_space<hbm>>) target(%dma_start3A_1255 : memref<128x128xf32, #tpu.memory_space<vmem>>) offsets(%dma_start3A_1258 : memref<128xi32, #tpu.memory_space<vmem>>) semaphore(%dma_start3A_1263 : memref<!tpu.dma_semaphore, #tpu.memory_space<semaphore_mem>>) {add = true}
    %dma_start3A_1264 = arith.constant 16 : i32
    %dma_start3A_1265 = arith.constant 1 : i32
    %dma_start3A_1266 = arith.constant 128 : i32
    %dma_start3A_1267 = arith.constant 0 : i32
    %dma_start3A_1268 = tpu.memref_slice %arg8[%dma_start3A_1266, %dma_start3A_1267] : memref<320x128xf32, #tpu.memory_space<vmem>> -> memref<128x128xf32, #tpu.memory_space<vmem>>
    %dma_start3A_1269 = arith.constant 0 : i32
    %dma_start3A_1270 = tpu.memref_slice %arg7[%dma_start3A_1264, %dma_start3A_1269] : memref<30x128xi32, #tpu.memory_space<vmem>> -> memref<1x128xi32, #tpu.memory_space<vmem>>
    %dma_start3A_1271 = tpu.memref_squeeze %dma_start3A_1270 : memref<1x128xi32, #tpu.memory_space<vmem>> -> memref<128xi32, #tpu.memory_space<vmem>>
    %dma_start3A_1272 = arith.constant 0 : i32
    %dma_start3A_1273 = arith.constant 0 : i32
    %dma_start3A_1274 = tpu.memref_slice %arg2[%dma_start3A_1272, %dma_start3A_1273] : memref<10000x128xf32, #tpu.memory_space<hbm>> -> memref<10000x128xf32, #tpu.memory_space<hbm>>
    %dma_start3A_1275 = tpu.memref_slice %arg13[%dma_start3A_1265] : memref<3x!tpu.dma_semaphore, #tpu.memory_space<semaphore_mem>> -> memref<1x!tpu.dma_semaphore, #tpu.memory_space<semaphore_mem>>
    %dma_start3A_1276 = tpu.memref_squeeze %dma_start3A_1275 : memref<1x!tpu.dma_semaphore, #tpu.memory_space<semaphore_mem>> -> memref<!tpu.dma_semaphore, #tpu.memory_space<semaphore_mem>>
    tpu.enqueue_indirect_dma source(%dma_start3A_1274 : memref<10000x128xf32, #tpu.memory_space<hbm>>) target(%dma_start3A_1268 : memref<128x128xf32, #tpu.memory_space<vmem>>) offsets(%dma_start3A_1271 : memref<128xi32, #tpu.memory_space<vmem>>) semaphore(%dma_start3A_1276 : memref<!tpu.dma_semaphore, #tpu.memory_space<semaphore_mem>>) {add = true}
    %dma_start3A_1277 = arith.constant 19 : i32
    %dma_start3A_1278 = arith.constant 1 : i32
    %dma_start3A_1279 = arith.constant 128 : i32
    %dma_start3A_1280 = arith.constant 0 : i32
    %dma_start3A_1281 = tpu.memref_slice %arg8[%dma_start3A_1279, %dma_start3A_1280] : memref<320x128xf32, #tpu.memory_space<vmem>> -> memref<128x128xf32, #tpu.memory_space<vmem>>
    %dma_start3A_1282 = arith.constant 0 : i32
    %dma_start3A_1283 = tpu.memref_slice %arg7[%dma_start3A_1277, %dma_start3A_1282] : memref<30x128xi32, #tpu.memory_space<vmem>> -> memref<1x128xi32, #tpu.memory_space<vmem>>
    %dma_start3A_1284 = tpu.memref_squeeze %dma_start3A_1283 : memref<1x128xi32, #tpu.memory_space<vmem>> -> memref<128xi32, #tpu.memory_space<vmem>>
    %dma_start3A_1285 = arith.constant 0 : i32
    %dma_start3A_1286 = arith.constant 0 : i32
    %dma_start3A_1287 = tpu.memref_slice %arg2[%dma_start3A_1285, %dma_start3A_1286] : memref<10000x128xf32, #tpu.memory_space<hbm>> -> memref<10000x128xf32, #tpu.memory_space<hbm>>
    %dma_start3A_1288 = tpu.memref_slice %arg13[%dma_start3A_1278] : memref<3x!tpu.dma_semaphore, #tpu.memory_space<semaphore_mem>> -> memref<1x!tpu.dma_semaphore, #tpu.memory_space<semaphore_mem>>
    %dma_start3A_1289 = tpu.memref_squeeze %dma_start3A_1288 : memref<1x!tpu.dma_semaphore, #tpu.memory_space<semaphore_mem>> -> memref<!tpu.dma_semaphore, #tpu.memory_space<semaphore_mem>>
    tpu.enqueue_indirect_dma source(%dma_start3A_1287 : memref<10000x128xf32, #tpu.memory_space<hbm>>) target(%dma_start3A_1281 : memref<128x128xf32, #tpu.memory_space<vmem>>) offsets(%dma_start3A_1284 : memref<128xi32, #tpu.memory_space<vmem>>) semaphore(%dma_start3A_1289 : memref<!tpu.dma_semaphore, #tpu.memory_space<semaphore_mem>>) {add = true}
    %dma_start3A_1290 = arith.constant 22 : i32
    %dma_start3A_1291 = arith.constant 1 : i32
    %dma_start3A_1292 = arith.constant 128 : i32
    %dma_start3A_1293 = arith.constant 0 : i32
    %dma_start3A_1294 = tpu.memref_slice %arg8[%dma_start3A_1292, %dma_start3A_1293] : memref<320x128xf32, #tpu.memory_space<vmem>> -> memref<128x128xf32, #tpu.memory_space<vmem>>
    %dma_start3A_1295 = arith.constant 0 : i32
    %dma_start3A_1296 = tpu.memref_slice %arg7[%dma_start3A_1290, %dma_start3A_1295] : memref<30x128xi32, #tpu.memory_space<vmem>> -> memref<1x128xi32, #tpu.memory_space<vmem>>
    %dma_start3A_1297 = tpu.memref_squeeze %dma_start3A_1296 : memref<1x128xi32, #tpu.memory_space<vmem>> -> memref<128xi32, #tpu.memory_space<vmem>>
    %dma_start3A_1298 = arith.constant 0 : i32
    %dma_start3A_1299 = arith.constant 0 : i32
    %dma_start3A_1300 = tpu.memref_slice %arg2[%dma_start3A_1298, %dma_start3A_1299] : memref<10000x128xf32, #tpu.memory_space<hbm>> -> memref<10000x128xf32, #tpu.memory_space<hbm>>
    %dma_start3A_1301 = tpu.memref_slice %arg13[%dma_start3A_1291] : memref<3x!tpu.dma_semaphore, #tpu.memory_space<semaphore_mem>> -> memref<1x!tpu.dma_semaphore, #tpu.memory_space<semaphore_mem>>
    %dma_start3A_1302 = tpu.memref_squeeze %dma_start3A_1301 : memref<1x!tpu.dma_semaphore, #tpu.memory_space<semaphore_mem>> -> memref<!tpu.dma_semaphore, #tpu.memory_space<semaphore_mem>>
    tpu.enqueue_indirect_dma source(%dma_start3A_1300 : memref<10000x128xf32, #tpu.memory_space<hbm>>) target(%dma_start3A_1294 : memref<128x128xf32, #tpu.memory_space<vmem>>) offsets(%dma_start3A_1297 : memref<128xi32, #tpu.memory_space<vmem>>) semaphore(%dma_start3A_1302 : memref<!tpu.dma_semaphore, #tpu.memory_space<semaphore_mem>>) {add = true}
    %dma_start3A_1303 = arith.constant 25 : i32
    %dma_start3A_1304 = arith.constant 1 : i32
    %dma_start3A_1305 = arith.constant 128 : i32
    %dma_start3A_1306 = arith.constant 0 : i32
    %dma_start3A_1307 = tpu.memref_slice %arg8[%dma_start3A_1305, %dma_start3A_1306] : memref<320x128xf32, #tpu.memory_space<vmem>> -> memref<128x128xf32, #tpu.memory_space<vmem>>
    %dma_start3A_1308 = arith.constant 0 : i32
    %dma_start3A_1309 = tpu.memref_slice %arg7[%dma_start3A_1303, %dma_start3A_1308] : memref<30x128xi32, #tpu.memory_space<vmem>> -> memref<1x128xi32, #tpu.memory_space<vmem>>
    %dma_start3A_1310 = tpu.memref_squeeze %dma_start3A_1309 : memref<1x128xi32, #tpu.memory_space<vmem>> -> memref<128xi32, #tpu.memory_space<vmem>>
    %dma_start3A_1311 = arith.constant 0 : i32
    %dma_start3A_1312 = arith.constant 0 : i32
    %dma_start3A_1313 = tpu.memref_slice %arg2[%dma_start3A_1311, %dma_start3A_1312] : memref<10000x128xf32, #tpu.memory_space<hbm>> -> memref<10000x128xf32, #tpu.memory_space<hbm>>
    %dma_start3A_1314 = tpu.memref_slice %arg13[%dma_start3A_1304] : memref<3x!tpu.dma_semaphore, #tpu.memory_space<semaphore_mem>> -> memref<1x!tpu.dma_semaphore, #tpu.memory_space<semaphore_mem>>
    %dma_start3A_1315 = tpu.memref_squeeze %dma_start3A_1314 : memref<1x!tpu.dma_semaphore, #tpu.memory_space<semaphore_mem>> -> memref<!tpu.dma_semaphore, #tpu.memory_space<semaphore_mem>>
    tpu.enqueue_indirect_dma source(%dma_start3A_1313 : memref<10000x128xf32, #tpu.memory_space<hbm>>) target(%dma_start3A_1307 : memref<128x128xf32, #tpu.memory_space<vmem>>) offsets(%dma_start3A_1310 : memref<128xi32, #tpu.memory_space<vmem>>) semaphore(%dma_start3A_1315 : memref<!tpu.dma_semaphore, #tpu.memory_space<semaphore_mem>>) {add = true}
    %dma_start3A_1316 = arith.constant 28 : i32
    %dma_start3A_1317 = arith.constant 1 : i32
    %dma_start3A_1318 = arith.constant 128 : i32
    %dma_start3A_1319 = arith.constant 0 : i32
    %dma_start3A_1320 = tpu.memref_slice %arg8[%dma_start3A_1318, %dma_start3A_1319] : memref<320x128xf32, #tpu.memory_space<vmem>> -> memref<128x128xf32, #tpu.memory_space<vmem>>
    %dma_start3A_1321 = arith.constant 0 : i32
    %dma_start3A_1322 = tpu.memref_slice %arg7[%dma_start3A_1316, %dma_start3A_1321] : memref<30x128xi32, #tpu.memory_space<vmem>> -> memref<1x128xi32, #tpu.memory_space<vmem>>
    %dma_start3A_1323 = tpu.memref_squeeze %dma_start3A_1322 : memref<1x128xi32, #tpu.memory_space<vmem>> -> memref<128xi32, #tpu.memory_space<vmem>>
    %dma_start3A_1324 = arith.constant 0 : i32
    %dma_start3A_1325 = arith.constant 0 : i32
    %dma_start3A_1326 = tpu.memref_slice %arg2[%dma_start3A_1324, %dma_start3A_1325] : memref<10000x128xf32, #tpu.memory_space<hbm>> -> memref<10000x128xf32, #tpu.memory_space<hbm>>
    %dma_start3A_1327 = tpu.memref_slice %arg13[%dma_start3A_1317] : memref<3x!tpu.dma_semaphore, #tpu.memory_space<semaphore_mem>> -> memref<1x!tpu.dma_semaphore, #tpu.memory_space<semaphore_mem>>
    %dma_start3A_1328 = tpu.memref_squeeze %dma_start3A_1327 : memref<1x!tpu.dma_semaphore, #tpu.memory_space<semaphore_mem>> -> memref<!tpu.dma_semaphore, #tpu.memory_space<semaphore_mem>>
    tpu.enqueue_indirect_dma source(%dma_start3A_1326 : memref<10000x128xf32, #tpu.memory_space<hbm>>) target(%dma_start3A_1320 : memref<128x128xf32, #tpu.memory_space<vmem>>) offsets(%dma_start3A_1323 : memref<128xi32, #tpu.memory_space<vmem>>) semaphore(%dma_start3A_1328 : memref<!tpu.dma_semaphore, #tpu.memory_space<semaphore_mem>>) {add = true}
    %dma_wait3A_1329 = arith.constant 2 : i32
    %dma_wait3A_1330 = arith.constant 2 : i32
    %dma_wait3A_1331 = arith.constant 0 : i32
    %dma_wait3A_1332 = tpu.memref_slice %arg7[%dma_wait3A_1329, %dma_wait3A_1331] : memref<30x128xi32, #tpu.memory_space<vmem>> -> memref<1x64xi32, #tpu.memory_space<vmem>>
    %dma_wait3A_1333 = tpu.memref_squeeze %dma_wait3A_1332 : memref<1x64xi32, #tpu.memory_space<vmem>> -> memref<64xi32, #tpu.memory_space<vmem>>
    %dma_wait3A_1334 = tpu.memref_slice %arg3[%add3A_356] : memref<100000xi32, #tpu.memory_space<hbm>> -> memref<64xi32, #tpu.memory_space<hbm>>
    %dma_wait3A_1335 = tpu.memref_slice %arg12[%dma_wait3A_1330] : memref<3x!tpu.dma_semaphore, #tpu.memory_space<semaphore_mem>> -> memref<1x!tpu.dma_semaphore, #tpu.memory_space<semaphore_mem>>
    %dma_wait3A_1336 = tpu.memref_squeeze %dma_wait3A_1335 : memref<1x!tpu.dma_semaphore, #tpu.memory_space<semaphore_mem>> -> memref<!tpu.dma_semaphore, #tpu.memory_space<semaphore_mem>>
    %dma_wait3A_1337 = arith.constant 0 : i32
    %dma_wait3A_1338 = tpu.memref_slice %arg7[%dma_wait3A_1329, %dma_wait3A_1337] : memref<30x128xi32, #tpu.memory_space<vmem>> -> memref<1x64xi32, #tpu.memory_space<vmem>>
    %dma_wait3A_1339 = tpu.memref_squeeze %dma_wait3A_1338 : memref<1x64xi32, #tpu.memory_space<vmem>> -> memref<64xi32, #tpu.memory_space<vmem>>
    %dma_wait3A_1340 = tpu.memref_slice %arg3[%add3A_356] : memref<100000xi32, #tpu.memory_space<hbm>> -> memref<64xi32, #tpu.memory_space<hbm>>
    tpu.wait_dma2 semaphore(%dma_wait3A_1336 : memref<!tpu.dma_semaphore, #tpu.memory_space<semaphore_mem>>) src(%dma_wait3A_1340 : memref<64xi32, #tpu.memory_space<hbm>>) dst(%dma_wait3A_1339 : memref<64xi32, #tpu.memory_space<vmem>>)
    %dma_wait3A_1341 = arith.constant 5 : i32
    %dma_wait3A_1342 = arith.constant 2 : i32
    %dma_wait3A_1343 = arith.constant 0 : i32
    %dma_wait3A_1344 = tpu.memref_slice %arg7[%dma_wait3A_1341, %dma_wait3A_1343] : memref<30x128xi32, #tpu.memory_space<vmem>> -> memref<1x64xi32, #tpu.memory_space<vmem>>
    %dma_wait3A_1345 = tpu.memref_squeeze %dma_wait3A_1344 : memref<1x64xi32, #tpu.memory_space<vmem>> -> memref<64xi32, #tpu.memory_space<vmem>>
    %dma_wait3A_1346 = tpu.memref_slice %arg3[%add3A_372] : memref<100000xi32, #tpu.memory_space<hbm>> -> memref<64xi32, #tpu.memory_space<hbm>>
    %dma_wait3A_1347 = tpu.memref_slice %arg12[%dma_wait3A_1342] : memref<3x!tpu.dma_semaphore, #tpu.memory_space<semaphore_mem>> -> memref<1x!tpu.dma_semaphore, #tpu.memory_space<semaphore_mem>>
    %dma_wait3A_1348 = tpu.memref_squeeze %dma_wait3A_1347 : memref<1x!tpu.dma_semaphore, #tpu.memory_space<semaphore_mem>> -> memref<!tpu.dma_semaphore, #tpu.memory_space<semaphore_mem>>
    %dma_wait3A_1349 = arith.constant 0 : i32
    %dma_wait3A_1350 = tpu.memref_slice %arg7[%dma_wait3A_1341, %dma_wait3A_1349] : memref<30x128xi32, #tpu.memory_space<vmem>> -> memref<1x64xi32, #tpu.memory_space<vmem>>
    %dma_wait3A_1351 = tpu.memref_squeeze %dma_wait3A_1350 : memref<1x64xi32, #tpu.memory_space<vmem>> -> memref<64xi32, #tpu.memory_space<vmem>>
    %dma_wait3A_1352 = tpu.memref_slice %arg3[%add3A_372] : memref<100000xi32, #tpu.memory_space<hbm>> -> memref<64xi32, #tpu.memory_space<hbm>>
    tpu.wait_dma2 semaphore(%dma_wait3A_1348 : memref<!tpu.dma_semaphore, #tpu.memory_space<semaphore_mem>>) src(%dma_wait3A_1352 : memref<64xi32, #tpu.memory_space<hbm>>) dst(%dma_wait3A_1351 : memref<64xi32, #tpu.memory_space<vmem>>)
    %dma_wait3A_1353 = arith.constant 8 : i32
    %dma_wait3A_1354 = arith.constant 2 : i32
    %dma_wait3A_1355 = arith.constant 0 : i32
    %dma_wait3A_1356 = tpu.memref_slice %arg7[%dma_wait3A_1353, %dma_wait3A_1355] : memref<30x128xi32, #tpu.memory_space<vmem>> -> memref<1x64xi32, #tpu.memory_space<vmem>>
    %dma_wait3A_1357 = tpu.memref_squeeze %dma_wait3A_1356 : memref<1x64xi32, #tpu.memory_space<vmem>> -> memref<64xi32, #tpu.memory_space<vmem>>
    %dma_wait3A_1358 = tpu.memref_slice %arg3[%add3A_388] : memref<100000xi32, #tpu.memory_space<hbm>> -> memref<64xi32, #tpu.memory_space<hbm>>
    %dma_wait3A_1359 = tpu.memref_slice %arg12[%dma_wait3A_1354] : memref<3x!tpu.dma_semaphore, #tpu.memory_space<semaphore_mem>> -> memref<1x!tpu.dma_semaphore, #tpu.memory_space<semaphore_mem>>
    %dma_wait3A_1360 = tpu.memref_squeeze %dma_wait3A_1359 : memref<1x!tpu.dma_semaphore, #tpu.memory_space<semaphore_mem>> -> memref<!tpu.dma_semaphore, #tpu.memory_space<semaphore_mem>>
    %dma_wait3A_1361 = arith.constant 0 : i32
    %dma_wait3A_1362 = tpu.memref_slice %arg7[%dma_wait3A_1353, %dma_wait3A_1361] : memref<30x128xi32, #tpu.memory_space<vmem>> -> memref<1x64xi32, #tpu.memory_space<vmem>>
    %dma_wait3A_1363 = tpu.memref_squeeze %dma_wait3A_1362 : memref<1x64xi32, #tpu.memory_space<vmem>> -> memref<64xi32, #tpu.memory_space<vmem>>
    %dma_wait3A_1364 = tpu.memref_slice %arg3[%add3A_388] : memref<100000xi32, #tpu.memory_space<hbm>> -> memref<64xi32, #tpu.memory_space<hbm>>
    tpu.wait_dma2 semaphore(%dma_wait3A_1360 : memref<!tpu.dma_semaphore, #tpu.memory_space<semaphore_mem>>) src(%dma_wait3A_1364 : memref<64xi32, #tpu.memory_space<hbm>>) dst(%dma_wait3A_1363 : memref<64xi32, #tpu.memory_space<vmem>>)
    %dma_wait3A_1365 = arith.constant 11 : i32
    %dma_wait3A_1366 = arith.constant 2 : i32
    %dma_wait3A_1367 = arith.constant 0 : i32
    %dma_wait3A_1368 = tpu.memref_slice %arg7[%dma_wait3A_1365, %dma_wait3A_1367] : memref<30x128xi32, #tpu.memory_space<vmem>> -> memref<1x64xi32, #tpu.memory_space<vmem>>
    %dma_wait3A_1369 = tpu.memref_squeeze %dma_wait3A_1368 : memref<1x64xi32, #tpu.memory_space<vmem>> -> memref<64xi32, #tpu.memory_space<vmem>>
    %dma_wait3A_1370 = tpu.memref_slice %arg3[%add3A_404] : memref<100000xi32, #tpu.memory_space<hbm>> -> memref<64xi32, #tpu.memory_space<hbm>>
    %dma_wait3A_1371 = tpu.memref_slice %arg12[%dma_wait3A_1366] : memref<3x!tpu.dma_semaphore, #tpu.memory_space<semaphore_mem>> -> memref<1x!tpu.dma_semaphore, #tpu.memory_space<semaphore_mem>>
    %dma_wait3A_1372 = tpu.memref_squeeze %dma_wait3A_1371 : memref<1x!tpu.dma_semaphore, #tpu.memory_space<semaphore_mem>> -> memref<!tpu.dma_semaphore, #tpu.memory_space<semaphore_mem>>
    %dma_wait3A_1373 = arith.constant 0 : i32
    %dma_wait3A_1374 = tpu.memref_slice %arg7[%dma_wait3A_1365, %dma_wait3A_1373] : memref<30x128xi32, #tpu.memory_space<vmem>> -> memref<1x64xi32, #tpu.memory_space<vmem>>
    %dma_wait3A_1375 = tpu.memref_squeeze %dma_wait3A_1374 : memref<1x64xi32, #tpu.memory_space<vmem>> -> memref<64xi32, #tpu.memory_space<vmem>>
    %dma_wait3A_1376 = tpu.memref_slice %arg3[%add3A_404] : memref<100000xi32, #tpu.memory_space<hbm>> -> memref<64xi32, #tpu.memory_space<hbm>>
    tpu.wait_dma2 semaphore(%dma_wait3A_1372 : memref<!tpu.dma_semaphore, #tpu.memory_space<semaphore_mem>>) src(%dma_wait3A_1376 : memref<64xi32, #tpu.memory_space<hbm>>) dst(%dma_wait3A_1375 : memref<64xi32, #tpu.memory_space<vmem>>)
    %dma_wait3A_1377 = arith.constant 14 : i32
    %dma_wait3A_1378 = arith.constant 2 : i32
    %dma_wait3A_1379 = arith.constant 0 : i32
    %dma_wait3A_1380 = tpu.memref_slice %arg7[%dma_wait3A_1377, %dma_wait3A_1379] : memref<30x128xi32, #tpu.memory_space<vmem>> -> memref<1x64xi32, #tpu.memory_space<vmem>>
    %dma_wait3A_1381 = tpu.memref_squeeze %dma_wait3A_1380 : memref<1x64xi32, #tpu.memory_space<vmem>> -> memref<64xi32, #tpu.memory_space<vmem>>
    %dma_wait3A_1382 = tpu.memref_slice %arg3[%add3A_420] : memref<100000xi32, #tpu.memory_space<hbm>> -> memref<64xi32, #tpu.memory_space<hbm>>
    %dma_wait3A_1383 = tpu.memref_slice %arg12[%dma_wait3A_1378] : memref<3x!tpu.dma_semaphore, #tpu.memory_space<semaphore_mem>> -> memref<1x!tpu.dma_semaphore, #tpu.memory_space<semaphore_mem>>
    %dma_wait3A_1384 = tpu.memref_squeeze %dma_wait3A_1383 : memref<1x!tpu.dma_semaphore, #tpu.memory_space<semaphore_mem>> -> memref<!tpu.dma_semaphore, #tpu.memory_space<semaphore_mem>>
    %dma_wait3A_1385 = arith.constant 0 : i32
    %dma_wait3A_1386 = tpu.memref_slice %arg7[%dma_wait3A_1377, %dma_wait3A_1385] : memref<30x128xi32, #tpu.memory_space<vmem>> -> memref<1x64xi32, #tpu.memory_space<vmem>>
    %dma_wait3A_1387 = tpu.memref_squeeze %dma_wait3A_1386 : memref<1x64xi32, #tpu.memory_space<vmem>> -> memref<64xi32, #tpu.memory_space<vmem>>
    %dma_wait3A_1388 = tpu.memref_slice %arg3[%add3A_420] : memref<100000xi32, #tpu.memory_space<hbm>> -> memref<64xi32, #tpu.memory_space<hbm>>
    tpu.wait_dma2 semaphore(%dma_wait3A_1384 : memref<!tpu.dma_semaphore, #tpu.memory_space<semaphore_mem>>) src(%dma_wait3A_1388 : memref<64xi32, #tpu.memory_space<hbm>>) dst(%dma_wait3A_1387 : memref<64xi32, #tpu.memory_space<vmem>>)
    %dma_wait3A_1389 = arith.constant 17 : i32
    %dma_wait3A_1390 = arith.constant 2 : i32
    %dma_wait3A_1391 = arith.constant 0 : i32
    %dma_wait3A_1392 = tpu.memref_slice %arg7[%dma_wait3A_1389, %dma_wait3A_1391] : memref<30x128xi32, #tpu.memory_space<vmem>> -> memref<1x64xi32, #tpu.memory_space<vmem>>
    %dma_wait3A_1393 = tpu.memref_squeeze %dma_wait3A_1392 : memref<1x64xi32, #tpu.memory_space<vmem>> -> memref<64xi32, #tpu.memory_space<vmem>>
    %dma_wait3A_1394 = tpu.memref_slice %arg3[%add3A_436] : memref<100000xi32, #tpu.memory_space<hbm>> -> memref<64xi32, #tpu.memory_space<hbm>>
    %dma_wait3A_1395 = tpu.memref_slice %arg12[%dma_wait3A_1390] : memref<3x!tpu.dma_semaphore, #tpu.memory_space<semaphore_mem>> -> memref<1x!tpu.dma_semaphore, #tpu.memory_space<semaphore_mem>>
    %dma_wait3A_1396 = tpu.memref_squeeze %dma_wait3A_1395 : memref<1x!tpu.dma_semaphore, #tpu.memory_space<semaphore_mem>> -> memref<!tpu.dma_semaphore, #tpu.memory_space<semaphore_mem>>
    %dma_wait3A_1397 = arith.constant 0 : i32
    %dma_wait3A_1398 = tpu.memref_slice %arg7[%dma_wait3A_1389, %dma_wait3A_1397] : memref<30x128xi32, #tpu.memory_space<vmem>> -> memref<1x64xi32, #tpu.memory_space<vmem>>
    %dma_wait3A_1399 = tpu.memref_squeeze %dma_wait3A_1398 : memref<1x64xi32, #tpu.memory_space<vmem>> -> memref<64xi32, #tpu.memory_space<vmem>>
    %dma_wait3A_1400 = tpu.memref_slice %arg3[%add3A_436] : memref<100000xi32, #tpu.memory_space<hbm>> -> memref<64xi32, #tpu.memory_space<hbm>>
    tpu.wait_dma2 semaphore(%dma_wait3A_1396 : memref<!tpu.dma_semaphore, #tpu.memory_space<semaphore_mem>>) src(%dma_wait3A_1400 : memref<64xi32, #tpu.memory_space<hbm>>) dst(%dma_wait3A_1399 : memref<64xi32, #tpu.memory_space<vmem>>)
    %dma_wait3A_1401 = arith.constant 20 : i32
    %dma_wait3A_1402 = arith.constant 2 : i32
    %dma_wait3A_1403 = arith.constant 0 : i32
    %dma_wait3A_1404 = tpu.memref_slice %arg7[%dma_wait3A_1401, %dma_wait3A_1403] : memref<30x128xi32, #tpu.memory_space<vmem>> -> memref<1x64xi32, #tpu.memory_space<vmem>>
    %dma_wait3A_1405 = tpu.memref_squeeze %dma_wait3A_1404 : memref<1x64xi32, #tpu.memory_space<vmem>> -> memref<64xi32, #tpu.memory_space<vmem>>
    %dma_wait3A_1406 = tpu.memref_slice %arg3[%add3A_452] : memref<100000xi32, #tpu.memory_space<hbm>> -> memref<64xi32, #tpu.memory_space<hbm>>
    %dma_wait3A_1407 = tpu.memref_slice %arg12[%dma_wait3A_1402] : memref<3x!tpu.dma_semaphore, #tpu.memory_space<semaphore_mem>> -> memref<1x!tpu.dma_semaphore, #tpu.memory_space<semaphore_mem>>
    %dma_wait3A_1408 = tpu.memref_squeeze %dma_wait3A_1407 : memref<1x!tpu.dma_semaphore, #tpu.memory_space<semaphore_mem>> -> memref<!tpu.dma_semaphore, #tpu.memory_space<semaphore_mem>>
    %dma_wait3A_1409 = arith.constant 0 : i32
    %dma_wait3A_1410 = tpu.memref_slice %arg7[%dma_wait3A_1401, %dma_wait3A_1409] : memref<30x128xi32, #tpu.memory_space<vmem>> -> memref<1x64xi32, #tpu.memory_space<vmem>>
    %dma_wait3A_1411 = tpu.memref_squeeze %dma_wait3A_1410 : memref<1x64xi32, #tpu.memory_space<vmem>> -> memref<64xi32, #tpu.memory_space<vmem>>
    %dma_wait3A_1412 = tpu.memref_slice %arg3[%add3A_452] : memref<100000xi32, #tpu.memory_space<hbm>> -> memref<64xi32, #tpu.memory_space<hbm>>
    tpu.wait_dma2 semaphore(%dma_wait3A_1408 : memref<!tpu.dma_semaphore, #tpu.memory_space<semaphore_mem>>) src(%dma_wait3A_1412 : memref<64xi32, #tpu.memory_space<hbm>>) dst(%dma_wait3A_1411 : memref<64xi32, #tpu.memory_space<vmem>>)
    %dma_wait3A_1413 = arith.constant 23 : i32
    %dma_wait3A_1414 = arith.constant 2 : i32
    %dma_wait3A_1415 = arith.constant 0 : i32
    %dma_wait3A_1416 = tpu.memref_slice %arg7[%dma_wait3A_1413, %dma_wait3A_1415] : memref<30x128xi32, #tpu.memory_space<vmem>> -> memref<1x64xi32, #tpu.memory_space<vmem>>
    %dma_wait3A_1417 = tpu.memref_squeeze %dma_wait3A_1416 : memref<1x64xi32, #tpu.memory_space<vmem>> -> memref<64xi32, #tpu.memory_space<vmem>>
    %dma_wait3A_1418 = tpu.memref_slice %arg3[%add3A_468] : memref<100000xi32, #tpu.memory_space<hbm>> -> memref<64xi32, #tpu.memory_space<hbm>>
    %dma_wait3A_1419 = tpu.memref_slice %arg12[%dma_wait3A_1414] : memref<3x!tpu.dma_semaphore, #tpu.memory_space<semaphore_mem>> -> memref<1x!tpu.dma_semaphore, #tpu.memory_space<semaphore_mem>>
    %dma_wait3A_1420 = tpu.memref_squeeze %dma_wait3A_1419 : memref<1x!tpu.dma_semaphore, #tpu.memory_space<semaphore_mem>> -> memref<!tpu.dma_semaphore, #tpu.memory_space<semaphore_mem>>
    %dma_wait3A_1421 = arith.constant 0 : i32
    %dma_wait3A_1422 = tpu.memref_slice %arg7[%dma_wait3A_1413, %dma_wait3A_1421] : memref<30x128xi32, #tpu.memory_space<vmem>> -> memref<1x64xi32, #tpu.memory_space<vmem>>
    %dma_wait3A_1423 = tpu.memref_squeeze %dma_wait3A_1422 : memref<1x64xi32, #tpu.memory_space<vmem>> -> memref<64xi32, #tpu.memory_space<vmem>>
    %dma_wait3A_1424 = tpu.memref_slice %arg3[%add3A_468] : memref<100000xi32, #tpu.memory_space<hbm>> -> memref<64xi32, #tpu.memory_space<hbm>>
    tpu.wait_dma2 semaphore(%dma_wait3A_1420 : memref<!tpu.dma_semaphore, #tpu.memory_space<semaphore_mem>>) src(%dma_wait3A_1424 : memref<64xi32, #tpu.memory_space<hbm>>) dst(%dma_wait3A_1423 : memref<64xi32, #tpu.memory_space<vmem>>)
    %dma_wait3A_1425 = arith.constant 26 : i32
    %dma_wait3A_1426 = arith.constant 2 : i32
    %dma_wait3A_1427 = arith.constant 0 : i32
    %dma_wait3A_1428 = tpu.memref_slice %arg7[%dma_wait3A_1425, %dma_wait3A_1427] : memref<30x128xi32, #tpu.memory_space<vmem>> -> memref<1x64xi32, #tpu.memory_space<vmem>>
    %dma_wait3A_1429 = tpu.memref_squeeze %dma_wait3A_1428 : memref<1x64xi32, #tpu.memory_space<vmem>> -> memref<64xi32, #tpu.memory_space<vmem>>
    %dma_wait3A_1430 = tpu.memref_slice %arg3[%add3A_484] : memref<100000xi32, #tpu.memory_space<hbm>> -> memref<64xi32, #tpu.memory_space<hbm>>
    %dma_wait3A_1431 = tpu.memref_slice %arg12[%dma_wait3A_1426] : memref<3x!tpu.dma_semaphore, #tpu.memory_space<semaphore_mem>> -> memref<1x!tpu.dma_semaphore, #tpu.memory_space<semaphore_mem>>
    %dma_wait3A_1432 = tpu.memref_squeeze %dma_wait3A_1431 : memref<1x!tpu.dma_semaphore, #tpu.memory_space<semaphore_mem>> -> memref<!tpu.dma_semaphore, #tpu.memory_space<semaphore_mem>>
    %dma_wait3A_1433 = arith.constant 0 : i32
    %dma_wait3A_1434 = tpu.memref_slice %arg7[%dma_wait3A_1425, %dma_wait3A_1433] : memref<30x128xi32, #tpu.memory_space<vmem>> -> memref<1x64xi32, #tpu.memory_space<vmem>>
    %dma_wait3A_1435 = tpu.memref_squeeze %dma_wait3A_1434 : memref<1x64xi32, #tpu.memory_space<vmem>> -> memref<64xi32, #tpu.memory_space<vmem>>
    %dma_wait3A_1436 = tpu.memref_slice %arg3[%add3A_484] : memref<100000xi32, #tpu.memory_space<hbm>> -> memref<64xi32, #tpu.memory_space<hbm>>
    tpu.wait_dma2 semaphore(%dma_wait3A_1432 : memref<!tpu.dma_semaphore, #tpu.memory_space<semaphore_mem>>) src(%dma_wait3A_1436 : memref<64xi32, #tpu.memory_space<hbm>>) dst(%dma_wait3A_1435 : memref<64xi32, #tpu.memory_space<vmem>>)
    %dma_wait3A_1437 = arith.constant 29 : i32
    %dma_wait3A_1438 = arith.constant 2 : i32
    %dma_wait3A_1439 = arith.constant 0 : i32
    %dma_wait3A_1440 = tpu.memref_slice %arg7[%dma_wait3A_1437, %dma_wait3A_1439] : memref<30x128xi32, #tpu.memory_space<vmem>> -> memref<1x64xi32, #tpu.memory_space<vmem>>
    %dma_wait3A_1441 = tpu.memref_squeeze %dma_wait3A_1440 : memref<1x64xi32, #tpu.memory_space<vmem>> -> memref<64xi32, #tpu.memory_space<vmem>>
    %dma_wait3A_1442 = tpu.memref_slice %arg3[%add3A_500] : memref<100000xi32, #tpu.memory_space<hbm>> -> memref<64xi32, #tpu.memory_space<hbm>>
    %dma_wait3A_1443 = tpu.memref_slice %arg12[%dma_wait3A_1438] : memref<3x!tpu.dma_semaphore, #tpu.memory_space<semaphore_mem>> -> memref<1x!tpu.dma_semaphore, #tpu.memory_space<semaphore_mem>>
    %dma_wait3A_1444 = tpu.memref_squeeze %dma_wait3A_1443 : memref<1x!tpu.dma_semaphore, #tpu.memory_space<semaphore_mem>> -> memref<!tpu.dma_semaphore, #tpu.memory_space<semaphore_mem>>
    %dma_wait3A_1445 = arith.constant 0 : i32
    %dma_wait3A_1446 = tpu.memref_slice %arg7[%dma_wait3A_1437, %dma_wait3A_1445] : memref<30x128xi32, #tpu.memory_space<vmem>> -> memref<1x64xi32, #tpu.memory_space<vmem>>
    %dma_wait3A_1447 = tpu.memref_squeeze %dma_wait3A_1446 : memref<1x64xi32, #tpu.memory_space<vmem>> -> memref<64xi32, #tpu.memory_space<vmem>>
    %dma_wait3A_1448 = tpu.memref_slice %arg3[%add3A_500] : memref<100000xi32, #tpu.memory_space<hbm>> -> memref<64xi32, #tpu.memory_space<hbm>>
    tpu.wait_dma2 semaphore(%dma_wait3A_1444 : memref<!tpu.dma_semaphore, #tpu.memory_space<semaphore_mem>>) src(%dma_wait3A_1448 : memref<64xi32, #tpu.memory_space<hbm>>) dst(%dma_wait3A_1447 : memref<64xi32, #tpu.memory_space<vmem>>)
    %dma_wait3A_1449 = arith.constant 2 : i32
    %dma_wait3A_1450 = arith.constant 256 : i32
    %dma_wait3A_1451 = arith.constant 0 : i32
    %dma_wait3A_1452 = tpu.memref_slice %arg8[%dma_wait3A_1450, %dma_wait3A_1451] : memref<320x128xf32, #tpu.memory_space<vmem>> -> memref<64x128xf32, #tpu.memory_space<vmem>>
    %dma_wait3A_1453 = arith.constant 0 : i32
    %dma_wait3A_1454 = tpu.memref_slice %arg2[%add3A_514, %dma_wait3A_1453] : memref<10000x128xf32, #tpu.memory_space<hbm>> -> memref<64x128xf32, #tpu.memory_space<hbm>>
    %dma_wait3A_1455 = tpu.memref_slice %arg12[%dma_wait3A_1449] : memref<3x!tpu.dma_semaphore, #tpu.memory_space<semaphore_mem>> -> memref<1x!tpu.dma_semaphore, #tpu.memory_space<semaphore_mem>>
    %dma_wait3A_1456 = tpu.memref_squeeze %dma_wait3A_1455 : memref<1x!tpu.dma_semaphore, #tpu.memory_space<semaphore_mem>> -> memref<!tpu.dma_semaphore, #tpu.memory_space<semaphore_mem>>
    %dma_wait3A_1457 = arith.constant 256 : i32
    %dma_wait3A_1458 = arith.constant 0 : i32
    %dma_wait3A_1459 = tpu.memref_slice %arg8[%dma_wait3A_1457, %dma_wait3A_1458] : memref<320x128xf32, #tpu.memory_space<vmem>> -> memref<64x128xf32, #tpu.memory_space<vmem>>
    %dma_wait3A_1460 = arith.constant 0 : i32
    %dma_wait3A_1461 = tpu.memref_slice %arg2[%add3A_514, %dma_wait3A_1460] : memref<10000x128xf32, #tpu.memory_space<hbm>> -> memref<64x128xf32, #tpu.memory_space<hbm>>
    tpu.wait_dma2 semaphore(%dma_wait3A_1456 : memref<!tpu.dma_semaphore, #tpu.memory_space<semaphore_mem>>) src(%dma_wait3A_1461 : memref<64x128xf32, #tpu.memory_space<hbm>>) dst(%dma_wait3A_1459 : memref<64x128xf32, #tpu.memory_space<vmem>>)
    %dma_start3A_1462 = arith.constant 2 : i32
    %dma_start3A_1463 = arith.constant 2 : i32
    %dma_start3A_1464 = arith.constant 256 : i32
    %dma_start3A_1465 = arith.constant 0 : i32
    %dma_start3A_1466 = tpu.memref_slice %arg8[%dma_start3A_1464, %dma_start3A_1465] : memref<320x128xf32, #tpu.memory_space<vmem>> -> memref<64x128xf32, #tpu.memory_space<vmem>>
    %dma_start3A_1467 = arith.constant 0 : i32
    %dma_start3A_1468 = tpu.memref_slice %arg7[%dma_start3A_1462, %dma_start3A_1467] : memref<30x128xi32, #tpu.memory_space<vmem>> -> memref<1x64xi32, #tpu.memory_space<vmem>>
    %dma_start3A_1469 = tpu.memref_squeeze %dma_start3A_1468 : memref<1x64xi32, #tpu.memory_space<vmem>> -> memref<64xi32, #tpu.memory_space<vmem>>
    %dma_start3A_1470 = arith.constant 0 : i32
    %dma_start3A_1471 = arith.constant 0 : i32
    %dma_start3A_1472 = tpu.memref_slice %arg2[%dma_start3A_1470, %dma_start3A_1471] : memref<10000x128xf32, #tpu.memory_space<hbm>> -> memref<10000x128xf32, #tpu.memory_space<hbm>>
    %dma_start3A_1473 = tpu.memref_slice %arg13[%dma_start3A_1463] : memref<3x!tpu.dma_semaphore, #tpu.memory_space<semaphore_mem>> -> memref<1x!tpu.dma_semaphore, #tpu.memory_space<semaphore_mem>>
    %dma_start3A_1474 = tpu.memref_squeeze %dma_start3A_1473 : memref<1x!tpu.dma_semaphore, #tpu.memory_space<semaphore_mem>> -> memref<!tpu.dma_semaphore, #tpu.memory_space<semaphore_mem>>
    tpu.enqueue_indirect_dma source(%dma_start3A_1472 : memref<10000x128xf32, #tpu.memory_space<hbm>>) target(%dma_start3A_1466 : memref<64x128xf32, #tpu.memory_space<vmem>>) offsets(%dma_start3A_1469 : memref<64xi32, #tpu.memory_space<vmem>>) semaphore(%dma_start3A_1474 : memref<!tpu.dma_semaphore, #tpu.memory_space<semaphore_mem>>) {add = true}
    %dma_start3A_1475 = arith.constant 5 : i32
    %dma_start3A_1476 = arith.constant 2 : i32
    %dma_start3A_1477 = arith.constant 256 : i32
    %dma_start3A_1478 = arith.constant 0 : i32
    %dma_start3A_1479 = tpu.memref_slice %arg8[%dma_start3A_1477, %dma_start3A_1478] : memref<320x128xf32, #tpu.memory_space<vmem>> -> memref<64x128xf32, #tpu.memory_space<vmem>>
    %dma_start3A_1480 = arith.constant 0 : i32
    %dma_start3A_1481 = tpu.memref_slice %arg7[%dma_start3A_1475, %dma_start3A_1480] : memref<30x128xi32, #tpu.memory_space<vmem>> -> memref<1x64xi32, #tpu.memory_space<vmem>>
    %dma_start3A_1482 = tpu.memref_squeeze %dma_start3A_1481 : memref<1x64xi32, #tpu.memory_space<vmem>> -> memref<64xi32, #tpu.memory_space<vmem>>
    %dma_start3A_1483 = arith.constant 0 : i32
    %dma_start3A_1484 = arith.constant 0 : i32
    %dma_start3A_1485 = tpu.memref_slice %arg2[%dma_start3A_1483, %dma_start3A_1484] : memref<10000x128xf32, #tpu.memory_space<hbm>> -> memref<10000x128xf32, #tpu.memory_space<hbm>>
    %dma_start3A_1486 = tpu.memref_slice %arg13[%dma_start3A_1476] : memref<3x!tpu.dma_semaphore, #tpu.memory_space<semaphore_mem>> -> memref<1x!tpu.dma_semaphore, #tpu.memory_space<semaphore_mem>>
    %dma_start3A_1487 = tpu.memref_squeeze %dma_start3A_1486 : memref<1x!tpu.dma_semaphore, #tpu.memory_space<semaphore_mem>> -> memref<!tpu.dma_semaphore, #tpu.memory_space<semaphore_mem>>
    tpu.enqueue_indirect_dma source(%dma_start3A_1485 : memref<10000x128xf32, #tpu.memory_space<hbm>>) target(%dma_start3A_1479 : memref<64x128xf32, #tpu.memory_space<vmem>>) offsets(%dma_start3A_1482 : memref<64xi32, #tpu.memory_space<vmem>>) semaphore(%dma_start3A_1487 : memref<!tpu.dma_semaphore, #tpu.memory_space<semaphore_mem>>) {add = true}
    %dma_start3A_1488 = arith.constant 8 : i32
    %dma_start3A_1489 = arith.constant 2 : i32
    %dma_start3A_1490 = arith.constant 256 : i32
    %dma_start3A_1491 = arith.constant 0 : i32
    %dma_start3A_1492 = tpu.memref_slice %arg8[%dma_start3A_1490, %dma_start3A_1491] : memref<320x128xf32, #tpu.memory_space<vmem>> -> memref<64x128xf32, #tpu.memory_space<vmem>>
    %dma_start3A_1493 = arith.constant 0 : i32
    %dma_start3A_1494 = tpu.memref_slice %arg7[%dma_start3A_1488, %dma_start3A_1493] : memref<30x128xi32, #tpu.memory_space<vmem>> -> memref<1x64xi32, #tpu.memory_space<vmem>>
    %dma_start3A_1495 = tpu.memref_squeeze %dma_start3A_1494 : memref<1x64xi32, #tpu.memory_space<vmem>> -> memref<64xi32, #tpu.memory_space<vmem>>
    %dma_start3A_1496 = arith.constant 0 : i32
    %dma_start3A_1497 = arith.constant 0 : i32
    %dma_start3A_1498 = tpu.memref_slice %arg2[%dma_start3A_1496, %dma_start3A_1497] : memref<10000x128xf32, #tpu.memory_space<hbm>> -> memref<10000x128xf32, #tpu.memory_space<hbm>>
    %dma_start3A_1499 = tpu.memref_slice %arg13[%dma_start3A_1489] : memref<3x!tpu.dma_semaphore, #tpu.memory_space<semaphore_mem>> -> memref<1x!tpu.dma_semaphore, #tpu.memory_space<semaphore_mem>>
    %dma_start3A_1500 = tpu.memref_squeeze %dma_start3A_1499 : memref<1x!tpu.dma_semaphore, #tpu.memory_space<semaphore_mem>> -> memref<!tpu.dma_semaphore, #tpu.memory_space<semaphore_mem>>
    tpu.enqueue_indirect_dma source(%dma_start3A_1498 : memref<10000x128xf32, #tpu.memory_space<hbm>>) target(%dma_start3A_1492 : memref<64x128xf32, #tpu.memory_space<vmem>>) offsets(%dma_start3A_1495 : memref<64xi32, #tpu.memory_space<vmem>>) semaphore(%dma_start3A_1500 : memref<!tpu.dma_semaphore, #tpu.memory_space<semaphore_mem>>) {add = true}
    %dma_start3A_1501 = arith.constant 11 : i32
    %dma_start3A_1502 = arith.constant 2 : i32
    %dma_start3A_1503 = arith.constant 256 : i32
    %dma_start3A_1504 = arith.constant 0 : i32
    %dma_start3A_1505 = tpu.memref_slice %arg8[%dma_start3A_1503, %dma_start3A_1504] : memref<320x128xf32, #tpu.memory_space<vmem>> -> memref<64x128xf32, #tpu.memory_space<vmem>>
    %dma_start3A_1506 = arith.constant 0 : i32
    %dma_start3A_1507 = tpu.memref_slice %arg7[%dma_start3A_1501, %dma_start3A_1506] : memref<30x128xi32, #tpu.memory_space<vmem>> -> memref<1x64xi32, #tpu.memory_space<vmem>>
    %dma_start3A_1508 = tpu.memref_squeeze %dma_start3A_1507 : memref<1x64xi32, #tpu.memory_space<vmem>> -> memref<64xi32, #tpu.memory_space<vmem>>
    %dma_start3A_1509 = arith.constant 0 : i32
    %dma_start3A_1510 = arith.constant 0 : i32
    %dma_start3A_1511 = tpu.memref_slice %arg2[%dma_start3A_1509, %dma_start3A_1510] : memref<10000x128xf32, #tpu.memory_space<hbm>> -> memref<10000x128xf32, #tpu.memory_space<hbm>>
    %dma_start3A_1512 = tpu.memref_slice %arg13[%dma_start3A_1502] : memref<3x!tpu.dma_semaphore, #tpu.memory_space<semaphore_mem>> -> memref<1x!tpu.dma_semaphore, #tpu.memory_space<semaphore_mem>>
    %dma_start3A_1513 = tpu.memref_squeeze %dma_start3A_1512 : memref<1x!tpu.dma_semaphore, #tpu.memory_space<semaphore_mem>> -> memref<!tpu.dma_semaphore, #tpu.memory_space<semaphore_mem>>
    tpu.enqueue_indirect_dma source(%dma_start3A_1511 : memref<10000x128xf32, #tpu.memory_space<hbm>>) target(%dma_start3A_1505 : memref<64x128xf32, #tpu.memory_space<vmem>>) offsets(%dma_start3A_1508 : memref<64xi32, #tpu.memory_space<vmem>>) semaphore(%dma_start3A_1513 : memref<!tpu.dma_semaphore, #tpu.memory_space<semaphore_mem>>) {add = true}
    %dma_start3A_1514 = arith.constant 14 : i32
    %dma_start3A_1515 = arith.constant 2 : i32
    %dma_start3A_1516 = arith.constant 256 : i32
    %dma_start3A_1517 = arith.constant 0 : i32
    %dma_start3A_1518 = tpu.memref_slice %arg8[%dma_start3A_1516, %dma_start3A_1517] : memref<320x128xf32, #tpu.memory_space<vmem>> -> memref<64x128xf32, #tpu.memory_space<vmem>>
    %dma_start3A_1519 = arith.constant 0 : i32
    %dma_start3A_1520 = tpu.memref_slice %arg7[%dma_start3A_1514, %dma_start3A_1519] : memref<30x128xi32, #tpu.memory_space<vmem>> -> memref<1x64xi32, #tpu.memory_space<vmem>>
    %dma_start3A_1521 = tpu.memref_squeeze %dma_start3A_1520 : memref<1x64xi32, #tpu.memory_space<vmem>> -> memref<64xi32, #tpu.memory_space<vmem>>
    %dma_start3A_1522 = arith.constant 0 : i32
    %dma_start3A_1523 = arith.constant 0 : i32
    %dma_start3A_1524 = tpu.memref_slice %arg2[%dma_start3A_1522, %dma_start3A_1523] : memref<10000x128xf32, #tpu.memory_space<hbm>> -> memref<10000x128xf32, #tpu.memory_space<hbm>>
    %dma_start3A_1525 = tpu.memref_slice %arg13[%dma_start3A_1515] : memref<3x!tpu.dma_semaphore, #tpu.memory_space<semaphore_mem>> -> memref<1x!tpu.dma_semaphore, #tpu.memory_space<semaphore_mem>>
    %dma_start3A_1526 = tpu.memref_squeeze %dma_start3A_1525 : memref<1x!tpu.dma_semaphore, #tpu.memory_space<semaphore_mem>> -> memref<!tpu.dma_semaphore, #tpu.memory_space<semaphore_mem>>
    tpu.enqueue_indirect_dma source(%dma_start3A_1524 : memref<10000x128xf32, #tpu.memory_space<hbm>>) target(%dma_start3A_1518 : memref<64x128xf32, #tpu.memory_space<vmem>>) offsets(%dma_start3A_1521 : memref<64xi32, #tpu.memory_space<vmem>>) semaphore(%dma_start3A_1526 : memref<!tpu.dma_semaphore, #tpu.memory_space<semaphore_mem>>) {add = true}
    %dma_start3A_1527 = arith.constant 17 : i32
    %dma_start3A_1528 = arith.constant 2 : i32
    %dma_start3A_1529 = arith.constant 256 : i32
    %dma_start3A_1530 = arith.constant 0 : i32
    %dma_start3A_1531 = tpu.memref_slice %arg8[%dma_start3A_1529, %dma_start3A_1530] : memref<320x128xf32, #tpu.memory_space<vmem>> -> memref<64x128xf32, #tpu.memory_space<vmem>>
    %dma_start3A_1532 = arith.constant 0 : i32
    %dma_start3A_1533 = tpu.memref_slice %arg7[%dma_start3A_1527, %dma_start3A_1532] : memref<30x128xi32, #tpu.memory_space<vmem>> -> memref<1x64xi32, #tpu.memory_space<vmem>>
    %dma_start3A_1534 = tpu.memref_squeeze %dma_start3A_1533 : memref<1x64xi32, #tpu.memory_space<vmem>> -> memref<64xi32, #tpu.memory_space<vmem>>
    %dma_start3A_1535 = arith.constant 0 : i32
    %dma_start3A_1536 = arith.constant 0 : i32
    %dma_start3A_1537 = tpu.memref_slice %arg2[%dma_start3A_1535, %dma_start3A_1536] : memref<10000x128xf32, #tpu.memory_space<hbm>> -> memref<10000x128xf32, #tpu.memory_space<hbm>>
    %dma_start3A_1538 = tpu.memref_slice %arg13[%dma_start3A_1528] : memref<3x!tpu.dma_semaphore, #tpu.memory_space<semaphore_mem>> -> memref<1x!tpu.dma_semaphore, #tpu.memory_space<semaphore_mem>>
    %dma_start3A_1539 = tpu.memref_squeeze %dma_start3A_1538 : memref<1x!tpu.dma_semaphore, #tpu.memory_space<semaphore_mem>> -> memref<!tpu.dma_semaphore, #tpu.memory_space<semaphore_mem>>
    tpu.enqueue_indirect_dma source(%dma_start3A_1537 : memref<10000x128xf32, #tpu.memory_space<hbm>>) target(%dma_start3A_1531 : memref<64x128xf32, #tpu.memory_space<vmem>>) offsets(%dma_start3A_1534 : memref<64xi32, #tpu.memory_space<vmem>>) semaphore(%dma_start3A_1539 : memref<!tpu.dma_semaphore, #tpu.memory_space<semaphore_mem>>) {add = true}
    %dma_start3A_1540 = arith.constant 20 : i32
    %dma_start3A_1541 = arith.constant 2 : i32
    %dma_start3A_1542 = arith.constant 256 : i32
    %dma_start3A_1543 = arith.constant 0 : i32
    %dma_start3A_1544 = tpu.memref_slice %arg8[%dma_start3A_1542, %dma_start3A_1543] : memref<320x128xf32, #tpu.memory_space<vmem>> -> memref<64x128xf32, #tpu.memory_space<vmem>>
    %dma_start3A_1545 = arith.constant 0 : i32
    %dma_start3A_1546 = tpu.memref_slice %arg7[%dma_start3A_1540, %dma_start3A_1545] : memref<30x128xi32, #tpu.memory_space<vmem>> -> memref<1x64xi32, #tpu.memory_space<vmem>>
    %dma_start3A_1547 = tpu.memref_squeeze %dma_start3A_1546 : memref<1x64xi32, #tpu.memory_space<vmem>> -> memref<64xi32, #tpu.memory_space<vmem>>
    %dma_start3A_1548 = arith.constant 0 : i32
    %dma_start3A_1549 = arith.constant 0 : i32
    %dma_start3A_1550 = tpu.memref_slice %arg2[%dma_start3A_1548, %dma_start3A_1549] : memref<10000x128xf32, #tpu.memory_space<hbm>> -> memref<10000x128xf32, #tpu.memory_space<hbm>>
    %dma_start3A_1551 = tpu.memref_slice %arg13[%dma_start3A_1541] : memref<3x!tpu.dma_semaphore, #tpu.memory_space<semaphore_mem>> -> memref<1x!tpu.dma_semaphore, #tpu.memory_space<semaphore_mem>>
    %dma_start3A_1552 = tpu.memref_squeeze %dma_start3A_1551 : memref<1x!tpu.dma_semaphore, #tpu.memory_space<semaphore_mem>> -> memref<!tpu.dma_semaphore, #tpu.memory_space<semaphore_mem>>
    tpu.enqueue_indirect_dma source(%dma_start3A_1550 : memref<10000x128xf32, #tpu.memory_space<hbm>>) target(%dma_start3A_1544 : memref<64x128xf32, #tpu.memory_space<vmem>>) offsets(%dma_start3A_1547 : memref<64xi32, #tpu.memory_space<vmem>>) semaphore(%dma_start3A_1552 : memref<!tpu.dma_semaphore, #tpu.memory_space<semaphore_mem>>) {add = true}
    %dma_start3A_1553 = arith.constant 23 : i32
    %dma_start3A_1554 = arith.constant 2 : i32
    %dma_start3A_1555 = arith.constant 256 : i32
    %dma_start3A_1556 = arith.constant 0 : i32
    %dma_start3A_1557 = tpu.memref_slice %arg8[%dma_start3A_1555, %dma_start3A_1556] : memref<320x128xf32, #tpu.memory_space<vmem>> -> memref<64x128xf32, #tpu.memory_space<vmem>>
    %dma_start3A_1558 = arith.constant 0 : i32
    %dma_start3A_1559 = tpu.memref_slice %arg7[%dma_start3A_1553, %dma_start3A_1558] : memref<30x128xi32, #tpu.memory_space<vmem>> -> memref<1x64xi32, #tpu.memory_space<vmem>>
    %dma_start3A_1560 = tpu.memref_squeeze %dma_start3A_1559 : memref<1x64xi32, #tpu.memory_space<vmem>> -> memref<64xi32, #tpu.memory_space<vmem>>
    %dma_start3A_1561 = arith.constant 0 : i32
    %dma_start3A_1562 = arith.constant 0 : i32
    %dma_start3A_1563 = tpu.memref_slice %arg2[%dma_start3A_1561, %dma_start3A_1562] : memref<10000x128xf32, #tpu.memory_space<hbm>> -> memref<10000x128xf32, #tpu.memory_space<hbm>>
    %dma_start3A_1564 = tpu.memref_slice %arg13[%dma_start3A_1554] : memref<3x!tpu.dma_semaphore, #tpu.memory_space<semaphore_mem>> -> memref<1x!tpu.dma_semaphore, #tpu.memory_space<semaphore_mem>>
    %dma_start3A_1565 = tpu.memref_squeeze %dma_start3A_1564 : memref<1x!tpu.dma_semaphore, #tpu.memory_space<semaphore_mem>> -> memref<!tpu.dma_semaphore, #tpu.memory_space<semaphore_mem>>
    tpu.enqueue_indirect_dma source(%dma_start3A_1563 : memref<10000x128xf32, #tpu.memory_space<hbm>>) target(%dma_start3A_1557 : memref<64x128xf32, #tpu.memory_space<vmem>>) offsets(%dma_start3A_1560 : memref<64xi32, #tpu.memory_space<vmem>>) semaphore(%dma_start3A_1565 : memref<!tpu.dma_semaphore, #tpu.memory_space<semaphore_mem>>) {add = true}
    %dma_start3A_1566 = arith.constant 26 : i32
    %dma_start3A_1567 = arith.constant 2 : i32
    %dma_start3A_1568 = arith.constant 256 : i32
    %dma_start3A_1569 = arith.constant 0 : i32
    %dma_start3A_1570 = tpu.memref_slice %arg8[%dma_start3A_1568, %dma_start3A_1569] : memref<320x128xf32, #tpu.memory_space<vmem>> -> memref<64x128xf32, #tpu.memory_space<vmem>>
    %dma_start3A_1571 = arith.constant 0 : i32
    %dma_start3A_1572 = tpu.memref_slice %arg7[%dma_start3A_1566, %dma_start3A_1571] : memref<30x128xi32, #tpu.memory_space<vmem>> -> memref<1x64xi32, #tpu.memory_space<vmem>>
    %dma_start3A_1573 = tpu.memref_squeeze %dma_start3A_1572 : memref<1x64xi32, #tpu.memory_space<vmem>> -> memref<64xi32, #tpu.memory_space<vmem>>
    %dma_start3A_1574 = arith.constant 0 : i32
    %dma_start3A_1575 = arith.constant 0 : i32
    %dma_start3A_1576 = tpu.memref_slice %arg2[%dma_start3A_1574, %dma_start3A_1575] : memref<10000x128xf32, #tpu.memory_space<hbm>> -> memref<10000x128xf32, #tpu.memory_space<hbm>>
    %dma_start3A_1577 = tpu.memref_slice %arg13[%dma_start3A_1567] : memref<3x!tpu.dma_semaphore, #tpu.memory_space<semaphore_mem>> -> memref<1x!tpu.dma_semaphore, #tpu.memory_space<semaphore_mem>>
    %dma_start3A_1578 = tpu.memref_squeeze %dma_start3A_1577 : memref<1x!tpu.dma_semaphore, #tpu.memory_space<semaphore_mem>> -> memref<!tpu.dma_semaphore, #tpu.memory_space<semaphore_mem>>
    tpu.enqueue_indirect_dma source(%dma_start3A_1576 : memref<10000x128xf32, #tpu.memory_space<hbm>>) target(%dma_start3A_1570 : memref<64x128xf32, #tpu.memory_space<vmem>>) offsets(%dma_start3A_1573 : memref<64xi32, #tpu.memory_space<vmem>>) semaphore(%dma_start3A_1578 : memref<!tpu.dma_semaphore, #tpu.memory_space<semaphore_mem>>) {add = true}
    %dma_start3A_1579 = arith.constant 29 : i32
    %dma_start3A_1580 = arith.constant 2 : i32
    %dma_start3A_1581 = arith.constant 256 : i32
    %dma_start3A_1582 = arith.constant 0 : i32
    %dma_start3A_1583 = tpu.memref_slice %arg8[%dma_start3A_1581, %dma_start3A_1582] : memref<320x128xf32, #tpu.memory_space<vmem>> -> memref<64x128xf32, #tpu.memory_space<vmem>>
    %dma_start3A_1584 = arith.constant 0 : i32
    %dma_start3A_1585 = tpu.memref_slice %arg7[%dma_start3A_1579, %dma_start3A_1584] : memref<30x128xi32, #tpu.memory_space<vmem>> -> memref<1x64xi32, #tpu.memory_space<vmem>>
    %dma_start3A_1586 = tpu.memref_squeeze %dma_start3A_1585 : memref<1x64xi32, #tpu.memory_space<vmem>> -> memref<64xi32, #tpu.memory_space<vmem>>
    %dma_start3A_1587 = arith.constant 0 : i32
    %dma_start3A_1588 = arith.constant 0 : i32
    %dma_start3A_1589 = tpu.memref_slice %arg2[%dma_start3A_1587, %dma_start3A_1588] : memref<10000x128xf32, #tpu.memory_space<hbm>> -> memref<10000x128xf32, #tpu.memory_space<hbm>>
    %dma_start3A_1590 = tpu.memref_slice %arg13[%dma_start3A_1580] : memref<3x!tpu.dma_semaphore, #tpu.memory_space<semaphore_mem>> -> memref<1x!tpu.dma_semaphore, #tpu.memory_space<semaphore_mem>>
    %dma_start3A_1591 = tpu.memref_squeeze %dma_start3A_1590 : memref<1x!tpu.dma_semaphore, #tpu.memory_space<semaphore_mem>> -> memref<!tpu.dma_semaphore, #tpu.memory_space<semaphore_mem>>
    tpu.enqueue_indirect_dma source(%dma_start3A_1589 : memref<10000x128xf32, #tpu.memory_space<hbm>>) target(%dma_start3A_1583 : memref<64x128xf32, #tpu.memory_space<vmem>>) offsets(%dma_start3A_1586 : memref<64xi32, #tpu.memory_space<vmem>>) semaphore(%dma_start3A_1591 : memref<!tpu.dma_semaphore, #tpu.memory_space<semaphore_mem>>) {add = true}
    %dma_wait3A_1592 = arith.constant 0 : i32
    %dma_wait3A_1593 = arith.constant 0 : i32
    %dma_wait3A_1594 = arith.constant 0 : i32
    %dma_wait3A_1595 = arith.constant 0 : i32
    %dma_wait3A_1596 = tpu.memref_slice %arg8[%dma_wait3A_1594, %dma_wait3A_1595] : memref<320x128xf32, #tpu.memory_space<vmem>> -> memref<128x128xf32, #tpu.memory_space<vmem>>
    %dma_wait3A_1597 = arith.constant 0 : i32
    %dma_wait3A_1598 = tpu.memref_slice %arg7[%dma_wait3A_1592, %dma_wait3A_1597] : memref<30x128xi32, #tpu.memory_space<vmem>> -> memref<1x128xi32, #tpu.memory_space<vmem>>
    %dma_wait3A_1599 = tpu.memref_squeeze %dma_wait3A_1598 : memref<1x128xi32, #tpu.memory_space<vmem>> -> memref<128xi32, #tpu.memory_space<vmem>>
    %dma_wait3A_1600 = arith.constant 0 : i32
    %dma_wait3A_1601 = arith.constant 0 : i32
    %dma_wait3A_1602 = tpu.memref_slice %arg2[%dma_wait3A_1600, %dma_wait3A_1601] : memref<10000x128xf32, #tpu.memory_space<hbm>> -> memref<10000x128xf32, #tpu.memory_space<hbm>>
    %dma_wait3A_1603 = tpu.memref_slice %arg13[%dma_wait3A_1593] : memref<3x!tpu.dma_semaphore, #tpu.memory_space<semaphore_mem>> -> memref<1x!tpu.dma_semaphore, #tpu.memory_space<semaphore_mem>>
    %dma_wait3A_1604 = tpu.memref_squeeze %dma_wait3A_1603 : memref<1x!tpu.dma_semaphore, #tpu.memory_space<semaphore_mem>> -> memref<!tpu.dma_semaphore, #tpu.memory_space<semaphore_mem>>
    tpu.wait_indirect_dma semaphore(%dma_wait3A_1604 : memref<!tpu.dma_semaphore, #tpu.memory_space<semaphore_mem>>) src(%dma_wait3A_1602 : memref<10000x128xf32, #tpu.memory_space<hbm>>) dst(%dma_wait3A_1596 : memref<128x128xf32, #tpu.memory_space<vmem>>)
    %dma_wait3A_1605 = arith.constant 3 : i32
    %dma_wait3A_1606 = arith.constant 0 : i32
    %dma_wait3A_1607 = arith.constant 0 : i32
    %dma_wait3A_1608 = arith.constant 0 : i32
    %dma_wait3A_1609 = tpu.memref_slice %arg8[%dma_wait3A_1607, %dma_wait3A_1608] : memref<320x128xf32, #tpu.memory_space<vmem>> -> memref<128x128xf32, #tpu.memory_space<vmem>>
    %dma_wait3A_1610 = arith.constant 0 : i32
    %dma_wait3A_1611 = tpu.memref_slice %arg7[%dma_wait3A_1605, %dma_wait3A_1610] : memref<30x128xi32, #tpu.memory_space<vmem>> -> memref<1x128xi32, #tpu.memory_space<vmem>>
    %dma_wait3A_1612 = tpu.memref_squeeze %dma_wait3A_1611 : memref<1x128xi32, #tpu.memory_space<vmem>> -> memref<128xi32, #tpu.memory_space<vmem>>
    %dma_wait3A_1613 = arith.constant 0 : i32
    %dma_wait3A_1614 = arith.constant 0 : i32
    %dma_wait3A_1615 = tpu.memref_slice %arg2[%dma_wait3A_1613, %dma_wait3A_1614] : memref<10000x128xf32, #tpu.memory_space<hbm>> -> memref<10000x128xf32, #tpu.memory_space<hbm>>
    %dma_wait3A_1616 = tpu.memref_slice %arg13[%dma_wait3A_1606] : memref<3x!tpu.dma_semaphore, #tpu.memory_space<semaphore_mem>> -> memref<1x!tpu.dma_semaphore, #tpu.memory_space<semaphore_mem>>
    %dma_wait3A_1617 = tpu.memref_squeeze %dma_wait3A_1616 : memref<1x!tpu.dma_semaphore, #tpu.memory_space<semaphore_mem>> -> memref<!tpu.dma_semaphore, #tpu.memory_space<semaphore_mem>>
    tpu.wait_indirect_dma semaphore(%dma_wait3A_1617 : memref<!tpu.dma_semaphore, #tpu.memory_space<semaphore_mem>>) src(%dma_wait3A_1615 : memref<10000x128xf32, #tpu.memory_space<hbm>>) dst(%dma_wait3A_1609 : memref<128x128xf32, #tpu.memory_space<vmem>>)
    %dma_wait3A_1618 = arith.constant 6 : i32
    %dma_wait3A_1619 = arith.constant 0 : i32
    %dma_wait3A_1620 = arith.constant 0 : i32
    %dma_wait3A_1621 = arith.constant 0 : i32
    %dma_wait3A_1622 = tpu.memref_slice %arg8[%dma_wait3A_1620, %dma_wait3A_1621] : memref<320x128xf32, #tpu.memory_space<vmem>> -> memref<128x128xf32, #tpu.memory_space<vmem>>
    %dma_wait3A_1623 = arith.constant 0 : i32
    %dma_wait3A_1624 = tpu.memref_slice %arg7[%dma_wait3A_1618, %dma_wait3A_1623] : memref<30x128xi32, #tpu.memory_space<vmem>> -> memref<1x128xi32, #tpu.memory_space<vmem>>
    %dma_wait3A_1625 = tpu.memref_squeeze %dma_wait3A_1624 : memref<1x128xi32, #tpu.memory_space<vmem>> -> memref<128xi32, #tpu.memory_space<vmem>>
    %dma_wait3A_1626 = arith.constant 0 : i32
    %dma_wait3A_1627 = arith.constant 0 : i32
    %dma_wait3A_1628 = tpu.memref_slice %arg2[%dma_wait3A_1626, %dma_wait3A_1627] : memref<10000x128xf32, #tpu.memory_space<hbm>> -> memref<10000x128xf32, #tpu.memory_space<hbm>>
    %dma_wait3A_1629 = tpu.memref_slice %arg13[%dma_wait3A_1619] : memref<3x!tpu.dma_semaphore, #tpu.memory_space<semaphore_mem>> -> memref<1x!tpu.dma_semaphore, #tpu.memory_space<semaphore_mem>>
    %dma_wait3A_1630 = tpu.memref_squeeze %dma_wait3A_1629 : memref<1x!tpu.dma_semaphore, #tpu.memory_space<semaphore_mem>> -> memref<!tpu.dma_semaphore, #tpu.memory_space<semaphore_mem>>
    tpu.wait_indirect_dma semaphore(%dma_wait3A_1630 : memref<!tpu.dma_semaphore, #tpu.memory_space<semaphore_mem>>) src(%dma_wait3A_1628 : memref<10000x128xf32, #tpu.memory_space<hbm>>) dst(%dma_wait3A_1622 : memref<128x128xf32, #tpu.memory_space<vmem>>)
    %dma_wait3A_1631 = arith.constant 9 : i32
    %dma_wait3A_1632 = arith.constant 0 : i32
    %dma_wait3A_1633 = arith.constant 0 : i32
    %dma_wait3A_1634 = arith.constant 0 : i32
    %dma_wait3A_1635 = tpu.memref_slice %arg8[%dma_wait3A_1633, %dma_wait3A_1634] : memref<320x128xf32, #tpu.memory_space<vmem>> -> memref<128x128xf32, #tpu.memory_space<vmem>>
    %dma_wait3A_1636 = arith.constant 0 : i32
    %dma_wait3A_1637 = tpu.memref_slice %arg7[%dma_wait3A_1631, %dma_wait3A_1636] : memref<30x128xi32, #tpu.memory_space<vmem>> -> memref<1x128xi32, #tpu.memory_space<vmem>>
    %dma_wait3A_1638 = tpu.memref_squeeze %dma_wait3A_1637 : memref<1x128xi32, #tpu.memory_space<vmem>> -> memref<128xi32, #tpu.memory_space<vmem>>
    %dma_wait3A_1639 = arith.constant 0 : i32
    %dma_wait3A_1640 = arith.constant 0 : i32
    %dma_wait3A_1641 = tpu.memref_slice %arg2[%dma_wait3A_1639, %dma_wait3A_1640] : memref<10000x128xf32, #tpu.memory_space<hbm>> -> memref<10000x128xf32, #tpu.memory_space<hbm>>
    %dma_wait3A_1642 = tpu.memref_slice %arg13[%dma_wait3A_1632] : memref<3x!tpu.dma_semaphore, #tpu.memory_space<semaphore_mem>> -> memref<1x!tpu.dma_semaphore, #tpu.memory_space<semaphore_mem>>
    %dma_wait3A_1643 = tpu.memref_squeeze %dma_wait3A_1642 : memref<1x!tpu.dma_semaphore, #tpu.memory_space<semaphore_mem>> -> memref<!tpu.dma_semaphore, #tpu.memory_space<semaphore_mem>>
    tpu.wait_indirect_dma semaphore(%dma_wait3A_1643 : memref<!tpu.dma_semaphore, #tpu.memory_space<semaphore_mem>>) src(%dma_wait3A_1641 : memref<10000x128xf32, #tpu.memory_space<hbm>>) dst(%dma_wait3A_1635 : memref<128x128xf32, #tpu.memory_space<vmem>>)
    %dma_wait3A_1644 = arith.constant 12 : i32
    %dma_wait3A_1645 = arith.constant 0 : i32
    %dma_wait3A_1646 = arith.constant 0 : i32
    %dma_wait3A_1647 = arith.constant 0 : i32
    %dma_wait3A_1648 = tpu.memref_slice %arg8[%dma_wait3A_1646, %dma_wait3A_1647] : memref<320x128xf32, #tpu.memory_space<vmem>> -> memref<128x128xf32, #tpu.memory_space<vmem>>
    %dma_wait3A_1649 = arith.constant 0 : i32
    %dma_wait3A_1650 = tpu.memref_slice %arg7[%dma_wait3A_1644, %dma_wait3A_1649] : memref<30x128xi32, #tpu.memory_space<vmem>> -> memref<1x128xi32, #tpu.memory_space<vmem>>
    %dma_wait3A_1651 = tpu.memref_squeeze %dma_wait3A_1650 : memref<1x128xi32, #tpu.memory_space<vmem>> -> memref<128xi32, #tpu.memory_space<vmem>>
    %dma_wait3A_1652 = arith.constant 0 : i32
    %dma_wait3A_1653 = arith.constant 0 : i32
    %dma_wait3A_1654 = tpu.memref_slice %arg2[%dma_wait3A_1652, %dma_wait3A_1653] : memref<10000x128xf32, #tpu.memory_space<hbm>> -> memref<10000x128xf32, #tpu.memory_space<hbm>>
    %dma_wait3A_1655 = tpu.memref_slice %arg13[%dma_wait3A_1645] : memref<3x!tpu.dma_semaphore, #tpu.memory_space<semaphore_mem>> -> memref<1x!tpu.dma_semaphore, #tpu.memory_space<semaphore_mem>>
    %dma_wait3A_1656 = tpu.memref_squeeze %dma_wait3A_1655 : memref<1x!tpu.dma_semaphore, #tpu.memory_space<semaphore_mem>> -> memref<!tpu.dma_semaphore, #tpu.memory_space<semaphore_mem>>
    tpu.wait_indirect_dma semaphore(%dma_wait3A_1656 : memref<!tpu.dma_semaphore, #tpu.memory_space<semaphore_mem>>) src(%dma_wait3A_1654 : memref<10000x128xf32, #tpu.memory_space<hbm>>) dst(%dma_wait3A_1648 : memref<128x128xf32, #tpu.memory_space<vmem>>)
    %dma_wait3A_1657 = arith.constant 15 : i32
    %dma_wait3A_1658 = arith.constant 0 : i32
    %dma_wait3A_1659 = arith.constant 0 : i32
    %dma_wait3A_1660 = arith.constant 0 : i32
    %dma_wait3A_1661 = tpu.memref_slice %arg8[%dma_wait3A_1659, %dma_wait3A_1660] : memref<320x128xf32, #tpu.memory_space<vmem>> -> memref<128x128xf32, #tpu.memory_space<vmem>>
    %dma_wait3A_1662 = arith.constant 0 : i32
    %dma_wait3A_1663 = tpu.memref_slice %arg7[%dma_wait3A_1657, %dma_wait3A_1662] : memref<30x128xi32, #tpu.memory_space<vmem>> -> memref<1x128xi32, #tpu.memory_space<vmem>>
    %dma_wait3A_1664 = tpu.memref_squeeze %dma_wait3A_1663 : memref<1x128xi32, #tpu.memory_space<vmem>> -> memref<128xi32, #tpu.memory_space<vmem>>
    %dma_wait3A_1665 = arith.constant 0 : i32
    %dma_wait3A_1666 = arith.constant 0 : i32
    %dma_wait3A_1667 = tpu.memref_slice %arg2[%dma_wait3A_1665, %dma_wait3A_1666] : memref<10000x128xf32, #tpu.memory_space<hbm>> -> memref<10000x128xf32, #tpu.memory_space<hbm>>
    %dma_wait3A_1668 = tpu.memref_slice %arg13[%dma_wait3A_1658] : memref<3x!tpu.dma_semaphore, #tpu.memory_space<semaphore_mem>> -> memref<1x!tpu.dma_semaphore, #tpu.memory_space<semaphore_mem>>
    %dma_wait3A_1669 = tpu.memref_squeeze %dma_wait3A_1668 : memref<1x!tpu.dma_semaphore, #tpu.memory_space<semaphore_mem>> -> memref<!tpu.dma_semaphore, #tpu.memory_space<semaphore_mem>>
    tpu.wait_indirect_dma semaphore(%dma_wait3A_1669 : memref<!tpu.dma_semaphore, #tpu.memory_space<semaphore_mem>>) src(%dma_wait3A_1667 : memref<10000x128xf32, #tpu.memory_space<hbm>>) dst(%dma_wait3A_1661 : memref<128x128xf32, #tpu.memory_space<vmem>>)
    %dma_wait3A_1670 = arith.constant 18 : i32
    %dma_wait3A_1671 = arith.constant 0 : i32
    %dma_wait3A_1672 = arith.constant 0 : i32
    %dma_wait3A_1673 = arith.constant 0 : i32
    %dma_wait3A_1674 = tpu.memref_slice %arg8[%dma_wait3A_1672, %dma_wait3A_1673] : memref<320x128xf32, #tpu.memory_space<vmem>> -> memref<128x128xf32, #tpu.memory_space<vmem>>
    %dma_wait3A_1675 = arith.constant 0 : i32
    %dma_wait3A_1676 = tpu.memref_slice %arg7[%dma_wait3A_1670, %dma_wait3A_1675] : memref<30x128xi32, #tpu.memory_space<vmem>> -> memref<1x128xi32, #tpu.memory_space<vmem>>
    %dma_wait3A_1677 = tpu.memref_squeeze %dma_wait3A_1676 : memref<1x128xi32, #tpu.memory_space<vmem>> -> memref<128xi32, #tpu.memory_space<vmem>>
    %dma_wait3A_1678 = arith.constant 0 : i32
    %dma_wait3A_1679 = arith.constant 0 : i32
    %dma_wait3A_1680 = tpu.memref_slice %arg2[%dma_wait3A_1678, %dma_wait3A_1679] : memref<10000x128xf32, #tpu.memory_space<hbm>> -> memref<10000x128xf32, #tpu.memory_space<hbm>>
    %dma_wait3A_1681 = tpu.memref_slice %arg13[%dma_wait3A_1671] : memref<3x!tpu.dma_semaphore, #tpu.memory_space<semaphore_mem>> -> memref<1x!tpu.dma_semaphore, #tpu.memory_space<semaphore_mem>>
    %dma_wait3A_1682 = tpu.memref_squeeze %dma_wait3A_1681 : memref<1x!tpu.dma_semaphore, #tpu.memory_space<semaphore_mem>> -> memref<!tpu.dma_semaphore, #tpu.memory_space<semaphore_mem>>
    tpu.wait_indirect_dma semaphore(%dma_wait3A_1682 : memref<!tpu.dma_semaphore, #tpu.memory_space<semaphore_mem>>) src(%dma_wait3A_1680 : memref<10000x128xf32, #tpu.memory_space<hbm>>) dst(%dma_wait3A_1674 : memref<128x128xf32, #tpu.memory_space<vmem>>)
    %dma_wait3A_1683 = arith.constant 21 : i32
    %dma_wait3A_1684 = arith.constant 0 : i32
    %dma_wait3A_1685 = arith.constant 0 : i32
    %dma_wait3A_1686 = arith.constant 0 : i32
    %dma_wait3A_1687 = tpu.memref_slice %arg8[%dma_wait3A_1685, %dma_wait3A_1686] : memref<320x128xf32, #tpu.memory_space<vmem>> -> memref<128x128xf32, #tpu.memory_space<vmem>>
    %dma_wait3A_1688 = arith.constant 0 : i32
    %dma_wait3A_1689 = tpu.memref_slice %arg7[%dma_wait3A_1683, %dma_wait3A_1688] : memref<30x128xi32, #tpu.memory_space<vmem>> -> memref<1x128xi32, #tpu.memory_space<vmem>>
    %dma_wait3A_1690 = tpu.memref_squeeze %dma_wait3A_1689 : memref<1x128xi32, #tpu.memory_space<vmem>> -> memref<128xi32, #tpu.memory_space<vmem>>
    %dma_wait3A_1691 = arith.constant 0 : i32
    %dma_wait3A_1692 = arith.constant 0 : i32
    %dma_wait3A_1693 = tpu.memref_slice %arg2[%dma_wait3A_1691, %dma_wait3A_1692] : memref<10000x128xf32, #tpu.memory_space<hbm>> -> memref<10000x128xf32, #tpu.memory_space<hbm>>
    %dma_wait3A_1694 = tpu.memref_slice %arg13[%dma_wait3A_1684] : memref<3x!tpu.dma_semaphore, #tpu.memory_space<semaphore_mem>> -> memref<1x!tpu.dma_semaphore, #tpu.memory_space<semaphore_mem>>
    %dma_wait3A_1695 = tpu.memref_squeeze %dma_wait3A_1694 : memref<1x!tpu.dma_semaphore, #tpu.memory_space<semaphore_mem>> -> memref<!tpu.dma_semaphore, #tpu.memory_space<semaphore_mem>>
    tpu.wait_indirect_dma semaphore(%dma_wait3A_1695 : memref<!tpu.dma_semaphore, #tpu.memory_space<semaphore_mem>>) src(%dma_wait3A_1693 : memref<10000x128xf32, #tpu.memory_space<hbm>>) dst(%dma_wait3A_1687 : memref<128x128xf32, #tpu.memory_space<vmem>>)
    %dma_wait3A_1696 = arith.constant 24 : i32
    %dma_wait3A_1697 = arith.constant 0 : i32
    %dma_wait3A_1698 = arith.constant 0 : i32
    %dma_wait3A_1699 = arith.constant 0 : i32
    %dma_wait3A_1700 = tpu.memref_slice %arg8[%dma_wait3A_1698, %dma_wait3A_1699] : memref<320x128xf32, #tpu.memory_space<vmem>> -> memref<128x128xf32, #tpu.memory_space<vmem>>
    %dma_wait3A_1701 = arith.constant 0 : i32
    %dma_wait3A_1702 = tpu.memref_slice %arg7[%dma_wait3A_1696, %dma_wait3A_1701] : memref<30x128xi32, #tpu.memory_space<vmem>> -> memref<1x128xi32, #tpu.memory_space<vmem>>
    %dma_wait3A_1703 = tpu.memref_squeeze %dma_wait3A_1702 : memref<1x128xi32, #tpu.memory_space<vmem>> -> memref<128xi32, #tpu.memory_space<vmem>>
    %dma_wait3A_1704 = arith.constant 0 : i32
    %dma_wait3A_1705 = arith.constant 0 : i32
    %dma_wait3A_1706 = tpu.memref_slice %arg2[%dma_wait3A_1704, %dma_wait3A_1705] : memref<10000x128xf32, #tpu.memory_space<hbm>> -> memref<10000x128xf32, #tpu.memory_space<hbm>>
    %dma_wait3A_1707 = tpu.memref_slice %arg13[%dma_wait3A_1697] : memref<3x!tpu.dma_semaphore, #tpu.memory_space<semaphore_mem>> -> memref<1x!tpu.dma_semaphore, #tpu.memory_space<semaphore_mem>>
    %dma_wait3A_1708 = tpu.memref_squeeze %dma_wait3A_1707 : memref<1x!tpu.dma_semaphore, #tpu.memory_space<semaphore_mem>> -> memref<!tpu.dma_semaphore, #tpu.memory_space<semaphore_mem>>
    tpu.wait_indirect_dma semaphore(%dma_wait3A_1708 : memref<!tpu.dma_semaphore, #tpu.memory_space<semaphore_mem>>) src(%dma_wait3A_1706 : memref<10000x128xf32, #tpu.memory_space<hbm>>) dst(%dma_wait3A_1700 : memref<128x128xf32, #tpu.memory_space<vmem>>)
    %dma_wait3A_1709 = arith.constant 27 : i32
    %dma_wait3A_1710 = arith.constant 0 : i32
    %dma_wait3A_1711 = arith.constant 0 : i32
    %dma_wait3A_1712 = arith.constant 0 : i32
    %dma_wait3A_1713 = tpu.memref_slice %arg8[%dma_wait3A_1711, %dma_wait3A_1712] : memref<320x128xf32, #tpu.memory_space<vmem>> -> memref<128x128xf32, #tpu.memory_space<vmem>>
    %dma_wait3A_1714 = arith.constant 0 : i32
    %dma_wait3A_1715 = tpu.memref_slice %arg7[%dma_wait3A_1709, %dma_wait3A_1714] : memref<30x128xi32, #tpu.memory_space<vmem>> -> memref<1x128xi32, #tpu.memory_space<vmem>>
    %dma_wait3A_1716 = tpu.memref_squeeze %dma_wait3A_1715 : memref<1x128xi32, #tpu.memory_space<vmem>> -> memref<128xi32, #tpu.memory_space<vmem>>
    %dma_wait3A_1717 = arith.constant 0 : i32
    %dma_wait3A_1718 = arith.constant 0 : i32
    %dma_wait3A_1719 = tpu.memref_slice %arg2[%dma_wait3A_1717, %dma_wait3A_1718] : memref<10000x128xf32, #tpu.memory_space<hbm>> -> memref<10000x128xf32, #tpu.memory_space<hbm>>
    %dma_wait3A_1720 = tpu.memref_slice %arg13[%dma_wait3A_1710] : memref<3x!tpu.dma_semaphore, #tpu.memory_space<semaphore_mem>> -> memref<1x!tpu.dma_semaphore, #tpu.memory_space<semaphore_mem>>
    %dma_wait3A_1721 = tpu.memref_squeeze %dma_wait3A_1720 : memref<1x!tpu.dma_semaphore, #tpu.memory_space<semaphore_mem>> -> memref<!tpu.dma_semaphore, #tpu.memory_space<semaphore_mem>>
    tpu.wait_indirect_dma semaphore(%dma_wait3A_1721 : memref<!tpu.dma_semaphore, #tpu.memory_space<semaphore_mem>>) src(%dma_wait3A_1719 : memref<10000x128xf32, #tpu.memory_space<hbm>>) dst(%dma_wait3A_1713 : memref<128x128xf32, #tpu.memory_space<vmem>>)
    %scan3A = arith.constant 0 : i32
    %scan3A_1722 = arith.constant 0 : i32
    %scan3A_1723 = arith.constant 128 : i32
    %scan3A_1724 = arith.addi %scan3A_1722, %scan3A_1723 : i32
    %scan3A_1725 = arith.constant 1 : i32
    %scan3A_1726 = scf.for %scan3A_2152 = %scan3A_1722 to %scan3A_1724 step %scan3A_1725 iter_args(%scan3A_2153 = %scan3A) -> (i32)  : i32 {
      %get3A_2154 = arith.index_cast %scan3A_2152 : i32 to index
      %get3A_2155 = arith.constant 0 : index
      %get3A_2156 = tpu.vector_load %arg8[%get3A_2154, %get3A_2155] {strides = array<i32>} : memref<320x128xf32, #tpu.memory_space<vmem>>, vector<1x16xf32>,
      %get3A_2157 = vector.shape_cast %get3A_2156 : vector<1x16xf32> to vector<16xf32>
      %max3A = arith.constant 0.000000e+00 : f32
      %max3A_2158 = vector.broadcast %max3A : f32 to vector<16xf32>
      %max3A_2159 = arith.maximumf %get3A_2157, %max3A_2158 : vector<16xf32>
      %swap3A_2160 = arith.index_cast %scan3A_2152 : i32 to index
      %swap3A_2161 = arith.constant 0 : index
      %swap3A_2162 = tpu.vector_load %arg8[%swap3A_2160, %swap3A_2161] {strides = array<i32>} : memref<320x128xf32, #tpu.memory_space<vmem>>, vector<1x16xf32>,
      %swap3A_2163 = vector.shape_cast %swap3A_2162 : vector<1x16xf32> to vector<16xf32>
      %swap3A_2164 = vector.shape_cast %max3A_2159 : vector<16xf32> to vector<1x16xf32>
      tpu.vector_store %arg8[%swap3A_2160, %swap3A_2161], %swap3A_2164 {strides = array<i32>} : memref<320x128xf32, #tpu.memory_space<vmem>>, vector<1x16xf32>,
      %get3A_2165 = arith.index_cast %scan3A_2152 : i32 to index
      %get3A_2166 = arith.constant 16 : index
      %get3A_2167 = tpu.vector_load %arg8[%get3A_2165, %get3A_2166] {strides = array<i32>} : memref<320x128xf32, #tpu.memory_space<vmem>>, vector<1x16xf32>,
      %get3A_2168 = vector.shape_cast %get3A_2167 : vector<1x16xf32> to vector<16xf32>
      %max3A_2169 = arith.constant 0.000000e+00 : f32
      %max3A_2170 = vector.broadcast %max3A_2169 : f32 to vector<16xf32>
      %max3A_2171 = arith.maximumf %get3A_2168, %max3A_2170 : vector<16xf32>
      %swap3A_2172 = arith.index_cast %scan3A_2152 : i32 to index
      %swap3A_2173 = arith.constant 16 : index
      %swap3A_2174 = tpu.vector_load %arg8[%swap3A_2172, %swap3A_2173] {strides = array<i32>} : memref<320x128xf32, #tpu.memory_space<vmem>>, vector<1x16xf32>,
      %swap3A_2175 = vector.shape_cast %swap3A_2174 : vector<1x16xf32> to vector<16xf32>
      %swap3A_2176 = vector.shape_cast %max3A_2171 : vector<16xf32> to vector<1x16xf32>
      tpu.vector_store %arg8[%swap3A_2172, %swap3A_2173], %swap3A_2176 {strides = array<i32>} : memref<320x128xf32, #tpu.memory_space<vmem>>, vector<1x16xf32>,
      %get3A_2177 = arith.index_cast %scan3A_2152 : i32 to index
      %get3A_2178 = arith.constant 32 : index
      %get3A_2179 = tpu.vector_load %arg8[%get3A_2177, %get3A_2178] {strides = array<i32>} : memref<320x128xf32, #tpu.memory_space<vmem>>, vector<1x16xf32>,
      %get3A_2180 = vector.shape_cast %get3A_2179 : vector<1x16xf32> to vector<16xf32>
      %max3A_2181 = arith.constant 0.000000e+00 : f32
      %max3A_2182 = vector.broadcast %max3A_2181 : f32 to vector<16xf32>
      %max3A_2183 = arith.maximumf %get3A_2180, %max3A_2182 : vector<16xf32>
      %swap3A_2184 = arith.index_cast %scan3A_2152 : i32 to index
      %swap3A_2185 = arith.constant 32 : index
      %swap3A_2186 = tpu.vector_load %arg8[%swap3A_2184, %swap3A_2185] {strides = array<i32>} : memref<320x128xf32, #tpu.memory_space<vmem>>, vector<1x16xf32>,
      %swap3A_2187 = vector.shape_cast %swap3A_2186 : vector<1x16xf32> to vector<16xf32>
      %swap3A_2188 = vector.shape_cast %max3A_2183 : vector<16xf32> to vector<1x16xf32>
      tpu.vector_store %arg8[%swap3A_2184, %swap3A_2185], %swap3A_2188 {strides = array<i32>} : memref<320x128xf32, #tpu.memory_space<vmem>>, vector<1x16xf32>,
      %get3A_2189 = arith.index_cast %scan3A_2152 : i32 to index
      %get3A_2190 = arith.constant 48 : index
      %get3A_2191 = tpu.vector_load %arg8[%get3A_2189, %get3A_2190] {strides = array<i32>} : memref<320x128xf32, #tpu.memory_space<vmem>>, vector<1x16xf32>,
      %get3A_2192 = vector.shape_cast %get3A_2191 : vector<1x16xf32> to vector<16xf32>
      %max3A_2193 = arith.constant 0.000000e+00 : f32
      %max3A_2194 = vector.broadcast %max3A_2193 : f32 to vector<16xf32>
      %max3A_2195 = arith.maximumf %get3A_2192, %max3A_2194 : vector<16xf32>
      %swap3A_2196 = arith.index_cast %scan3A_2152 : i32 to index
      %swap3A_2197 = arith.constant 48 : index
      %swap3A_2198 = tpu.vector_load %arg8[%swap3A_2196, %swap3A_2197] {strides = array<i32>} : memref<320x128xf32, #tpu.memory_space<vmem>>, vector<1x16xf32>,
      %swap3A_2199 = vector.shape_cast %swap3A_2198 : vector<1x16xf32> to vector<16xf32>
      %swap3A_2200 = vector.shape_cast %max3A_2195 : vector<16xf32> to vector<1x16xf32>
      tpu.vector_store %arg8[%swap3A_2196, %swap3A_2197], %swap3A_2200 {strides = array<i32>} : memref<320x128xf32, #tpu.memory_space<vmem>>, vector<1x16xf32>,
      %get3A_2201 = arith.index_cast %scan3A_2152 : i32 to index
      %get3A_2202 = arith.constant 64 : index
      %get3A_2203 = tpu.vector_load %arg8[%get3A_2201, %get3A_2202] {strides = array<i32>} : memref<320x128xf32, #tpu.memory_space<vmem>>, vector<1x16xf32>,
      %get3A_2204 = vector.shape_cast %get3A_2203 : vector<1x16xf32> to vector<16xf32>
      %max3A_2205 = arith.constant 0.000000e+00 : f32
      %max3A_2206 = vector.broadcast %max3A_2205 : f32 to vector<16xf32>
      %max3A_2207 = arith.maximumf %get3A_2204, %max3A_2206 : vector<16xf32>
      %swap3A_2208 = arith.index_cast %scan3A_2152 : i32 to index
      %swap3A_2209 = arith.constant 64 : index
      %swap3A_2210 = tpu.vector_load %arg8[%swap3A_2208, %swap3A_2209] {strides = array<i32>} : memref<320x128xf32, #tpu.memory_space<vmem>>, vector<1x16xf32>,
      %swap3A_2211 = vector.shape_cast %swap3A_2210 : vector<1x16xf32> to vector<16xf32>
      %swap3A_2212 = vector.shape_cast %max3A_2207 : vector<16xf32> to vector<1x16xf32>
      tpu.vector_store %arg8[%swap3A_2208, %swap3A_2209], %swap3A_2212 {strides = array<i32>} : memref<320x128xf32, #tpu.memory_space<vmem>>, vector<1x16xf32>,
      %get3A_2213 = arith.index_cast %scan3A_2152 : i32 to index
      %get3A_2214 = arith.constant 80 : index
      %get3A_2215 = tpu.vector_load %arg8[%get3A_2213, %get3A_2214] {strides = array<i32>} : memref<320x128xf32, #tpu.memory_space<vmem>>, vector<1x16xf32>,
      %get3A_2216 = vector.shape_cast %get3A_2215 : vector<1x16xf32> to vector<16xf32>
      %max3A_2217 = arith.constant 0.000000e+00 : f32
      %max3A_2218 = vector.broadcast %max3A_2217 : f32 to vector<16xf32>
      %max3A_2219 = arith.maximumf %get3A_2216, %max3A_2218 : vector<16xf32>
      %swap3A_2220 = arith.index_cast %scan3A_2152 : i32 to index
      %swap3A_2221 = arith.constant 80 : index
      %swap3A_2222 = tpu.vector_load %arg8[%swap3A_2220, %swap3A_2221] {strides = array<i32>} : memref<320x128xf32, #tpu.memory_space<vmem>>, vector<1x16xf32>,
      %swap3A_2223 = vector.shape_cast %swap3A_2222 : vector<1x16xf32> to vector<16xf32>
      %swap3A_2224 = vector.shape_cast %max3A_2219 : vector<16xf32> to vector<1x16xf32>
      tpu.vector_store %arg8[%swap3A_2220, %swap3A_2221], %swap3A_2224 {strides = array<i32>} : memref<320x128xf32, #tpu.memory_space<vmem>>, vector<1x16xf32>,
      %get3A_2225 = arith.index_cast %scan3A_2152 : i32 to index
      %get3A_2226 = arith.constant 96 : index
      %get3A_2227 = tpu.vector_load %arg8[%get3A_2225, %get3A_2226] {strides = array<i32>} : memref<320x128xf32, #tpu.memory_space<vmem>>, vector<1x16xf32>,
      %get3A_2228 = vector.shape_cast %get3A_2227 : vector<1x16xf32> to vector<16xf32>
      %max3A_2229 = arith.constant 0.000000e+00 : f32
      %max3A_2230 = vector.broadcast %max3A_2229 : f32 to vector<16xf32>
      %max3A_2231 = arith.maximumf %get3A_2228, %max3A_2230 : vector<16xf32>
      %swap3A_2232 = arith.index_cast %scan3A_2152 : i32 to index
      %swap3A_2233 = arith.constant 96 : index
      %swap3A_2234 = tpu.vector_load %arg8[%swap3A_2232, %swap3A_2233] {strides = array<i32>} : memref<320x128xf32, #tpu.memory_space<vmem>>, vector<1x16xf32>,
      %swap3A_2235 = vector.shape_cast %swap3A_2234 : vector<1x16xf32> to vector<16xf32>
      %swap3A_2236 = vector.shape_cast %max3A_2231 : vector<16xf32> to vector<1x16xf32>
      tpu.vector_store %arg8[%swap3A_2232, %swap3A_2233], %swap3A_2236 {strides = array<i32>} : memref<320x128xf32, #tpu.memory_space<vmem>>, vector<1x16xf32>,
      %get3A_2237 = arith.index_cast %scan3A_2152 : i32 to index
      %get3A_2238 = arith.constant 112 : index
      %get3A_2239 = tpu.vector_load %arg8[%get3A_2237, %get3A_2238] {strides = array<i32>} : memref<320x128xf32, #tpu.memory_space<vmem>>, vector<1x16xf32>,
      %get3A_2240 = vector.shape_cast %get3A_2239 : vector<1x16xf32> to vector<16xf32>
      %max3A_2241 = arith.constant 0.000000e+00 : f32
      %max3A_2242 = vector.broadcast %max3A_2241 : f32 to vector<16xf32>
      %max3A_2243 = arith.maximumf %get3A_2240, %max3A_2242 : vector<16xf32>
      %swap3A_2244 = arith.index_cast %scan3A_2152 : i32 to index
      %swap3A_2245 = arith.constant 112 : index
      %swap3A_2246 = tpu.vector_load %arg8[%swap3A_2244, %swap3A_2245] {strides = array<i32>} : memref<320x128xf32, #tpu.memory_space<vmem>>, vector<1x16xf32>,
      %swap3A_2247 = vector.shape_cast %swap3A_2246 : vector<1x16xf32> to vector<16xf32>
      %swap3A_2248 = vector.shape_cast %max3A_2243 : vector<16xf32> to vector<1x16xf32>
      tpu.vector_store %arg8[%swap3A_2244, %swap3A_2245], %swap3A_2248 {strides = array<i32>} : memref<320x128xf32, #tpu.memory_space<vmem>>, vector<1x16xf32>,
      %scan3A_2249 = arith.constant 0 : i32
      scf.yield %scan3A_2249 : i32
    }
    %scan3A_1727 = arith.constant 128 : i32
    %add3A_1728 = arith.constant 0 : i32
    %add3A_1729 = arith.addi %multiple_of3A, %add3A_1728 : i32
    %dma_start3A_1730 = arith.constant 0 : i32
    %dma_start3A_1731 = arith.constant 0 : i32
    %dma_start3A_1732 = tpu.memref_slice %arg8[%dma_start3A_1730, %dma_start3A_1731] : memref<320x128xf32, #tpu.memory_space<vmem>> -> memref<128x128xf32, #tpu.memory_space<vmem>>
    %dma_start3A_1733 = arith.constant 0 : i32
    %dma_start3A_1734 = tpu.memref_slice %arg5[%add3A_1729, %dma_start3A_1733] : memref<10000x128xf32, #tpu.memory_space<hbm>> -> memref<128x128xf32, #tpu.memory_space<hbm>>
    %dma_start3A_1735 = arith.constant 0 : i32
    %dma_start3A_1736 = tpu.memref_slice %arg5[%add3A_1729, %dma_start3A_1735] : memref<10000x128xf32, #tpu.memory_space<hbm>> -> memref<128x128xf32, #tpu.memory_space<hbm>>
    %dma_start3A_1737 = arith.constant 0 : i32
    %dma_start3A_1738 = arith.constant 0 : i32
    %dma_start3A_1739 = tpu.memref_slice %arg8[%dma_start3A_1737, %dma_start3A_1738] : memref<320x128xf32, #tpu.memory_space<vmem>> -> memref<128x128xf32, #tpu.memory_space<vmem>>
    tpu.enqueue_dma source(%dma_start3A_1739 : memref<128x128xf32, #tpu.memory_space<vmem>>) target(%dma_start3A_1736 : memref<128x128xf32, #tpu.memory_space<hbm>>) target_semaphore(%arg14 : memref<!tpu.dma_semaphore, #tpu.memory_space<semaphore_mem>>)
    %dma_wait3A_1740 = arith.constant 1 : i32
    %dma_wait3A_1741 = arith.constant 1 : i32
    %dma_wait3A_1742 = arith.constant 128 : i32
    %dma_wait3A_1743 = arith.constant 0 : i32
    %dma_wait3A_1744 = tpu.memref_slice %arg8[%dma_wait3A_1742, %dma_wait3A_1743] : memref<320x128xf32, #tpu.memory_space<vmem>> -> memref<128x128xf32, #tpu.memory_space<vmem>>
    %dma_wait3A_1745 = arith.constant 0 : i32
    %dma_wait3A_1746 = tpu.memref_slice %arg7[%dma_wait3A_1740, %dma_wait3A_1745] : memref<30x128xi32, #tpu.memory_space<vmem>> -> memref<1x128xi32, #tpu.memory_space<vmem>>
    %dma_wait3A_1747 = tpu.memref_squeeze %dma_wait3A_1746 : memref<1x128xi32, #tpu.memory_space<vmem>> -> memref<128xi32, #tpu.memory_space<vmem>>
    %dma_wait3A_1748 = arith.constant 0 : i32
    %dma_wait3A_1749 = arith.constant 0 : i32
    %dma_wait3A_1750 = tpu.memref_slice %arg2[%dma_wait3A_1748, %dma_wait3A_1749] : memref<10000x128xf32, #tpu.memory_space<hbm>> -> memref<10000x128xf32, #tpu.memory_space<hbm>>
    %dma_wait3A_1751 = tpu.memref_slice %arg13[%dma_wait3A_1741] : memref<3x!tpu.dma_semaphore, #tpu.memory_space<semaphore_mem>> -> memref<1x!tpu.dma_semaphore, #tpu.memory_space<semaphore_mem>>
    %dma_wait3A_1752 = tpu.memref_squeeze %dma_wait3A_1751 : memref<1x!tpu.dma_semaphore, #tpu.memory_space<semaphore_mem>> -> memref<!tpu.dma_semaphore, #tpu.memory_space<semaphore_mem>>
    tpu.wait_indirect_dma semaphore(%dma_wait3A_1752 : memref<!tpu.dma_semaphore, #tpu.memory_space<semaphore_mem>>) src(%dma_wait3A_1750 : memref<10000x128xf32, #tpu.memory_space<hbm>>) dst(%dma_wait3A_1744 : memref<128x128xf32, #tpu.memory_space<vmem>>)
    %dma_wait3A_1753 = arith.constant 4 : i32
    %dma_wait3A_1754 = arith.constant 1 : i32
    %dma_wait3A_1755 = arith.constant 128 : i32
    %dma_wait3A_1756 = arith.constant 0 : i32
    %dma_wait3A_1757 = tpu.memref_slice %arg8[%dma_wait3A_1755, %dma_wait3A_1756] : memref<320x128xf32, #tpu.memory_space<vmem>> -> memref<128x128xf32, #tpu.memory_space<vmem>>
    %dma_wait3A_1758 = arith.constant 0 : i32
    %dma_wait3A_1759 = tpu.memref_slice %arg7[%dma_wait3A_1753, %dma_wait3A_1758] : memref<30x128xi32, #tpu.memory_space<vmem>> -> memref<1x128xi32, #tpu.memory_space<vmem>>
    %dma_wait3A_1760 = tpu.memref_squeeze %dma_wait3A_1759 : memref<1x128xi32, #tpu.memory_space<vmem>> -> memref<128xi32, #tpu.memory_space<vmem>>
    %dma_wait3A_1761 = arith.constant 0 : i32
    %dma_wait3A_1762 = arith.constant 0 : i32
    %dma_wait3A_1763 = tpu.memref_slice %arg2[%dma_wait3A_1761, %dma_wait3A_1762] : memref<10000x128xf32, #tpu.memory_space<hbm>> -> memref<10000x128xf32, #tpu.memory_space<hbm>>
    %dma_wait3A_1764 = tpu.memref_slice %arg13[%dma_wait3A_1754] : memref<3x!tpu.dma_semaphore, #tpu.memory_space<semaphore_mem>> -> memref<1x!tpu.dma_semaphore, #tpu.memory_space<semaphore_mem>>
    %dma_wait3A_1765 = tpu.memref_squeeze %dma_wait3A_1764 : memref<1x!tpu.dma_semaphore, #tpu.memory_space<semaphore_mem>> -> memref<!tpu.dma_semaphore, #tpu.memory_space<semaphore_mem>>
    tpu.wait_indirect_dma semaphore(%dma_wait3A_1765 : memref<!tpu.dma_semaphore, #tpu.memory_space<semaphore_mem>>) src(%dma_wait3A_1763 : memref<10000x128xf32, #tpu.memory_space<hbm>>) dst(%dma_wait3A_1757 : memref<128x128xf32, #tpu.memory_space<vmem>>)
    %dma_wait3A_1766 = arith.constant 7 : i32
    %dma_wait3A_1767 = arith.constant 1 : i32
    %dma_wait3A_1768 = arith.constant 128 : i32
    %dma_wait3A_1769 = arith.constant 0 : i32
    %dma_wait3A_1770 = tpu.memref_slice %arg8[%dma_wait3A_1768, %dma_wait3A_1769] : memref<320x128xf32, #tpu.memory_space<vmem>> -> memref<128x128xf32, #tpu.memory_space<vmem>>
    %dma_wait3A_1771 = arith.constant 0 : i32
    %dma_wait3A_1772 = tpu.memref_slice %arg7[%dma_wait3A_1766, %dma_wait3A_1771] : memref<30x128xi32, #tpu.memory_space<vmem>> -> memref<1x128xi32, #tpu.memory_space<vmem>>
    %dma_wait3A_1773 = tpu.memref_squeeze %dma_wait3A_1772 : memref<1x128xi32, #tpu.memory_space<vmem>> -> memref<128xi32, #tpu.memory_space<vmem>>
    %dma_wait3A_1774 = arith.constant 0 : i32
    %dma_wait3A_1775 = arith.constant 0 : i32
    %dma_wait3A_1776 = tpu.memref_slice %arg2[%dma_wait3A_1774, %dma_wait3A_1775] : memref<10000x128xf32, #tpu.memory_space<hbm>> -> memref<10000x128xf32, #tpu.memory_space<hbm>>
    %dma_wait3A_1777 = tpu.memref_slice %arg13[%dma_wait3A_1767] : memref<3x!tpu.dma_semaphore, #tpu.memory_space<semaphore_mem>> -> memref<1x!tpu.dma_semaphore, #tpu.memory_space<semaphore_mem>>
    %dma_wait3A_1778 = tpu.memref_squeeze %dma_wait3A_1777 : memref<1x!tpu.dma_semaphore, #tpu.memory_space<semaphore_mem>> -> memref<!tpu.dma_semaphore, #tpu.memory_space<semaphore_mem>>
    tpu.wait_indirect_dma semaphore(%dma_wait3A_1778 : memref<!tpu.dma_semaphore, #tpu.memory_space<semaphore_mem>>) src(%dma_wait3A_1776 : memref<10000x128xf32, #tpu.memory_space<hbm>>) dst(%dma_wait3A_1770 : memref<128x128xf32, #tpu.memory_space<vmem>>)
    %dma_wait3A_1779 = arith.constant 10 : i32
    %dma_wait3A_1780 = arith.constant 1 : i32
    %dma_wait3A_1781 = arith.constant 128 : i32
    %dma_wait3A_1782 = arith.constant 0 : i32
    %dma_wait3A_1783 = tpu.memref_slice %arg8[%dma_wait3A_1781, %dma_wait3A_1782] : memref<320x128xf32, #tpu.memory_space<vmem>> -> memref<128x128xf32, #tpu.memory_space<vmem>>
    %dma_wait3A_1784 = arith.constant 0 : i32
    %dma_wait3A_1785 = tpu.memref_slice %arg7[%dma_wait3A_1779, %dma_wait3A_1784] : memref<30x128xi32, #tpu.memory_space<vmem>> -> memref<1x128xi32, #tpu.memory_space<vmem>>
    %dma_wait3A_1786 = tpu.memref_squeeze %dma_wait3A_1785 : memref<1x128xi32, #tpu.memory_space<vmem>> -> memref<128xi32, #tpu.memory_space<vmem>>
    %dma_wait3A_1787 = arith.constant 0 : i32
    %dma_wait3A_1788 = arith.constant 0 : i32
    %dma_wait3A_1789 = tpu.memref_slice %arg2[%dma_wait3A_1787, %dma_wait3A_1788] : memref<10000x128xf32, #tpu.memory_space<hbm>> -> memref<10000x128xf32, #tpu.memory_space<hbm>>
    %dma_wait3A_1790 = tpu.memref_slice %arg13[%dma_wait3A_1780] : memref<3x!tpu.dma_semaphore, #tpu.memory_space<semaphore_mem>> -> memref<1x!tpu.dma_semaphore, #tpu.memory_space<semaphore_mem>>
    %dma_wait3A_1791 = tpu.memref_squeeze %dma_wait3A_1790 : memref<1x!tpu.dma_semaphore, #tpu.memory_space<semaphore_mem>> -> memref<!tpu.dma_semaphore, #tpu.memory_space<semaphore_mem>>
    tpu.wait_indirect_dma semaphore(%dma_wait3A_1791 : memref<!tpu.dma_semaphore, #tpu.memory_space<semaphore_mem>>) src(%dma_wait3A_1789 : memref<10000x128xf32, #tpu.memory_space<hbm>>) dst(%dma_wait3A_1783 : memref<128x128xf32, #tpu.memory_space<vmem>>)
    %dma_wait3A_1792 = arith.constant 13 : i32
    %dma_wait3A_1793 = arith.constant 1 : i32
    %dma_wait3A_1794 = arith.constant 128 : i32
    %dma_wait3A_1795 = arith.constant 0 : i32
    %dma_wait3A_1796 = tpu.memref_slice %arg8[%dma_wait3A_1794, %dma_wait3A_1795] : memref<320x128xf32, #tpu.memory_space<vmem>> -> memref<128x128xf32, #tpu.memory_space<vmem>>
    %dma_wait3A_1797 = arith.constant 0 : i32
    %dma_wait3A_1798 = tpu.memref_slice %arg7[%dma_wait3A_1792, %dma_wait3A_1797] : memref<30x128xi32, #tpu.memory_space<vmem>> -> memref<1x128xi32, #tpu.memory_space<vmem>>
    %dma_wait3A_1799 = tpu.memref_squeeze %dma_wait3A_1798 : memref<1x128xi32, #tpu.memory_space<vmem>> -> memref<128xi32, #tpu.memory_space<vmem>>
    %dma_wait3A_1800 = arith.constant 0 : i32
    %dma_wait3A_1801 = arith.constant 0 : i32
    %dma_wait3A_1802 = tpu.memref_slice %arg2[%dma_wait3A_1800, %dma_wait3A_1801] : memref<10000x128xf32, #tpu.memory_space<hbm>> -> memref<10000x128xf32, #tpu.memory_space<hbm>>
    %dma_wait3A_1803 = tpu.memref_slice %arg13[%dma_wait3A_1793] : memref<3x!tpu.dma_semaphore, #tpu.memory_space<semaphore_mem>> -> memref<1x!tpu.dma_semaphore, #tpu.memory_space<semaphore_mem>>
    %dma_wait3A_1804 = tpu.memref_squeeze %dma_wait3A_1803 : memref<1x!tpu.dma_semaphore, #tpu.memory_space<semaphore_mem>> -> memref<!tpu.dma_semaphore, #tpu.memory_space<semaphore_mem>>
    tpu.wait_indirect_dma semaphore(%dma_wait3A_1804 : memref<!tpu.dma_semaphore, #tpu.memory_space<semaphore_mem>>) src(%dma_wait3A_1802 : memref<10000x128xf32, #tpu.memory_space<hbm>>) dst(%dma_wait3A_1796 : memref<128x128xf32, #tpu.memory_space<vmem>>)
    %dma_wait3A_1805 = arith.constant 16 : i32
    %dma_wait3A_1806 = arith.constant 1 : i32
    %dma_wait3A_1807 = arith.constant 128 : i32
    %dma_wait3A_1808 = arith.constant 0 : i32
    %dma_wait3A_1809 = tpu.memref_slice %arg8[%dma_wait3A_1807, %dma_wait3A_1808] : memref<320x128xf32, #tpu.memory_space<vmem>> -> memref<128x128xf32, #tpu.memory_space<vmem>>
    %dma_wait3A_1810 = arith.constant 0 : i32
    %dma_wait3A_1811 = tpu.memref_slice %arg7[%dma_wait3A_1805, %dma_wait3A_1810] : memref<30x128xi32, #tpu.memory_space<vmem>> -> memref<1x128xi32, #tpu.memory_space<vmem>>
    %dma_wait3A_1812 = tpu.memref_squeeze %dma_wait3A_1811 : memref<1x128xi32, #tpu.memory_space<vmem>> -> memref<128xi32, #tpu.memory_space<vmem>>
    %dma_wait3A_1813 = arith.constant 0 : i32
    %dma_wait3A_1814 = arith.constant 0 : i32
    %dma_wait3A_1815 = tpu.memref_slice %arg2[%dma_wait3A_1813, %dma_wait3A_1814] : memref<10000x128xf32, #tpu.memory_space<hbm>> -> memref<10000x128xf32, #tpu.memory_space<hbm>>
    %dma_wait3A_1816 = tpu.memref_slice %arg13[%dma_wait3A_1806] : memref<3x!tpu.dma_semaphore, #tpu.memory_space<semaphore_mem>> -> memref<1x!tpu.dma_semaphore, #tpu.memory_space<semaphore_mem>>
    %dma_wait3A_1817 = tpu.memref_squeeze %dma_wait3A_1816 : memref<1x!tpu.dma_semaphore, #tpu.memory_space<semaphore_mem>> -> memref<!tpu.dma_semaphore, #tpu.memory_space<semaphore_mem>>
    tpu.wait_indirect_dma semaphore(%dma_wait3A_1817 : memref<!tpu.dma_semaphore, #tpu.memory_space<semaphore_mem>>) src(%dma_wait3A_1815 : memref<10000x128xf32, #tpu.memory_space<hbm>>) dst(%dma_wait3A_1809 : memref<128x128xf32, #tpu.memory_space<vmem>>)
    %dma_wait3A_1818 = arith.constant 19 : i32
    %dma_wait3A_1819 = arith.constant 1 : i32
    %dma_wait3A_1820 = arith.constant 128 : i32
    %dma_wait3A_1821 = arith.constant 0 : i32
    %dma_wait3A_1822 = tpu.memref_slice %arg8[%dma_wait3A_1820, %dma_wait3A_1821] : memref<320x128xf32, #tpu.memory_space<vmem>> -> memref<128x128xf32, #tpu.memory_space<vmem>>
    %dma_wait3A_1823 = arith.constant 0 : i32
    %dma_wait3A_1824 = tpu.memref_slice %arg7[%dma_wait3A_1818, %dma_wait3A_1823] : memref<30x128xi32, #tpu.memory_space<vmem>> -> memref<1x128xi32, #tpu.memory_space<vmem>>
    %dma_wait3A_1825 = tpu.memref_squeeze %dma_wait3A_1824 : memref<1x128xi32, #tpu.memory_space<vmem>> -> memref<128xi32, #tpu.memory_space<vmem>>
    %dma_wait3A_1826 = arith.constant 0 : i32
    %dma_wait3A_1827 = arith.constant 0 : i32
    %dma_wait3A_1828 = tpu.memref_slice %arg2[%dma_wait3A_1826, %dma_wait3A_1827] : memref<10000x128xf32, #tpu.memory_space<hbm>> -> memref<10000x128xf32, #tpu.memory_space<hbm>>
    %dma_wait3A_1829 = tpu.memref_slice %arg13[%dma_wait3A_1819] : memref<3x!tpu.dma_semaphore, #tpu.memory_space<semaphore_mem>> -> memref<1x!tpu.dma_semaphore, #tpu.memory_space<semaphore_mem>>
    %dma_wait3A_1830 = tpu.memref_squeeze %dma_wait3A_1829 : memref<1x!tpu.dma_semaphore, #tpu.memory_space<semaphore_mem>> -> memref<!tpu.dma_semaphore, #tpu.memory_space<semaphore_mem>>
    tpu.wait_indirect_dma semaphore(%dma_wait3A_1830 : memref<!tpu.dma_semaphore, #tpu.memory_space<semaphore_mem>>) src(%dma_wait3A_1828 : memref<10000x128xf32, #tpu.memory_space<hbm>>) dst(%dma_wait3A_1822 : memref<128x128xf32, #tpu.memory_space<vmem>>)
    %dma_wait3A_1831 = arith.constant 22 : i32
    %dma_wait3A_1832 = arith.constant 1 : i32
    %dma_wait3A_1833 = arith.constant 128 : i32
    %dma_wait3A_1834 = arith.constant 0 : i32
    %dma_wait3A_1835 = tpu.memref_slice %arg8[%dma_wait3A_1833, %dma_wait3A_1834] : memref<320x128xf32, #tpu.memory_space<vmem>> -> memref<128x128xf32, #tpu.memory_space<vmem>>
    %dma_wait3A_1836 = arith.constant 0 : i32
    %dma_wait3A_1837 = tpu.memref_slice %arg7[%dma_wait3A_1831, %dma_wait3A_1836] : memref<30x128xi32, #tpu.memory_space<vmem>> -> memref<1x128xi32, #tpu.memory_space<vmem>>
    %dma_wait3A_1838 = tpu.memref_squeeze %dma_wait3A_1837 : memref<1x128xi32, #tpu.memory_space<vmem>> -> memref<128xi32, #tpu.memory_space<vmem>>
    %dma_wait3A_1839 = arith.constant 0 : i32
    %dma_wait3A_1840 = arith.constant 0 : i32
    %dma_wait3A_1841 = tpu.memref_slice %arg2[%dma_wait3A_1839, %dma_wait3A_1840] : memref<10000x128xf32, #tpu.memory_space<hbm>> -> memref<10000x128xf32, #tpu.memory_space<hbm>>
    %dma_wait3A_1842 = tpu.memref_slice %arg13[%dma_wait3A_1832] : memref<3x!tpu.dma_semaphore, #tpu.memory_space<semaphore_mem>> -> memref<1x!tpu.dma_semaphore, #tpu.memory_space<semaphore_mem>>
    %dma_wait3A_1843 = tpu.memref_squeeze %dma_wait3A_1842 : memref<1x!tpu.dma_semaphore, #tpu.memory_space<semaphore_mem>> -> memref<!tpu.dma_semaphore, #tpu.memory_space<semaphore_mem>>
    tpu.wait_indirect_dma semaphore(%dma_wait3A_1843 : memref<!tpu.dma_semaphore, #tpu.memory_space<semaphore_mem>>) src(%dma_wait3A_1841 : memref<10000x128xf32, #tpu.memory_space<hbm>>) dst(%dma_wait3A_1835 : memref<128x128xf32, #tpu.memory_space<vmem>>)
    %dma_wait3A_1844 = arith.constant 25 : i32
    %dma_wait3A_1845 = arith.constant 1 : i32
    %dma_wait3A_1846 = arith.constant 128 : i32
    %dma_wait3A_1847 = arith.constant 0 : i32
    %dma_wait3A_1848 = tpu.memref_slice %arg8[%dma_wait3A_1846, %dma_wait3A_1847] : memref<320x128xf32, #tpu.memory_space<vmem>> -> memref<128x128xf32, #tpu.memory_space<vmem>>
    %dma_wait3A_1849 = arith.constant 0 : i32
    %dma_wait3A_1850 = tpu.memref_slice %arg7[%dma_wait3A_1844, %dma_wait3A_1849] : memref<30x128xi32, #tpu.memory_space<vmem>> -> memref<1x128xi32, #tpu.memory_space<vmem>>
    %dma_wait3A_1851 = tpu.memref_squeeze %dma_wait3A_1850 : memref<1x128xi32, #tpu.memory_space<vmem>> -> memref<128xi32, #tpu.memory_space<vmem>>
    %dma_wait3A_1852 = arith.constant 0 : i32
    %dma_wait3A_1853 = arith.constant 0 : i32
    %dma_wait3A_1854 = tpu.memref_slice %arg2[%dma_wait3A_1852, %dma_wait3A_1853] : memref<10000x128xf32, #tpu.memory_space<hbm>> -> memref<10000x128xf32, #tpu.memory_space<hbm>>
    %dma_wait3A_1855 = tpu.memref_slice %arg13[%dma_wait3A_1845] : memref<3x!tpu.dma_semaphore, #tpu.memory_space<semaphore_mem>> -> memref<1x!tpu.dma_semaphore, #tpu.memory_space<semaphore_mem>>
    %dma_wait3A_1856 = tpu.memref_squeeze %dma_wait3A_1855 : memref<1x!tpu.dma_semaphore, #tpu.memory_space<semaphore_mem>> -> memref<!tpu.dma_semaphore, #tpu.memory_space<semaphore_mem>>
    tpu.wait_indirect_dma semaphore(%dma_wait3A_1856 : memref<!tpu.dma_semaphore, #tpu.memory_space<semaphore_mem>>) src(%dma_wait3A_1854 : memref<10000x128xf32, #tpu.memory_space<hbm>>) dst(%dma_wait3A_1848 : memref<128x128xf32, #tpu.memory_space<vmem>>)
    %dma_wait3A_1857 = arith.constant 28 : i32
    %dma_wait3A_1858 = arith.constant 1 : i32
    %dma_wait3A_1859 = arith.constant 128 : i32
    %dma_wait3A_1860 = arith.constant 0 : i32
    %dma_wait3A_1861 = tpu.memref_slice %arg8[%dma_wait3A_1859, %dma_wait3A_1860] : memref<320x128xf32, #tpu.memory_space<vmem>> -> memref<128x128xf32, #tpu.memory_space<vmem>>
    %dma_wait3A_1862 = arith.constant 0 : i32
    %dma_wait3A_1863 = tpu.memref_slice %arg7[%dma_wait3A_1857, %dma_wait3A_1862] : memref<30x128xi32, #tpu.memory_space<vmem>> -> memref<1x128xi32, #tpu.memory_space<vmem>>
    %dma_wait3A_1864 = tpu.memref_squeeze %dma_wait3A_1863 : memref<1x128xi32, #tpu.memory_space<vmem>> -> memref<128xi32, #tpu.memory_space<vmem>>
    %dma_wait3A_1865 = arith.constant 0 : i32
    %dma_wait3A_1866 = arith.constant 0 : i32
    %dma_wait3A_1867 = tpu.memref_slice %arg2[%dma_wait3A_1865, %dma_wait3A_1866] : memref<10000x128xf32, #tpu.memory_space<hbm>> -> memref<10000x128xf32, #tpu.memory_space<hbm>>
    %dma_wait3A_1868 = tpu.memref_slice %arg13[%dma_wait3A_1858] : memref<3x!tpu.dma_semaphore, #tpu.memory_space<semaphore_mem>> -> memref<1x!tpu.dma_semaphore, #tpu.memory_space<semaphore_mem>>
    %dma_wait3A_1869 = tpu.memref_squeeze %dma_wait3A_1868 : memref<1x!tpu.dma_semaphore, #tpu.memory_space<semaphore_mem>> -> memref<!tpu.dma_semaphore, #tpu.memory_space<semaphore_mem>>
    tpu.wait_indirect_dma semaphore(%dma_wait3A_1869 : memref<!tpu.dma_semaphore, #tpu.memory_space<semaphore_mem>>) src(%dma_wait3A_1867 : memref<10000x128xf32, #tpu.memory_space<hbm>>) dst(%dma_wait3A_1861 : memref<128x128xf32, #tpu.memory_space<vmem>>)
    %scan3A_1870 = arith.constant 0 : i32
    %scan3A_1871 = arith.constant 128 : i32
    %scan3A_1872 = arith.constant 128 : i32
    %scan3A_1873 = arith.addi %scan3A_1871, %scan3A_1872 : i32
    %scan3A_1874 = arith.constant 1 : i32
    %scan3A_1875 = scf.for %scan3A_2152 = %scan3A_1871 to %scan3A_1873 step %scan3A_1874 iter_args(%scan3A_2153 = %scan3A_1870) -> (i32)  : i32 {
      %get3A_2154 = arith.index_cast %scan3A_2152 : i32 to index
      %get3A_2155 = arith.constant 0 : index
      %get3A_2156 = tpu.vector_load %arg8[%get3A_2154, %get3A_2155] {strides = array<i32>} : memref<320x128xf32, #tpu.memory_space<vmem>>, vector<1x16xf32>,
      %get3A_2157 = vector.shape_cast %get3A_2156 : vector<1x16xf32> to vector<16xf32>
      %max3A = arith.constant 0.000000e+00 : f32
      %max3A_2158 = vector.broadcast %max3A : f32 to vector<16xf32>
      %max3A_2159 = arith.maximumf %get3A_2157, %max3A_2158 : vector<16xf32>
      %swap3A_2160 = arith.index_cast %scan3A_2152 : i32 to index
      %swap3A_2161 = arith.constant 0 : index
      %swap3A_2162 = tpu.vector_load %arg8[%swap3A_2160, %swap3A_2161] {strides = array<i32>} : memref<320x128xf32, #tpu.memory_space<vmem>>, vector<1x16xf32>,
      %swap3A_2163 = vector.shape_cast %swap3A_2162 : vector<1x16xf32> to vector<16xf32>
      %swap3A_2164 = vector.shape_cast %max3A_2159 : vector<16xf32> to vector<1x16xf32>
      tpu.vector_store %arg8[%swap3A_2160, %swap3A_2161], %swap3A_2164 {strides = array<i32>} : memref<320x128xf32, #tpu.memory_space<vmem>>, vector<1x16xf32>,
      %get3A_2165 = arith.index_cast %scan3A_2152 : i32 to index
      %get3A_2166 = arith.constant 16 : index
      %get3A_2167 = tpu.vector_load %arg8[%get3A_2165, %get3A_2166] {strides = array<i32>} : memref<320x128xf32, #tpu.memory_space<vmem>>, vector<1x16xf32>,
      %get3A_2168 = vector.shape_cast %get3A_2167 : vector<1x16xf32> to vector<16xf32>
      %max3A_2169 = arith.constant 0.000000e+00 : f32
      %max3A_2170 = vector.broadcast %max3A_2169 : f32 to vector<16xf32>
      %max3A_2171 = arith.maximumf %get3A_2168, %max3A_2170 : vector<16xf32>
      %swap3A_2172 = arith.index_cast %scan3A_2152 : i32 to index
      %swap3A_2173 = arith.constant 16 : index
      %swap3A_2174 = tpu.vector_load %arg8[%swap3A_2172, %swap3A_2173] {strides = array<i32>} : memref<320x128xf32, #tpu.memory_space<vmem>>, vector<1x16xf32>,
      %swap3A_2175 = vector.shape_cast %swap3A_2174 : vector<1x16xf32> to vector<16xf32>
      %swap3A_2176 = vector.shape_cast %max3A_2171 : vector<16xf32> to vector<1x16xf32>
      tpu.vector_store %arg8[%swap3A_2172, %swap3A_2173], %swap3A_2176 {strides = array<i32>} : memref<320x128xf32, #tpu.memory_space<vmem>>, vector<1x16xf32>,
      %get3A_2177 = arith.index_cast %scan3A_2152 : i32 to index
      %get3A_2178 = arith.constant 32 : index
      %get3A_2179 = tpu.vector_load %arg8[%get3A_2177, %get3A_2178] {strides = array<i32>} : memref<320x128xf32, #tpu.memory_space<vmem>>, vector<1x16xf32>,
      %get3A_2180 = vector.shape_cast %get3A_2179 : vector<1x16xf32> to vector<16xf32>
      %max3A_2181 = arith.constant 0.000000e+00 : f32
      %max3A_2182 = vector.broadcast %max3A_2181 : f32 to vector<16xf32>
      %max3A_2183 = arith.maximumf %get3A_2180, %max3A_2182 : vector<16xf32>
      %swap3A_2184 = arith.index_cast %scan3A_2152 : i32 to index
      %swap3A_2185 = arith.constant 32 : index
      %swap3A_2186 = tpu.vector_load %arg8[%swap3A_2184, %swap3A_2185] {strides = array<i32>} : memref<320x128xf32, #tpu.memory_space<vmem>>, vector<1x16xf32>,
      %swap3A_2187 = vector.shape_cast %swap3A_2186 : vector<1x16xf32> to vector<16xf32>
      %swap3A_2188 = vector.shape_cast %max3A_2183 : vector<16xf32> to vector<1x16xf32>
      tpu.vector_store %arg8[%swap3A_2184, %swap3A_2185], %swap3A_2188 {strides = array<i32>} : memref<320x128xf32, #tpu.memory_space<vmem>>, vector<1x16xf32>,
      %get3A_2189 = arith.index_cast %scan3A_2152 : i32 to index
      %get3A_2190 = arith.constant 48 : index
      %get3A_2191 = tpu.vector_load %arg8[%get3A_2189, %get3A_2190] {strides = array<i32>} : memref<320x128xf32, #tpu.memory_space<vmem>>, vector<1x16xf32>,
      %get3A_2192 = vector.shape_cast %get3A_2191 : vector<1x16xf32> to vector<16xf32>
      %max3A_2193 = arith.constant 0.000000e+00 : f32
      %max3A_2194 = vector.broadcast %max3A_2193 : f32 to vector<16xf32>
      %max3A_2195 = arith.maximumf %get3A_2192, %max3A_2194 : vector<16xf32>
      %swap3A_2196 = arith.index_cast %scan3A_2152 : i32 to index
      %swap3A_2197 = arith.constant 48 : index
      %swap3A_2198 = tpu.vector_load %arg8[%swap3A_2196, %swap3A_2197] {strides = array<i32>} : memref<320x128xf32, #tpu.memory_space<vmem>>, vector<1x16xf32>,
      %swap3A_2199 = vector.shape_cast %swap3A_2198 : vector<1x16xf32> to vector<16xf32>
      %swap3A_2200 = vector.shape_cast %max3A_2195 : vector<16xf32> to vector<1x16xf32>
      tpu.vector_store %arg8[%swap3A_2196, %swap3A_2197], %swap3A_2200 {strides = array<i32>} : memref<320x128xf32, #tpu.memory_space<vmem>>, vector<1x16xf32>,
      %get3A_2201 = arith.index_cast %scan3A_2152 : i32 to index
      %get3A_2202 = arith.constant 64 : index
      %get3A_2203 = tpu.vector_load %arg8[%get3A_2201, %get3A_2202] {strides = array<i32>} : memref<320x128xf32, #tpu.memory_space<vmem>>, vector<1x16xf32>,
      %get3A_2204 = vector.shape_cast %get3A_2203 : vector<1x16xf32> to vector<16xf32>
      %max3A_2205 = arith.constant 0.000000e+00 : f32
      %max3A_2206 = vector.broadcast %max3A_2205 : f32 to vector<16xf32>
      %max3A_2207 = arith.maximumf %get3A_2204, %max3A_2206 : vector<16xf32>
      %swap3A_2208 = arith.index_cast %scan3A_2152 : i32 to index
      %swap3A_2209 = arith.constant 64 : index
      %swap3A_2210 = tpu.vector_load %arg8[%swap3A_2208, %swap3A_2209] {strides = array<i32>} : memref<320x128xf32, #tpu.memory_space<vmem>>, vector<1x16xf32>,
      %swap3A_2211 = vector.shape_cast %swap3A_2210 : vector<1x16xf32> to vector<16xf32>
      %swap3A_2212 = vector.shape_cast %max3A_2207 : vector<16xf32> to vector<1x16xf32>
      tpu.vector_store %arg8[%swap3A_2208, %swap3A_2209], %swap3A_2212 {strides = array<i32>} : memref<320x128xf32, #tpu.memory_space<vmem>>, vector<1x16xf32>,
      %get3A_2213 = arith.index_cast %scan3A_2152 : i32 to index
      %get3A_2214 = arith.constant 80 : index
      %get3A_2215 = tpu.vector_load %arg8[%get3A_2213, %get3A_2214] {strides = array<i32>} : memref<320x128xf32, #tpu.memory_space<vmem>>, vector<1x16xf32>,
      %get3A_2216 = vector.shape_cast %get3A_2215 : vector<1x16xf32> to vector<16xf32>
      %max3A_2217 = arith.constant 0.000000e+00 : f32
      %max3A_2218 = vector.broadcast %max3A_2217 : f32 to vector<16xf32>
      %max3A_2219 = arith.maximumf %get3A_2216, %max3A_2218 : vector<16xf32>
      %swap3A_2220 = arith.index_cast %scan3A_2152 : i32 to index
      %swap3A_2221 = arith.constant 80 : index
      %swap3A_2222 = tpu.vector_load %arg8[%swap3A_2220, %swap3A_2221] {strides = array<i32>} : memref<320x128xf32, #tpu.memory_space<vmem>>, vector<1x16xf32>,
      %swap3A_2223 = vector.shape_cast %swap3A_2222 : vector<1x16xf32> to vector<16xf32>
      %swap3A_2224 = vector.shape_cast %max3A_2219 : vector<16xf32> to vector<1x16xf32>
      tpu.vector_store %arg8[%swap3A_2220, %swap3A_2221], %swap3A_2224 {strides = array<i32>} : memref<320x128xf32, #tpu.memory_space<vmem>>, vector<1x16xf32>,
      %get3A_2225 = arith.index_cast %scan3A_2152 : i32 to index
      %get3A_2226 = arith.constant 96 : index
      %get3A_2227 = tpu.vector_load %arg8[%get3A_2225, %get3A_2226] {strides = array<i32>} : memref<320x128xf32, #tpu.memory_space<vmem>>, vector<1x16xf32>,
      %get3A_2228 = vector.shape_cast %get3A_2227 : vector<1x16xf32> to vector<16xf32>
      %max3A_2229 = arith.constant 0.000000e+00 : f32
      %max3A_2230 = vector.broadcast %max3A_2229 : f32 to vector<16xf32>
      %max3A_2231 = arith.maximumf %get3A_2228, %max3A_2230 : vector<16xf32>
      %swap3A_2232 = arith.index_cast %scan3A_2152 : i32 to index
      %swap3A_2233 = arith.constant 96 : index
      %swap3A_2234 = tpu.vector_load %arg8[%swap3A_2232, %swap3A_2233] {strides = array<i32>} : memref<320x128xf32, #tpu.memory_space<vmem>>, vector<1x16xf32>,
      %swap3A_2235 = vector.shape_cast %swap3A_2234 : vector<1x16xf32> to vector<16xf32>
      %swap3A_2236 = vector.shape_cast %max3A_2231 : vector<16xf32> to vector<1x16xf32>
      tpu.vector_store %arg8[%swap3A_2232, %swap3A_2233], %swap3A_2236 {strides = array<i32>} : memref<320x128xf32, #tpu.memory_space<vmem>>, vector<1x16xf32>,
      %get3A_2237 = arith.index_cast %scan3A_2152 : i32 to index
      %get3A_2238 = arith.constant 112 : index
      %get3A_2239 = tpu.vector_load %arg8[%get3A_2237, %get3A_2238] {strides = array<i32>} : memref<320x128xf32, #tpu.memory_space<vmem>>, vector<1x16xf32>,
      %get3A_2240 = vector.shape_cast %get3A_2239 : vector<1x16xf32> to vector<16xf32>
      %max3A_2241 = arith.constant 0.000000e+00 : f32
      %max3A_2242 = vector.broadcast %max3A_2241 : f32 to vector<16xf32>
      %max3A_2243 = arith.maximumf %get3A_2240, %max3A_2242 : vector<16xf32>
      %swap3A_2244 = arith.index_cast %scan3A_2152 : i32 to index
      %swap3A_2245 = arith.constant 112 : index
      %swap3A_2246 = tpu.vector_load %arg8[%swap3A_2244, %swap3A_2245] {strides = array<i32>} : memref<320x128xf32, #tpu.memory_space<vmem>>, vector<1x16xf32>,
      %swap3A_2247 = vector.shape_cast %swap3A_2246 : vector<1x16xf32> to vector<16xf32>
      %swap3A_2248 = vector.shape_cast %max3A_2243 : vector<16xf32> to vector<1x16xf32>
      tpu.vector_store %arg8[%swap3A_2244, %swap3A_2245], %swap3A_2248 {strides = array<i32>} : memref<320x128xf32, #tpu.memory_space<vmem>>, vector<1x16xf32>,
      %scan3A_2249 = arith.constant 0 : i32
      scf.yield %scan3A_2249 : i32
    }
    %scan3A_1876 = arith.constant 128 : i32
    %add3A_1877 = arith.constant 128 : i32
    %add3A_1878 = arith.addi %multiple_of3A, %add3A_1877 : i32
    %dma_start3A_1879 = arith.constant 128 : i32
    %dma_start3A_1880 = arith.constant 0 : i32
    %dma_start3A_1881 = tpu.memref_slice %arg8[%dma_start3A_1879, %dma_start3A_1880] : memref<320x128xf32, #tpu.memory_space<vmem>> -> memref<128x128xf32, #tpu.memory_space<vmem>>
    %dma_start3A_1882 = arith.constant 0 : i32
    %dma_start3A_1883 = tpu.memref_slice %arg5[%add3A_1878, %dma_start3A_1882] : memref<10000x128xf32, #tpu.memory_space<hbm>> -> memref<128x128xf32, #tpu.memory_space<hbm>>
    %dma_start3A_1884 = arith.constant 0 : i32
    %dma_start3A_1885 = tpu.memref_slice %arg5[%add3A_1878, %dma_start3A_1884] : memref<10000x128xf32, #tpu.memory_space<hbm>> -> memref<128x128xf32, #tpu.memory_space<hbm>>
    %dma_start3A_1886 = arith.constant 128 : i32
    %dma_start3A_1887 = arith.constant 0 : i32
    %dma_start3A_1888 = tpu.memref_slice %arg8[%dma_start3A_1886, %dma_start3A_1887] : memref<320x128xf32, #tpu.memory_space<vmem>> -> memref<128x128xf32, #tpu.memory_space<vmem>>
    tpu.enqueue_dma source(%dma_start3A_1888 : memref<128x128xf32, #tpu.memory_space<vmem>>) target(%dma_start3A_1885 : memref<128x128xf32, #tpu.memory_space<hbm>>) target_semaphore(%arg14 : memref<!tpu.dma_semaphore, #tpu.memory_space<semaphore_mem>>)
    %dma_wait3A_1889 = arith.constant 2 : i32
    %dma_wait3A_1890 = arith.constant 2 : i32
    %dma_wait3A_1891 = arith.constant 256 : i32
    %dma_wait3A_1892 = arith.constant 0 : i32
    %dma_wait3A_1893 = tpu.memref_slice %arg8[%dma_wait3A_1891, %dma_wait3A_1892] : memref<320x128xf32, #tpu.memory_space<vmem>> -> memref<64x128xf32, #tpu.memory_space<vmem>>
    %dma_wait3A_1894 = arith.constant 0 : i32
    %dma_wait3A_1895 = tpu.memref_slice %arg7[%dma_wait3A_1889, %dma_wait3A_1894] : memref<30x128xi32, #tpu.memory_space<vmem>> -> memref<1x64xi32, #tpu.memory_space<vmem>>
    %dma_wait3A_1896 = tpu.memref_squeeze %dma_wait3A_1895 : memref<1x64xi32, #tpu.memory_space<vmem>> -> memref<64xi32, #tpu.memory_space<vmem>>
    %dma_wait3A_1897 = arith.constant 0 : i32
    %dma_wait3A_1898 = arith.constant 0 : i32
    %dma_wait3A_1899 = tpu.memref_slice %arg2[%dma_wait3A_1897, %dma_wait3A_1898] : memref<10000x128xf32, #tpu.memory_space<hbm>> -> memref<10000x128xf32, #tpu.memory_space<hbm>>
    %dma_wait3A_1900 = tpu.memref_slice %arg13[%dma_wait3A_1890] : memref<3x!tpu.dma_semaphore, #tpu.memory_space<semaphore_mem>> -> memref<1x!tpu.dma_semaphore, #tpu.memory_space<semaphore_mem>>
    %dma_wait3A_1901 = tpu.memref_squeeze %dma_wait3A_1900 : memref<1x!tpu.dma_semaphore, #tpu.memory_space<semaphore_mem>> -> memref<!tpu.dma_semaphore, #tpu.memory_space<semaphore_mem>>
    tpu.wait_indirect_dma semaphore(%dma_wait3A_1901 : memref<!tpu.dma_semaphore, #tpu.memory_space<semaphore_mem>>) src(%dma_wait3A_1899 : memref<10000x128xf32, #tpu.memory_space<hbm>>) dst(%dma_wait3A_1893 : memref<64x128xf32, #tpu.memory_space<vmem>>)
    %dma_wait3A_1902 = arith.constant 5 : i32
    %dma_wait3A_1903 = arith.constant 2 : i32
    %dma_wait3A_1904 = arith.constant 256 : i32
    %dma_wait3A_1905 = arith.constant 0 : i32
    %dma_wait3A_1906 = tpu.memref_slice %arg8[%dma_wait3A_1904, %dma_wait3A_1905] : memref<320x128xf32, #tpu.memory_space<vmem>> -> memref<64x128xf32, #tpu.memory_space<vmem>>
    %dma_wait3A_1907 = arith.constant 0 : i32
    %dma_wait3A_1908 = tpu.memref_slice %arg7[%dma_wait3A_1902, %dma_wait3A_1907] : memref<30x128xi32, #tpu.memory_space<vmem>> -> memref<1x64xi32, #tpu.memory_space<vmem>>
    %dma_wait3A_1909 = tpu.memref_squeeze %dma_wait3A_1908 : memref<1x64xi32, #tpu.memory_space<vmem>> -> memref<64xi32, #tpu.memory_space<vmem>>
    %dma_wait3A_1910 = arith.constant 0 : i32
    %dma_wait3A_1911 = arith.constant 0 : i32
    %dma_wait3A_1912 = tpu.memref_slice %arg2[%dma_wait3A_1910, %dma_wait3A_1911] : memref<10000x128xf32, #tpu.memory_space<hbm>> -> memref<10000x128xf32, #tpu.memory_space<hbm>>
    %dma_wait3A_1913 = tpu.memref_slice %arg13[%dma_wait3A_1903] : memref<3x!tpu.dma_semaphore, #tpu.memory_space<semaphore_mem>> -> memref<1x!tpu.dma_semaphore, #tpu.memory_space<semaphore_mem>>
    %dma_wait3A_1914 = tpu.memref_squeeze %dma_wait3A_1913 : memref<1x!tpu.dma_semaphore, #tpu.memory_space<semaphore_mem>> -> memref<!tpu.dma_semaphore, #tpu.memory_space<semaphore_mem>>
    tpu.wait_indirect_dma semaphore(%dma_wait3A_1914 : memref<!tpu.dma_semaphore, #tpu.memory_space<semaphore_mem>>) src(%dma_wait3A_1912 : memref<10000x128xf32, #tpu.memory_space<hbm>>) dst(%dma_wait3A_1906 : memref<64x128xf32, #tpu.memory_space<vmem>>)
    %dma_wait3A_1915 = arith.constant 8 : i32
    %dma_wait3A_1916 = arith.constant 2 : i32
    %dma_wait3A_1917 = arith.constant 256 : i32
    %dma_wait3A_1918 = arith.constant 0 : i32
    %dma_wait3A_1919 = tpu.memref_slice %arg8[%dma_wait3A_1917, %dma_wait3A_1918] : memref<320x128xf32, #tpu.memory_space<vmem>> -> memref<64x128xf32, #tpu.memory_space<vmem>>
    %dma_wait3A_1920 = arith.constant 0 : i32
    %dma_wait3A_1921 = tpu.memref_slice %arg7[%dma_wait3A_1915, %dma_wait3A_1920] : memref<30x128xi32, #tpu.memory_space<vmem>> -> memref<1x64xi32, #tpu.memory_space<vmem>>
    %dma_wait3A_1922 = tpu.memref_squeeze %dma_wait3A_1921 : memref<1x64xi32, #tpu.memory_space<vmem>> -> memref<64xi32, #tpu.memory_space<vmem>>
    %dma_wait3A_1923 = arith.constant 0 : i32
    %dma_wait3A_1924 = arith.constant 0 : i32
    %dma_wait3A_1925 = tpu.memref_slice %arg2[%dma_wait3A_1923, %dma_wait3A_1924] : memref<10000x128xf32, #tpu.memory_space<hbm>> -> memref<10000x128xf32, #tpu.memory_space<hbm>>
    %dma_wait3A_1926 = tpu.memref_slice %arg13[%dma_wait3A_1916] : memref<3x!tpu.dma_semaphore, #tpu.memory_space<semaphore_mem>> -> memref<1x!tpu.dma_semaphore, #tpu.memory_space<semaphore_mem>>
    %dma_wait3A_1927 = tpu.memref_squeeze %dma_wait3A_1926 : memref<1x!tpu.dma_semaphore, #tpu.memory_space<semaphore_mem>> -> memref<!tpu.dma_semaphore, #tpu.memory_space<semaphore_mem>>
    tpu.wait_indirect_dma semaphore(%dma_wait3A_1927 : memref<!tpu.dma_semaphore, #tpu.memory_space<semaphore_mem>>) src(%dma_wait3A_1925 : memref<10000x128xf32, #tpu.memory_space<hbm>>) dst(%dma_wait3A_1919 : memref<64x128xf32, #tpu.memory_space<vmem>>)
    %dma_wait3A_1928 = arith.constant 11 : i32
    %dma_wait3A_1929 = arith.constant 2 : i32
    %dma_wait3A_1930 = arith.constant 256 : i32
    %dma_wait3A_1931 = arith.constant 0 : i32
    %dma_wait3A_1932 = tpu.memref_slice %arg8[%dma_wait3A_1930, %dma_wait3A_1931] : memref<320x128xf32, #tpu.memory_space<vmem>> -> memref<64x128xf32, #tpu.memory_space<vmem>>
    %dma_wait3A_1933 = arith.constant 0 : i32
    %dma_wait3A_1934 = tpu.memref_slice %arg7[%dma_wait3A_1928, %dma_wait3A_1933] : memref<30x128xi32, #tpu.memory_space<vmem>> -> memref<1x64xi32, #tpu.memory_space<vmem>>
    %dma_wait3A_1935 = tpu.memref_squeeze %dma_wait3A_1934 : memref<1x64xi32, #tpu.memory_space<vmem>> -> memref<64xi32, #tpu.memory_space<vmem>>
    %dma_wait3A_1936 = arith.constant 0 : i32
    %dma_wait3A_1937 = arith.constant 0 : i32
    %dma_wait3A_1938 = tpu.memref_slice %arg2[%dma_wait3A_1936, %dma_wait3A_1937] : memref<10000x128xf32, #tpu.memory_space<hbm>> -> memref<10000x128xf32, #tpu.memory_space<hbm>>
    %dma_wait3A_1939 = tpu.memref_slice %arg13[%dma_wait3A_1929] : memref<3x!tpu.dma_semaphore, #tpu.memory_space<semaphore_mem>> -> memref<1x!tpu.dma_semaphore, #tpu.memory_space<semaphore_mem>>
    %dma_wait3A_1940 = tpu.memref_squeeze %dma_wait3A_1939 : memref<1x!tpu.dma_semaphore, #tpu.memory_space<semaphore_mem>> -> memref<!tpu.dma_semaphore, #tpu.memory_space<semaphore_mem>>
    tpu.wait_indirect_dma semaphore(%dma_wait3A_1940 : memref<!tpu.dma_semaphore, #tpu.memory_space<semaphore_mem>>) src(%dma_wait3A_1938 : memref<10000x128xf32, #tpu.memory_space<hbm>>) dst(%dma_wait3A_1932 : memref<64x128xf32, #tpu.memory_space<vmem>>)
    %dma_wait3A_1941 = arith.constant 14 : i32
    %dma_wait3A_1942 = arith.constant 2 : i32
    %dma_wait3A_1943 = arith.constant 256 : i32
    %dma_wait3A_1944 = arith.constant 0 : i32
    %dma_wait3A_1945 = tpu.memref_slice %arg8[%dma_wait3A_1943, %dma_wait3A_1944] : memref<320x128xf32, #tpu.memory_space<vmem>> -> memref<64x128xf32, #tpu.memory_space<vmem>>
    %dma_wait3A_1946 = arith.constant 0 : i32
    %dma_wait3A_1947 = tpu.memref_slice %arg7[%dma_wait3A_1941, %dma_wait3A_1946] : memref<30x128xi32, #tpu.memory_space<vmem>> -> memref<1x64xi32, #tpu.memory_space<vmem>>
    %dma_wait3A_1948 = tpu.memref_squeeze %dma_wait3A_1947 : memref<1x64xi32, #tpu.memory_space<vmem>> -> memref<64xi32, #tpu.memory_space<vmem>>
    %dma_wait3A_1949 = arith.constant 0 : i32
    %dma_wait3A_1950 = arith.constant 0 : i32
    %dma_wait3A_1951 = tpu.memref_slice %arg2[%dma_wait3A_1949, %dma_wait3A_1950] : memref<10000x128xf32, #tpu.memory_space<hbm>> -> memref<10000x128xf32, #tpu.memory_space<hbm>>
    %dma_wait3A_1952 = tpu.memref_slice %arg13[%dma_wait3A_1942] : memref<3x!tpu.dma_semaphore, #tpu.memory_space<semaphore_mem>> -> memref<1x!tpu.dma_semaphore, #tpu.memory_space<semaphore_mem>>
    %dma_wait3A_1953 = tpu.memref_squeeze %dma_wait3A_1952 : memref<1x!tpu.dma_semaphore, #tpu.memory_space<semaphore_mem>> -> memref<!tpu.dma_semaphore, #tpu.memory_space<semaphore_mem>>
    tpu.wait_indirect_dma semaphore(%dma_wait3A_1953 : memref<!tpu.dma_semaphore, #tpu.memory_space<semaphore_mem>>) src(%dma_wait3A_1951 : memref<10000x128xf32, #tpu.memory_space<hbm>>) dst(%dma_wait3A_1945 : memref<64x128xf32, #tpu.memory_space<vmem>>)
    %dma_wait3A_1954 = arith.constant 17 : i32
    %dma_wait3A_1955 = arith.constant 2 : i32
    %dma_wait3A_1956 = arith.constant 256 : i32
    %dma_wait3A_1957 = arith.constant 0 : i32
    %dma_wait3A_1958 = tpu.memref_slice %arg8[%dma_wait3A_1956, %dma_wait3A_1957] : memref<320x128xf32, #tpu.memory_space<vmem>> -> memref<64x128xf32, #tpu.memory_space<vmem>>
    %dma_wait3A_1959 = arith.constant 0 : i32
    %dma_wait3A_1960 = tpu.memref_slice %arg7[%dma_wait3A_1954, %dma_wait3A_1959] : memref<30x128xi32, #tpu.memory_space<vmem>> -> memref<1x64xi32, #tpu.memory_space<vmem>>
    %dma_wait3A_1961 = tpu.memref_squeeze %dma_wait3A_1960 : memref<1x64xi32, #tpu.memory_space<vmem>> -> memref<64xi32, #tpu.memory_space<vmem>>
    %dma_wait3A_1962 = arith.constant 0 : i32
    %dma_wait3A_1963 = arith.constant 0 : i32
    %dma_wait3A_1964 = tpu.memref_slice %arg2[%dma_wait3A_1962, %dma_wait3A_1963] : memref<10000x128xf32, #tpu.memory_space<hbm>> -> memref<10000x128xf32, #tpu.memory_space<hbm>>
    %dma_wait3A_1965 = tpu.memref_slice %arg13[%dma_wait3A_1955] : memref<3x!tpu.dma_semaphore, #tpu.memory_space<semaphore_mem>> -> memref<1x!tpu.dma_semaphore, #tpu.memory_space<semaphore_mem>>
    %dma_wait3A_1966 = tpu.memref_squeeze %dma_wait3A_1965 : memref<1x!tpu.dma_semaphore, #tpu.memory_space<semaphore_mem>> -> memref<!tpu.dma_semaphore, #tpu.memory_space<semaphore_mem>>
    tpu.wait_indirect_dma semaphore(%dma_wait3A_1966 : memref<!tpu.dma_semaphore, #tpu.memory_space<semaphore_mem>>) src(%dma_wait3A_1964 : memref<10000x128xf32, #tpu.memory_space<hbm>>) dst(%dma_wait3A_1958 : memref<64x128xf32, #tpu.memory_space<vmem>>)
    %dma_wait3A_1967 = arith.constant 20 : i32
    %dma_wait3A_1968 = arith.constant 2 : i32
    %dma_wait3A_1969 = arith.constant 256 : i32
    %dma_wait3A_1970 = arith.constant 0 : i32
    %dma_wait3A_1971 = tpu.memref_slice %arg8[%dma_wait3A_1969, %dma_wait3A_1970] : memref<320x128xf32, #tpu.memory_space<vmem>> -> memref<64x128xf32, #tpu.memory_space<vmem>>
    %dma_wait3A_1972 = arith.constant 0 : i32
    %dma_wait3A_1973 = tpu.memref_slice %arg7[%dma_wait3A_1967, %dma_wait3A_1972] : memref<30x128xi32, #tpu.memory_space<vmem>> -> memref<1x64xi32, #tpu.memory_space<vmem>>
    %dma_wait3A_1974 = tpu.memref_squeeze %dma_wait3A_1973 : memref<1x64xi32, #tpu.memory_space<vmem>> -> memref<64xi32, #tpu.memory_space<vmem>>
    %dma_wait3A_1975 = arith.constant 0 : i32
    %dma_wait3A_1976 = arith.constant 0 : i32
    %dma_wait3A_1977 = tpu.memref_slice %arg2[%dma_wait3A_1975, %dma_wait3A_1976] : memref<10000x128xf32, #tpu.memory_space<hbm>> -> memref<10000x128xf32, #tpu.memory_space<hbm>>
    %dma_wait3A_1978 = tpu.memref_slice %arg13[%dma_wait3A_1968] : memref<3x!tpu.dma_semaphore, #tpu.memory_space<semaphore_mem>> -> memref<1x!tpu.dma_semaphore, #tpu.memory_space<semaphore_mem>>
    %dma_wait3A_1979 = tpu.memref_squeeze %dma_wait3A_1978 : memref<1x!tpu.dma_semaphore, #tpu.memory_space<semaphore_mem>> -> memref<!tpu.dma_semaphore, #tpu.memory_space<semaphore_mem>>
    tpu.wait_indirect_dma semaphore(%dma_wait3A_1979 : memref<!tpu.dma_semaphore, #tpu.memory_space<semaphore_mem>>) src(%dma_wait3A_1977 : memref<10000x128xf32, #tpu.memory_space<hbm>>) dst(%dma_wait3A_1971 : memref<64x128xf32, #tpu.memory_space<vmem>>)
    %dma_wait3A_1980 = arith.constant 23 : i32
    %dma_wait3A_1981 = arith.constant 2 : i32
    %dma_wait3A_1982 = arith.constant 256 : i32
    %dma_wait3A_1983 = arith.constant 0 : i32
    %dma_wait3A_1984 = tpu.memref_slice %arg8[%dma_wait3A_1982, %dma_wait3A_1983] : memref<320x128xf32, #tpu.memory_space<vmem>> -> memref<64x128xf32, #tpu.memory_space<vmem>>
    %dma_wait3A_1985 = arith.constant 0 : i32
    %dma_wait3A_1986 = tpu.memref_slice %arg7[%dma_wait3A_1980, %dma_wait3A_1985] : memref<30x128xi32, #tpu.memory_space<vmem>> -> memref<1x64xi32, #tpu.memory_space<vmem>>
    %dma_wait3A_1987 = tpu.memref_squeeze %dma_wait3A_1986 : memref<1x64xi32, #tpu.memory_space<vmem>> -> memref<64xi32, #tpu.memory_space<vmem>>
    %dma_wait3A_1988 = arith.constant 0 : i32
    %dma_wait3A_1989 = arith.constant 0 : i32
    %dma_wait3A_1990 = tpu.memref_slice %arg2[%dma_wait3A_1988, %dma_wait3A_1989] : memref<10000x128xf32, #tpu.memory_space<hbm>> -> memref<10000x128xf32, #tpu.memory_space<hbm>>
    %dma_wait3A_1991 = tpu.memref_slice %arg13[%dma_wait3A_1981] : memref<3x!tpu.dma_semaphore, #tpu.memory_space<semaphore_mem>> -> memref<1x!tpu.dma_semaphore, #tpu.memory_space<semaphore_mem>>
    %dma_wait3A_1992 = tpu.memref_squeeze %dma_wait3A_1991 : memref<1x!tpu.dma_semaphore, #tpu.memory_space<semaphore_mem>> -> memref<!tpu.dma_semaphore, #tpu.memory_space<semaphore_mem>>
    tpu.wait_indirect_dma semaphore(%dma_wait3A_1992 : memref<!tpu.dma_semaphore, #tpu.memory_space<semaphore_mem>>) src(%dma_wait3A_1990 : memref<10000x128xf32, #tpu.memory_space<hbm>>) dst(%dma_wait3A_1984 : memref<64x128xf32, #tpu.memory_space<vmem>>)
    %dma_wait3A_1993 = arith.constant 26 : i32
    %dma_wait3A_1994 = arith.constant 2 : i32
    %dma_wait3A_1995 = arith.constant 256 : i32
    %dma_wait3A_1996 = arith.constant 0 : i32
    %dma_wait3A_1997 = tpu.memref_slice %arg8[%dma_wait3A_1995, %dma_wait3A_1996] : memref<320x128xf32, #tpu.memory_space<vmem>> -> memref<64x128xf32, #tpu.memory_space<vmem>>
    %dma_wait3A_1998 = arith.constant 0 : i32
    %dma_wait3A_1999 = tpu.memref_slice %arg7[%dma_wait3A_1993, %dma_wait3A_1998] : memref<30x128xi32, #tpu.memory_space<vmem>> -> memref<1x64xi32, #tpu.memory_space<vmem>>
    %dma_wait3A_2000 = tpu.memref_squeeze %dma_wait3A_1999 : memref<1x64xi32, #tpu.memory_space<vmem>> -> memref<64xi32, #tpu.memory_space<vmem>>
    %dma_wait3A_2001 = arith.constant 0 : i32
    %dma_wait3A_2002 = arith.constant 0 : i32
    %dma_wait3A_2003 = tpu.memref_slice %arg2[%dma_wait3A_2001, %dma_wait3A_2002] : memref<10000x128xf32, #tpu.memory_space<hbm>> -> memref<10000x128xf32, #tpu.memory_space<hbm>>
    %dma_wait3A_2004 = tpu.memref_slice %arg13[%dma_wait3A_1994] : memref<3x!tpu.dma_semaphore, #tpu.memory_space<semaphore_mem>> -> memref<1x!tpu.dma_semaphore, #tpu.memory_space<semaphore_mem>>
    %dma_wait3A_2005 = tpu.memref_squeeze %dma_wait3A_2004 : memref<1x!tpu.dma_semaphore, #tpu.memory_space<semaphore_mem>> -> memref<!tpu.dma_semaphore, #tpu.memory_space<semaphore_mem>>
    tpu.wait_indirect_dma semaphore(%dma_wait3A_2005 : memref<!tpu.dma_semaphore, #tpu.memory_space<semaphore_mem>>) src(%dma_wait3A_2003 : memref<10000x128xf32, #tpu.memory_space<hbm>>) dst(%dma_wait3A_1997 : memref<64x128xf32, #tpu.memory_space<vmem>>)
    %dma_wait3A_2006 = arith.constant 29 : i32
    %dma_wait3A_2007 = arith.constant 2 : i32
    %dma_wait3A_2008 = arith.constant 256 : i32
    %dma_wait3A_2009 = arith.constant 0 : i32
    %dma_wait3A_2010 = tpu.memref_slice %arg8[%dma_wait3A_2008, %dma_wait3A_2009] : memref<320x128xf32, #tpu.memory_space<vmem>> -> memref<64x128xf32, #tpu.memory_space<vmem>>
    %dma_wait3A_2011 = arith.constant 0 : i32
    %dma_wait3A_2012 = tpu.memref_slice %arg7[%dma_wait3A_2006, %dma_wait3A_2011] : memref<30x128xi32, #tpu.memory_space<vmem>> -> memref<1x64xi32, #tpu.memory_space<vmem>>
    %dma_wait3A_2013 = tpu.memref_squeeze %dma_wait3A_2012 : memref<1x64xi32, #tpu.memory_space<vmem>> -> memref<64xi32, #tpu.memory_space<vmem>>
    %dma_wait3A_2014 = arith.constant 0 : i32
    %dma_wait3A_2015 = arith.constant 0 : i32
    %dma_wait3A_2016 = tpu.memref_slice %arg2[%dma_wait3A_2014, %dma_wait3A_2015] : memref<10000x128xf32, #tpu.memory_space<hbm>> -> memref<10000x128xf32, #tpu.memory_space<hbm>>
    %dma_wait3A_2017 = tpu.memref_slice %arg13[%dma_wait3A_2007] : memref<3x!tpu.dma_semaphore, #tpu.memory_space<semaphore_mem>> -> memref<1x!tpu.dma_semaphore, #tpu.memory_space<semaphore_mem>>
    %dma_wait3A_2018 = tpu.memref_squeeze %dma_wait3A_2017 : memref<1x!tpu.dma_semaphore, #tpu.memory_space<semaphore_mem>> -> memref<!tpu.dma_semaphore, #tpu.memory_space<semaphore_mem>>
    tpu.wait_indirect_dma semaphore(%dma_wait3A_2018 : memref<!tpu.dma_semaphore, #tpu.memory_space<semaphore_mem>>) src(%dma_wait3A_2016 : memref<10000x128xf32, #tpu.memory_space<hbm>>) dst(%dma_wait3A_2010 : memref<64x128xf32, #tpu.memory_space<vmem>>)
    %scan3A_2019 = arith.constant 0 : i32
    %scan3A_2020 = arith.constant 256 : i32
    %scan3A_2021 = arith.constant 64 : i32
    %scan3A_2022 = arith.addi %scan3A_2020, %scan3A_2021 : i32
    %scan3A_2023 = arith.constant 1 : i32
    %scan3A_2024 = scf.for %scan3A_2152 = %scan3A_2020 to %scan3A_2022 step %scan3A_2023 iter_args(%scan3A_2153 = %scan3A_2019) -> (i32)  : i32 {
      %get3A_2154 = arith.index_cast %scan3A_2152 : i32 to index
      %get3A_2155 = arith.constant 0 : index
      %get3A_2156 = tpu.vector_load %arg8[%get3A_2154, %get3A_2155] {strides = array<i32>} : memref<320x128xf32, #tpu.memory_space<vmem>>, vector<1x16xf32>,
      %get3A_2157 = vector.shape_cast %get3A_2156 : vector<1x16xf32> to vector<16xf32>
      %max3A = arith.constant 0.000000e+00 : f32
      %max3A_2158 = vector.broadcast %max3A : f32 to vector<16xf32>
      %max3A_2159 = arith.maximumf %get3A_2157, %max3A_2158 : vector<16xf32>
      %swap3A_2160 = arith.index_cast %scan3A_2152 : i32 to index
      %swap3A_2161 = arith.constant 0 : index
      %swap3A_2162 = tpu.vector_load %arg8[%swap3A_2160, %swap3A_2161] {strides = array<i32>} : memref<320x128xf32, #tpu.memory_space<vmem>>, vector<1x16xf32>,
      %swap3A_2163 = vector.shape_cast %swap3A_2162 : vector<1x16xf32> to vector<16xf32>
      %swap3A_2164 = vector.shape_cast %max3A_2159 : vector<16xf32> to vector<1x16xf32>
      tpu.vector_store %arg8[%swap3A_2160, %swap3A_2161], %swap3A_2164 {strides = array<i32>} : memref<320x128xf32, #tpu.memory_space<vmem>>, vector<1x16xf32>,
      %get3A_2165 = arith.index_cast %scan3A_2152 : i32 to index
      %get3A_2166 = arith.constant 16 : index
      %get3A_2167 = tpu.vector_load %arg8[%get3A_2165, %get3A_2166] {strides = array<i32>} : memref<320x128xf32, #tpu.memory_space<vmem>>, vector<1x16xf32>,
      %get3A_2168 = vector.shape_cast %get3A_2167 : vector<1x16xf32> to vector<16xf32>
      %max3A_2169 = arith.constant 0.000000e+00 : f32
      %max3A_2170 = vector.broadcast %max3A_2169 : f32 to vector<16xf32>
      %max3A_2171 = arith.maximumf %get3A_2168, %max3A_2170 : vector<16xf32>
      %swap3A_2172 = arith.index_cast %scan3A_2152 : i32 to index
      %swap3A_2173 = arith.constant 16 : index
      %swap3A_2174 = tpu.vector_load %arg8[%swap3A_2172, %swap3A_2173] {strides = array<i32>} : memref<320x128xf32, #tpu.memory_space<vmem>>, vector<1x16xf32>,
      %swap3A_2175 = vector.shape_cast %swap3A_2174 : vector<1x16xf32> to vector<16xf32>
      %swap3A_2176 = vector.shape_cast %max3A_2171 : vector<16xf32> to vector<1x16xf32>
      tpu.vector_store %arg8[%swap3A_2172, %swap3A_2173], %swap3A_2176 {strides = array<i32>} : memref<320x128xf32, #tpu.memory_space<vmem>>, vector<1x16xf32>,
      %get3A_2177 = arith.index_cast %scan3A_2152 : i32 to index
      %get3A_2178 = arith.constant 32 : index
      %get3A_2179 = tpu.vector_load %arg8[%get3A_2177, %get3A_2178] {strides = array<i32>} : memref<320x128xf32, #tpu.memory_space<vmem>>, vector<1x16xf32>,
      %get3A_2180 = vector.shape_cast %get3A_2179 : vector<1x16xf32> to vector<16xf32>
      %max3A_2181 = arith.constant 0.000000e+00 : f32
      %max3A_2182 = vector.broadcast %max3A_2181 : f32 to vector<16xf32>
      %max3A_2183 = arith.maximumf %get3A_2180, %max3A_2182 : vector<16xf32>
      %swap3A_2184 = arith.index_cast %scan3A_2152 : i32 to index
      %swap3A_2185 = arith.constant 32 : index
      %swap3A_2186 = tpu.vector_load %arg8[%swap3A_2184, %swap3A_2185] {strides = array<i32>} : memref<320x128xf32, #tpu.memory_space<vmem>>, vector<1x16xf32>,
      %swap3A_2187 = vector.shape_cast %swap3A_2186 : vector<1x16xf32> to vector<16xf32>
      %swap3A_2188 = vector.shape_cast %max3A_2183 : vector<16xf32> to vector<1x16xf32>
      tpu.vector_store %arg8[%swap3A_2184, %swap3A_2185], %swap3A_2188 {strides = array<i32>} : memref<320x128xf32, #tpu.memory_space<vmem>>, vector<1x16xf32>,
      %get3A_2189 = arith.index_cast %scan3A_2152 : i32 to index
      %get3A_2190 = arith.constant 48 : index
      %get3A_2191 = tpu.vector_load %arg8[%get3A_2189, %get3A_2190] {strides = array<i32>} : memref<320x128xf32, #tpu.memory_space<vmem>>, vector<1x16xf32>,
      %get3A_2192 = vector.shape_cast %get3A_2191 : vector<1x16xf32> to vector<16xf32>
      %max3A_2193 = arith.constant 0.000000e+00 : f32
      %max3A_2194 = vector.broadcast %max3A_2193 : f32 to vector<16xf32>
      %max3A_2195 = arith.maximumf %get3A_2192, %max3A_2194 : vector<16xf32>
      %swap3A_2196 = arith.index_cast %scan3A_2152 : i32 to index
      %swap3A_2197 = arith.constant 48 : index
      %swap3A_2198 = tpu.vector_load %arg8[%swap3A_2196, %swap3A_2197] {strides = array<i32>} : memref<320x128xf32, #tpu.memory_space<vmem>>, vector<1x16xf32>,
      %swap3A_2199 = vector.shape_cast %swap3A_2198 : vector<1x16xf32> to vector<16xf32>
      %swap3A_2200 = vector.shape_cast %max3A_2195 : vector<16xf32> to vector<1x16xf32>
      tpu.vector_store %arg8[%swap3A_2196, %swap3A_2197], %swap3A_2200 {strides = array<i32>} : memref<320x128xf32, #tpu.memory_space<vmem>>, vector<1x16xf32>,
      %get3A_2201 = arith.index_cast %scan3A_2152 : i32 to index
      %get3A_2202 = arith.constant 64 : index
      %get3A_2203 = tpu.vector_load %arg8[%get3A_2201, %get3A_2202] {strides = array<i32>} : memref<320x128xf32, #tpu.memory_space<vmem>>, vector<1x16xf32>,
      %get3A_2204 = vector.shape_cast %get3A_2203 : vector<1x16xf32> to vector<16xf32>
      %max3A_2205 = arith.constant 0.000000e+00 : f32
      %max3A_2206 = vector.broadcast %max3A_2205 : f32 to vector<16xf32>
      %max3A_2207 = arith.maximumf %get3A_2204, %max3A_2206 : vector<16xf32>
      %swap3A_2208 = arith.index_cast %scan3A_2152 : i32 to index
      %swap3A_2209 = arith.constant 64 : index
      %swap3A_2210 = tpu.vector_load %arg8[%swap3A_2208, %swap3A_2209] {strides = array<i32>} : memref<320x128xf32, #tpu.memory_space<vmem>>, vector<1x16xf32>,
      %swap3A_2211 = vector.shape_cast %swap3A_2210 : vector<1x16xf32> to vector<16xf32>
      %swap3A_2212 = vector.shape_cast %max3A_2207 : vector<16xf32> to vector<1x16xf32>
      tpu.vector_store %arg8[%swap3A_2208, %swap3A_2209], %swap3A_2212 {strides = array<i32>} : memref<320x128xf32, #tpu.memory_space<vmem>>, vector<1x16xf32>,
      %get3A_2213 = arith.index_cast %scan3A_2152 : i32 to index
      %get3A_2214 = arith.constant 80 : index
      %get3A_2215 = tpu.vector_load %arg8[%get3A_2213, %get3A_2214] {strides = array<i32>} : memref<320x128xf32, #tpu.memory_space<vmem>>, vector<1x16xf32>,
      %get3A_2216 = vector.shape_cast %get3A_2215 : vector<1x16xf32> to vector<16xf32>
      %max3A_2217 = arith.constant 0.000000e+00 : f32
      %max3A_2218 = vector.broadcast %max3A_2217 : f32 to vector<16xf32>
      %max3A_2219 = arith.maximumf %get3A_2216, %max3A_2218 : vector<16xf32>
      %swap3A_2220 = arith.index_cast %scan3A_2152 : i32 to index
      %swap3A_2221 = arith.constant 80 : index
      %swap3A_2222 = tpu.vector_load %arg8[%swap3A_2220, %swap3A_2221] {strides = array<i32>} : memref<320x128xf32, #tpu.memory_space<vmem>>, vector<1x16xf32>,
      %swap3A_2223 = vector.shape_cast %swap3A_2222 : vector<1x16xf32> to vector<16xf32>
      %swap3A_2224 = vector.shape_cast %max3A_2219 : vector<16xf32> to vector<1x16xf32>
      tpu.vector_store %arg8[%swap3A_2220, %swap3A_2221], %swap3A_2224 {strides = array<i32>} : memref<320x128xf32, #tpu.memory_space<vmem>>, vector<1x16xf32>,
      %get3A_2225 = arith.index_cast %scan3A_2152 : i32 to index
      %get3A_2226 = arith.constant 96 : index
      %get3A_2227 = tpu.vector_load %arg8[%get3A_2225, %get3A_2226] {strides = array<i32>} : memref<320x128xf32, #tpu.memory_space<vmem>>, vector<1x16xf32>,
      %get3A_2228 = vector.shape_cast %get3A_2227 : vector<1x16xf32> to vector<16xf32>
      %max3A_2229 = arith.constant 0.000000e+00 : f32
      %max3A_2230 = vector.broadcast %max3A_2229 : f32 to vector<16xf32>
      %max3A_2231 = arith.maximumf %get3A_2228, %max3A_2230 : vector<16xf32>
      %swap3A_2232 = arith.index_cast %scan3A_2152 : i32 to index
      %swap3A_2233 = arith.constant 96 : index
      %swap3A_2234 = tpu.vector_load %arg8[%swap3A_2232, %swap3A_2233] {strides = array<i32>} : memref<320x128xf32, #tpu.memory_space<vmem>>, vector<1x16xf32>,
      %swap3A_2235 = vector.shape_cast %swap3A_2234 : vector<1x16xf32> to vector<16xf32>
      %swap3A_2236 = vector.shape_cast %max3A_2231 : vector<16xf32> to vector<1x16xf32>
      tpu.vector_store %arg8[%swap3A_2232, %swap3A_2233], %swap3A_2236 {strides = array<i32>} : memref<320x128xf32, #tpu.memory_space<vmem>>, vector<1x16xf32>,
      %get3A_2237 = arith.index_cast %scan3A_2152 : i32 to index
      %get3A_2238 = arith.constant 112 : index
      %get3A_2239 = tpu.vector_load %arg8[%get3A_2237, %get3A_2238] {strides = array<i32>} : memref<320x128xf32, #tpu.memory_space<vmem>>, vector<1x16xf32>,
      %get3A_2240 = vector.shape_cast %get3A_2239 : vector<1x16xf32> to vector<16xf32>
      %max3A_2241 = arith.constant 0.000000e+00 : f32
      %max3A_2242 = vector.broadcast %max3A_2241 : f32 to vector<16xf32>
      %max3A_2243 = arith.maximumf %get3A_2240, %max3A_2242 : vector<16xf32>
      %swap3A_2244 = arith.index_cast %scan3A_2152 : i32 to index
      %swap3A_2245 = arith.constant 112 : index
      %swap3A_2246 = tpu.vector_load %arg8[%swap3A_2244, %swap3A_2245] {strides = array<i32>} : memref<320x128xf32, #tpu.memory_space<vmem>>, vector<1x16xf32>,
      %swap3A_2247 = vector.shape_cast %swap3A_2246 : vector<1x16xf32> to vector<16xf32>
      %swap3A_2248 = vector.shape_cast %max3A_2243 : vector<16xf32> to vector<1x16xf32>
      tpu.vector_store %arg8[%swap3A_2244, %swap3A_2245], %swap3A_2248 {strides = array<i32>} : memref<320x128xf32, #tpu.memory_space<vmem>>, vector<1x16xf32>,
      %scan3A_2249 = arith.constant 0 : i32
      scf.yield %scan3A_2249 : i32
    }
    %scan3A_2025 = arith.constant 64 : i32
    %add3A_2026 = arith.constant 256 : i32
    %add3A_2027 = arith.addi %multiple_of3A, %add3A_2026 : i32
    %dma_start3A_2028 = arith.constant 256 : i32
    %dma_start3A_2029 = arith.constant 0 : i32
    %dma_start3A_2030 = tpu.memref_slice %arg8[%dma_start3A_2028, %dma_start3A_2029] : memref<320x128xf32, #tpu.memory_space<vmem>> -> memref<64x128xf32, #tpu.memory_space<vmem>>
    %dma_start3A_2031 = arith.constant 0 : i32
    %dma_start3A_2032 = tpu.memref_slice %arg5[%add3A_2027, %dma_start3A_2031] : memref<10000x128xf32, #tpu.memory_space<hbm>> -> memref<64x128xf32, #tpu.memory_space<hbm>>
    %dma_start3A_2033 = arith.constant 0 : i32
    %dma_start3A_2034 = tpu.memref_slice %arg5[%add3A_2027, %dma_start3A_2033] : memref<10000x128xf32, #tpu.memory_space<hbm>> -> memref<64x128xf32, #tpu.memory_space<hbm>>
    %dma_start3A_2035 = arith.constant 256 : i32
    %dma_start3A_2036 = arith.constant 0 : i32
    %dma_start3A_2037 = tpu.memref_slice %arg8[%dma_start3A_2035, %dma_start3A_2036] : memref<320x128xf32, #tpu.memory_space<vmem>> -> memref<64x128xf32, #tpu.memory_space<vmem>>
    tpu.enqueue_dma source(%dma_start3A_2037 : memref<64x128xf32, #tpu.memory_space<vmem>>) target(%dma_start3A_2034 : memref<64x128xf32, #tpu.memory_space<hbm>>) target_semaphore(%arg14 : memref<!tpu.dma_semaphore, #tpu.memory_space<semaphore_mem>>)
    %dma_wait3A_2038 = arith.constant 0 : i32
    %dma_wait3A_2039 = arith.constant 0 : i32
    %dma_wait3A_2040 = tpu.memref_slice %arg11[%dma_wait3A_2039] : memref<352xi32, #tpu.memory_space<vmem>> -> memref<32xi32, #tpu.memory_space<vmem>>
    %dma_wait3A_2041 = arith.constant 0 : i32
    %dma_wait3A_2042 = tpu.memref_slice %arg10[%dma_wait3A_2038, %dma_wait3A_2041] : memref<10x32xi32, #tpu.memory_space<vmem>> -> memref<1x32xi32, #tpu.memory_space<vmem>>
    %dma_wait3A_2043 = tpu.memref_squeeze %dma_wait3A_2042 : memref<1x32xi32, #tpu.memory_space<vmem>> -> memref<32xi32, #tpu.memory_space<vmem>>
    %dma_wait3A_2044 = arith.constant 0 : i32
    %dma_wait3A_2045 = tpu.memref_slice %arg3[%dma_wait3A_2044] : memref<100000xi32, #tpu.memory_space<hbm>> -> memref<100000xi32, #tpu.memory_space<hbm>>
    tpu.wait_indirect_dma semaphore(%arg15 : memref<!tpu.dma_semaphore, #tpu.memory_space<semaphore_mem>>) src(%dma_wait3A_2045 : memref<100000xi32, #tpu.memory_space<hbm>>) dst(%dma_wait3A_2040 : memref<32xi32, #tpu.memory_space<vmem>>)
    %dma_wait3A_2046 = arith.constant 1 : i32
    %dma_wait3A_2047 = arith.constant 32 : i32
    %dma_wait3A_2048 = tpu.memref_slice %arg11[%dma_wait3A_2047] : memref<352xi32, #tpu.memory_space<vmem>> -> memref<32xi32, #tpu.memory_space<vmem>>
    %dma_wait3A_2049 = arith.constant 0 : i32
    %dma_wait3A_2050 = tpu.memref_slice %arg10[%dma_wait3A_2046, %dma_wait3A_2049] : memref<10x32xi32, #tpu.memory_space<vmem>> -> memref<1x32xi32, #tpu.memory_space<vmem>>
    %dma_wait3A_2051 = tpu.memref_squeeze %dma_wait3A_2050 : memref<1x32xi32, #tpu.memory_space<vmem>> -> memref<32xi32, #tpu.memory_space<vmem>>
    %dma_wait3A_2052 = arith.constant 0 : i32
    %dma_wait3A_2053 = tpu.memref_slice %arg3[%dma_wait3A_2052] : memref<100000xi32, #tpu.memory_space<hbm>> -> memref<100000xi32, #tpu.memory_space<hbm>>
    tpu.wait_indirect_dma semaphore(%arg15 : memref<!tpu.dma_semaphore, #tpu.memory_space<semaphore_mem>>) src(%dma_wait3A_2053 : memref<100000xi32, #tpu.memory_space<hbm>>) dst(%dma_wait3A_2048 : memref<32xi32, #tpu.memory_space<vmem>>)
    %dma_wait3A_2054 = arith.constant 2 : i32
    %dma_wait3A_2055 = arith.constant 64 : i32
    %dma_wait3A_2056 = tpu.memref_slice %arg11[%dma_wait3A_2055] : memref<352xi32, #tpu.memory_space<vmem>> -> memref<32xi32, #tpu.memory_space<vmem>>
    %dma_wait3A_2057 = arith.constant 0 : i32
    %dma_wait3A_2058 = tpu.memref_slice %arg10[%dma_wait3A_2054, %dma_wait3A_2057] : memref<10x32xi32, #tpu.memory_space<vmem>> -> memref<1x32xi32, #tpu.memory_space<vmem>>
    %dma_wait3A_2059 = tpu.memref_squeeze %dma_wait3A_2058 : memref<1x32xi32, #tpu.memory_space<vmem>> -> memref<32xi32, #tpu.memory_space<vmem>>
    %dma_wait3A_2060 = arith.constant 0 : i32
    %dma_wait3A_2061 = tpu.memref_slice %arg3[%dma_wait3A_2060] : memref<100000xi32, #tpu.memory_space<hbm>> -> memref<100000xi32, #tpu.memory_space<hbm>>
    tpu.wait_indirect_dma semaphore(%arg15 : memref<!tpu.dma_semaphore, #tpu.memory_space<semaphore_mem>>) src(%dma_wait3A_2061 : memref<100000xi32, #tpu.memory_space<hbm>>) dst(%dma_wait3A_2056 : memref<32xi32, #tpu.memory_space<vmem>>)
    %dma_wait3A_2062 = arith.constant 3 : i32
    %dma_wait3A_2063 = arith.constant 96 : i32
    %dma_wait3A_2064 = tpu.memref_slice %arg11[%dma_wait3A_2063] : memref<352xi32, #tpu.memory_space<vmem>> -> memref<32xi32, #tpu.memory_space<vmem>>
    %dma_wait3A_2065 = arith.constant 0 : i32
    %dma_wait3A_2066 = tpu.memref_slice %arg10[%dma_wait3A_2062, %dma_wait3A_2065] : memref<10x32xi32, #tpu.memory_space<vmem>> -> memref<1x32xi32, #tpu.memory_space<vmem>>
    %dma_wait3A_2067 = tpu.memref_squeeze %dma_wait3A_2066 : memref<1x32xi32, #tpu.memory_space<vmem>> -> memref<32xi32, #tpu.memory_space<vmem>>
    %dma_wait3A_2068 = arith.constant 0 : i32
    %dma_wait3A_2069 = tpu.memref_slice %arg3[%dma_wait3A_2068] : memref<100000xi32, #tpu.memory_space<hbm>> -> memref<100000xi32, #tpu.memory_space<hbm>>
    tpu.wait_indirect_dma semaphore(%arg15 : memref<!tpu.dma_semaphore, #tpu.memory_space<semaphore_mem>>) src(%dma_wait3A_2069 : memref<100000xi32, #tpu.memory_space<hbm>>) dst(%dma_wait3A_2064 : memref<32xi32, #tpu.memory_space<vmem>>)
    %dma_wait3A_2070 = arith.constant 4 : i32
    %dma_wait3A_2071 = arith.constant 128 : i32
    %dma_wait3A_2072 = tpu.memref_slice %arg11[%dma_wait3A_2071] : memref<352xi32, #tpu.memory_space<vmem>> -> memref<32xi32, #tpu.memory_space<vmem>>
    %dma_wait3A_2073 = arith.constant 0 : i32
    %dma_wait3A_2074 = tpu.memref_slice %arg10[%dma_wait3A_2070, %dma_wait3A_2073] : memref<10x32xi32, #tpu.memory_space<vmem>> -> memref<1x32xi32, #tpu.memory_space<vmem>>
    %dma_wait3A_2075 = tpu.memref_squeeze %dma_wait3A_2074 : memref<1x32xi32, #tpu.memory_space<vmem>> -> memref<32xi32, #tpu.memory_space<vmem>>
    %dma_wait3A_2076 = arith.constant 0 : i32
    %dma_wait3A_2077 = tpu.memref_slice %arg3[%dma_wait3A_2076] : memref<100000xi32, #tpu.memory_space<hbm>> -> memref<100000xi32, #tpu.memory_space<hbm>>
    tpu.wait_indirect_dma semaphore(%arg15 : memref<!tpu.dma_semaphore, #tpu.memory_space<semaphore_mem>>) src(%dma_wait3A_2077 : memref<100000xi32, #tpu.memory_space<hbm>>) dst(%dma_wait3A_2072 : memref<32xi32, #tpu.memory_space<vmem>>)
    %dma_wait3A_2078 = arith.constant 5 : i32
    %dma_wait3A_2079 = arith.constant 160 : i32
    %dma_wait3A_2080 = tpu.memref_slice %arg11[%dma_wait3A_2079] : memref<352xi32, #tpu.memory_space<vmem>> -> memref<32xi32, #tpu.memory_space<vmem>>
    %dma_wait3A_2081 = arith.constant 0 : i32
    %dma_wait3A_2082 = tpu.memref_slice %arg10[%dma_wait3A_2078, %dma_wait3A_2081] : memref<10x32xi32, #tpu.memory_space<vmem>> -> memref<1x32xi32, #tpu.memory_space<vmem>>
    %dma_wait3A_2083 = tpu.memref_squeeze %dma_wait3A_2082 : memref<1x32xi32, #tpu.memory_space<vmem>> -> memref<32xi32, #tpu.memory_space<vmem>>
    %dma_wait3A_2084 = arith.constant 0 : i32
    %dma_wait3A_2085 = tpu.memref_slice %arg3[%dma_wait3A_2084] : memref<100000xi32, #tpu.memory_space<hbm>> -> memref<100000xi32, #tpu.memory_space<hbm>>
    tpu.wait_indirect_dma semaphore(%arg15 : memref<!tpu.dma_semaphore, #tpu.memory_space<semaphore_mem>>) src(%dma_wait3A_2085 : memref<100000xi32, #tpu.memory_space<hbm>>) dst(%dma_wait3A_2080 : memref<32xi32, #tpu.memory_space<vmem>>)
    %dma_wait3A_2086 = arith.constant 6 : i32
    %dma_wait3A_2087 = arith.constant 192 : i32
    %dma_wait3A_2088 = tpu.memref_slice %arg11[%dma_wait3A_2087] : memref<352xi32, #tpu.memory_space<vmem>> -> memref<32xi32, #tpu.memory_space<vmem>>
    %dma_wait3A_2089 = arith.constant 0 : i32
    %dma_wait3A_2090 = tpu.memref_slice %arg10[%dma_wait3A_2086, %dma_wait3A_2089] : memref<10x32xi32, #tpu.memory_space<vmem>> -> memref<1x32xi32, #tpu.memory_space<vmem>>
    %dma_wait3A_2091 = tpu.memref_squeeze %dma_wait3A_2090 : memref<1x32xi32, #tpu.memory_space<vmem>> -> memref<32xi32, #tpu.memory_space<vmem>>
    %dma_wait3A_2092 = arith.constant 0 : i32
    %dma_wait3A_2093 = tpu.memref_slice %arg3[%dma_wait3A_2092] : memref<100000xi32, #tpu.memory_space<hbm>> -> memref<100000xi32, #tpu.memory_space<hbm>>
    tpu.wait_indirect_dma semaphore(%arg15 : memref<!tpu.dma_semaphore, #tpu.memory_space<semaphore_mem>>) src(%dma_wait3A_2093 : memref<100000xi32, #tpu.memory_space<hbm>>) dst(%dma_wait3A_2088 : memref<32xi32, #tpu.memory_space<vmem>>)
    %dma_wait3A_2094 = arith.constant 7 : i32
    %dma_wait3A_2095 = arith.constant 224 : i32
    %dma_wait3A_2096 = tpu.memref_slice %arg11[%dma_wait3A_2095] : memref<352xi32, #tpu.memory_space<vmem>> -> memref<32xi32, #tpu.memory_space<vmem>>
    %dma_wait3A_2097 = arith.constant 0 : i32
    %dma_wait3A_2098 = tpu.memref_slice %arg10[%dma_wait3A_2094, %dma_wait3A_2097] : memref<10x32xi32, #tpu.memory_space<vmem>> -> memref<1x32xi32, #tpu.memory_space<vmem>>
    %dma_wait3A_2099 = tpu.memref_squeeze %dma_wait3A_2098 : memref<1x32xi32, #tpu.memory_space<vmem>> -> memref<32xi32, #tpu.memory_space<vmem>>
    %dma_wait3A_2100 = arith.constant 0 : i32
    %dma_wait3A_2101 = tpu.memref_slice %arg3[%dma_wait3A_2100] : memref<100000xi32, #tpu.memory_space<hbm>> -> memref<100000xi32, #tpu.memory_space<hbm>>
    tpu.wait_indirect_dma semaphore(%arg15 : memref<!tpu.dma_semaphore, #tpu.memory_space<semaphore_mem>>) src(%dma_wait3A_2101 : memref<100000xi32, #tpu.memory_space<hbm>>) dst(%dma_wait3A_2096 : memref<32xi32, #tpu.memory_space<vmem>>)
    %dma_wait3A_2102 = arith.constant 8 : i32
    %dma_wait3A_2103 = arith.constant 256 : i32
    %dma_wait3A_2104 = tpu.memref_slice %arg11[%dma_wait3A_2103] : memref<352xi32, #tpu.memory_space<vmem>> -> memref<32xi32, #tpu.memory_space<vmem>>
    %dma_wait3A_2105 = arith.constant 0 : i32
    %dma_wait3A_2106 = tpu.memref_slice %arg10[%dma_wait3A_2102, %dma_wait3A_2105] : memref<10x32xi32, #tpu.memory_space<vmem>> -> memref<1x32xi32, #tpu.memory_space<vmem>>
    %dma_wait3A_2107 = tpu.memref_squeeze %dma_wait3A_2106 : memref<1x32xi32, #tpu.memory_space<vmem>> -> memref<32xi32, #tpu.memory_space<vmem>>
    %dma_wait3A_2108 = arith.constant 0 : i32
    %dma_wait3A_2109 = tpu.memref_slice %arg3[%dma_wait3A_2108] : memref<100000xi32, #tpu.memory_space<hbm>> -> memref<100000xi32, #tpu.memory_space<hbm>>
    tpu.wait_indirect_dma semaphore(%arg15 : memref<!tpu.dma_semaphore, #tpu.memory_space<semaphore_mem>>) src(%dma_wait3A_2109 : memref<100000xi32, #tpu.memory_space<hbm>>) dst(%dma_wait3A_2104 : memref<32xi32, #tpu.memory_space<vmem>>)
    %dma_wait3A_2110 = arith.constant 9 : i32
    %dma_wait3A_2111 = arith.constant 288 : i32
    %dma_wait3A_2112 = tpu.memref_slice %arg11[%dma_wait3A_2111] : memref<352xi32, #tpu.memory_space<vmem>> -> memref<32xi32, #tpu.memory_space<vmem>>
    %dma_wait3A_2113 = arith.constant 0 : i32
    %dma_wait3A_2114 = tpu.memref_slice %arg10[%dma_wait3A_2110, %dma_wait3A_2113] : memref<10x32xi32, #tpu.memory_space<vmem>> -> memref<1x32xi32, #tpu.memory_space<vmem>>
    %dma_wait3A_2115 = tpu.memref_squeeze %dma_wait3A_2114 : memref<1x32xi32, #tpu.memory_space<vmem>> -> memref<32xi32, #tpu.memory_space<vmem>>
    %dma_wait3A_2116 = arith.constant 0 : i32
    %dma_wait3A_2117 = tpu.memref_slice %arg3[%dma_wait3A_2116] : memref<100000xi32, #tpu.memory_space<hbm>> -> memref<100000xi32, #tpu.memory_space<hbm>>
    tpu.wait_indirect_dma semaphore(%arg15 : memref<!tpu.dma_semaphore, #tpu.memory_space<semaphore_mem>>) src(%dma_wait3A_2117 : memref<100000xi32, #tpu.memory_space<hbm>>) dst(%dma_wait3A_2112 : memref<32xi32, #tpu.memory_space<vmem>>)
    %dma_start3A_2118 = tpu.memref_slice %arg6[%mul3A_529] : memref<11264xi32, #tpu.memory_space<hbm>> -> memref<352xi32, #tpu.memory_space<hbm>>
    %dma_start3A_2119 = tpu.memref_slice %arg6[%mul3A_529] : memref<11264xi32, #tpu.memory_space<hbm>> -> memref<352xi32, #tpu.memory_space<hbm>>
    tpu.enqueue_dma source(%arg11 : memref<352xi32, #tpu.memory_space<vmem>>) target(%dma_start3A_2119 : memref<352xi32, #tpu.memory_space<hbm>>) target_semaphore(%arg14 : memref<!tpu.dma_semaphore, #tpu.memory_space<semaphore_mem>>)
    %dma_wait3A_2120 = arith.constant 0 : i32
    %dma_wait3A_2121 = arith.constant 0 : i32
    %dma_wait3A_2122 = tpu.memref_slice %arg8[%dma_wait3A_2120, %dma_wait3A_2121] : memref<320x128xf32, #tpu.memory_space<vmem>> -> memref<128x128xf32, #tpu.memory_space<vmem>>
    %dma_wait3A_2123 = arith.constant 0 : i32
    %dma_wait3A_2124 = tpu.memref_slice %arg5[%add3A_1729, %dma_wait3A_2123] : memref<10000x128xf32, #tpu.memory_space<hbm>> -> memref<128x128xf32, #tpu.memory_space<hbm>>
    %dma_wait3A_2125 = arith.constant 0 : i32
    %dma_wait3A_2126 = tpu.memref_slice %arg5[%add3A_1729, %dma_wait3A_2125] : memref<10000x128xf32, #tpu.memory_space<hbm>> -> memref<128x128xf32, #tpu.memory_space<hbm>>
    %dma_wait3A_2127 = arith.constant 0 : i32
    %dma_wait3A_2128 = arith.constant 0 : i32
    %dma_wait3A_2129 = tpu.memref_slice %arg8[%dma_wait3A_2127, %dma_wait3A_2128] : memref<320x128xf32, #tpu.memory_space<vmem>> -> memref<128x128xf32, #tpu.memory_space<vmem>>
    tpu.wait_dma2 semaphore(%arg14 : memref<!tpu.dma_semaphore, #tpu.memory_space<semaphore_mem>>) src(%dma_wait3A_2129 : memref<128x128xf32, #tpu.memory_space<vmem>>) dst(%dma_wait3A_2126 : memref<128x128xf32, #tpu.memory_space<hbm>>)
    %dma_wait3A_2130 = arith.constant 128 : i32
    %dma_wait3A_2131 = arith.constant 0 : i32
    %dma_wait3A_2132 = tpu.memref_slice %arg8[%dma_wait3A_2130, %dma_wait3A_2131] : memref<320x128xf32, #tpu.memory_space<vmem>> -> memref<128x128xf32, #tpu.memory_space<vmem>>
    %dma_wait3A_2133 = arith.constant 0 : i32
    %dma_wait3A_2134 = tpu.memref_slice %arg5[%add3A_1878, %dma_wait3A_2133] : memref<10000x128xf32, #tpu.memory_space<hbm>> -> memref<128x128xf32, #tpu.memory_space<hbm>>
    %dma_wait3A_2135 = arith.constant 0 : i32
    %dma_wait3A_2136 = tpu.memref_slice %arg5[%add3A_1878, %dma_wait3A_2135] : memref<10000x128xf32, #tpu.memory_space<hbm>> -> memref<128x128xf32, #tpu.memory_space<hbm>>
    %dma_wait3A_2137 = arith.constant 128 : i32
    %dma_wait3A_2138 = arith.constant 0 : i32
    %dma_wait3A_2139 = tpu.memref_slice %arg8[%dma_wait3A_2137, %dma_wait3A_2138] : memref<320x128xf32, #tpu.memory_space<vmem>> -> memref<128x128xf32, #tpu.memory_space<vmem>>
    tpu.wait_dma2 semaphore(%arg14 : memref<!tpu.dma_semaphore, #tpu.memory_space<semaphore_mem>>) src(%dma_wait3A_2139 : memref<128x128xf32, #tpu.memory_space<vmem>>) dst(%dma_wait3A_2136 : memref<128x128xf32, #tpu.memory_space<hbm>>)
    %dma_wait3A_2140 = arith.constant 256 : i32
    %dma_wait3A_2141 = arith.constant 0 : i32
    %dma_wait3A_2142 = tpu.memref_slice %arg8[%dma_wait3A_2140, %dma_wait3A_2141] : memref<320x128xf32, #tpu.memory_space<vmem>> -> memref<64x128xf32, #tpu.memory_space<vmem>>
    %dma_wait3A_2143 = arith.constant 0 : i32
    %dma_wait3A_2144 = tpu.memref_slice %arg5[%add3A_2027, %dma_wait3A_2143] : memref<10000x128xf32, #tpu.memory_space<hbm>> -> memref<64x128xf32, #tpu.memory_space<hbm>>
    %dma_wait3A_2145 = arith.constant 0 : i32
    %dma_wait3A_2146 = tpu.memref_slice %arg5[%add3A_2027, %dma_wait3A_2145] : memref<10000x128xf32, #tpu.memory_space<hbm>> -> memref<64x128xf32, #tpu.memory_space<hbm>>
    %dma_wait3A_2147 = arith.constant 256 : i32
    %dma_wait3A_2148 = arith.constant 0 : i32
    %dma_wait3A_2149 = tpu.memref_slice %arg8[%dma_wait3A_2147, %dma_wait3A_2148] : memref<320x128xf32, #tpu.memory_space<vmem>> -> memref<64x128xf32, #tpu.memory_space<vmem>>
    tpu.wait_dma2 semaphore(%arg14 : memref<!tpu.dma_semaphore, #tpu.memory_space<semaphore_mem>>) src(%dma_wait3A_2149 : memref<64x128xf32, #tpu.memory_space<vmem>>) dst(%dma_wait3A_2146 : memref<64x128xf32, #tpu.memory_space<hbm>>)
    %dma_wait3A_2150 = tpu.memref_slice %arg6[%mul3A_529] : memref<11264xi32, #tpu.memory_space<hbm>> -> memref<352xi32, #tpu.memory_space<hbm>>
    %dma_wait3A_2151 = tpu.memref_slice %arg6[%mul3A_529] : memref<11264xi32, #tpu.memory_space<hbm>> -> memref<352xi32, #tpu.memory_space<hbm>>
    tpu.wait_dma2 semaphore(%arg14 : memref<!tpu.dma_semaphore, #tpu.memory_space<semaphore_mem>>) src(%arg11 : memref<352xi32, #tpu.memory_space<vmem>>) dst(%dma_wait3A_2151 : memref<352xi32, #tpu.memory_space<hbm>>)
    return
  }
}

module attributes {stable_mosaic.version = 14 : i64} {
  func.func @_mm_body(%arg0: i32, %arg1: memref<5000x128xf32, #tpu.memory_space<vmem>>, %arg2: memref<128x128xf32, #tpu.memory_space<vmem>>, %arg3: memref<5000x128xf32, #tpu.memory_space<vmem>>) attributes {dimension_semantics = [#tpu.dimension_semantics<arbitrary>], iteration_bounds = array<i64: 2>, scalar_prefetch = 0 : i64, scratch_operands = 0 : i64, tpu.core_type = #tpu.core_type<tc>, window_params = [{transform_indices = @transform_0, window_bounds = array<i64: 5000, 128>}, {pipeline_mode = #tpu.pipeline_mode<synchronous>, transform_indices = @transform_1, window_bounds = array<i64: 128, 128>}, {transform_indices = @transform_2, window_bounds = array<i64: 5000, 128>}]} {
    %get3A = arith.constant 0 : index
    %get3A_0 = arith.constant 0 : index
    %get3A_1 = vector.load %arg1[%get3A, %get3A_0] : memref<5000x128xf32, #tpu.memory_space<vmem>>, vector<5000x128xf32>
    %get3A_2 = arith.constant 0 : index
    %get3A_3 = arith.constant 0 : index
    %get3A_4 = vector.load %arg2[%get3A_2, %get3A_3] : memref<128x128xf32, #tpu.memory_space<vmem>>, vector<128x128xf32>
    %dot_general3A = arith.constant dense<0.000000e+00> : vector<5000x128xf32>
    %dot_general3A_5 = tpu.matmul %get3A_1, %get3A_4, %dot_general3A {dimension_numbers = #tpu.dot_dimension_numbers<[1], [0], [0], [1], [0, 0, 1, 1], [], []>, transpose_lhs_hint = false} : vector<5000x128xf32>, vector<128x128xf32>, vector<5000x128xf32> -> vector<5000x128xf32>
    %swap3A = arith.constant 0 : index
    %swap3A_6 = arith.constant 0 : index
    %swap3A_7 = vector.load %arg3[%swap3A, %swap3A_6] : memref<5000x128xf32, #tpu.memory_space<vmem>>, vector<5000x128xf32>
    tpu.vector_store %arg3[%swap3A, %swap3A_6], %dot_general3A_5 {strides = array<i32>} : memref<5000x128xf32, #tpu.memory_space<vmem>>, vector<5000x128xf32>,
    return
  }
  func.func @transform_0(%arg0: i32) -> (i32, i32) {
    %c0_i32 = arith.constant 0 : i32
    %c0_i32_0 = arith.constant 0 : i32
    return %arg0, %c0_i32 : i32, i32
  }
  func.func @transform_1(%arg0: i32) -> (i32, i32) {
    %c0_i32 = arith.constant 0 : i32
    %c0_i32_0 = arith.constant 0 : i32
    %c0_i32_1 = arith.constant 0 : i32
    return %c0_i32, %c0_i32_0 : i32, i32
  }
  func.func @transform_2(%arg0: i32) -> (i32, i32) {
    %c0_i32 = arith.constant 0 : i32
    %c0_i32_0 = arith.constant 0 : i32
    return %arg0, %c0_i32 : i32, i32
  }
}

module attributes {stable_mosaic.version = 14 : i64} {
  func.func @_head_body(%arg0: memref<1024x128xf32, #tpu.memory_space<vmem>>, %arg1: memref<128x128xf32, #tpu.memory_space<vmem>>, %arg2: memref<128x32xf32, #tpu.memory_space<vmem>>, %arg3: memref<1024x32xf32, #tpu.memory_space<vmem>>) attributes {dimension_semantics = [], scalar_prefetch = 0 : i64, scratch_operands = 0 : i64, tpu.core_type = #tpu.core_type<tc>} {
    %get3A = arith.constant 0 : index
    %get3A_0 = arith.constant 0 : index
    %get3A_1 = vector.load %arg0[%get3A, %get3A_0] : memref<1024x128xf32, #tpu.memory_space<vmem>>, vector<1024x128xf32>
    %get3A_2 = arith.constant 0 : index
    %get3A_3 = arith.constant 0 : index
    %get3A_4 = vector.load %arg1[%get3A_2, %get3A_3] : memref<128x128xf32, #tpu.memory_space<vmem>>, vector<128x128xf32>
    %dot_general3A = arith.constant dense<0.000000e+00> : vector<1024x128xf32>
    %dot_general3A_5 = tpu.matmul %get3A_1, %get3A_4, %dot_general3A {dimension_numbers = #tpu.dot_dimension_numbers<[1], [0], [0], [1], [0, 0, 1, 1], [], []>, transpose_lhs_hint = false} : vector<1024x128xf32>, vector<128x128xf32>, vector<1024x128xf32> -> vector<1024x128xf32>
    %max3A = arith.constant 0.000000e+00 : f32
    %max3A_6 = vector.broadcast %max3A : f32 to vector<1024x128xf32>
    %max3A_7 = arith.maximumf %dot_general3A_5, %max3A_6 : vector<1024x128xf32>
    %get3A_8 = arith.constant 0 : index
    %get3A_9 = arith.constant 0 : index
    %get3A_10 = vector.load %arg2[%get3A_8, %get3A_9] : memref<128x32xf32, #tpu.memory_space<vmem>>, vector<128x32xf32>
    %dot_general3A_11 = arith.constant dense<0.000000e+00> : vector<1024x32xf32>
    %dot_general3A_12 = tpu.matmul %max3A_7, %get3A_10, %dot_general3A_11 {dimension_numbers = #tpu.dot_dimension_numbers<[1], [0], [0], [1], [0, 0, 1, 1], [], []>, transpose_lhs_hint = false} : vector<1024x128xf32>, vector<128x32xf32>, vector<1024x32xf32> -> vector<1024x32xf32>
    %logistic3A = arith.negf %dot_general3A_12 : vector<1024x32xf32>
    %logistic3A_13 = math.exp %logistic3A : vector<1024x32xf32>
    %logistic3A_14 = arith.constant 1.000000e+00 : f32
    %logistic3A_15 = vector.broadcast %logistic3A_14 : f32 to vector<1024x32xf32>
    %logistic3A_16 = arith.addf %logistic3A_15, %logistic3A_13 : vector<1024x32xf32>
    %logistic3A_17 = arith.divf %logistic3A_15, %logistic3A_16 : vector<1024x32xf32>
    %swap3A = arith.constant 0 : index
    %swap3A_18 = arith.constant 0 : index
    %swap3A_19 = vector.load %arg3[%swap3A, %swap3A_18] : memref<1024x32xf32, #tpu.memory_space<vmem>>, vector<1024x32xf32>
    tpu.vector_store %arg3[%swap3A, %swap3A_18], %logistic3A_17 {strides = array<i32>} : memref<1024x32xf32, #tpu.memory_space<vmem>>, vector<1024x32xf32>,
    return
  }
}

</mosaic_0001>

<sc_bundles>
// kernel: kernel.6.cloned.1.call-start
scs
__scs_entry_jumppad:
0x0: {  	(pc) =	sbr.rel $0x88, $3  }
0x1: {  	(tag) =	ssettag $0x0;
	lr =	simm.s32 $0x1  }
0x2: {  	[smem:$0x3F9B] =	sst lr;
	_ =	strace $0xD0000000  }
0x3: {  	_ = 	snop  }
0x4: {  	_ = 	snop  }
0x5: {  	_ = 	snop  }
0x6: {  	_ = 	snop  }
0x7: {  	_ = 	snop  }
__scs_overlays_trampoline_lowered:
0x8: {  	[smem:$0x3FAA] =	sst s0  }
0x9: {  	[smem:$0x3FAB] =	sst s1  }
0xa: {  	[smem:$0x3FAC] =	sst s2  }
0xb: {  	[smem:$0x3FAD] =	sst s3  }
0xc: {  	[smem:$0x3FAE] =	sst s4  }
0xd: {  	[smem:$0x3FAF] =	sst s5  }
0xe: {  	[smem:$0x3FB0] =	sst s6  }
0xf: {  	[smem:$0x3FB1] =	sst s7  }
0x10: {  	[smem:$0x3FB2] =	sst s8  }
0x11: {  	[smem:$0x3FB3] =	sst s9;
	s0 =	simm.s32 @!p0 $0x0  }
0x12: {  	s1 =	sld [smem:$0x3F99];
	s0 =	simm.s32 @p0 $0x1  }
0x13: {  	[smem:$0x3FB4] =	sst s0;
	s0 =	simm.s32 @!p1 $0x0  }
0x14: {  	s2 =	sld [smem:$0x3F98];
	s0 =	simm.s32 @p1 $0x1  }
0x15: {  	[smem:$0x3FB5] =	sst s0;
	s0 =	simm.s32 @!p2 $0x0  }
0x16: {  	s3 =	sld [smem:$0x3FDB];
	s0 =	simm.s32 @p2 $0x1  }
0x17: {  	s4 =	simm.s32 $0x1BF5;
	[smem:$0x3FB7] =	sst s0  }
0x18: {  	s0 =	sld [smem:$0x3F9A];
	_ =	swait.ge [sflag:s4], $0x0  }
0x19: {  	s7 =	sld [smem:$0x3F9B]  }
0x1a: {  	s8 =	sadd.s32 $0xFFFFE003, lr  }
0x1b: {  	s9 =	sadd.s32 $0xFFFFFEF7, lr;
	s5 =	simm.s32 $0xFFFFFFFF;
	p2 =	slt.u32 s8, $0xFFFFF086  }
0x1c: {  	p1 =	slt.u32 s9, $0xF7A;
	s5 =	simm.s32 @!p2 $0x0  }
0x1d: {  	s5 =	simm.s32 @p1 $0x1;
	p0 =	seq.s32 s7, s2  }
0x1e: {  	s7 =	smul.u32 @!p0 $0xF7A, s2;
	p2 =	seq.s32 @!p0 s5, $0x0  }
0x1f: {  	s9 =	smul.u32 $0xF7A, s1;
	s8 =	simm.s32 @!p0 $0x1BF5;
	p2 =	por !p2, p0  }
0x20: {  	[sflag:s8] =	ssyncset.s32 @!p0 $0xFFFFF086;
	s6 =	sadd.s32 @!p0 s3, s7;
	s7 =	simm.s32 @!p0 $0x108  }
0x21: {  	s3 =	sadd.s32 s3, s9;
	s6 =	sadd.s32 @!p0 $0x88, s6;
	s7 =	simm.s32 @p2 $0x1082  }
0x22: {  	[simem:s7], [sflag:s8] =	dma.local @!p0 [hbm:s6], $0xF7A  }
0x23: {  	s9 =	sor.u32 $0xD0000000, s2;
	s6 =	simm.s32 $0x108;
	_ =	swait.ge @!p0 [sflag:s8], $0x0  }
0x24: {  	s3 =	sadd.s32 $0x88, s3;
	s6 =	simm.s32 @!p1 $0x1082;
	[sflag:s4] =	ssyncset.s32 $0xFFFFF086  }
0x25: {  	[simem:s6], [sflag:s4] =	dma.local [hbm:s3], $0xF7A  }
0x26: {  	[smem:$0x3F9B] =	sst s1;
	(tag) =	ssettag s2;
	_ =	strace s9  }
0x27: {  	s1 =	sld [smem:$0x3FAB]  }
0x28: {  	s2 =	sld [smem:$0x3FAC]  }
0x29: {  	s4 =	sld [smem:$0x3FAE]  }
0x2a: {  	p0 =	seq.s32 s5, $0x0;
	s5 =	sld [smem:$0x3FAF]  }
0x2b: {  	s6 =	sld [smem:$0x3FB0]  }
0x2c: {  	s7 =	sld [smem:$0x3FB1]  }
0x2d: {  	s3 =	simm.s32 $0x108;
	s8 =	sld [smem:$0x3FB2]  }
0x2e: {  	s3 =	simm.s32 @!p0 $0x1082;
	s9 =	sld [smem:$0x3FB3]  }
0x2f: {  	lr =	sadd.s32 s0, s3;
	s0 =	sld [smem:$0x3FAA]  }
0x30: {  	s3 =	sld [smem:$0x3FAD]  }
0x31: {  	[smem:$0x3FB6] =	sst s10  }
0x32: {  	s10 =	sld [smem:$0x3FB4];
	_ =	sdelay $0x3  }
0x33: {  	p0 =	seq.s32 s10, $0x1;
	s10 =	sld [smem:$0x3FB6];
	_ =	sdelay $0x3  }
0x34: {  	[smem:$0x3FB6] =	sst s10  }
0x35: {  	s10 =	sld [smem:$0x3FB5];
	_ =	sdelay $0x3  }
0x36: {  	p1 =	seq.s32 s10, $0x1;
	s10 =	sld [smem:$0x3FB6];
	_ =	sdelay $0x3  }
0x37: {  	[smem:$0x3FB6] =	sst s10  }
0x38: {  	s10 =	sld [smem:$0x3FB7]  }
0x39: {  	_ = 	snop;
	(pc) =	sbr.ind lr, $3  }
0x3a: {  	_ = 	snop  }
0x3b: {  	_ = 	snop  }
0x3c: {  	p2 =	seq.s32 s10, $0x1;
	s10 =	sld [smem:$0x3FB6]  }
0x3d: {  	_ =	shalt  }
0x3e: {  	_ =	shalt  }
0x3f: {  	_ =	shalt  }
0x40: {  	_ =	shalt  }
0x41: {  	_ =	shalt  }
0x42: {  	_ =	shalt  }
0x43: {  	_ =	shalt  }
0x44: {  	_ =	shalt  }
0x45: {  	_ =	shalt  }
0x46: {  	_ =	shalt  }
0x47: {  	_ =	shalt  }
0x48: {  	_ =	shalt  }
0x49: {  	_ =	shalt  }
0x4a: {  	_ =	shalt  }
0x4b: {  	_ =	shalt  }
0x4c: {  	_ =	shalt  }
0x4d: {  	_ =	shalt  }
0x4e: {  	_ =	shalt  }
0x4f: {  	_ =	shalt  }
0x50: {  	_ =	shalt  }
0x51: {  	_ =	shalt  }
0x52: {  	_ =	shalt  }
0x53: {  	_ =	shalt  }
0x54: {  	_ =	shalt  }
0x55: {  	_ =	shalt  }
0x56: {  	_ =	shalt  }
0x57: {  	_ =	shalt  }
0x58: {  	_ =	shalt  }
0x59: {  	_ =	shalt  }
0x5a: {  	_ =	shalt  }
0x5b: {  	_ =	shalt  }
0x5c: {  	_ =	shalt  }
0x5d: {  	_ =	shalt  }
0x5e: {  	_ =	shalt  }
0x5f: {  	_ =	shalt  }
0x60: {  	_ =	shalt  }
0x61: {  	_ =	shalt  }
0x62: {  	_ =	shalt  }
0x63: {  	_ =	shalt  }
0x64: {  	_ =	shalt  }
0x65: {  	_ =	shalt  }
0x66: {  	_ =	shalt  }
0x67: {  	_ =	shalt  }
0x68: {  	_ =	shalt  }
0x69: {  	_ =	shalt  }
0x6a: {  	_ =	shalt  }
0x6b: {  	_ =	shalt  }
0x6c: {  	_ =	shalt  }
0x6d: {  	_ =	shalt  }
0x6e: {  	_ =	shalt  }
0x6f: {  	_ =	shalt  }
0x70: {  	_ =	shalt  }
0x71: {  	_ =	shalt  }
0x72: {  	_ =	shalt  }
0x73: {  	_ =	shalt  }
0x74: {  	_ =	shalt  }
0x75: {  	_ =	shalt  }
0x76: {  	_ =	shalt  }
0x77: {  	_ =	shalt  }
0x78: {  	_ =	shalt  }
0x79: {  	_ =	shalt  }
0x7a: {  	_ =	shalt  }
0x7b: {  	_ =	shalt  }
0x7c: {  	_ =	shalt  }
0x7d: {  	_ =	shalt  }
0x7e: {  	_ =	shalt  }
0x7f: {  	_ =	shalt  }
0x80: {  	_ =	shalt  }
0x81: {  	_ =	shalt  }
0x82: {  	_ =	shalt  }
0x83: {  	_ =	shalt  }
0x84: {  	_ =	shalt  }
0x85: {  	_ =	shalt  }
0x86: {  	_ =	shalt  }
0x87: {  	_ =	shalt  }
.Lfunc_end0:
.L_simem_size_0:
called_computation_lowered:
.L_overlay_start_0:
0x88: {  	s2 =	sld [smem:$0x3FD9]  }
0x89: {  	s3 =	sld [smem:$0x3FFE];
	_ =	sdelay $0x1  }
0x8a: {  	s1 =	srdreg.scid  }
0x8b: {  	s0 =	sand.u32 $0x1, s1  }
0x8c: {  	s17 =	sshll.u32 s0, $0xA;
	s2 =	sadd.s32 s3, s2  }
0x8d: {  	s2 =	sadd.s32 s2, s17  }
0x8e: {  	[smem:$0x3FC2] =	sst s2  }
0x8f: {  	_ = 	snop  }
0x90: {  	s2 =	sld [smem:$0x3FC9]  }
0x91: {  	s18 =	sld [smem:$0x3FD0];
	(tm) =	ssettm $0x1  }
0x92: {  	s4 =	sld [smem:$0x3FFB];
	_ =	sdelay $0x3  }
0x93: {  	_ =	strace s4  }
0x94: {  	s4 =	sld [smem:$0x3FFC];
	_ =	sdelay $0x3  }
0x95: {  	_ =	strace s4  }
0x96: {  	s4 =	sld [smem:$0x3FFD];
	_ =	sdelay $0x3  }
0x97: {  	_ =	strace s4  }
0x98: {  	_ =	strace $0x8FFFFFFF  }
0x99: {  	s19 =	sld [smem:$0x3FDB];
	_ =	sdelay $0x1  }
0x9a: {  	s5 =	simm.s32 $_scs_section_size  }
0x9b: {  	s6 =	simm.s32 $_size__tile_overlayer_lowered;
	s7 =	simm.s32 $_tile_overlayer_lowered  }
0x9c: {  	s22 =	simm.s32 $0x1BFF;
	s21 =	sshll.u32 s7, $0x1;
	s4 =	sadd.s32 s5, s19  }
0x9d: {  	s8 =	simm.s32 $0x0;
	s20 =	sshll.u32 s6, $0x1;
	s6 =	sadd.s32 s21, s4  }
0x9e: {  	[timem:s8], [sflag:s22] =	dma.local [hbm:s6], s20  }
0x9f: {  	_ =	swait.ge [sflag:s22], s20  }
0xa0: {  	s5 =	ssub.s32 $0x0, s20;
	[sflag:s22] =	ssyncset.done $0x0  }
0xa1: {  	[sflag:s22] =	ssyncadd.s32 s5;
	_ =	sdelay $0x1  }
0xa2: {  	s23 =	simm.s32 $0x1B8B  }
0xa3: {  	_ =	swait.ge [sflag:s23], $0x1  }
0xa4: {  	[sflag:s23] =	ssyncset.done $0x0  }
0xa5: {  	s25 =	simm.s32 $0x1B8E;
	s24 =	sld [smem:$0x3FFE];
	[sflag:s23] =	ssyncadd.s32 $0xFFFFFFFF  }
0xa6: {  	s26 =	simm.s32 $execute0_lowered;
	[smem:$0x3FD2] =	sst s25  }
0xa7: {  	s6 =	sshll.u32 s26, $0x1;
	_ =	strace $0x80000046;
	[dreg:$0x1] =	wrdreg $0xFFFFFFFF  }
0xa8: {  	s28 =	simm.s32 $_size_execute0_lowered;
	s4 =	sadd.s32 s4, s6;
	[dreg:$0x0] =	wrdreg $0x0  }
0xa9: {  	s6 =	sshll.u32 s28, $0x1;
	[dreg:$0x2] =	wrdreg s4  }
0xaa: {  	[dreg:$0x3] =	wrdreg s6  }
0xab: {  	[dreg:$0x4] =	wrdreg $0xC0  }
0xac: {  	_ =	task [dreg:s8], $0x5FFFF  }
0xad: {  	[dreg:$0x1] =	wrdreg $0xFFFFFFFF  }
0xae: {  	[dreg:$0x0] =	wrdreg $0x60  }
0xaf: {  	[dreg:$0x2] =	wrdreg s24  }
0xb0: {  	[dreg:$0x3] =	wrdreg s2  }
0xb1: {  	[dreg:$0x4] =	wrdreg s18  }
0xb2: {  	[dreg:$0x5] =	wrdreg $0x9  }
0xb3: {  	_ =	task.clear_ibuf [dreg:s8], $0x6FFFF;
	_ =	strace $0x90000046  }
0xb4: {  	s29 =	simm.s32 $0x9;
	_ =	strace $0x80000048  }
0xb5: {  	_ =	swait.ge [sflag:s29], $0x1  }
0xb6: {  	[sflag:s29] =	ssyncadd.s32 $0xFFFFFFFF  }
0xb7: {  	_ =	strace $0x90000048  }
0xb8: {  	_ =	sfence  }
0xb9: {  	s30 =	sld [smem:$0x0];
	_ =	sdelay $0x2  }
0xba: {  	s31 =	sshll.u32 s1, $0xD;
	s1 =	sshrl.u32 s1, $0x2  }
0xbb: {  	s3 =	sand.u32 $0x4000, s31;
	s1 =	sadd.s32 s1, s30  }
0xbc: {  	s0 =	sor.u32 s3, s0;
	s1 =	sshll.u32 s1, $0x11  }
0xbd: {  	s0 =	sor.u32 s1, s0  }
0xbe: {  	s0 =	sadd.s32 $0x8F2B, s0  }
0xbf: {  	[sflag:s0] =	ssyncadd.remote.s32 $0x1  }
0xc0: {  	_ =	sfence.sel $0xFFFF  }
0xc1: {  	[dreg:$0x0] =	wrdreg $0xFFFFFFFF;
	(pc) =	sbr.abs _section_cstart, $3  }
0xc2: {  	[dreg:$0x1] =	wrdreg $0xFFFFFFFF  }
0xc3: {  	_ =	task.clear_ibuf [dreg:s8], $0x2FFFF;
	_ =	strace $0x9FFFFFFF  }
0xc4: {  	(tm) =	ssettm $0x7FFFFFFF  }
0xc5: {  	_ =	shalt  }
tec
execute0_lowered:
.L_overlay_start_1:
0x0: {  	(tag) =	ssettag $0x1  }
0x1: {  	s0 =	rddreg [dreg:$0x0]  }
0x2: {  	s1 =	srdreg.scid;
	s6 =	rddreg [dreg:$0x1]  }
0x3: {  	s2 =	stileid.u32;
	s7 =	rddreg [dreg:$0x2]  }
0x4: {  	s1 =	sand.u32 $0x1, s1;
	s2 =	sshll.u32 s2, $0x1;
	s4 =	sadd.s32 $0x4800, s0  }
0x5: {  	s8 =	sor.u32 s1, s2;
	s2 =	simm.s32 $0x0;
	s1 =	ssub.s32 $0x2, s1  }
0x6: {  	s3 =	smul.u32 $0x140, s8;
	[smem:$0x7FF] =	sst s2;
	s10 =	sshrl.u32 s1, $0x1  }
0x7: {  	s20 =	sshll.u32 s8, $0x2;
	s8 =	smul.u32 $0x2C, s8;
	_ =	strace $0x80000047  }
0x8: {  	s1 =	ssub.s32 s1, s10;
	s6 =	sadd.s32 s6, s20;
	s9 =	smin.u32 s3, $0x25D0  }
0x9: {  	s3 =	sadd.s32 $0x1600, s0;
	[dreg:$0xf] =	wrdreg s6;
	s22 =	sadd.s32 s7, s8  }
0xa: {  	s8 =	smax.u32 s1, $0x1;
	s17 =	sshll.u32 s9, $0x4;
	[dreg:$0x11] =	wrdreg s22  }
0xb: {  	s5 =	sshrl.u32 s9, $0x3;
	[dreg:$0x17] =	wrdreg s8;
	s18 =	sadd.s32 s4, s17  }
0xc: {  	s5 =	sadd.s32 s3, s5;
	[dreg:$0xd] =	wrdreg s18  }
0xd: {  	s25 =	sadd.s32 $0x4E2, s5;
	[smem:$0x7FC] =	sst s5  }
0xe: {  	s26 =	sadd.s32 $0x9C4, s5;
	[dreg:$0x4] =	wrdreg s25  }
0xf: {  	s11 =	sadd.s32 $0xEA6, s5;
	[dreg:$0x5] =	wrdreg s26  }
0x10: {  	s12 =	sadd.s32 $0x1388, s5;
	[dreg:$0x6] =	wrdreg s11  }
0x11: {  	s13 =	sadd.s32 $0x186A, s5;
	[dreg:$0x7] =	wrdreg s12  }
0x12: {  	s14 =	sadd.s32 $0x1D4C, s5;
	[dreg:$0x8] =	wrdreg s13  }
0x13: {  	s15 =	sadd.s32 $0x222E, s5;
	[dreg:$0x9] =	wrdreg s14  }
0x14: {  	s16 =	sadd.s32 $0x2710, s5;
	[dreg:$0xa] =	wrdreg s15  }
0x15: {  	s10 =	sadd.s32 $0x9D4, s5;
	[dreg:$0xb] =	wrdreg s16  }
0x16: {  	s28 =	simm.s32 $0x80;
	s18 =	sadd.s32 $0x502, s5;
	[dreg:$0x19] =	wrdreg s10  }
0x17: {  	s29 =	simm.s32 $0x2;
	s20 =	sadd.s32 $0xEC6, s5;
	[smem:$0x7F4] =	sst s18  }
0x18: {  	s30 =	simm.s32 $0x3;
	s22 =	sadd.s32 $0x188A, s5;
	[smem:$0x7F6] =	sst s20  }
0x19: {  	s0 =	sadd.s32 $0x2BA00, s0;
	s12 =	sadd.s32 $0x2BF2, s5;
	[smem:$0x7F8] =	sst s22  }
0x1a: {  	s31 =	simm.s32 $0x40;
	s25 =	sadd.s32 s0, s17;
	[dreg:$0xc] =	wrdreg s12  }
0x1b: {  	s1 =	simm.s32 $0x4;
	s13 =	sadd.s32 $0x187A, s5;
	[dreg:$0x13] =	wrdreg s25  }
0x1c: {  	s8 =	simm.s32 $0x0;
	s14 =	sadd.s32 $0x1D5C, s5;
	[dreg:$0x1c] =	wrdreg s13  }
0x1d: {  	s11 =	sadd.s32 $0x80, s9;
	s15 =	sadd.s32 $0x223E, s5;
	[dreg:$0x1d] =	wrdreg s14  }
0x1e: {  	s9 =	sadd.s32 $0x100, s9;
	s16 =	sadd.s32 $0x2720, s5;
	[dreg:$0x1e] =	wrdreg s15  }
0x1f: {  	s17 =	sadd.s32 $0x2C02, s5;
	s23 =	sshrl.u32 s9, $0x3;
	[dreg:$0x1f] =	wrdreg s16  }
0x20: {  	s24 =	sshll.u32 s9, $0x4;
	s9 =	sadd.s32 $0x4F2, s5;
	[smem:$0x7F3] =	sst s17  }
0x21: {  	s19 =	sshrl.u32 s11, $0x3;
	s25 =	sadd.s32 $0x2730, s5;
	[dreg:$0x18] =	wrdreg s9  }
0x22: {  	s11 =	sshll.u32 s11, $0x4;
	s12 =	sadd.s32 s3, s19;
	[smem:$0x7FB] =	sst s25  }
0x23: {  	s18 =	simm.s32 $0x5000;
	s21 =	sadd.s32 s4, s11;
	[dreg:$0xe] =	wrdreg s12  }
0x24: {  	s20 =	simm.s32 $0x480;
	s6 =	sadd.s32 s3, s23;
	[dreg:$0x10] =	wrdreg s21  }
0x25: {  	s22 =	simm.s32 $0xA80;
	s26 =	sadd.s32 s0, s11;
	[dreg:$0x12] =	wrdreg s6  }
0x26: {  	s14 =	simm.s32 $0x9000;
	s0 =	sadd.s32 s0, s24;
	[dreg:$0x14] =	wrdreg s26  }
0x27: {  	s16 =	simm.s32 $0x1;
	s7 =	sadd.s32 s4, s24;
	[dreg:$0x15] =	wrdreg s0  }
0x28: {  	s17 =	simm.s32 $0x7;
	s11 =	sadd.s32 $0xEB6, s5;
	[dreg:$0x16] =	wrdreg s7  }
0x29: {  	s13 =	simm.s32 $0xC00;
	s19 =	sadd.s32 $0x9E4, s5;
	[dreg:$0x1a] =	wrdreg s11  }
0x2a: {  	s23 =	sadd.s32 $0x1D6C, s5;
	s24 =	sadd.s32 $0x224E, s5;
	[smem:$0x7F5] =	sst s19  }
0x2b: {  	s25 =	simm.s32 $0x200;
	s12 =	sadd.s32 $0x1398, s5;
	[smem:$0x7F9] =	sst s23  }
0x2c: {  	s21 =	sadd.s32 $0x13A8, s5;
	[smem:$0x7FA] =	sst s24;
	s26 =	sadd.s32 $0x2C12, s5  }
0x2d: {  	s0 =	simm.s32 $0x5;
	s6 =	simm.s32 $0x6;
	[dreg:$0x1b] =	wrdreg s12  }
0x2e: {  	s7 =	simm.s32 $0x8;
	s11 =	simm.s32 $0x600;
	[smem:$0x7F7] =	sst s21  }
0x2f: {  	s23 =	simm.s32 $0xD80;
	s24 =	simm.s32 $0x380;
	[smem:$0x7FD] =	sst s26  }
0x30: {  	s26 =	simm.s32 $0x1000;
	s21 =	simm.s32 $0x780;
	s12 =	simm.s32 $0x900  }
.LBB2_1:
0x31: {  	s5 =	sld [smem:$0x7FC];
	_ =	sdelay $0x2  }
0x32: {  	[tilespmem:s2], [sflag:$0x1] =	stream.linear.gather [hbm4b:s5+s2], $0x80, $0x38;
	[tilespmem:$0xBA00] =	vst v63  }
0x33: {  	s9 =	rddreg [dreg:$0x4];
	s10 =	simm.s32 $0x180  }
0x34: {  	[tilespmem:s10], [sflag:$0x1] =	stream.linear.gather [hbm4b:s9+s2], $0x80, $0x38;
	[tilespmem:$0xBA00] =	vst v63  }
0x35: {  	s19 =	simm.s32 $0x300;
	s5 =	rddreg [dreg:$0x5]  }
0x36: {  	[tilespmem:s19], [sflag:$0x1] =	stream.linear.gather [hbm4b:s5+s2], $0x80, $0x38;
	[tilespmem:$0xBA00] =	vst v63  }
0x37: {  	s5 =	rddreg [dreg:$0x6]  }
0x38: {  	[tilespmem:s20], [sflag:$0x1] =	stream.linear.gather [hbm4b:s5+s2], $0x80, $0x38;
	[tilespmem:$0xBA00] =	vst v63  }
0x39: {  	s5 =	rddreg [dreg:$0x7]  }
0x3a: {  	[tilespmem:s11], [sflag:$0x1] =	stream.linear.gather [hbm4b:s5+s2], $0x80, $0x38;
	[tilespmem:$0xBA00] =	vst v63  }
0x3b: {  	s5 =	rddreg [dreg:$0x8]  }
0x3c: {  	[tilespmem:s21], [sflag:$0x1] =	stream.linear.gather [hbm4b:s5+s2], $0x80, $0x38;
	[tilespmem:$0xBA00] =	vst v63  }
0x3d: {  	s5 =	rddreg [dreg:$0x9]  }
0x3e: {  	[tilespmem:s12], [sflag:$0x1] =	stream.linear.gather [hbm4b:s5+s2], $0x80, $0x38;
	[tilespmem:$0xBA00] =	vst v63  }
0x3f: {  	s5 =	rddreg [dreg:$0xa]  }
0x40: {  	[tilespmem:s22], [sflag:$0x1] =	stream.linear.gather [hbm4b:s5+s2], $0x80, $0x38;
	[tilespmem:$0xBA00] =	vst v63  }
0x41: {  	s5 =	rddreg [dreg:$0xb]  }
0x42: {  	[tilespmem:s13], [sflag:$0x1] =	stream.linear.gather [hbm4b:s5+s2], $0x80, $0x38;
	[tilespmem:$0xBA00] =	vst v63  }
0x43: {  	s5 =	rddreg [dreg:$0xc]  }
0x44: {  	[tilespmem:s23], [sflag:$0x1] =	stream.linear.gather [hbm4b:s5+s2], $0x80, $0x38;
	[tilespmem:$0xBA00] =	vst v63  }
0x45: {  	s5 =	rddreg [dreg:$0xd]  }
0x46: {  	[tilespmem:s26], [sflag:$0x1] =	stream.linear.gather [hbm4b:s5+s2], $0x4000, $0x38;
	[tilespmem:$0xBA00] =	vst v63  }
0x47: {  	s5 =	rddreg [dreg:$0xe]  }
0x48: {  	[tilespmem:s28], [sflag:$0x2] =	stream.linear.gather [hbm4b:s5+s2], $0x80, $0x38;
	[tilespmem:$0xBA00] =	vst v63  }
0x49: {  	s5 =	rddreg [dreg:$0x18]  }
0x4a: {  	[tilespmem:s25], [sflag:$0x2] =	stream.linear.gather [hbm4b:s5+s2], $0x80, $0x38;
	[tilespmem:$0xBA00] =	vst v63  }
0x4b: {  	s5 =	rddreg [dreg:$0x19]  }
0x4c: {  	[tilespmem:s24], [sflag:$0x2] =	stream.linear.gather [hbm4b:s5+s2], $0x80, $0x38;
	[tilespmem:$0xBA00] =	vst v63  }
0x4d: {  	s9 =	rddreg [dreg:$0x1a];
	s5 =	simm.s32 $0x500  }
0x4e: {  	[tilespmem:s5], [sflag:$0x2] =	stream.linear.gather [hbm4b:s9+s2], $0x80, $0x38;
	[tilespmem:$0xBA00] =	vst v63  }
0x4f: {  	s9 =	rddreg [dreg:$0x1b];
	s5 =	simm.s32 $0x680  }
0x50: {  	[tilespmem:s5], [sflag:$0x2] =	stream.linear.gather [hbm4b:s9+s2], $0x80, $0x38;
	[tilespmem:$0xBA00] =	vst v63  }
0x51: {  	s9 =	rddreg [dreg:$0x1c];
	s5 =	simm.s32 $0x800  }
0x52: {  	[tilespmem:s5], [sflag:$0x2] =	stream.linear.gather [hbm4b:s9+s2], $0x80, $0x38;
	[tilespmem:$0xBA00] =	vst v63  }
0x53: {  	s9 =	rddreg [dreg:$0x1d];
	s5 =	simm.s32 $0x980  }
0x54: {  	[tilespmem:s5], [sflag:$0x2] =	stream.linear.gather [hbm4b:s9+s2], $0x80, $0x38;
	[tilespmem:$0xBA00] =	vst v63  }
0x55: {  	s9 =	rddreg [dreg:$0x1e];
	s5 =	simm.s32 $0xB00  }
0x56: {  	[tilespmem:s5], [sflag:$0x2] =	stream.linear.gather [hbm4b:s9+s2], $0x80, $0x38;
	[tilespmem:$0xBA00] =	vst v63  }
0x57: {  	s9 =	rddreg [dreg:$0x1f];
	s5 =	simm.s32 $0xC80  }
0x58: {  	[tilespmem:s5], [sflag:$0x2] =	stream.linear.gather [hbm4b:s9+s2], $0x80, $0x38;
	[tilespmem:$0xBA00] =	vst v63  }
0x59: {  	s9 =	sld [smem:$0x7F3];
	_ =	sdelay $0x1  }
0x5a: {  	s5 =	simm.s32 $0xE00  }
0x5b: {  	[tilespmem:s5], [sflag:$0x2] =	stream.linear.gather [hbm4b:s9+s2], $0x80, $0x38;
	[tilespmem:$0xBA00] =	vst v63  }
0x5c: {  	s5 =	rddreg [dreg:$0x10]  }
0x5d: {  	[tilespmem:s18], [sflag:$0x2] =	stream.linear.gather [hbm4b:s5+s2], $0x4000, $0x38;
	[tilespmem:$0xBA00] =	vst v63  }
0x5e: {  	s9 =	rddreg [dreg:$0x12];
	s5 =	simm.s32 $0x100  }
0x5f: {  	[tilespmem:s5], [sflag:$0x3] =	stream.linear.gather [hbm4b:s9+s2], $0x40, $0x38;
	[tilespmem:$0xBA00] =	vst v63  }
0x60: {  	s9 =	sld [smem:$0x7F4];
	_ =	sdelay $0x1  }
0x61: {  	s5 =	simm.s32 $0x280  }
0x62: {  	[tilespmem:s5], [sflag:$0x3] =	stream.linear.gather [hbm4b:s9+s2], $0x40, $0x38;
	[tilespmem:$0xBA00] =	vst v63  }
0x63: {  	s9 =	sld [smem:$0x7F5];
	_ =	sdelay $0x1  }
0x64: {  	s5 =	simm.s32 $0x400  }
0x65: {  	[tilespmem:s5], [sflag:$0x3] =	stream.linear.gather [hbm4b:s9+s2], $0x40, $0x38;
	[tilespmem:$0xBA00] =	vst v63  }
0x66: {  	s9 =	sld [smem:$0x7F6];
	_ =	sdelay $0x1  }
0x67: {  	s5 =	simm.s32 $0x580  }
0x68: {  	[tilespmem:s5], [sflag:$0x3] =	stream.linear.gather [hbm4b:s9+s2], $0x40, $0x38;
	[tilespmem:$0xBA00] =	vst v63  }
0x69: {  	s9 =	sld [smem:$0x7F7];
	_ =	sdelay $0x1  }
0x6a: {  	s5 =	simm.s32 $0x700  }
0x6b: {  	[tilespmem:s5], [sflag:$0x3] =	stream.linear.gather [hbm4b:s9+s2], $0x40, $0x38;
	[tilespmem:$0xBA00] =	vst v63  }
0x6c: {  	s9 =	sld [smem:$0x7F8];
	_ =	sdelay $0x1  }
0x6d: {  	s5 =	simm.s32 $0x880  }
0x6e: {  	[tilespmem:s5], [sflag:$0x3] =	stream.linear.gather [hbm4b:s9+s2], $0x40, $0x38;
	[tilespmem:$0xBA00] =	vst v63  }
0x6f: {  	s9 =	sld [smem:$0x7F9];
	_ =	sdelay $0x1  }
0x70: {  	s5 =	simm.s32 $0xA00  }
0x71: {  	[tilespmem:s5], [sflag:$0x3] =	stream.linear.gather [hbm4b:s9+s2], $0x40, $0x38;
	[tilespmem:$0xBA00] =	vst v63  }
0x72: {  	s9 =	sld [smem:$0x7FA];
	_ =	sdelay $0x1  }
0x73: {  	s5 =	simm.s32 $0xB80  }
0x74: {  	[tilespmem:s5], [sflag:$0x3] =	stream.linear.gather [hbm4b:s9+s2], $0x40, $0x38;
	[tilespmem:$0xBA00] =	vst v63  }
0x75: {  	s9 =	sld [smem:$0x7FB];
	_ =	sdelay $0x1  }
0x76: {  	s5 =	simm.s32 $0xD00  }
0x77: {  	[tilespmem:s5], [sflag:$0x3] =	stream.linear.gather [hbm4b:s9+s2], $0x40, $0x38;
	[tilespmem:$0xBA00] =	vst v63  }
0x78: {  	s9 =	sld [smem:$0x7FD];
	_ =	sdelay $0x1  }
0x79: {  	s5 =	simm.s32 $0xE80  }
0x7a: {  	[tilespmem:s5], [sflag:$0x3] =	stream.linear.gather [hbm4b:s9+s2], $0x40, $0x38;
	[tilespmem:$0xBA00] =	vst v63  }
0x7b: {  	s5 =	rddreg [dreg:$0x16]  }
0x7c: {  	[tilespmem:s14], [sflag:$0x3] =	stream.linear.gather [hbm4b:s5+s2], $0x2000, $0x38;
	[tilespmem:$0xBA00] =	vst v63  }
0x7d: {  	s9 =	rddreg [dreg:$0xf];
	s5 =	simm.s32 $0xB000  }
0x7e: {  	[tilespmem:s5], [sflag:$0x9] =	stream.linear.gather [hbm4b:s9+s2], $0x20, $0x38;
	[tilespmem:$0xBA00] =	vst v63  }
0x7f: {  	s9 =	simm.s32 $0x9  }
0x80: {  	_ =	swait.ge [sflag:s9], $0x20  }
0x81: {  	[sflag:s9] =	ssyncset.done $0x0  }
0x82: {  	[sflag:s9] =	ssyncadd.s32 $0xFFFFFFE0  }
0x83: {  	v0 =	vld [tilespmem:$0xB000];
	_ =	sdelay $0x1  }
0x84: {  	v2 =	vld [tilespmem:$0xB010];
	_ =	sdelay $0x2  }
0x85: {  	[tilespmem:$0xB9C0] =	vst v0  }
0x86: {  	[tilespmem:$0xB080] =	vst v0  }
0x87: {  	[tilespmem:$0xB9D0] =	vst v2  }
0x88: {  	v1 =	vadd.s32 $0x2710, v0;
	[tilespmem:$0xB090] =	vst v2  }
0x89: {  	[tilespmem:$0xB100] =	vst v1;
	v1 =	vadd.s32 $0x4E20, v0  }
0x8a: {  	[tilespmem:$0xB180] =	vst v1;
	v1 =	vadd.s32 $0x7530, v0  }
0x8b: {  	[tilespmem:$0xB200] =	vst v1;
	v1 =	vadd.s32 $0x9C40, v0  }
0x8c: {  	[tilespmem:$0xB280] =	vst v1;
	v1 =	vadd.s32 $0xC350, v0  }
0x8d: {  	[tilespmem:$0xB300] =	vst v1;
	v1 =	vadd.s32 $0xEA60, v0  }
0x8e: {  	[tilespmem:$0xB380] =	vst v1;
	v1 =	vadd.s32 $0x11170, v0  }
0x8f: {  	[tilespmem:$0xB400] =	vst v1;
	v1 =	vadd.s32 $0x13880, v0  }
0x90: {  	v0 =	vadd.s32 $0x15F90, v0;
	[tilespmem:$0xB480] =	vst v1  }
0x91: {  	[tilespmem:$0xB500] =	vst v0;
	v0 =	vadd.s32 $0x2710, v2  }
0x92: {  	[tilespmem:$0xB110] =	vst v0;
	v0 =	vadd.s32 $0x4E20, v2  }
0x93: {  	[tilespmem:$0xB190] =	vst v0;
	v0 =	vadd.s32 $0x7530, v2  }
0x94: {  	[tilespmem:$0xB210] =	vst v0;
	v0 =	vadd.s32 $0x9C40, v2  }
0x95: {  	[tilespmem:$0xB290] =	vst v0;
	v0 =	vadd.s32 $0xC350, v2  }
0x96: {  	[tilespmem:$0xB310] =	vst v0;
	v0 =	vadd.s32 $0xEA60, v2  }
0x97: {  	[tilespmem:$0xB390] =	vst v0;
	v0 =	vadd.s32 $0x11170, v2  }
0x98: {  	[tilespmem:$0xB410] =	vst v0;
	v0 =	vadd.s32 $0x13880, v2  }
0x99: {  	[tilespmem:$0xB490] =	vst v0;
	v0 =	vadd.s32 $0x15F90, v2  }
0x9a: {  	s15 =	simm.s32 $0xB880;
	s5 =	simm.s32 $0x20;
	s9 =	simm.s32 $0xB080;
	[tilespmem:$0xB510] =	vst v0  }
0x9b: {  	[tilespmem:s15], [sflag:$0x8] =	stream.indirect.gather [hbm4b:s3+s5], $0x1, s9, s5, $0xb8;
	[tilespmem:$0xBA00] =	vst v63  }
0x9c: {  	s9 =	simm.s32 $0xB100;
	s15 =	simm.s32 $0xB8A0  }
0x9d: {  	[tilespmem:s15], [sflag:$0x8] =	stream.indirect.gather [hbm4b:s3+s5], $0x1, s9, s5, $0xb8;
	[tilespmem:$0xBA00] =	vst v63  }
0x9e: {  	s9 =	simm.s32 $0xB180;
	s15 =	simm.s32 $0xB8C0  }
0x9f: {  	[tilespmem:s15], [sflag:$0x8] =	stream.indirect.gather [hbm4b:s3+s5], $0x1, s9, s5, $0xb8;
	[tilespmem:$0xBA00] =	vst v63  }
0xa0: {  	s9 =	simm.s32 $0xB200;
	s15 =	simm.s32 $0xB8E0  }
0xa1: {  	[tilespmem:s15], [sflag:$0x8] =	stream.indirect.gather [hbm4b:s3+s5], $0x1, s9, s5, $0xb8;
	[tilespmem:$0xBA00] =	vst v63  }
0xa2: {  	s9 =	simm.s32 $0xB280;
	s15 =	simm.s32 $0xB900  }
0xa3: {  	[tilespmem:s15], [sflag:$0x8] =	stream.indirect.gather [hbm4b:s3+s5], $0x1, s9, s5, $0xb8;
	[tilespmem:$0xBA00] =	vst v63  }
0xa4: {  	s9 =	simm.s32 $0xB300;
	s15 =	simm.s32 $0xB920  }
0xa5: {  	[tilespmem:s15], [sflag:$0x8] =	stream.indirect.gather [hbm4b:s3+s5], $0x1, s9, s5, $0xb8;
	[tilespmem:$0xBA00] =	vst v63  }
0xa6: {  	s9 =	simm.s32 $0xB380;
	s15 =	simm.s32 $0xB940  }
0xa7: {  	[tilespmem:s15], [sflag:$0x8] =	stream.indirect.gather [hbm4b:s3+s5], $0x1, s9, s5, $0xb8;
	[tilespmem:$0xBA00] =	vst v63  }
0xa8: {  	s9 =	simm.s32 $0xB400;
	s15 =	simm.s32 $0xB960  }
0xa9: {  	[tilespmem:s15], [sflag:$0x8] =	stream.indirect.gather [hbm4b:s3+s5], $0x1, s9, s5, $0xb8;
	[tilespmem:$0xBA00] =	vst v63  }
0xaa: {  	s9 =	simm.s32 $0xB480;
	s15 =	simm.s32 $0xB980  }
0xab: {  	[tilespmem:s15], [sflag:$0x8] =	stream.indirect.gather [hbm4b:s3+s5], $0x1, s9, s5, $0xb8;
	[tilespmem:$0xBA00] =	vst v63  }
0xac: {  	s9 =	simm.s32 $0xB500;
	s15 =	simm.s32 $0xB9A0  }
0xad: {  	[tilespmem:s15], [sflag:$0x8] =	stream.indirect.gather [hbm4b:s3+s5], $0x1, s9, s5, $0xb8;
	[tilespmem:$0xBA00] =	vst v63  }
0xae: {  	_ =	swait.ge [sflag:s16], $0x80  }
0xaf: {  	[sflag:s16] =	ssyncset.done $0x0  }
0xb0: {  	[sflag:s16] =	ssyncadd.s32 $0xFFFFFF80  }
0xb1: {  	_ =	swait.ge [sflag:s16], $0x80  }
0xb2: {  	[sflag:s16] =	ssyncset.done $0x0  }
0xb3: {  	[sflag:s16] =	ssyncadd.s32 $0xFFFFFF80  }
0xb4: {  	_ =	swait.ge [sflag:s16], $0x80  }
0xb5: {  	[sflag:s16] =	ssyncset.done $0x0  }
0xb6: {  	[sflag:s16] =	ssyncadd.s32 $0xFFFFFF80  }
0xb7: {  	_ =	swait.ge [sflag:s16], $0x80  }
0xb8: {  	[sflag:s16] =	ssyncset.done $0x0  }
0xb9: {  	[sflag:s16] =	ssyncadd.s32 $0xFFFFFF80  }
0xba: {  	_ =	swait.ge [sflag:s16], $0x80  }
0xbb: {  	[sflag:s16] =	ssyncset.done $0x0  }
0xbc: {  	[sflag:s16] =	ssyncadd.s32 $0xFFFFFF80  }
0xbd: {  	_ =	swait.ge [sflag:s16], $0x80  }
0xbe: {  	[sflag:s16] =	ssyncset.done $0x0  }
0xbf: {  	[sflag:s16] =	ssyncadd.s32 $0xFFFFFF80  }
0xc0: {  	_ =	swait.ge [sflag:s16], $0x80  }
0xc1: {  	[sflag:s16] =	ssyncset.done $0x0  }
0xc2: {  	[sflag:s16] =	ssyncadd.s32 $0xFFFFFF80  }
0xc3: {  	_ =	swait.ge [sflag:s16], $0x80  }
0xc4: {  	[sflag:s16] =	ssyncset.done $0x0  }
0xc5: {  	[sflag:s16] =	ssyncadd.s32 $0xFFFFFF80  }
0xc6: {  	_ =	swait.ge [sflag:s16], $0x80  }
0xc7: {  	[sflag:s16] =	ssyncset.done $0x0  }
0xc8: {  	[sflag:s16] =	ssyncadd.s32 $0xFFFFFF80  }
0xc9: {  	_ =	swait.ge [sflag:s16], $0x80  }
0xca: {  	[sflag:s16] =	ssyncset.done $0x0  }
0xcb: {  	[sflag:s16] =	ssyncadd.s32 $0xFFFFFF80  }
0xcc: {  	_ =	swait.ge [sflag:s16], $0x4000  }
0xcd: {  	[sflag:s16] =	ssyncset.done $0x0  }
0xce: {  	[sflag:s16] =	ssyncadd.s32 $0xFFFFC000  }
0xcf: {  	[tilespmem:s26], [sflag:$0x4] =	stream.indirect.gather.add.f32 [hbm:s4], $0x80, s2, s28, $0xb8;
	[tilespmem:$0xBA00] =	vst v63  }
0xd0: {  	_ = 	snop  }
0xd1: {  	[tilespmem:s26], [sflag:$0x4] =	stream.indirect.gather.add.f32 [hbm:s4], $0x80, s10, s28, $0xb8;
	[tilespmem:$0xBA00] =	vst v63  }
0xd2: {  	_ = 	snop  }
0xd3: {  	[tilespmem:s26], [sflag:$0x4] =	stream.indirect.gather.add.f32 [hbm:s4], $0x80, s19, s28, $0xb8;
	[tilespmem:$0xBA00] =	vst v63  }
0xd4: {  	_ = 	snop  }
0xd5: {  	[tilespmem:s26], [sflag:$0x4] =	stream.indirect.gather.add.f32 [hbm:s4], $0x80, s20, s28, $0xb8;
	[tilespmem:$0xBA00] =	vst v63  }
0xd6: {  	_ = 	snop  }
0xd7: {  	[tilespmem:s26], [sflag:$0x4] =	stream.indirect.gather.add.f32 [hbm:s4], $0x80, s11, s28, $0xb8;
	[tilespmem:$0xBA00] =	vst v63  }
0xd8: {  	_ = 	snop  }
0xd9: {  	[tilespmem:s26], [sflag:$0x4] =	stream.indirect.gather.add.f32 [hbm:s4], $0x80, s21, s28, $0xb8;
	[tilespmem:$0xBA00] =	vst v63  }
0xda: {  	_ = 	snop  }
0xdb: {  	[tilespmem:s26], [sflag:$0x4] =	stream.indirect.gather.add.f32 [hbm:s4], $0x80, s12, s28, $0xb8;
	[tilespmem:$0xBA00] =	vst v63  }
0xdc: {  	_ = 	snop  }
0xdd: {  	[tilespmem:s26], [sflag:$0x4] =	stream.indirect.gather.add.f32 [hbm:s4], $0x80, s22, s28, $0xb8;
	[tilespmem:$0xBA00] =	vst v63  }
0xde: {  	_ = 	snop  }
0xdf: {  	[tilespmem:s26], [sflag:$0x4] =	stream.indirect.gather.add.f32 [hbm:s4], $0x80, s13, s28, $0xb8;
	[tilespmem:$0xBA00] =	vst v63  }
0xe0: {  	_ = 	snop  }
0xe1: {  	[tilespmem:s26], [sflag:$0x4] =	stream.indirect.gather.add.f32 [hbm:s4], $0x80, s23, s28, $0xb8;
	[tilespmem:$0xBA00] =	vst v63  }
0xe2: {  	_ =	swait.ge [sflag:s29], $0x80  }
0xe3: {  	[sflag:s29] =	ssyncset.done $0x0  }
0xe4: {  	[sflag:s29] =	ssyncadd.s32 $0xFFFFFF80  }
0xe5: {  	_ =	swait.ge [sflag:s29], $0x80  }
0xe6: {  	[sflag:s29] =	ssyncset.done $0x0  }
0xe7: {  	[sflag:s29] =	ssyncadd.s32 $0xFFFFFF80  }
0xe8: {  	_ =	swait.ge [sflag:s29], $0x80  }
0xe9: {  	[sflag:s29] =	ssyncset.done $0x0  }
0xea: {  	[sflag:s29] =	ssyncadd.s32 $0xFFFFFF80  }
0xeb: {  	_ =	swait.ge [sflag:s29], $0x80  }
0xec: {  	[sflag:s29] =	ssyncset.done $0x0  }
0xed: {  	[sflag:s29] =	ssyncadd.s32 $0xFFFFFF80  }
0xee: {  	_ =	swait.ge [sflag:s29], $0x80  }
0xef: {  	[sflag:s29] =	ssyncset.done $0x0  }
0xf0: {  	[sflag:s29] =	ssyncadd.s32 $0xFFFFFF80  }
0xf1: {  	_ =	swait.ge [sflag:s29], $0x80  }
0xf2: {  	[sflag:s29] =	ssyncset.done $0x0  }
0xf3: {  	[sflag:s29] =	ssyncadd.s32 $0xFFFFFF80  }
0xf4: {  	_ =	swait.ge [sflag:s29], $0x80  }
0xf5: {  	[sflag:s29] =	ssyncset.done $0x0  }
0xf6: {  	[sflag:s29] =	ssyncadd.s32 $0xFFFFFF80  }
0xf7: {  	_ =	swait.ge [sflag:s29], $0x80  }
0xf8: {  	[sflag:s29] =	ssyncset.done $0x0  }
0xf9: {  	[sflag:s29] =	ssyncadd.s32 $0xFFFFFF80  }
0xfa: {  	_ =	swait.ge [sflag:s29], $0x80  }
0xfb: {  	[sflag:s29] =	ssyncset.done $0x0  }
0xfc: {  	[sflag:s29] =	ssyncadd.s32 $0xFFFFFF80  }
0xfd: {  	_ =	swait.ge [sflag:s29], $0x80  }
0xfe: {  	[sflag:s29] =	ssyncset.done $0x0  }
0xff: {  	[sflag:s29] =	ssyncadd.s32 $0xFFFFFF80  }
0x100: {  	_ =	swait.ge [sflag:s29], $0x4000  }
0x101: {  	[sflag:s29] =	ssyncset.done $0x0  }
0x102: {  	[sflag:s29] =	ssyncadd.s32 $0xFFFFC000  }
0x103: {  	[tilespmem:s18], [sflag:$0x5] =	stream.indirect.gather.add.f32 [hbm:s4], $0x80, s28, s28, $0xb8;
	[tilespmem:$0xBA00] =	vst v63  }
0x104: {  	_ = 	snop  }
0x105: {  	[tilespmem:s18], [sflag:$0x5] =	stream.indirect.gather.add.f32 [hbm:s4], $0x80, s25, s28, $0xb8;
	[tilespmem:$0xBA00] =	vst v63  }
0x106: {  	_ = 	snop  }
0x107: {  	[tilespmem:s18], [sflag:$0x5] =	stream.indirect.gather.add.f32 [hbm:s4], $0x80, s24, s28, $0xb8;
	[tilespmem:$0xBA00] =	vst v63  }
0x108: {  	s19 =	simm.s32 $0x500  }
0x109: {  	[tilespmem:s18], [sflag:$0x5] =	stream.indirect.gather.add.f32 [hbm:s4], $0x80, s19, s28, $0xb8;
	[tilespmem:$0xBA00] =	vst v63  }
0x10a: {  	s9 =	simm.s32 $0x680  }
0x10b: {  	[tilespmem:s18], [sflag:$0x5] =	stream.indirect.gather.add.f32 [hbm:s4], $0x80, s9, s28, $0xb8;
	[tilespmem:$0xBA00] =	vst v63  }
0x10c: {  	s10 =	simm.s32 $0x800  }
0x10d: {  	[tilespmem:s18], [sflag:$0x5] =	stream.indirect.gather.add.f32 [hbm:s4], $0x80, s10, s28, $0xb8;
	[tilespmem:$0xBA00] =	vst v63  }
0x10e: {  	s15 =	simm.s32 $0x980  }
0x10f: {  	[tilespmem:s18], [sflag:$0x5] =	stream.indirect.gather.add.f32 [hbm:s4], $0x80, s15, s28, $0xb8;
	[tilespmem:$0xBA00] =	vst v63  }
0x110: {  	s19 =	simm.s32 $0xB00  }
0x111: {  	[tilespmem:s18], [sflag:$0x5] =	stream.indirect.gather.add.f32 [hbm:s4], $0x80, s19, s28, $0xb8;
	[tilespmem:$0xBA00] =	vst v63  }
0x112: {  	s9 =	simm.s32 $0xC80  }
0x113: {  	[tilespmem:s18], [sflag:$0x5] =	stream.indirect.gather.add.f32 [hbm:s4], $0x80, s9, s28, $0xb8;
	[tilespmem:$0xBA00] =	vst v63  }
0x114: {  	s10 =	simm.s32 $0xE00  }
0x115: {  	[tilespmem:s18], [sflag:$0x5] =	stream.indirect.gather.add.f32 [hbm:s4], $0x80, s10, s28, $0xb8;
	[tilespmem:$0xBA00] =	vst v63  }
0x116: {  	_ =	swait.ge [sflag:s30], $0x40  }
0x117: {  	[sflag:s30] =	ssyncset.done $0x0  }
0x118: {  	[sflag:s30] =	ssyncadd.s32 $0xFFFFFFC0  }
0x119: {  	_ =	swait.ge [sflag:s30], $0x40  }
0x11a: {  	[sflag:s30] =	ssyncset.done $0x0  }
0x11b: {  	[sflag:s30] =	ssyncadd.s32 $0xFFFFFFC0  }
0x11c: {  	_ =	swait.ge [sflag:s30], $0x40  }
0x11d: {  	[sflag:s30] =	ssyncset.done $0x0  }
0x11e: {  	[sflag:s30] =	ssyncadd.s32 $0xFFFFFFC0  }
0x11f: {  	_ =	swait.ge [sflag:s30], $0x40  }
0x120: {  	[sflag:s30] =	ssyncset.done $0x0  }
0x121: {  	[sflag:s30] =	ssyncadd.s32 $0xFFFFFFC0  }
0x122: {  	_ =	swait.ge [sflag:s30], $0x40  }
0x123: {  	[sflag:s30] =	ssyncset.done $0x0  }
0x124: {  	[sflag:s30] =	ssyncadd.s32 $0xFFFFFFC0  }
0x125: {  	_ =	swait.ge [sflag:s30], $0x40  }
0x126: {  	[sflag:s30] =	ssyncset.done $0x0  }
0x127: {  	[sflag:s30] =	ssyncadd.s32 $0xFFFFFFC0  }
0x128: {  	_ =	swait.ge [sflag:s30], $0x40  }
0x129: {  	[sflag:s30] =	ssyncset.done $0x0  }
0x12a: {  	[sflag:s30] =	ssyncadd.s32 $0xFFFFFFC0  }
0x12b: {  	_ =	swait.ge [sflag:s30], $0x40  }
0x12c: {  	[sflag:s30] =	ssyncset.done $0x0  }
0x12d: {  	[sflag:s30] =	ssyncadd.s32 $0xFFFFFFC0  }
0x12e: {  	_ =	swait.ge [sflag:s30], $0x40  }
0x12f: {  	[sflag:s30] =	ssyncset.done $0x0  }
0x130: {  	[sflag:s30] =	ssyncadd.s32 $0xFFFFFFC0  }
0x131: {  	_ =	swait.ge [sflag:s30], $0x40  }
0x132: {  	[sflag:s30] =	ssyncset.done $0x0  }
0x133: {  	[sflag:s30] =	ssyncadd.s32 $0xFFFFFFC0  }
0x134: {  	_ =	swait.ge [sflag:s30], $0x2000  }
0x135: {  	[sflag:s30] =	ssyncset.done $0x0  }
0x136: {  	s15 =	simm.s32 $0x100;
	[sflag:s30] =	ssyncadd.s32 $0xFFFFE000  }
0x137: {  	[tilespmem:s14], [sflag:$0x6] =	stream.indirect.gather.add.f32 [hbm:s4], $0x80, s15, s31, $0xb8;
	[tilespmem:$0xBA00] =	vst v63  }
0x138: {  	s19 =	simm.s32 $0x280  }
0x139: {  	[tilespmem:s14], [sflag:$0x6] =	stream.indirect.gather.add.f32 [hbm:s4], $0x80, s19, s31, $0xb8;
	[tilespmem:$0xBA00] =	vst v63  }
0x13a: {  	s9 =	simm.s32 $0x400  }
0x13b: {  	[tilespmem:s14], [sflag:$0x6] =	stream.indirect.gather.add.f32 [hbm:s4], $0x80, s9, s31, $0xb8;
	[tilespmem:$0xBA00] =	vst v63  }
0x13c: {  	s10 =	simm.s32 $0x580  }
0x13d: {  	[tilespmem:s14], [sflag:$0x6] =	stream.indirect.gather.add.f32 [hbm:s4], $0x80, s10, s31, $0xb8;
	[tilespmem:$0xBA00] =	vst v63  }
0x13e: {  	s15 =	simm.s32 $0x700  }
0x13f: {  	[tilespmem:s14], [sflag:$0x6] =	stream.indirect.gather.add.f32 [hbm:s4], $0x80, s15, s31, $0xb8;
	[tilespmem:$0xBA00] =	vst v63  }
0x140: {  	s19 =	simm.s32 $0x880  }
0x141: {  	[tilespmem:s14], [sflag:$0x6] =	stream.indirect.gather.add.f32 [hbm:s4], $0x80, s19, s31, $0xb8;
	[tilespmem:$0xBA00] =	vst v63  }
0x142: {  	s9 =	simm.s32 $0xA00  }
0x143: {  	[tilespmem:s14], [sflag:$0x6] =	stream.indirect.gather.add.f32 [hbm:s4], $0x80, s9, s31, $0xb8;
	[tilespmem:$0xBA00] =	vst v63  }
0x144: {  	s10 =	simm.s32 $0xB80  }
0x145: {  	[tilespmem:s14], [sflag:$0x6] =	stream.indirect.gather.add.f32 [hbm:s4], $0x80, s10, s31, $0xb8;
	[tilespmem:$0xBA00] =	vst v63  }
0x146: {  	s15 =	simm.s32 $0xD00  }
0x147: {  	[tilespmem:s14], [sflag:$0x6] =	stream.indirect.gather.add.f32 [hbm:s4], $0x80, s15, s31, $0xb8;
	[tilespmem:$0xBA00] =	vst v63  }
0x148: {  	s19 =	simm.s32 $0xE80  }
0x149: {  	[tilespmem:s14], [sflag:$0x6] =	stream.indirect.gather.add.f32 [hbm:s4], $0x80, s19, s31, $0xb8;
	[tilespmem:$0xBA00] =	vst v63  }
0x14a: {  	_ =	swait.ge [sflag:s1], $0x4000  }
0x14b: {  	[sflag:s1] =	ssyncset.done $0x0  }
0x14c: {  	[sflag:s1] =	ssyncadd.s32 $0xFFFFC000  }
0x14d: {  	_ =	swait.ge [sflag:s1], $0x4000  }
0x14e: {  	[sflag:s1] =	ssyncset.done $0x0  }
0x14f: {  	[sflag:s1] =	ssyncadd.s32 $0xFFFFC000  }
0x150: {  	_ =	swait.ge [sflag:s1], $0x4000  }
0x151: {  	[sflag:s1] =	ssyncset.done $0x0  }
0x152: {  	[sflag:s1] =	ssyncadd.s32 $0xFFFFC000  }
0x153: {  	_ =	swait.ge [sflag:s1], $0x4000  }
0x154: {  	[sflag:s1] =	ssyncset.done $0x0  }
0x155: {  	[sflag:s1] =	ssyncadd.s32 $0xFFFFC000  }
0x156: {  	_ =	swait.ge [sflag:s1], $0x4000  }
0x157: {  	[sflag:s1] =	ssyncset.done $0x0  }
0x158: {  	[sflag:s1] =	ssyncadd.s32 $0xFFFFC000  }
0x159: {  	_ =	swait.ge [sflag:s1], $0x4000  }
0x15a: {  	[sflag:s1] =	ssyncset.done $0x0  }
0x15b: {  	[sflag:s1] =	ssyncadd.s32 $0xFFFFC000  }
0x15c: {  	_ =	swait.ge [sflag:s1], $0x4000  }
0x15d: {  	[sflag:s1] =	ssyncset.done $0x0  }
0x15e: {  	[sflag:s1] =	ssyncadd.s32 $0xFFFFC000  }
0x15f: {  	_ =	swait.ge [sflag:s1], $0x4000  }
0x160: {  	[sflag:s1] =	ssyncset.done $0x0  }
0x161: {  	[sflag:s1] =	ssyncadd.s32 $0xFFFFC000  }
0x162: {  	_ =	swait.ge [sflag:s1], $0x4000  }
0x163: {  	[sflag:s1] =	ssyncset.done $0x0  }
0x164: {  	[sflag:s1] =	ssyncadd.s32 $0xFFFFC000  }
0x165: {  	_ =	swait.ge [sflag:s1], $0x4000  }
0x166: {  	[sflag:s1] =	ssyncset.done $0x0  }
0x167: {  	s9 =	simm.s32 $0x0;
	[sflag:s1] =	ssyncadd.s32 $0xFFFFC000  }
0x168: {  	v2 =	vld [tilespmem:s9+$0x1000]  }
0x169: {  	v4 =	vld [tilespmem:s9+$0x1010]  }
0x16a: {  	v3 =	vld [tilespmem:s9+$0x1020]  }
0x16b: {  	v1 =	vld [tilespmem:s9+$0x1030]  }
0x16c: {  	v0 =	vld [tilespmem:s9+$0x1040]  }
0x16d: {  	v5 =	vmax.f32 v2, $0.0e+00;
	v2 =	vld [tilespmem:s9+$0x1050]  }
0x16e: {  	s19 =	simm.s32 $0x200;
	[tilespmem:s9+$0x1000] =	vst v5;
	v5 =	vmax.f32 v4, $0.0e+00;
	v4 =	vld [tilespmem:s9+$0x1060]  }
.LBB2_2:
0x16f: {  	s10 =	sshra.s32 s19, $0x2;
	p0 =	sne.s32 s19, $0xFE00;
	[tilespmem:s9+$0x1010] =	vst v5;
	v3 =	vmax.f32 v3, $0.0e+00;
	v5 =	vld [tilespmem:s9+$0x1070]  }
0x170: {  	v6 =	vld [tilespmem:s10+$0x1000];
	[tilespmem:s9+$0x1020] =	vst v3;
	v1 =	vmax.f32 v1, $0.0e+00  }
0x171: {  	v7 =	vld [tilespmem:s10+$0x1010];
	[tilespmem:s9+$0x1030] =	vst v1;
	v0 =	vmax.f32 v0, $0.0e+00  }
.Ltmp0:
0x172: {  	v3 =	vld [tilespmem:s10+$0x1020];
	[tilespmem:s9+$0x1040] =	vst v0;
	v0 =	vmax.f32 v2, $0.0e+00;
	(pc) =	sbr.rel @p0 .LBB2_2-.Ltmp0, $4  }
0x173: {  	v1 =	vld [tilespmem:s10+$0x1030];
	[tilespmem:s9+$0x1050] =	vst v0;
	v2 =	vmax.f32 v4, $0.0e+00  }
0x174: {  	v0 =	vld [tilespmem:s10+$0x1040];
	[tilespmem:s9+$0x1060] =	vst v2;
	v4 =	vmax.f32 v5, $0.0e+00  }
0x175: {  	v5 =	vmax.f32 v6, $0.0e+00;
	v2 =	vld [tilespmem:s10+$0x1050];
	[tilespmem:s9+$0x1070] =	vst v4;
	s9 =	smov.u32 s10  }
0x176: {  	s19 =	sadd.s32 $0x200, s19;
	[tilespmem:s9+$0x1000] =	vst v5;
	v5 =	vmax.f32 v7, $0.0e+00;
	v4 =	vld [tilespmem:s9+$0x1060]  }
0x177: {  	[tilespmem:s9+$0x1010] =	vst v5;
	v3 =	vmax.f32 v3, $0.0e+00;
	v5 =	vld [tilespmem:s9+$0x1070]  }
0x178: {  	[tilespmem:s9+$0x1020] =	vst v3;
	v1 =	vmax.f32 v1, $0.0e+00  }
0x179: {  	[tilespmem:s9+$0x1030] =	vst v1;
	v0 =	vmax.f32 v0, $0.0e+00  }
0x17a: {  	[tilespmem:s9+$0x1040] =	vst v0;
	v0 =	vmax.f32 v2, $0.0e+00  }
0x17b: {  	[tilespmem:s9+$0x1050] =	vst v0;
	v0 =	vmax.f32 v4, $0.0e+00  }
0x17c: {  	[tilespmem:s9+$0x1060] =	vst v0;
	v0 =	vmax.f32 v5, $0.0e+00  }
0x17d: {  	s19 =	simm.s32 $0x0;
	s10 =	rddreg [dreg:$0x13];
	[tilespmem:s9+$0x1070] =	vst v0  }
0x17e: {  	[hbm4b:s10+s19] =	stream.linear.scatter [tilespmem:s26], [sflag:$0x7], $0x4000, $0x38;
	[tilespmem:$0xBA00] =	vst v63  }
0x17f: {  	_ =	swait.ge [sflag:s0], $0x4000  }
0x180: {  	[sflag:s0] =	ssyncset.done $0x0  }
0x181: {  	[sflag:s0] =	ssyncadd.s32 $0xFFFFC000  }
0x182: {  	_ =	swait.ge [sflag:s0], $0x4000  }
0x183: {  	[sflag:s0] =	ssyncset.done $0x0  }
0x184: {  	[sflag:s0] =	ssyncadd.s32 $0xFFFFC000  }
0x185: {  	_ =	swait.ge [sflag:s0], $0x4000  }
0x186: {  	[sflag:s0] =	ssyncset.done $0x0  }
0x187: {  	[sflag:s0] =	ssyncadd.s32 $0xFFFFC000  }
0x188: {  	_ =	swait.ge [sflag:s0], $0x4000  }
0x189: {  	[sflag:s0] =	ssyncset.done $0x0  }
0x18a: {  	[sflag:s0] =	ssyncadd.s32 $0xFFFFC000  }
0x18b: {  	_ =	swait.ge [sflag:s0], $0x4000  }
0x18c: {  	[sflag:s0] =	ssyncset.done $0x0  }
0x18d: {  	[sflag:s0] =	ssyncadd.s32 $0xFFFFC000  }
0x18e: {  	_ =	swait.ge [sflag:s0], $0x4000  }
0x18f: {  	[sflag:s0] =	ssyncset.done $0x0  }
0x190: {  	[sflag:s0] =	ssyncadd.s32 $0xFFFFC000  }
0x191: {  	_ =	swait.ge [sflag:s0], $0x4000  }
0x192: {  	[sflag:s0] =	ssyncset.done $0x0  }
0x193: {  	[sflag:s0] =	ssyncadd.s32 $0xFFFFC000  }
0x194: {  	_ =	swait.ge [sflag:s0], $0x4000  }
0x195: {  	[sflag:s0] =	ssyncset.done $0x0  }
0x196: {  	[sflag:s0] =	ssyncadd.s32 $0xFFFFC000  }
0x197: {  	_ =	swait.ge [sflag:s0], $0x4000  }
0x198: {  	[sflag:s0] =	ssyncset.done $0x0  }
0x199: {  	[sflag:s0] =	ssyncadd.s32 $0xFFFFC000  }
0x19a: {  	_ =	swait.ge [sflag:s0], $0x4000  }
0x19b: {  	[sflag:s0] =	ssyncset.done $0x0  }
0x19c: {  	s9 =	simm.s32 $0x0;
	[sflag:s0] =	ssyncadd.s32 $0xFFFFC000  }
0x19d: {  	v2 =	vld [tilespmem:s9+$0x5000]  }
0x19e: {  	v4 =	vld [tilespmem:s9+$0x5010]  }
0x19f: {  	v3 =	vld [tilespmem:s9+$0x5020]  }
0x1a0: {  	v1 =	vld [tilespmem:s9+$0x5030]  }
0x1a1: {  	v0 =	vld [tilespmem:s9+$0x5040]  }
0x1a2: {  	v5 =	vmax.f32 v2, $0.0e+00;
	v2 =	vld [tilespmem:s9+$0x5050]  }
0x1a3: {  	s19 =	simm.s32 $0x200;
	[tilespmem:s9+$0x5000] =	vst v5;
	v5 =	vmax.f32 v4, $0.0e+00;
	v4 =	vld [tilespmem:s9+$0x5060]  }
.LBB2_4:
0x1a4: {  	s10 =	sshra.s32 s19, $0x2;
	p0 =	sne.s32 s19, $0xFE00;
	[tilespmem:s9+$0x5010] =	vst v5;
	v3 =	vmax.f32 v3, $0.0e+00;
	v5 =	vld [tilespmem:s9+$0x5070]  }
0x1a5: {  	v6 =	vld [tilespmem:s10+$0x5000];
	[tilespmem:s9+$0x5020] =	vst v3;
	v1 =	vmax.f32 v1, $0.0e+00  }
0x1a6: {  	v7 =	vld [tilespmem:s10+$0x5010];
	[tilespmem:s9+$0x5030] =	vst v1;
	v0 =	vmax.f32 v0, $0.0e+00  }
.Ltmp1:
0x1a7: {  	v3 =	vld [tilespmem:s10+$0x5020];
	[tilespmem:s9+$0x5040] =	vst v0;
	v0 =	vmax.f32 v2, $0.0e+00;
	(pc) =	sbr.rel @p0 .LBB2_4-.Ltmp1, $4  }
0x1a8: {  	v1 =	vld [tilespmem:s10+$0x5030];
	[tilespmem:s9+$0x5050] =	vst v0;
	v2 =	vmax.f32 v4, $0.0e+00  }
0x1a9: {  	v0 =	vld [tilespmem:s10+$0x5040];
	[tilespmem:s9+$0x5060] =	vst v2;
	v4 =	vmax.f32 v5, $0.0e+00  }
0x1aa: {  	v5 =	vmax.f32 v6, $0.0e+00;
	v2 =	vld [tilespmem:s10+$0x5050];
	[tilespmem:s9+$0x5070] =	vst v4;
	s9 =	smov.u32 s10  }
0x1ab: {  	s19 =	sadd.s32 $0x200, s19;
	[tilespmem:s9+$0x5000] =	vst v5;
	v5 =	vmax.f32 v7, $0.0e+00;
	v4 =	vld [tilespmem:s9+$0x5060]  }
0x1ac: {  	[tilespmem:s9+$0x5010] =	vst v5;
	v3 =	vmax.f32 v3, $0.0e+00;
	v5 =	vld [tilespmem:s9+$0x5070]  }
0x1ad: {  	[tilespmem:s9+$0x5020] =	vst v3;
	v1 =	vmax.f32 v1, $0.0e+00  }
0x1ae: {  	[tilespmem:s9+$0x5030] =	vst v1;
	v0 =	vmax.f32 v0, $0.0e+00  }
0x1af: {  	[tilespmem:s9+$0x5040] =	vst v0;
	v0 =	vmax.f32 v2, $0.0e+00  }
0x1b0: {  	[tilespmem:s9+$0x5050] =	vst v0;
	v0 =	vmax.f32 v4, $0.0e+00  }
0x1b1: {  	[tilespmem:s9+$0x5060] =	vst v0;
	v0 =	vmax.f32 v5, $0.0e+00  }
0x1b2: {  	s19 =	simm.s32 $0x0;
	s10 =	rddreg [dreg:$0x14];
	[tilespmem:s9+$0x5070] =	vst v0  }
0x1b3: {  	[hbm4b:s10+s19] =	stream.linear.scatter [tilespmem:s18], [sflag:$0x7], $0x4000, $0x38;
	[tilespmem:$0xBA00] =	vst v63  }
0x1b4: {  	_ =	swait.ge [sflag:s6], $0x2000  }
0x1b5: {  	[sflag:s6] =	ssyncset.done $0x0  }
0x1b6: {  	[sflag:s6] =	ssyncadd.s32 $0xFFFFE000  }
0x1b7: {  	_ =	swait.ge [sflag:s6], $0x2000  }
0x1b8: {  	[sflag:s6] =	ssyncset.done $0x0  }
0x1b9: {  	[sflag:s6] =	ssyncadd.s32 $0xFFFFE000  }
0x1ba: {  	_ =	swait.ge [sflag:s6], $0x2000  }
0x1bb: {  	[sflag:s6] =	ssyncset.done $0x0  }
0x1bc: {  	[sflag:s6] =	ssyncadd.s32 $0xFFFFE000  }
0x1bd: {  	_ =	swait.ge [sflag:s6], $0x2000  }
0x1be: {  	[sflag:s6] =	ssyncset.done $0x0  }
0x1bf: {  	[sflag:s6] =	ssyncadd.s32 $0xFFFFE000  }
0x1c0: {  	_ =	swait.ge [sflag:s6], $0x2000  }
0x1c1: {  	[sflag:s6] =	ssyncset.done $0x0  }
0x1c2: {  	[sflag:s6] =	ssyncadd.s32 $0xFFFFE000  }
0x1c3: {  	_ =	swait.ge [sflag:s6], $0x2000  }
0x1c4: {  	[sflag:s6] =	ssyncset.done $0x0  }
0x1c5: {  	[sflag:s6] =	ssyncadd.s32 $0xFFFFE000  }
0x1c6: {  	_ =	swait.ge [sflag:s6], $0x2000  }
0x1c7: {  	[sflag:s6] =	ssyncset.done $0x0  }
0x1c8: {  	[sflag:s6] =	ssyncadd.s32 $0xFFFFE000  }
0x1c9: {  	_ =	swait.ge [sflag:s6], $0x2000  }
0x1ca: {  	[sflag:s6] =	ssyncset.done $0x0  }
0x1cb: {  	[sflag:s6] =	ssyncadd.s32 $0xFFFFE000  }
0x1cc: {  	_ =	swait.ge [sflag:s6], $0x2000  }
0x1cd: {  	[sflag:s6] =	ssyncset.done $0x0  }
0x1ce: {  	[sflag:s6] =	ssyncadd.s32 $0xFFFFE000  }
0x1cf: {  	_ =	swait.ge [sflag:s6], $0x2000  }
0x1d0: {  	[sflag:s6] =	ssyncset.done $0x0  }
0x1d1: {  	s9 =	simm.s32 $0x0;
	[sflag:s6] =	ssyncadd.s32 $0xFFFFE000  }
0x1d2: {  	v2 =	vld [tilespmem:s9+$0x9000]  }
0x1d3: {  	v4 =	vld [tilespmem:s9+$0x9010]  }
0x1d4: {  	v3 =	vld [tilespmem:s9+$0x9020]  }
0x1d5: {  	v1 =	vld [tilespmem:s9+$0x9030]  }
0x1d6: {  	v0 =	vld [tilespmem:s9+$0x9040]  }
0x1d7: {  	v5 =	vmax.f32 v2, $0.0e+00;
	v2 =	vld [tilespmem:s9+$0x9050]  }
0x1d8: {  	s5 =	simm.s32 $0xB880;
	s19 =	simm.s32 $0x200;
	[tilespmem:s9+$0x9000] =	vst v5;
	v5 =	vmax.f32 v4, $0.0e+00;
	v4 =	vld [tilespmem:s9+$0x9060]  }
.LBB2_6:
0x1d9: {  	s10 =	sshra.s32 s19, $0x2;
	p0 =	sne.s32 s19, $0x7E00;
	[tilespmem:s9+$0x9010] =	vst v5;
	v3 =	vmax.f32 v3, $0.0e+00;
	v5 =	vld [tilespmem:s9+$0x9070]  }
0x1da: {  	v6 =	vld [tilespmem:s10+$0x9000];
	[tilespmem:s9+$0x9020] =	vst v3;
	v1 =	vmax.f32 v1, $0.0e+00  }
0x1db: {  	v7 =	vld [tilespmem:s10+$0x9010];
	[tilespmem:s9+$0x9030] =	vst v1;
	v0 =	vmax.f32 v0, $0.0e+00  }
.Ltmp2:
0x1dc: {  	v3 =	vld [tilespmem:s10+$0x9020];
	[tilespmem:s9+$0x9040] =	vst v0;
	v0 =	vmax.f32 v2, $0.0e+00;
	(pc) =	sbr.rel @p0 .LBB2_6-.Ltmp2, $4  }
0x1dd: {  	v1 =	vld [tilespmem:s10+$0x9030];
	[tilespmem:s9+$0x9050] =	vst v0;
	v2 =	vmax.f32 v4, $0.0e+00  }
0x1de: {  	v0 =	vld [tilespmem:s10+$0x9040];
	[tilespmem:s9+$0x9060] =	vst v2;
	v4 =	vmax.f32 v5, $0.0e+00  }
0x1df: {  	v5 =	vmax.f32 v6, $0.0e+00;
	v2 =	vld [tilespmem:s10+$0x9050];
	[tilespmem:s9+$0x9070] =	vst v4;
	s9 =	smov.u32 s10  }
0x1e0: {  	s19 =	sadd.s32 $0x200, s19;
	[tilespmem:s9+$0x9000] =	vst v5;
	v5 =	vmax.f32 v7, $0.0e+00;
	v4 =	vld [tilespmem:s9+$0x9060]  }
0x1e1: {  	[tilespmem:s9+$0x9010] =	vst v5;
	v3 =	vmax.f32 v3, $0.0e+00;
	v60 =	vld [tilespmem:s9+$0x9070]  }
0x1e2: {  	[tilespmem:s9+$0x9020] =	vst v3;
	v1 =	vmax.f32 v1, $0.0e+00  }
0x1e3: {  	[tilespmem:s9+$0x9030] =	vst v1;
	v0 =	vmax.f32 v0, $0.0e+00  }
0x1e4: {  	[tilespmem:s9+$0x9040] =	vst v0;
	v61 =	vmax.f32 v2, $0.0e+00  }
0x1e5: {  	[tilespmem:s9+$0x9050] =	vst v61;
	v62 =	vmax.f32 v4, $0.0e+00  }
0x1e6: {  	[tilespmem:s9+$0x9060] =	vst v62;
	v63 =	vmax.f32 v60, $0.0e+00  }
0x1e7: {  	s10 =	rddreg [dreg:$0x15];
	[tilespmem:s9+$0x9070] =	vst v63  }
0x1e8: {  	[hbm4b:s10+s2] =	stream.linear.scatter [tilespmem:s14], [sflag:$0x7], $0x2000, $0x38;
	[tilespmem:$0xBA00] =	vst v63  }
0x1e9: {  	_ =	swait.ge [sflag:s7], $0x20  }
0x1ea: {  	[sflag:s7] =	ssyncset.done $0x0  }
0x1eb: {  	[sflag:s7] =	ssyncadd.s32 $0xFFFFFFE0  }
0x1ec: {  	_ =	swait.ge [sflag:s7], $0x20  }
0x1ed: {  	[sflag:s7] =	ssyncset.done $0x0  }
0x1ee: {  	[sflag:s7] =	ssyncadd.s32 $0xFFFFFFE0  }
0x1ef: {  	_ =	swait.ge [sflag:s7], $0x20  }
0x1f0: {  	[sflag:s7] =	ssyncset.done $0x0  }
0x1f1: {  	[sflag:s7] =	ssyncadd.s32 $0xFFFFFFE0  }
0x1f2: {  	_ =	swait.ge [sflag:s7], $0x20  }
0x1f3: {  	[sflag:s7] =	ssyncset.done $0x0  }
0x1f4: {  	[sflag:s7] =	ssyncadd.s32 $0xFFFFFFE0  }
0x1f5: {  	_ =	swait.ge [sflag:s7], $0x20  }
0x1f6: {  	[sflag:s7] =	ssyncset.done $0x0  }
0x1f7: {  	[sflag:s7] =	ssyncadd.s32 $0xFFFFFFE0  }
0x1f8: {  	_ =	swait.ge [sflag:s7], $0x20  }
0x1f9: {  	[sflag:s7] =	ssyncset.done $0x0  }
0x1fa: {  	[sflag:s7] =	ssyncadd.s32 $0xFFFFFFE0  }
0x1fb: {  	_ =	swait.ge [sflag:s7], $0x20  }
0x1fc: {  	[sflag:s7] =	ssyncset.done $0x0  }
0x1fd: {  	[sflag:s7] =	ssyncadd.s32 $0xFFFFFFE0  }
0x1fe: {  	_ =	swait.ge [sflag:s7], $0x20  }
0x1ff: {  	[sflag:s7] =	ssyncset.done $0x0  }
0x200: {  	[sflag:s7] =	ssyncadd.s32 $0xFFFFFFE0  }
0x201: {  	_ =	swait.ge [sflag:s7], $0x20  }
0x202: {  	[sflag:s7] =	ssyncset.done $0x0  }
0x203: {  	[sflag:s7] =	ssyncadd.s32 $0xFFFFFFE0  }
0x204: {  	_ =	swait.ge [sflag:s7], $0x20  }
0x205: {  	[sflag:s7] =	ssyncset.done $0x0  }
0x206: {  	s15 =	rddreg [dreg:$0x11];
	[sflag:s7] =	ssyncadd.s32 $0xFFFFFFE0  }
0x207: {  	[hbm4b:s15+s2] =	stream.linear.scatter [tilespmem:s5], [sflag:$0x7], $0x160, $0x38;
	[tilespmem:$0xBA00] =	vst v63  }
0x208: {  	_ =	swait.ge [sflag:s17], $0x4000  }
0x209: {  	[sflag:s17] =	ssyncset.done $0x0  }
0x20a: {  	[sflag:s17] =	ssyncadd.s32 $0xFFFFC000  }
0x20b: {  	_ =	swait.ge [sflag:s17], $0x4000  }
0x20c: {  	[sflag:s17] =	ssyncset.done $0x0  }
0x20d: {  	[sflag:s17] =	ssyncadd.s32 $0xFFFFC000  }
0x20e: {  	_ =	swait.ge [sflag:s17], $0x2000  }
0x20f: {  	[sflag:s17] =	ssyncset.done $0x0  }
0x210: {  	[sflag:s17] =	ssyncadd.s32 $0xFFFFE000  }
0x211: {  	_ =	swait.ge [sflag:s17], $0x160  }
0x212: {  	s8 =	sadd.s32 $0x1, s8;
	s19 =	rddreg [dreg:$0x17]  }
0x213: {  	p0 =	sne.s32 s8, s19  }
.Ltmp3:
0x214: {  	_ = 	snop;
	(pc) =	sbr.rel @p0 .LBB2_1-.Ltmp3, $3  }
0x215: {  	_ =	sdelay $0x1  }
0x216: {  	[sflag:s17] =	ssyncset.done $0x0  }
0x217: {  	[sflag:s17] =	ssyncadd.s32 $0xFFFFFEA0  }
0x218: {  	_ =	sfence.sel $0x180000  }
0x219: {  	[bflag:$0x0] =	sbarrier.arrive $0xFFFF  }
0x21a: {  	_ =	strace $0x90000047  }
0x21b: {  	s0 =	stileid.u32;
	[bflag:$0x2] =	sbarrier.arrive $0xFFFF  }
0x21c: {  	p0 =	sne.s32 s0, $0x0;
	s0 =	rddreg [dreg:$0x3]  }
0x21d: {  	s0 =	sadd.s32 @!p0 $0x100000, s0  }
0x21e: {  	[sflag:s0] =	ssyncadd.tile.s32 @!p0 $0x1;
	_ =	shalt  }
.Lfunc_end2:
_tile_overlayer_lowered:
.L_overlay_start_2:
0x21f: {  	(tag) =	ssettag $0x2  }
0x220: {  	s0 =	rddreg [dreg:$0x0];
	s2 =	stileid.u32  }
0x221: {  	s1 =	rddreg [dreg:$0x1];
	p0 =	sne.s32 s2, $0x0  }
0x222: {  	s3 =	rddreg [dreg:$0x2];
	[bflag:$0x3] =	sbarrier.arrive $0xFFFF;
	s2 =	simm.s32 @!p0 $0x1C09  }
0x223: {  	[timem:s3], [sflag:s2] =	dma.local @!p0 [hbm:s0], s1  }
0x224: {  	s0 =	simm.s32 @!p0 $0x9  }
0x225: {  	_ =	swait.ge @!p0 [sflag:s0], s1  }
0x226: {  	s1 =	ssub.s32 @!p0 $0x0, s1;
	[sflag:s0] =	ssyncset.done @!p0 $0x0  }
0x227: {  	[sflag:s0] =	ssyncadd.s32 @!p0 s1  }
0x228: {  	[bflag:$0x3] =	sbarrier.arrive $0xFFFF  }
0x229: {  	_ =	shalt  }

// kernel: kernel.9.cloned.1.call-start
scs
__scs_entry_jumppad:
0x0: {  	(pc) =	sbr.rel $0x88, $3  }
0x1: {  	(tag) =	ssettag $0x0;
	lr =	simm.s32 $0x1  }
0x2: {  	[smem:$0x3F9B] =	sst lr;
	_ =	strace $0xD0000000  }
0x3: {  	_ = 	snop  }
0x4: {  	_ = 	snop  }
0x5: {  	_ = 	snop  }
0x6: {  	_ = 	snop  }
0x7: {  	_ = 	snop  }
__scs_overlays_trampoline_lowered:
0x8: {  	[smem:$0x3FAA] =	sst s0  }
0x9: {  	[smem:$0x3FAB] =	sst s1  }
0xa: {  	[smem:$0x3FAC] =	sst s2  }
0xb: {  	[smem:$0x3FAD] =	sst s3  }
0xc: {  	[smem:$0x3FAE] =	sst s4  }
0xd: {  	[smem:$0x3FAF] =	sst s5  }
0xe: {  	[smem:$0x3FB0] =	sst s6  }
0xf: {  	[smem:$0x3FB1] =	sst s7  }
0x10: {  	[smem:$0x3FB2] =	sst s8  }
0x11: {  	[smem:$0x3FB3] =	sst s9;
	s0 =	simm.s32 @!p0 $0x0  }
0x12: {  	s1 =	sld [smem:$0x3F99];
	s0 =	simm.s32 @p0 $0x1  }
0x13: {  	[smem:$0x3FB4] =	sst s0;
	s0 =	simm.s32 @!p1 $0x0  }
0x14: {  	s2 =	sld [smem:$0x3F98];
	s0 =	simm.s32 @p1 $0x1  }
0x15: {  	[smem:$0x3FB5] =	sst s0;
	s0 =	simm.s32 @!p2 $0x0  }
0x16: {  	s3 =	sld [smem:$0x3FDB];
	s0 =	simm.s32 @p2 $0x1  }
0x17: {  	s4 =	simm.s32 $0x1BF5;
	[smem:$0x3FB7] =	sst s0  }
0x18: {  	s0 =	sld [smem:$0x3F9A];
	_ =	swait.ge [sflag:s4], $0x0  }
0x19: {  	s7 =	sld [smem:$0x3F9B]  }
0x1a: {  	s8 =	sadd.s32 $0xFFFFE003, lr  }
0x1b: {  	s9 =	sadd.s32 $0xFFFFFEF7, lr;
	s5 =	simm.s32 $0xFFFFFFFF;
	p2 =	slt.u32 s8, $0xFFFFF086  }
0x1c: {  	p1 =	slt.u32 s9, $0xF7A;
	s5 =	simm.s32 @!p2 $0x0  }
0x1d: {  	s5 =	simm.s32 @p1 $0x1;
	p0 =	seq.s32 s7, s2  }
0x1e: {  	s7 =	smul.u32 @!p0 $0xF7A, s2;
	p2 =	seq.s32 @!p0 s5, $0x0  }
0x1f: {  	s9 =	smul.u32 $0xF7A, s1;
	s8 =	simm.s32 @!p0 $0x1BF5;
	p2 =	por !p2, p0  }
0x20: {  	[sflag:s8] =	ssyncset.s32 @!p0 $0xFFFFF086;
	s6 =	sadd.s32 @!p0 s3, s7;
	s7 =	simm.s32 @!p0 $0x108  }
0x21: {  	s3 =	sadd.s32 s3, s9;
	s6 =	sadd.s32 @!p0 $0x88, s6;
	s7 =	simm.s32 @p2 $0x1082  }
0x22: {  	[simem:s7], [sflag:s8] =	dma.local @!p0 [hbm:s6], $0xF7A  }
0x23: {  	s9 =	sor.u32 $0xD0000000, s2;
	s6 =	simm.s32 $0x108;
	_ =	swait.ge @!p0 [sflag:s8], $0x0  }
0x24: {  	s3 =	sadd.s32 $0x88, s3;
	s6 =	simm.s32 @!p1 $0x1082;
	[sflag:s4] =	ssyncset.s32 $0xFFFFF086  }
0x25: {  	[simem:s6], [sflag:s4] =	dma.local [hbm:s3], $0xF7A  }
0x26: {  	[smem:$0x3F9B] =	sst s1;
	(tag) =	ssettag s2;
	_ =	strace s9  }
0x27: {  	s1 =	sld [smem:$0x3FAB]  }
0x28: {  	s2 =	sld [smem:$0x3FAC]  }
0x29: {  	s4 =	sld [smem:$0x3FAE]  }
0x2a: {  	p0 =	seq.s32 s5, $0x0;
	s5 =	sld [smem:$0x3FAF]  }
0x2b: {  	s6 =	sld [smem:$0x3FB0]  }
0x2c: {  	s7 =	sld [smem:$0x3FB1]  }
0x2d: {  	s3 =	simm.s32 $0x108;
	s8 =	sld [smem:$0x3FB2]  }
0x2e: {  	s3 =	simm.s32 @!p0 $0x1082;
	s9 =	sld [smem:$0x3FB3]  }
0x2f: {  	lr =	sadd.s32 s0, s3;
	s0 =	sld [smem:$0x3FAA]  }
0x30: {  	s3 =	sld [smem:$0x3FAD]  }
0x31: {  	[smem:$0x3FB6] =	sst s10  }
0x32: {  	s10 =	sld [smem:$0x3FB4];
	_ =	sdelay $0x3  }
0x33: {  	p0 =	seq.s32 s10, $0x1;
	s10 =	sld [smem:$0x3FB6];
	_ =	sdelay $0x3  }
0x34: {  	[smem:$0x3FB6] =	sst s10  }
0x35: {  	s10 =	sld [smem:$0x3FB5];
	_ =	sdelay $0x3  }
0x36: {  	p1 =	seq.s32 s10, $0x1;
	s10 =	sld [smem:$0x3FB6];
	_ =	sdelay $0x3  }
0x37: {  	[smem:$0x3FB6] =	sst s10  }
0x38: {  	s10 =	sld [smem:$0x3FB7]  }
0x39: {  	_ = 	snop;
	(pc) =	sbr.ind lr, $3  }
0x3a: {  	_ = 	snop  }
0x3b: {  	_ = 	snop  }
0x3c: {  	p2 =	seq.s32 s10, $0x1;
	s10 =	sld [smem:$0x3FB6]  }
0x3d: {  	_ =	shalt  }
0x3e: {  	_ =	shalt  }
0x3f: {  	_ =	shalt  }
0x40: {  	_ =	shalt  }
0x41: {  	_ =	shalt  }
0x42: {  	_ =	shalt  }
0x43: {  	_ =	shalt  }
0x44: {  	_ =	shalt  }
0x45: {  	_ =	shalt  }
0x46: {  	_ =	shalt  }
0x47: {  	_ =	shalt  }
0x48: {  	_ =	shalt  }
0x49: {  	_ =	shalt  }
0x4a: {  	_ =	shalt  }
0x4b: {  	_ =	shalt  }
0x4c: {  	_ =	shalt  }
0x4d: {  	_ =	shalt  }
0x4e: {  	_ =	shalt  }
0x4f: {  	_ =	shalt  }
0x50: {  	_ =	shalt  }
0x51: {  	_ =	shalt  }
0x52: {  	_ =	shalt  }
0x53: {  	_ =	shalt  }
0x54: {  	_ =	shalt  }
0x55: {  	_ =	shalt  }
0x56: {  	_ =	shalt  }
0x57: {  	_ =	shalt  }
0x58: {  	_ =	shalt  }
0x59: {  	_ =	shalt  }
0x5a: {  	_ =	shalt  }
0x5b: {  	_ =	shalt  }
0x5c: {  	_ =	shalt  }
0x5d: {  	_ =	shalt  }
0x5e: {  	_ =	shalt  }
0x5f: {  	_ =	shalt  }
0x60: {  	_ =	shalt  }
0x61: {  	_ =	shalt  }
0x62: {  	_ =	shalt  }
0x63: {  	_ =	shalt  }
0x64: {  	_ =	shalt  }
0x65: {  	_ =	shalt  }
0x66: {  	_ =	shalt  }
0x67: {  	_ =	shalt  }
0x68: {  	_ =	shalt  }
0x69: {  	_ =	shalt  }
0x6a: {  	_ =	shalt  }
0x6b: {  	_ =	shalt  }
0x6c: {  	_ =	shalt  }
0x6d: {  	_ =	shalt  }
0x6e: {  	_ =	shalt  }
0x6f: {  	_ =	shalt  }
0x70: {  	_ =	shalt  }
0x71: {  	_ =	shalt  }
0x72: {  	_ =	shalt  }
0x73: {  	_ =	shalt  }
0x74: {  	_ =	shalt  }
0x75: {  	_ =	shalt  }
0x76: {  	_ =	shalt  }
0x77: {  	_ =	shalt  }
0x78: {  	_ =	shalt  }
0x79: {  	_ =	shalt  }
0x7a: {  	_ =	shalt  }
0x7b: {  	_ =	shalt  }
0x7c: {  	_ =	shalt  }
0x7d: {  	_ =	shalt  }
0x7e: {  	_ =	shalt  }
0x7f: {  	_ =	shalt  }
0x80: {  	_ =	shalt  }
0x81: {  	_ =	shalt  }
0x82: {  	_ =	shalt  }
0x83: {  	_ =	shalt  }
0x84: {  	_ =	shalt  }
0x85: {  	_ =	shalt  }
0x86: {  	_ =	shalt  }
0x87: {  	_ =	shalt  }
.Lfunc_end0:
.L_simem_size_0:
called_computation.1_lowered:
.L_overlay_start_0:
0x88: {  	s2 =	sld [smem:$0x3FD9]  }
0x89: {  	s3 =	sld [smem:$0x3FFE];
	_ =	sdelay $0x1  }
0x8a: {  	s1 =	srdreg.scid  }
0x8b: {  	s0 =	sand.u32 $0x1, s1  }
0x8c: {  	s17 =	sshll.u32 s0, $0xA;
	s2 =	sadd.s32 s3, s2  }
0x8d: {  	s2 =	sadd.s32 s2, s17  }
0x8e: {  	[smem:$0x3FC2] =	sst s2  }
0x8f: {  	_ = 	snop  }
0x90: {  	s2 =	sld [smem:$0x3FD0];
	(tm) =	ssettm $0x1  }
0x91: {  	s18 =	sld [smem:$0x3FFB];
	_ =	sdelay $0x3  }
0x92: {  	_ =	strace s18  }
0x93: {  	s3 =	sld [smem:$0x3FFC];
	_ =	sdelay $0x3  }
0x94: {  	_ =	strace s3  }
0x95: {  	s3 =	sld [smem:$0x3FFD];
	_ =	sdelay $0x3  }
0x96: {  	_ =	strace s3  }
0x97: {  	_ =	strace $0x8FFFFFFF  }
0x98: {  	s19 =	sld [smem:$0x3FDB];
	_ =	sdelay $0x1  }
0x99: {  	s4 =	simm.s32 $_scs_section_size  }
0x9a: {  	s5 =	simm.s32 $_size__tile_overlayer_lowered;
	s6 =	simm.s32 $_tile_overlayer_lowered  }
0x9b: {  	s22 =	simm.s32 $0x1BFF;
	s21 =	sshll.u32 s6, $0x1;
	s3 =	sadd.s32 s4, s19  }
0x9c: {  	s7 =	simm.s32 $0x0;
	s20 =	sshll.u32 s5, $0x1;
	s5 =	sadd.s32 s21, s3  }
0x9d: {  	[timem:s7], [sflag:s22] =	dma.local [hbm:s5], s20  }
0x9e: {  	_ =	swait.ge [sflag:s22], s20  }
0x9f: {  	s4 =	ssub.s32 $0x0, s20;
	[sflag:s22] =	ssyncset.done $0x0  }
0xa0: {  	[sflag:s22] =	ssyncadd.s32 s4;
	_ =	sdelay $0x1  }
0xa1: {  	s23 =	simm.s32 $0x1B8B  }
0xa2: {  	_ =	swait.ge [sflag:s23], $0x1  }
0xa3: {  	[sflag:s23] =	ssyncset.done $0x0  }
0xa4: {  	s25 =	simm.s32 $0x1B8E;
	s24 =	sld [smem:$0x3FFE];
	[sflag:s23] =	ssyncadd.s32 $0xFFFFFFFF  }
0xa5: {  	s26 =	simm.s32 $execute0_lowered;
	[smem:$0x3FD2] =	sst s25  }
0xa6: {  	s5 =	sshll.u32 s26, $0x1;
	_ =	strace $0x80000049;
	[dreg:$0x1] =	wrdreg $0xFFFFFFFF  }
0xa7: {  	s28 =	simm.s32 $_size_execute0_lowered;
	s3 =	sadd.s32 s3, s5;
	[dreg:$0x0] =	wrdreg $0x0  }
0xa8: {  	s5 =	sshll.u32 s28, $0x1;
	[dreg:$0x2] =	wrdreg s3  }
0xa9: {  	[dreg:$0x3] =	wrdreg s5  }
0xaa: {  	[dreg:$0x4] =	wrdreg $0xC0  }
0xab: {  	_ =	task [dreg:s7], $0x5FFFF  }
0xac: {  	[dreg:$0x1] =	wrdreg $0xFFFFFFFF  }
0xad: {  	[dreg:$0x0] =	wrdreg $0x60  }
0xae: {  	[dreg:$0x2] =	wrdreg s24  }
0xaf: {  	[dreg:$0x3] =	wrdreg s2  }
0xb0: {  	[dreg:$0x4] =	wrdreg $0x9  }
0xb1: {  	_ =	task.clear_ibuf [dreg:s7], $0x5FFFF;
	_ =	strace $0x90000049  }
0xb2: {  	s29 =	simm.s32 $0x9;
	_ =	strace $0x8000004B  }
0xb3: {  	_ =	swait.ge [sflag:s29], $0x1  }
0xb4: {  	[sflag:s29] =	ssyncadd.s32 $0xFFFFFFFF  }
0xb5: {  	_ =	strace $0x9000004B  }
0xb6: {  	_ =	sfence  }
0xb7: {  	s30 =	sld [smem:$0x0];
	_ =	sdelay $0x2  }
0xb8: {  	s31 =	sshll.u32 s1, $0xD;
	s1 =	sshrl.u32 s1, $0x2  }
0xb9: {  	s3 =	sand.u32 $0x4000, s31;
	s1 =	sadd.s32 s1, s30  }
0xba: {  	s0 =	sor.u32 s3, s0;
	s1 =	sshll.u32 s1, $0x11  }
0xbb: {  	s0 =	sor.u32 s1, s0  }
0xbc: {  	s0 =	sadd.s32 $0x8F2B, s0  }
0xbd: {  	[sflag:s0] =	ssyncadd.remote.s32 $0x1  }
0xbe: {  	_ =	sfence.sel $0xFFFF  }
0xbf: {  	[dreg:$0x0] =	wrdreg $0xFFFFFFFF;
	(pc) =	sbr.abs _section_cstart, $3  }
0xc0: {  	[dreg:$0x1] =	wrdreg $0xFFFFFFFF  }
0xc1: {  	_ =	task.clear_ibuf [dreg:s7], $0x2FFFF;
	_ =	strace $0x9FFFFFFF  }
0xc2: {  	(tm) =	ssettm $0x7FFFFFFF  }
0xc3: {  	_ =	shalt  }
tec
execute0_lowered:
.L_overlay_start_1:
0x0: {  	(tag) =	ssettag $0x1  }
0x1: {  	s1 =	srdreg.scid;
	s0 =	stileid.u32  }
0x2: {  	s18 =	rddreg [dreg:$0x0];
	s19 =	sand.u32 $0x1, s1;
	s30 =	sshll.u32 s0, $0x1  }
0x3: {  	s3 =	rddreg [dreg:$0x1];
	s20 =	sor.u32 s19, s30  }
0x4: {  	s2 =	simm.s32 $0x0;
	s1 =	rddreg [dreg:$0x2];
	s4 =	smul.u32 $0x2C, s20  }
0x5: {  	[smem:$0x7FF] =	sst s2  }
0x6: {  	_ =	strace $0x8000004A;
	s3 =	sadd.s32 s3, s4;
	s4 =	simm.s32 $0x1  }
0x7: {  	[tilespmem:s2], [sflag:$0x1] =	stream.linear.gather [hbm4b:s3+s2], $0x160, $0x38;
	[tilespmem:$0x1180] =	vst v63  }
0x8: {  	_ =	swait.ge [sflag:s4], $0x160  }
0x9: {  	s6 =	simm.s32 $0x20;
	s7 =	simm.s32 $0x140;
	[sflag:s4] =	ssyncset.done $0x0  }
0xa: {  	s8 =	simm.s32 $0x180;
	s5 =	sadd.s32 $0x2BA00, s18;
	[sflag:s4] =	ssyncadd.s32 $0xFFFFFEA0  }
0xb: {  	[tilespmem:s8], [sflag:$0x1] =	stream.indirect.gather [hbm4b:s5+s6], $0x80, s7, s6, $0xb8;
	[tilespmem:$0x1180] =	vst v63  }
0xc: {  	_ =	swait.ge [sflag:s4], $0x1000  }
0xd: {  	[sflag:s4] =	ssyncset.done $0x0  }
0xe: {  	[sflag:s4] =	ssyncadd.s32 $0xFFFFF000  }
0xf: {  	[tilespmem:s8], [sflag:$0x2] =	stream.indirect.gather.add.f32 [hbm:s5], $0x80, s2, s6, $0xb8;
	[tilespmem:$0x1180] =	vst v63  }
0x10: {  	_ = 	snop  }
0x11: {  	[tilespmem:s8], [sflag:$0x2] =	stream.indirect.gather.add.f32 [hbm:s5], $0x80, s6, s6, $0xb8;
	[tilespmem:$0x1180] =	vst v63  }
0x12: {  	s9 =	simm.s32 $0x40  }
0x13: {  	[tilespmem:s8], [sflag:$0x2] =	stream.indirect.gather.add.f32 [hbm:s5], $0x80, s9, s6, $0xb8;
	[tilespmem:$0x1180] =	vst v63  }
0x14: {  	s10 =	simm.s32 $0x60  }
0x15: {  	[tilespmem:s8], [sflag:$0x2] =	stream.indirect.gather.add.f32 [hbm:s5], $0x80, s10, s6, $0xb8;
	[tilespmem:$0x1180] =	vst v63  }
0x16: {  	s11 =	simm.s32 $0x80  }
0x17: {  	[tilespmem:s8], [sflag:$0x2] =	stream.indirect.gather.add.f32 [hbm:s5], $0x80, s11, s6, $0xb8;
	[tilespmem:$0x1180] =	vst v63  }
0x18: {  	s12 =	simm.s32 $0xA0  }
0x19: {  	[tilespmem:s8], [sflag:$0x2] =	stream.indirect.gather.add.f32 [hbm:s5], $0x80, s12, s6, $0xb8;
	[tilespmem:$0x1180] =	vst v63  }
0x1a: {  	s13 =	simm.s32 $0xC0  }
0x1b: {  	[tilespmem:s8], [sflag:$0x2] =	stream.indirect.gather.add.f32 [hbm:s5], $0x80, s13, s6, $0xb8;
	[tilespmem:$0x1180] =	vst v63  }
0x1c: {  	s14 =	simm.s32 $0xE0  }
0x1d: {  	[tilespmem:s8], [sflag:$0x2] =	stream.indirect.gather.add.f32 [hbm:s5], $0x80, s14, s6, $0xb8;
	[tilespmem:$0x1180] =	vst v63  }
0x1e: {  	s15 =	simm.s32 $0x100  }
0x1f: {  	[tilespmem:s8], [sflag:$0x2] =	stream.indirect.gather.add.f32 [hbm:s5], $0x80, s15, s6, $0xb8;
	[tilespmem:$0x1180] =	vst v63  }
0x20: {  	s16 =	simm.s32 $0x120;
	s17 =	simm.s32 $0x2  }
0x21: {  	[tilespmem:s8], [sflag:$0x2] =	stream.indirect.gather.add.f32 [hbm:s5], $0x80, s16, s6, $0xb8;
	[tilespmem:$0x1180] =	vst v63  }
0x22: {  	_ =	swait.ge [sflag:s17], $0x1000  }
0x23: {  	[sflag:s17] =	ssyncset.done $0x0  }
0x24: {  	[sflag:s17] =	ssyncadd.s32 $0xFFFFF000  }
0x25: {  	_ =	swait.ge [sflag:s17], $0x1000  }
0x26: {  	[sflag:s17] =	ssyncset.done $0x0  }
0x27: {  	[sflag:s17] =	ssyncadd.s32 $0xFFFFF000  }
0x28: {  	_ =	swait.ge [sflag:s17], $0x1000  }
0x29: {  	[sflag:s17] =	ssyncset.done $0x0  }
0x2a: {  	[sflag:s17] =	ssyncadd.s32 $0xFFFFF000  }
0x2b: {  	_ =	swait.ge [sflag:s17], $0x1000  }
0x2c: {  	[sflag:s17] =	ssyncset.done $0x0  }
0x2d: {  	[sflag:s17] =	ssyncadd.s32 $0xFFFFF000  }
0x2e: {  	_ =	swait.ge [sflag:s17], $0x1000  }
0x2f: {  	[sflag:s17] =	ssyncset.done $0x0  }
0x30: {  	[sflag:s17] =	ssyncadd.s32 $0xFFFFF000  }
0x31: {  	_ =	swait.ge [sflag:s17], $0x1000  }
0x32: {  	[sflag:s17] =	ssyncset.done $0x0  }
0x33: {  	[sflag:s17] =	ssyncadd.s32 $0xFFFFF000  }
0x34: {  	_ =	swait.ge [sflag:s17], $0x1000  }
0x35: {  	[sflag:s17] =	ssyncset.done $0x0  }
0x36: {  	[sflag:s17] =	ssyncadd.s32 $0xFFFFF000  }
0x37: {  	_ =	swait.ge [sflag:s17], $0x1000  }
0x38: {  	[sflag:s17] =	ssyncset.done $0x0  }
0x39: {  	s19 =	ssub.s32 $0x2, s19;
	[sflag:s17] =	ssyncadd.s32 $0xFFFFF000  }
0x3a: {  	s31 =	sshrl.u32 s19, $0x1;
	_ =	swait.ge [sflag:s17], $0x1000  }
0x3b: {  	s20 =	sshll.u32 s20, $0x9;
	s19 =	ssub.s32 s19, s31;
	[sflag:s17] =	ssyncset.done $0x0  }
0x3c: {  	s18 =	sadd.s32 s20, s18;
	s20 =	smax.u32 s19, $0x1;
	[sflag:s17] =	ssyncadd.s32 $0xFFFFF000  }
0x3d: {  	p0 =	sne.s32 s20, $0x1;
	_ =	swait.ge [sflag:s17], $0x1000  }
.Ltmp0:
0x3e: {  	[sflag:s17] =	ssyncset.done $0x0;
	(pc) =	sbr.rel @!p0 .LBB2_2-.Ltmp0, $4  }
0x3f: {  	s18 =	sadd.s32 $0x1600, s18;
	s19 =	simm.s32 $0x3;
	[sflag:s17] =	ssyncadd.s32 $0xFFFFF000  }
0x40: {  	[hbm4b:s18+s2] =	stream.linear.scatter [tilespmem:s8], [sflag:$0x3], $0x1000, $0x38;
	[tilespmem:$0x1180] =	vst v63  }
0x41: {  	_ =	swait.ge [sflag:s19], $0x1000  }
0x42: {  	s20 =	sadd.s32 $0xFFFFFFFF, s20;
	[sflag:s19] =	ssyncset.done $0x0  }
.LBB2_1:
0x43: {  	p0 =	sne.s32 s20, $0x1;
	s20 =	sadd.s32 $0xFFFFFFFF, s20;
	[sflag:s19] =	ssyncadd.s32 $0xFFFFF000  }
0x44: {  	[tilespmem:s2], [sflag:$0x1] =	stream.linear.gather [hbm4b:s3+s2], $0x160, $0x38;
	[tilespmem:$0x1180] =	vst v63  }
0x45: {  	_ =	swait.ge [sflag:s4], $0x160  }
0x46: {  	[sflag:s4] =	ssyncset.done $0x0  }
0x47: {  	[sflag:s4] =	ssyncadd.s32 $0xFFFFFEA0  }
0x48: {  	[tilespmem:s8], [sflag:$0x1] =	stream.indirect.gather [hbm4b:s5+s6], $0x80, s7, s6, $0xb8;
	[tilespmem:$0x1180] =	vst v63  }
0x49: {  	_ =	swait.ge [sflag:s4], $0x1000  }
0x4a: {  	[sflag:s4] =	ssyncset.done $0x0  }
0x4b: {  	[sflag:s4] =	ssyncadd.s32 $0xFFFFF000  }
0x4c: {  	[tilespmem:s8], [sflag:$0x2] =	stream.indirect.gather.add.f32 [hbm:s5], $0x80, s2, s6, $0xb8;
	[tilespmem:$0x1180] =	vst v63  }
0x4d: {  	_ = 	snop  }
0x4e: {  	[tilespmem:s8], [sflag:$0x2] =	stream.indirect.gather.add.f32 [hbm:s5], $0x80, s6, s6, $0xb8;
	[tilespmem:$0x1180] =	vst v63  }
0x4f: {  	_ = 	snop  }
0x50: {  	[tilespmem:s8], [sflag:$0x2] =	stream.indirect.gather.add.f32 [hbm:s5], $0x80, s9, s6, $0xb8;
	[tilespmem:$0x1180] =	vst v63  }
0x51: {  	_ = 	snop  }
0x52: {  	[tilespmem:s8], [sflag:$0x2] =	stream.indirect.gather.add.f32 [hbm:s5], $0x80, s10, s6, $0xb8;
	[tilespmem:$0x1180] =	vst v63  }
0x53: {  	_ = 	snop  }
0x54: {  	[tilespmem:s8], [sflag:$0x2] =	stream.indirect.gather.add.f32 [hbm:s5], $0x80, s11, s6, $0xb8;
	[tilespmem:$0x1180] =	vst v63  }
0x55: {  	_ = 	snop  }
0x56: {  	[tilespmem:s8], [sflag:$0x2] =	stream.indirect.gather.add.f32 [hbm:s5], $0x80, s12, s6, $0xb8;
	[tilespmem:$0x1180] =	vst v63  }
0x57: {  	_ = 	snop  }
0x58: {  	[tilespmem:s8], [sflag:$0x2] =	stream.indirect.gather.add.f32 [hbm:s5], $0x80, s13, s6, $0xb8;
	[tilespmem:$0x1180] =	vst v63  }
0x59: {  	_ = 	snop  }
0x5a: {  	[tilespmem:s8], [sflag:$0x2] =	stream.indirect.gather.add.f32 [hbm:s5], $0x80, s14, s6, $0xb8;
	[tilespmem:$0x1180] =	vst v63  }
0x5b: {  	_ = 	snop  }
0x5c: {  	[tilespmem:s8], [sflag:$0x2] =	stream.indirect.gather.add.f32 [hbm:s5], $0x80, s15, s6, $0xb8;
	[tilespmem:$0x1180] =	vst v63  }
0x5d: {  	_ = 	snop  }
0x5e: {  	[tilespmem:s8], [sflag:$0x2] =	stream.indirect.gather.add.f32 [hbm:s5], $0x80, s16, s6, $0xb8;
	[tilespmem:$0x1180] =	vst v63  }
0x5f: {  	_ =	swait.ge [sflag:s17], $0x1000  }
0x60: {  	[sflag:s17] =	ssyncset.done $0x0  }
0x61: {  	[sflag:s17] =	ssyncadd.s32 $0xFFFFF000  }
0x62: {  	_ =	swait.ge [sflag:s17], $0x1000  }
0x63: {  	[sflag:s17] =	ssyncset.done $0x0  }
0x64: {  	[sflag:s17] =	ssyncadd.s32 $0xFFFFF000  }
0x65: {  	_ =	swait.ge [sflag:s17], $0x1000  }
0x66: {  	[sflag:s17] =	ssyncset.done $0x0  }
0x67: {  	[sflag:s17] =	ssyncadd.s32 $0xFFFFF000  }
0x68: {  	_ =	swait.ge [sflag:s17], $0x1000  }
0x69: {  	[sflag:s17] =	ssyncset.done $0x0  }
0x6a: {  	[sflag:s17] =	ssyncadd.s32 $0xFFFFF000  }
0x6b: {  	_ =	swait.ge [sflag:s17], $0x1000  }
0x6c: {  	[sflag:s17] =	ssyncset.done $0x0  }
0x6d: {  	[sflag:s17] =	ssyncadd.s32 $0xFFFFF000  }
0x6e: {  	_ =	swait.ge [sflag:s17], $0x1000  }
0x6f: {  	[sflag:s17] =	ssyncset.done $0x0  }
0x70: {  	[sflag:s17] =	ssyncadd.s32 $0xFFFFF000  }
0x71: {  	_ =	swait.ge [sflag:s17], $0x1000  }
0x72: {  	[sflag:s17] =	ssyncset.done $0x0  }
0x73: {  	[sflag:s17] =	ssyncadd.s32 $0xFFFFF000  }
0x74: {  	_ =	swait.ge [sflag:s17], $0x1000  }
0x75: {  	[sflag:s17] =	ssyncset.done $0x0  }
0x76: {  	[sflag:s17] =	ssyncadd.s32 $0xFFFFF000  }
0x77: {  	_ =	swait.ge [sflag:s17], $0x1000  }
0x78: {  	[sflag:s17] =	ssyncset.done $0x0  }
0x79: {  	[sflag:s17] =	ssyncadd.s32 $0xFFFFF000  }
0x7a: {  	_ =	swait.ge [sflag:s17], $0x1000  }
.Ltmp1:
0x7b: {  	[sflag:s17] =	ssyncset.done $0x0;
	(pc) =	sbr.rel @p0 .LBB2_1-.Ltmp1, $4  }
0x7c: {  	[sflag:s17] =	ssyncadd.s32 $0xFFFFF000  }
0x7d: {  	[hbm4b:s18+s2] =	stream.linear.scatter [tilespmem:s8], [sflag:$0x3], $0x1000, $0x38;
	[tilespmem:$0x1180] =	vst v63  }
0x7e: {  	_ =	swait.ge [sflag:s19], $0x1000  }
0x7f: {  	[sflag:s19] =	ssyncset.done $0x0  }
.LBB2_2:
0x80: {  	[sflag:s19] =	ssyncadd.s32 $0xFFFFF000  }
0x81: {  	_ =	sfence.sel $0x180000  }
0x82: {  	[bflag:$0x0] =	sbarrier.arrive $0xFFFF  }
0x83: {  	p0 =	sne.s32 s0, $0x0;
	_ =	strace $0x9000004A  }
0x84: {  	s0 =	sadd.s32 @!p0 $0x100000, s1;
	[bflag:$0x2] =	sbarrier.arrive $0xFFFF  }
0x85: {  	[sflag:s0] =	ssyncadd.tile.s32 @!p0 $0x1;
	_ =	shalt  }
.Lfunc_end2:
_tile_overlayer_lowered:
.L_overlay_start_2:
0x86: {  	(tag) =	ssettag $0x2  }
0x87: {  	s0 =	rddreg [dreg:$0x0];
	s2 =	stileid.u32  }
0x88: {  	s1 =	rddreg [dreg:$0x1];
	p0 =	sne.s32 s2, $0x0  }
0x89: {  	s3 =	rddreg [dreg:$0x2];
	[bflag:$0x3] =	sbarrier.arrive $0xFFFF;
	s2 =	simm.s32 @!p0 $0x1C03  }
0x8a: {  	[timem:s3], [sflag:s2] =	dma.local @!p0 [hbm:s0], s1  }
0x8b: {  	s0 =	simm.s32 @!p0 $0x3  }
0x8c: {  	_ =	swait.ge @!p0 [sflag:s0], s1  }
0x8d: {  	s1 =	ssub.s32 @!p0 $0x0, s1;
	[sflag:s0] =	ssyncset.done @!p0 $0x0  }
0x8e: {  	[sflag:s0] =	ssyncadd.s32 @!p0 s1  }
0x8f: {  	[bflag:$0x3] =	sbarrier.arrive $0xFFFF  }
0x90: {  	_ =	shalt  }

</sc_bundles>
